<compile_context>
chip_gen: v7x
topology: tpu7x:2x2x1
jax: 0.10.2.dev20260603
libtpu: 0.0.44.dev20260713+nightly
codegen_flags: <defaults>
</compile_context>

<pallas_src>
import functools

import jax
import jax.numpy as jnp
from jax import lax
from jax.experimental import pallas as pl
from jax.experimental.pallas import tpu as pltpu
from jax.experimental.pallas import tpu_sc as plsc

E = 320000
N = 10000
DF = 128
DE = 16
DU = 64

NC = 2
NS = 16
NW = NC * NS
ER = E // 8

IDXW = 128
IDX_ROWS = E // IDXW
MACRO_I = 4
MACRO_E = MACRO_I * IDXW
MACRO_R = MACRO_E // 8
SUB_R = IDXW // 8
NMAC = E // MACRO_E
FULL_W = NMAC - 19 * NW
NPT = N // NS

A_BLK = 4000


def _edge_dense_body(ea_ref, w_ref, c_ref, o_ref):
    o_ref[...] = (
        jnp.dot(ea_ref[...], w_ref[...], preferred_element_type=jnp.float32)
        + c_ref[...]
    )


def _edge_dense(ea2, w_bd, cvec8):
    return pl.pallas_call(
        _edge_dense_body,
        grid=(ER // A_BLK,),
        in_specs=[
            pl.BlockSpec((A_BLK, DF), lambda i: (i, 0)),
            pl.BlockSpec((DF, DF), lambda i: (0, 0)),
            pl.BlockSpec((1, DF), lambda i: (0, 0)),
        ],
        out_specs=pl.BlockSpec((A_BLK, DF), lambda i: (i, 0)),
        out_shape=jax.ShapeDtypeStruct((ER, DF), jnp.float32),
    )(ea2, w_bd, cvec8)


N8 = N // 8


def _node_pre_body(xp_ref, k2_ref, k3_ref, ue_ref, we4_ref, be_ref,
                   x2_ref, x3_ref, cv_ref):
    xp = xp_ref[...]
    x2_ref[...] = jnp.dot(xp, k2_ref[...], preferred_element_type=jnp.float32)
    x3_ref[...] = jnp.dot(xp, k3_ref[...], preferred_element_type=jnp.float32)
    cv_ref[...] = (
        jnp.dot(ue_ref[...], we4_ref[...], preferred_element_type=jnp.float32)
        + be_ref[...]
    )


def _node_pre(xp, k2, k3, u_e, w_e4, b_edge):
    return pl.pallas_call(
        _node_pre_body,
        out_shape=(
            jax.ShapeDtypeStruct((N8, DF), jnp.float32),
            jax.ShapeDtypeStruct((N8, DF), jnp.float32),
            jax.ShapeDtypeStruct((1, DE), jnp.float32),
        ),
    )(xp, k2, k3, u_e, w_e4, b_edge)


_SC_MESH = plsc.VectorSubcoreMesh(core_axis_name="c", subcore_axis_name="s")


@functools.partial(
    pl.kernel,
    out_type=(
        jax.ShapeDtypeStruct((ER, DF), jnp.float32),
        jax.ShapeDtypeStruct((NC, NS, NPT, DE), jnp.float32),
        jax.ShapeDtypeStruct((NC, NS, NPT, DE), jnp.float32),
    ),
    mesh=_SC_MESH,
    compiler_params=pltpu.CompilerParams(use_tc_tiling_on_sc=False),
    scratch_types=[
        pltpu.VMEM((MACRO_I, IDXW), jnp.int32),
        pltpu.VMEM((MACRO_I, IDXW), jnp.int32),
        pltpu.VMEM((MACRO_R, DF), jnp.float32),
        pltpu.VMEM((MACRO_E, DE), jnp.float32),
        pltpu.VMEM((MACRO_E, DE), jnp.float32),
        pltpu.VMEM((MACRO_R, DF), jnp.float32),
        pltpu.VMEM((MACRO_E, DE), jnp.float32),
        pltpu.VMEM((NPT, DE), jnp.float32),
        pltpu.VMEM_SHARED((N, DE), jnp.float32),
        pltpu.VMEM_SHARED((N, DE), jnp.float32),
        pltpu.SemaphoreType.DMA,
        pltpu.SemaphoreType.DMA,
        pltpu.SemaphoreType.DMA,
    ],
)
def _sc_edges(a2_hbm, row_hbm, col_hbm, x2_hbm, x3_hbm,
              eout_hbm, sentp_hbm, recvp_hbm,
              rowv, colv, abuf, g2, g3, obuf, sbuf, zbuf, sent_acc, recv_acc,
              semG, semA, semE):
    c = lax.axis_index("c")
    s = lax.axis_index("s")
    wid = c * NS + s

    zero = jnp.zeros((DE,), jnp.float32)

    def _zero_row(i, carry):
        zbuf[i] = zero
        return carry

    lax.fori_loop(0, NPT, _zero_row, 0)
    pltpu.sync_copy(zbuf, sent_acc.at[pl.ds(s * NPT, NPT)])
    pltpu.sync_copy(zbuf, recv_acc.at[pl.ds(s * NPT, NPT)])
    plsc.subcore_barrier()

    n_mac = jnp.where(wid < FULL_W, 20, 19)

    def _fire_sub(j):
        d = pl.ds(j * IDXW, IDXW)
        return (pltpu.async_copy(x2_hbm.at[rowv.at[j]], g2.at[d], semG),
                pltpu.async_copy(x3_hbm.at[colv.at[j]], g3.at[d], semG))

    def _macro(t, carry):
        k = wid + NW * t
        pltpu.sync_copy(row_hbm.at[pl.ds(k * MACRO_I, MACRO_I)], rowv)
        pltpu.sync_copy(col_hbm.at[pl.ds(k * MACRO_I, MACRO_I)], colv)
        acp = pltpu.async_copy(a2_hbm.at[pl.ds(k * MACRO_R, MACRO_R)], abuf, semA)
        cps = _fire_sub(0)
        acp.wait()
        for i in range(MACRO_I):
            for cp in cps:
                cp.wait()
            if i + 1 < MACRO_I:
                cps = _fire_sub(i + 1)

            def _row(pr, carry2):
                for j in range(8):
                    e = pr * 8 + j
                    v = abuf[pr, pl.ds(DE * j, DE)] + g2[e] + g3[e]
                    obuf[pr, pl.ds(DE * j, DE)] = v
                    sbuf[e] = v
                return carry2

            lax.fori_loop(i * SUB_R, (i + 1) * SUB_R, _row, 0)
            d = pl.ds(i * IDXW, IDXW)
            if i + 1 == MACRO_I:
                ecp = pltpu.async_copy(
                    obuf, eout_hbm.at[pl.ds(k * MACRO_R, MACRO_R)], semE)
            pltpu.sync_copy(sbuf.at[d], sent_acc.at[rowv.at[i]], add=True)
            pltpu.sync_copy(sbuf.at[d], recv_acc.at[colv.at[i]], add=True)
        ecp.wait()
        return carry

    lax.fori_loop(0, n_mac, _macro, 0)
    plsc.subcore_barrier()
    pltpu.sync_copy(sent_acc.at[pl.ds(s * NPT, NPT)], sentp_hbm.at[c, s])
    pltpu.sync_copy(recv_acc.at[pl.ds(s * NPT, NPT)], recvp_hbm.at[c, s])


def _node_glob_body(xp_ref, sp_ref, rp_ref, wbd_ref, k2_ref, k3_ref, un_ref,
                    wn4_ref, bn_ref, u_ref, wgu_ref, wgx_ref, wge_ref, bg_ref,
                    xn_ref, un_out_ref):
    s2 = sp_ref[0] + sp_ref[1]
    r2 = rp_ref[0] + rp_ref[1]
    unt = (
        jnp.dot(un_ref[...], wn4_ref[...], preferred_element_type=jnp.float32)
        + bn_ref[...]
    )
    unt8 = jnp.concatenate([unt] * 8, axis=1)
    xn = (
        jnp.dot(xp_ref[...], wbd_ref[...], preferred_element_type=jnp.float32)
        + jnp.dot(s2, k2_ref[...], preferred_element_type=jnp.float32)
        + jnp.dot(r2, k3_ref[...], preferred_element_type=jnp.float32)
        + unt8
    )
    xn_ref[...] = xn
    ns8 = jnp.sum(xn, axis=0, keepdims=True)
    node_sum = sum(ns8[:, DF * j:DF * (j + 1)] for j in range(8))
    es8 = jnp.sum(s2, axis=0, keepdims=True)
    edge_sum = sum(es8[:, DE * j:DE * (j + 1)] for j in range(8))
    un_out_ref[...] = (
        jnp.dot(u_ref[...], wgu_ref[...], preferred_element_type=jnp.float32)
        + jnp.dot(node_sum, wgx_ref[...], preferred_element_type=jnp.float32)
        + jnp.dot(edge_sum, wge_ref[...], preferred_element_type=jnp.float32)
        + bg_ref[...]
    )


def _node_glob(xp, sentp2, recvp2, wbd_n, k2n, k3n, u_n, wn4, b_node, u,
               wgu, wgx, wge, b_glob):
    return pl.pallas_call(
        _node_glob_body,
        out_shape=(
            jax.ShapeDtypeStruct((N8, 8 * DF), jnp.float32),
            jax.ShapeDtypeStruct((1, DU), jnp.float32),
        ),
    )(xp, sentp2, recvp2, wbd_n, k2n, k3n, u_n, wn4, b_node, u,
      wgu, wgx, wge, b_glob)


def kernel(x, edge_index, edge_attr, u, node_batch, edge_batch, num_nodes,
           num_edges, W_edge, b_edge, W_node, b_node, W_glob, b_glob):
    e_scale = jnp.asarray(num_edges - edge_attr.shape[0] + 1, dtype=u.dtype)
    n_scale = jnp.asarray(num_nodes - x.shape[0] + 1, dtype=u.dtype)
    u_e = u * e_scale
    u_n = u * n_scale

    row2 = edge_index[0].reshape(IDX_ROWS, IDXW)
    col2 = edge_index[1].reshape(IDX_ROWS, IDXW)
    ea2 = edge_attr.reshape(ER, DF)
    xp = x.reshape(N8, 8 * DF)

    eye8 = jnp.eye(8, dtype=W_edge.dtype)
    w_e1 = W_edge[:DE]
    w_bd = jnp.kron(eye8, w_e1)
    k2e = jnp.kron(eye8, W_edge[DE:DE + DF])
    k3e = jnp.kron(eye8, W_edge[DE + DF:DE + 2 * DF])
    w_e4 = W_edge[DE + 2 * DF:]

    x2p, x3p, cvec = _node_pre(xp, k2e, k3e, u_e, w_e4, b_edge.reshape(1, DE))
    cvec8 = jnp.tile(cvec, (1, 8))
    a2 = _edge_dense(ea2, w_bd, cvec8)
    eoutp, sentp, recvp = _sc_edges(a2, row2, col2,
                                    x2p.reshape(N, DE), x3p.reshape(N, DE))
    eout = eoutp.reshape(E, DE)
    sentp2 = sentp.reshape(NC, N8, DF)
    recvp2 = recvp.reshape(NC, N8, DF)

    wbd_n = jnp.kron(eye8, W_node[:DF])
    k2n = jnp.kron(eye8, W_node[DF:DF + DE])
    k3n = jnp.kron(eye8, W_node[DF + DE:DF + 2 * DE])
    wn4 = W_node[DF + 2 * DE:]
    wgu = W_glob[:DU]
    wgx = W_glob[DU:DU + DF]
    wge = W_glob[DU + DF:]

    xnp, un = _node_glob(xp, sentp2, recvp2, wbd_n, k2n, k3n, u_n, wn4,
                         b_node.reshape(1, DF), u, wgu, wgx, wge,
                         b_glob.reshape(1, DU))
    return (xnp.reshape(N, DF), eout, un)

# --- scband reference (transcript-rebuilt; emitter-appended) ---
"""Pipeline reference for scband-meta-layer-53798760350348 (READ-ONLY COPY).

The authoritative reference and input builder live on the scoring server;
editing this copy changes nothing except your own understanding.
"""

import jax, jax.numpy as jnp
import numpy as np

N_NODES = 10000
N_EDGES = 320000
D_FEAT = 128
D_EDGE = 16
D_U = 64
# edge model in: d_edge + 2*d_feat + d_u = 16 + 256 + 64 = 336 -> out 16
# node model in: d_feat + 2*d_edge_out + d_u = 128 + 32 + 64 = 224 -> out 128
# global model in: d_u + d_feat + d_edge_out = 64 + 128 + 16 = 208 -> out 64

def setup_inputs(seed: int = 0) -> dict:
    key = jax.random.key(seed)
    ks = jax.random.split(key, 10)
    x = jax.random.normal(ks[0], (N_NODES, D_FEAT), dtype=jnp.float32)
    edge_index = jax.random.randint(ks[1], (2, N_EDGES), 0, N_NODES, dtype=jnp.int32)
    edge_attr = jax.random.normal(ks[2], (N_EDGES, D_EDGE), dtype=jnp.float32)
    u = jax.random.normal(ks[3], (1, D_U), dtype=jnp.float32)
    node_batch = jnp.zeros((N_NODES,), dtype=jnp.int32)
    edge_batch = jnp.zeros((N_EDGES,), dtype=jnp.int32)
    W_edge = jax.random.normal(ks[4], (336, D_EDGE), dtype=jnp.float32) * 0.05
    b_edge = jnp.zeros((D_EDGE,), dtype=jnp.float32)
    W_node = jax.random.normal(ks[5], (224, D_FEAT), dtype=jnp.float32) * 0.05
    b_node = jnp.zeros((D_FEAT,), dtype=jnp.float32)
    W_glob = jax.random.normal(ks[6], (208, D_U), dtype=jnp.float32) * 0.05
    b_glob = jnp.zeros((D_U,), dtype=jnp.float32)
    return {"x": x, "edge_index": edge_index, "edge_attr": edge_attr, "u": u,
            "node_batch": node_batch, "edge_batch": edge_batch,
            "num_nodes": N_NODES, "num_edges": N_EDGES,
            "W_edge": W_edge, "b_edge": b_edge,
            "W_node": W_node, "b_node": b_node,
            "W_glob": W_glob, "b_glob": b_glob}


def reference(x, edge_index, edge_attr, u, node_batch, edge_batch, num_nodes, num_edges,
              W_edge, b_edge, W_node, b_node, W_glob, b_glob):
    row = edge_index[0]
    col = edge_index[1]
    # edge model block
    sent_attributes = jnp.take(x, row, axis=0)
    received_attributes = jnp.take(x, col, axis=0)
    e_scale = jnp.asarray(num_edges - edge_attr.shape[0] + 1, dtype=u.dtype)
    global_edges = jnp.repeat(u, edge_attr.shape[0], axis=0) * e_scale
    concat_feat = jnp.concatenate([edge_attr, sent_attributes, received_attributes, global_edges], axis=1)
    edge_attr = concat_feat @ W_edge + b_edge
    # node model block
    sent_agg = jax.ops.segment_sum(edge_attr, row, num_segments=x.shape[0])
    recv_agg = jax.ops.segment_sum(edge_attr, col, num_segments=x.shape[0])
    n_scale = jnp.asarray(num_nodes - x.shape[0] + 1, dtype=u.dtype)
    global_nodes = jnp.repeat(u, x.shape[0], axis=0) * n_scale
    node_feat = jnp.concatenate([x, sent_agg, recv_agg, global_nodes], axis=1)
    x = node_feat @ W_node + b_node
    # global model block
    n_graph = u.shape[0]
    node_attributes = jax.ops.segment_sum(x, node_batch, num_segments=n_graph)
    edge_attributes = jax.ops.segment_sum(edge_attr, edge_batch, num_segments=n_graph)
    glob_feat = jnp.concatenate([u, node_attributes, edge_attributes], axis=1)
    u = glob_feat @ W_glob + b_glob
    return (x, edge_attr, u)

if __name__ == "__main__":
    import jax
    _d = setup_inputs()
    print(jax.jit(kernel)(*tuple(_d.values())))

</pallas_src>

<mosaic_0001>
#map = affine_map<(d0, d1) -> (0, 0)>
#map1 = affine_map<(d0, d1) -> (0, 0, 0, 0)>
module attributes {stable_mosaic.version = 14 : i64} {
  func.func @_sc_edges(%arg0: i32, %arg1: i32, %arg2: memref<40000x128xf32, #tpu.memory_space<hbm>>, %arg3: memref<2500x128xi32, #tpu.memory_space<hbm>>, %arg4: memref<2500x128xi32, #tpu.memory_space<hbm>>, %arg5: memref<10000x16xf32, #tpu.memory_space<hbm>>, %arg6: memref<10000x16xf32, #tpu.memory_space<hbm>>, %arg7: memref<40000x128xf32, #tpu.memory_space<hbm>>, %arg8: memref<2x16x625x16xf32, #tpu.memory_space<hbm>>, %arg9: memref<2x16x625x16xf32, #tpu.memory_space<hbm>>, %arg10: memref<4x128xi32, #tpu.memory_space<vmem>>, %arg11: memref<4x128xi32, #tpu.memory_space<vmem>>, %arg12: memref<64x128xf32, #tpu.memory_space<vmem>>, %arg13: memref<512x16xf32, #tpu.memory_space<vmem>>, %arg14: memref<512x16xf32, #tpu.memory_space<vmem>>, %arg15: memref<64x128xf32, #tpu.memory_space<vmem>>, %arg16: memref<512x16xf32, #tpu.memory_space<vmem>>, %arg17: memref<625x16xf32, #tpu.memory_space<vmem>>, %arg18: memref<10000x16xf32, #tpu.memory_space<vmem_shared>>, %arg19: memref<10000x16xf32, #tpu.memory_space<vmem_shared>>, %arg20: memref<!tpu.dma_semaphore, #tpu.memory_space<semaphore_mem>>, %arg21: memref<!tpu.dma_semaphore, #tpu.memory_space<semaphore_mem>>, %arg22: memref<!tpu.dma_semaphore, #tpu.memory_space<semaphore_mem>>) attributes {dimension_semantics = [#tpu.dimension_semantics<core_parallel>, #tpu.dimension_semantics<subcore_parallel>], iteration_bounds = array<i64: 2, 16>, scalar_prefetch = 0 : i64, scratch_operands = 13 : i64, tpu.core_type = #tpu.core_type<sc_vector_subcore>, window_params = [{transform_indices = #map}, {transform_indices = #map}, {transform_indices = #map}, {transform_indices = #map}, {transform_indices = #map}, {transform_indices = #map}, {transform_indices = #map1}, {transform_indices = #map1}]} {
    %mul3A = arith.constant 16 : i32
    %mul3A_0 = arith.muli %arg0, %mul3A : i32
    %add3A = arith.addi %mul3A_0, %arg1 : i32
    %broadcast_in_dim3A = arith.constant 0.000000e+00 : f32
    %broadcast_in_dim3A_1 = vector.broadcast %broadcast_in_dim3A : f32 to vector<16xf32>
    %scan3A = arith.constant 0 : i32
    %scan3A_2 = arith.constant 0 : i32
    %scan3A_3 = arith.constant 625 : i32
    %scan3A_4 = arith.addi %scan3A_2, %scan3A_3 : i32
    %scan3A_5 = arith.constant 1 : i32
    scf.for %scan3A_27 = %scan3A_2 to %scan3A_4 step %scan3A_5  : i32 {
      %swap3A = arith.index_cast %scan3A_27 : i32 to index
      %swap3A_28 = arith.constant 0 : index
      %swap3A_29 = tpu.vector_load %arg17[%swap3A, %swap3A_28] {strides = array<i32>} : memref<625x16xf32, #tpu.memory_space<vmem>>, vector<1x16xf32>,
      %swap3A_30 = vector.shape_cast %swap3A_29 : vector<1x16xf32> to vector<16xf32>
      %swap3A_31 = vector.shape_cast %broadcast_in_dim3A_1 : vector<16xf32> to vector<1x16xf32>
      tpu.vector_store %arg17[%swap3A, %swap3A_28], %swap3A_31 {strides = array<i32>} : memref<625x16xf32, #tpu.memory_space<vmem>>, vector<1x16xf32>,
    }
    %scan3A_6 = arith.constant 625 : i32
    %mul3A_7 = arith.constant 625 : i32
    %mul3A_8 = arith.muli %arg1, %mul3A_7 : i32
    "tpu.region"() ({
      %run_scoped3A = tpu.sem_alloc : memref<!tpu.dma_semaphore, #tpu.memory_space<semaphore_mem>>
      %dma_start3A = arith.constant 0 : i32
      %dma_start3A_27 = tpu.memref_slice %arg18[%mul3A_8, %dma_start3A] : memref<10000x16xf32, #tpu.memory_space<vmem_shared>> -> memref<625x16xf32, #tpu.memory_space<vmem_shared>>
      %dma_start3A_28 = arith.constant 0 : i32
      %dma_start3A_29 = tpu.memref_slice %arg18[%mul3A_8, %dma_start3A_28] : memref<10000x16xf32, #tpu.memory_space<vmem_shared>> -> memref<625x16xf32, #tpu.memory_space<vmem_shared>>
      tpu.enqueue_dma source(%arg17 : memref<625x16xf32, #tpu.memory_space<vmem>>) target(%dma_start3A_29 : memref<625x16xf32, #tpu.memory_space<vmem_shared>>) target_semaphore(%run_scoped3A : memref<!tpu.dma_semaphore, #tpu.memory_space<semaphore_mem>>)
      %dma_wait3A = arith.constant 0 : i32
      %dma_wait3A_30 = tpu.memref_slice %arg18[%mul3A_8, %dma_wait3A] : memref<10000x16xf32, #tpu.memory_space<vmem_shared>> -> memref<625x16xf32, #tpu.memory_space<vmem_shared>>
      %dma_wait3A_31 = arith.constant 0 : i32
      %dma_wait3A_32 = tpu.memref_slice %arg18[%mul3A_8, %dma_wait3A_31] : memref<10000x16xf32, #tpu.memory_space<vmem_shared>> -> memref<625x16xf32, #tpu.memory_space<vmem_shared>>
      tpu.wait_dma2 semaphore(%run_scoped3A : memref<!tpu.dma_semaphore, #tpu.memory_space<semaphore_mem>>) src(%arg17 : memref<625x16xf32, #tpu.memory_space<vmem>>) dst(%dma_wait3A_32 : memref<625x16xf32, #tpu.memory_space<vmem_shared>>)
      tpu.yield
    }) : () -> ()
    %mul3A_9 = arith.constant 625 : i32
    %mul3A_10 = arith.muli %arg1, %mul3A_9 : i32
    "tpu.region"() ({
      %run_scoped3A = tpu.sem_alloc : memref<!tpu.dma_semaphore, #tpu.memory_space<semaphore_mem>>
      %dma_start3A = arith.constant 0 : i32
      %dma_start3A_27 = tpu.memref_slice %arg19[%mul3A_10, %dma_start3A] : memref<10000x16xf32, #tpu.memory_space<vmem_shared>> -> memref<625x16xf32, #tpu.memory_space<vmem_shared>>
      %dma_start3A_28 = arith.constant 0 : i32
      %dma_start3A_29 = tpu.memref_slice %arg19[%mul3A_10, %dma_start3A_28] : memref<10000x16xf32, #tpu.memory_space<vmem_shared>> -> memref<625x16xf32, #tpu.memory_space<vmem_shared>>
      tpu.enqueue_dma source(%arg17 : memref<625x16xf32, #tpu.memory_space<vmem>>) target(%dma_start3A_29 : memref<625x16xf32, #tpu.memory_space<vmem_shared>>) target_semaphore(%run_scoped3A : memref<!tpu.dma_semaphore, #tpu.memory_space<semaphore_mem>>)
      %dma_wait3A = arith.constant 0 : i32
      %dma_wait3A_30 = tpu.memref_slice %arg19[%mul3A_10, %dma_wait3A] : memref<10000x16xf32, #tpu.memory_space<vmem_shared>> -> memref<625x16xf32, #tpu.memory_space<vmem_shared>>
      %dma_wait3A_31 = arith.constant 0 : i32
      %dma_wait3A_32 = tpu.memref_slice %arg19[%mul3A_10, %dma_wait3A_31] : memref<10000x16xf32, #tpu.memory_space<vmem_shared>> -> memref<625x16xf32, #tpu.memory_space<vmem_shared>>
      tpu.wait_dma2 semaphore(%run_scoped3A : memref<!tpu.dma_semaphore, #tpu.memory_space<semaphore_mem>>) src(%arg17 : memref<625x16xf32, #tpu.memory_space<vmem>>) dst(%dma_wait3A_32 : memref<625x16xf32, #tpu.memory_space<vmem_shared>>)
      tpu.yield
    }) : () -> ()
    %barrier3A = arith.constant 0 : index
    tpu.barrier barrier_id(%barrier3A)
    %lt3A = arith.constant 17 : i32
    %lt3A_11 = arith.cmpi slt, %add3A, %lt3A : i32
    %jit3A = arith.constant 20 : i32
    %jit3A_12 = arith.constant 19 : i32
    %select_n3A = arith.select %lt3A_11, %jit3A, %jit3A_12 : i32
    %while3A = arith.constant 0 : i32
    %while3A_13 = arith.constant 0 : i32
    %while3A_14 = arith.subi %select_n3A, %while3A_13 : i32
    %while3A_15 = arith.addi %while3A_13, %while3A_14 : i32
    %while3A_16 = arith.constant 1 : i32
    %while3A_17 = arith.divsi %while3A_14, %while3A_16 : i32
    %while3A_18 = arith.muli %while3A_17, %while3A_16 : i32
    %while3A_19 = arith.addi %while3A_13, %while3A_18 : i32
    %while3A_20 = arith.constant 1 : i32
    scf.for %while3A_27 = %while3A_13 to %while3A_19 step %while3A_20  : i32 {
      %mul3A_28 = arith.constant 32 : i32
      %mul3A_29 = arith.muli %mul3A_28, %while3A_27 : i32
      %add3A_30 = arith.addi %add3A, %mul3A_29 : i32
      %mul3A_31 = arith.constant 4 : i32
      %mul3A_32 = arith.muli %add3A_30, %mul3A_31 : i32
      "tpu.region"() ({
        %run_scoped3A_244 = tpu.sem_alloc : memref<!tpu.dma_semaphore, #tpu.memory_space<semaphore_mem>>
        %dma_start3A_245 = arith.constant 0 : i32
        %dma_start3A_246 = tpu.memref_slice %arg3[%mul3A_32, %dma_start3A_245] : memref<2500x128xi32, #tpu.memory_space<hbm>> -> memref<4x128xi32, #tpu.memory_space<hbm>>
        %dma_start3A_247 = arith.constant 0 : i32
        %dma_start3A_248 = tpu.memref_slice %arg3[%mul3A_32, %dma_start3A_247] : memref<2500x128xi32, #tpu.memory_space<hbm>> -> memref<4x128xi32, #tpu.memory_space<hbm>>
        tpu.enqueue_dma source(%dma_start3A_248 : memref<4x128xi32, #tpu.memory_space<hbm>>) target(%arg10 : memref<4x128xi32, #tpu.memory_space<vmem>>) target_semaphore(%run_scoped3A_244 : memref<!tpu.dma_semaphore, #tpu.memory_space<semaphore_mem>>)
        %dma_wait3A_249 = arith.constant 0 : i32
        %dma_wait3A_250 = tpu.memref_slice %arg3[%mul3A_32, %dma_wait3A_249] : memref<2500x128xi32, #tpu.memory_space<hbm>> -> memref<4x128xi32, #tpu.memory_space<hbm>>
        %dma_wait3A_251 = arith.constant 0 : i32
        %dma_wait3A_252 = tpu.memref_slice %arg3[%mul3A_32, %dma_wait3A_251] : memref<2500x128xi32, #tpu.memory_space<hbm>> -> memref<4x128xi32, #tpu.memory_space<hbm>>
        tpu.wait_dma2 semaphore(%run_scoped3A_244 : memref<!tpu.dma_semaphore, #tpu.memory_space<semaphore_mem>>) src(%dma_wait3A_252 : memref<4x128xi32, #tpu.memory_space<hbm>>) dst(%arg10 : memref<4x128xi32, #tpu.memory_space<vmem>>)
        tpu.yield
      }) : () -> ()
      %mul3A_33 = arith.constant 4 : i32
      %mul3A_34 = arith.muli %add3A_30, %mul3A_33 : i32
      "tpu.region"() ({
        %run_scoped3A_244 = tpu.sem_alloc : memref<!tpu.dma_semaphore, #tpu.memory_space<semaphore_mem>>
        %dma_start3A_245 = arith.constant 0 : i32
        %dma_start3A_246 = tpu.memref_slice %arg4[%mul3A_34, %dma_start3A_245] : memref<2500x128xi32, #tpu.memory_space<hbm>> -> memref<4x128xi32, #tpu.memory_space<hbm>>
        %dma_start3A_247 = arith.constant 0 : i32
        %dma_start3A_248 = tpu.memref_slice %arg4[%mul3A_34, %dma_start3A_247] : memref<2500x128xi32, #tpu.memory_space<hbm>> -> memref<4x128xi32, #tpu.memory_space<hbm>>
        tpu.enqueue_dma source(%dma_start3A_248 : memref<4x128xi32, #tpu.memory_space<hbm>>) target(%arg11 : memref<4x128xi32, #tpu.memory_space<vmem>>) target_semaphore(%run_scoped3A_244 : memref<!tpu.dma_semaphore, #tpu.memory_space<semaphore_mem>>)
        %dma_wait3A_249 = arith.constant 0 : i32
        %dma_wait3A_250 = tpu.memref_slice %arg4[%mul3A_34, %dma_wait3A_249] : memref<2500x128xi32, #tpu.memory_space<hbm>> -> memref<4x128xi32, #tpu.memory_space<hbm>>
        %dma_wait3A_251 = arith.constant 0 : i32
        %dma_wait3A_252 = tpu.memref_slice %arg4[%mul3A_34, %dma_wait3A_251] : memref<2500x128xi32, #tpu.memory_space<hbm>> -> memref<4x128xi32, #tpu.memory_space<hbm>>
        tpu.wait_dma2 semaphore(%run_scoped3A_244 : memref<!tpu.dma_semaphore, #tpu.memory_space<semaphore_mem>>) src(%dma_wait3A_252 : memref<4x128xi32, #tpu.memory_space<hbm>>) dst(%arg11 : memref<4x128xi32, #tpu.memory_space<vmem>>)
        tpu.yield
      }) : () -> ()
      %mul3A_35 = arith.constant 64 : i32
      %mul3A_36 = arith.muli %add3A_30, %mul3A_35 : i32
      %dma_start3A = arith.constant 0 : i32
      %dma_start3A_37 = tpu.memref_slice %arg2[%mul3A_36, %dma_start3A] : memref<40000x128xf32, #tpu.memory_space<hbm>> -> memref<64x128xf32, #tpu.memory_space<hbm>>
      %dma_start3A_38 = arith.constant 0 : i32
      %dma_start3A_39 = tpu.memref_slice %arg2[%mul3A_36, %dma_start3A_38] : memref<40000x128xf32, #tpu.memory_space<hbm>> -> memref<64x128xf32, #tpu.memory_space<hbm>>
      tpu.enqueue_dma source(%dma_start3A_39 : memref<64x128xf32, #tpu.memory_space<hbm>>) target(%arg12 : memref<64x128xf32, #tpu.memory_space<vmem>>) target_semaphore(%arg21 : memref<!tpu.dma_semaphore, #tpu.memory_space<semaphore_mem>>)
      %dma_start3A_40 = arith.constant 0 : i32
      %dma_start3A_41 = arith.constant 0 : i32
      %dma_start3A_42 = arith.constant 0 : i32
      %dma_start3A_43 = tpu.memref_slice %arg13[%dma_start3A_41, %dma_start3A_42] : memref<512x16xf32, #tpu.memory_space<vmem>> -> memref<128x16xf32, #tpu.memory_space<vmem>>
      %dma_start3A_44 = arith.constant 0 : i32
      %dma_start3A_45 = tpu.memref_slice %arg10[%dma_start3A_40, %dma_start3A_44] : memref<4x128xi32, #tpu.memory_space<vmem>> -> memref<1x128xi32, #tpu.memory_space<vmem>>
      %dma_start3A_46 = tpu.memref_squeeze %dma_start3A_45 : memref<1x128xi32, #tpu.memory_space<vmem>> -> memref<128xi32, #tpu.memory_space<vmem>>
      %dma_start3A_47 = arith.constant 0 : i32
      %dma_start3A_48 = arith.constant 0 : i32
      %dma_start3A_49 = tpu.memref_slice %arg5[%dma_start3A_47, %dma_start3A_48] : memref<10000x16xf32, #tpu.memory_space<hbm>> -> memref<10000x16xf32, #tpu.memory_space<hbm>>
      tpu.enqueue_indirect_dma source(%dma_start3A_49 : memref<10000x16xf32, #tpu.memory_space<hbm>>) target(%dma_start3A_43 : memref<128x16xf32, #tpu.memory_space<vmem>>) offsets(%dma_start3A_46 : memref<128xi32, #tpu.memory_space<vmem>>) semaphore(%arg20 : memref<!tpu.dma_semaphore, #tpu.memory_space<semaphore_mem>>)
      %dma_start3A_50 = arith.constant 0 : i32
      %dma_start3A_51 = arith.constant 0 : i32
      %dma_start3A_52 = arith.constant 0 : i32
      %dma_start3A_53 = tpu.memref_slice %arg14[%dma_start3A_51, %dma_start3A_52] : memref<512x16xf32, #tpu.memory_space<vmem>> -> memref<128x16xf32, #tpu.memory_space<vmem>>
      %dma_start3A_54 = arith.constant 0 : i32
      %dma_start3A_55 = tpu.memref_slice %arg11[%dma_start3A_50, %dma_start3A_54] : memref<4x128xi32, #tpu.memory_space<vmem>> -> memref<1x128xi32, #tpu.memory_space<vmem>>
      %dma_start3A_56 = tpu.memref_squeeze %dma_start3A_55 : memref<1x128xi32, #tpu.memory_space<vmem>> -> memref<128xi32, #tpu.memory_space<vmem>>
      %dma_start3A_57 = arith.constant 0 : i32
      %dma_start3A_58 = arith.constant 0 : i32
      %dma_start3A_59 = tpu.memref_slice %arg6[%dma_start3A_57, %dma_start3A_58] : memref<10000x16xf32, #tpu.memory_space<hbm>> -> memref<10000x16xf32, #tpu.memory_space<hbm>>
      tpu.enqueue_indirect_dma source(%dma_start3A_59 : memref<10000x16xf32, #tpu.memory_space<hbm>>) target(%dma_start3A_53 : memref<128x16xf32, #tpu.memory_space<vmem>>) offsets(%dma_start3A_56 : memref<128xi32, #tpu.memory_space<vmem>>) semaphore(%arg20 : memref<!tpu.dma_semaphore, #tpu.memory_space<semaphore_mem>>)
      %dma_wait3A = arith.constant 0 : i32
      %dma_wait3A_60 = tpu.memref_slice %arg2[%mul3A_36, %dma_wait3A] : memref<40000x128xf32, #tpu.memory_space<hbm>> -> memref<64x128xf32, #tpu.memory_space<hbm>>
      %dma_wait3A_61 = arith.constant 0 : i32
      %dma_wait3A_62 = tpu.memref_slice %arg2[%mul3A_36, %dma_wait3A_61] : memref<40000x128xf32, #tpu.memory_space<hbm>> -> memref<64x128xf32, #tpu.memory_space<hbm>>
      tpu.wait_dma2 semaphore(%arg21 : memref<!tpu.dma_semaphore, #tpu.memory_space<semaphore_mem>>) src(%dma_wait3A_62 : memref<64x128xf32, #tpu.memory_space<hbm>>) dst(%arg12 : memref<64x128xf32, #tpu.memory_space<vmem>>)
      %dma_wait3A_63 = arith.constant 0 : i32
      %dma_wait3A_64 = arith.constant 0 : i32
      %dma_wait3A_65 = arith.constant 0 : i32
      %dma_wait3A_66 = tpu.memref_slice %arg13[%dma_wait3A_64, %dma_wait3A_65] : memref<512x16xf32, #tpu.memory_space<vmem>> -> memref<128x16xf32, #tpu.memory_space<vmem>>
      %dma_wait3A_67 = arith.constant 0 : i32
      %dma_wait3A_68 = tpu.memref_slice %arg10[%dma_wait3A_63, %dma_wait3A_67] : memref<4x128xi32, #tpu.memory_space<vmem>> -> memref<1x128xi32, #tpu.memory_space<vmem>>
      %dma_wait3A_69 = tpu.memref_squeeze %dma_wait3A_68 : memref<1x128xi32, #tpu.memory_space<vmem>> -> memref<128xi32, #tpu.memory_space<vmem>>
      %dma_wait3A_70 = arith.constant 0 : i32
      %dma_wait3A_71 = arith.constant 0 : i32
      %dma_wait3A_72 = tpu.memref_slice %arg5[%dma_wait3A_70, %dma_wait3A_71] : memref<10000x16xf32, #tpu.memory_space<hbm>> -> memref<10000x16xf32, #tpu.memory_space<hbm>>
      tpu.wait_indirect_dma semaphore(%arg20 : memref<!tpu.dma_semaphore, #tpu.memory_space<semaphore_mem>>) src(%dma_wait3A_72 : memref<10000x16xf32, #tpu.memory_space<hbm>>) dst(%dma_wait3A_66 : memref<128x16xf32, #tpu.memory_space<vmem>>)
      %dma_wait3A_73 = arith.constant 0 : i32
      %dma_wait3A_74 = arith.constant 0 : i32
      %dma_wait3A_75 = arith.constant 0 : i32
      %dma_wait3A_76 = tpu.memref_slice %arg14[%dma_wait3A_74, %dma_wait3A_75] : memref<512x16xf32, #tpu.memory_space<vmem>> -> memref<128x16xf32, #tpu.memory_space<vmem>>
      %dma_wait3A_77 = arith.constant 0 : i32
      %dma_wait3A_78 = tpu.memref_slice %arg11[%dma_wait3A_73, %dma_wait3A_77] : memref<4x128xi32, #tpu.memory_space<vmem>> -> memref<1x128xi32, #tpu.memory_space<vmem>>
      %dma_wait3A_79 = tpu.memref_squeeze %dma_wait3A_78 : memref<1x128xi32, #tpu.memory_space<vmem>> -> memref<128xi32, #tpu.memory_space<vmem>>
      %dma_wait3A_80 = arith.constant 0 : i32
      %dma_wait3A_81 = arith.constant 0 : i32
      %dma_wait3A_82 = tpu.memref_slice %arg6[%dma_wait3A_80, %dma_wait3A_81] : memref<10000x16xf32, #tpu.memory_space<hbm>> -> memref<10000x16xf32, #tpu.memory_space<hbm>>
      tpu.wait_indirect_dma semaphore(%arg20 : memref<!tpu.dma_semaphore, #tpu.memory_space<semaphore_mem>>) src(%dma_wait3A_82 : memref<10000x16xf32, #tpu.memory_space<hbm>>) dst(%dma_wait3A_76 : memref<128x16xf32, #tpu.memory_space<vmem>>)
      %dma_start3A_83 = arith.constant 1 : i32
      %dma_start3A_84 = arith.constant 128 : i32
      %dma_start3A_85 = arith.constant 0 : i32
      %dma_start3A_86 = tpu.memref_slice %arg13[%dma_start3A_84, %dma_start3A_85] : memref<512x16xf32, #tpu.memory_space<vmem>> -> memref<128x16xf32, #tpu.memory_space<vmem>>
      %dma_start3A_87 = arith.constant 0 : i32
      %dma_start3A_88 = tpu.memref_slice %arg10[%dma_start3A_83, %dma_start3A_87] : memref<4x128xi32, #tpu.memory_space<vmem>> -> memref<1x128xi32, #tpu.memory_space<vmem>>
      %dma_start3A_89 = tpu.memref_squeeze %dma_start3A_88 : memref<1x128xi32, #tpu.memory_space<vmem>> -> memref<128xi32, #tpu.memory_space<vmem>>
      %dma_start3A_90 = arith.constant 0 : i32
      %dma_start3A_91 = arith.constant 0 : i32
      %dma_start3A_92 = tpu.memref_slice %arg5[%dma_start3A_90, %dma_start3A_91] : memref<10000x16xf32, #tpu.memory_space<hbm>> -> memref<10000x16xf32, #tpu.memory_space<hbm>>
      tpu.enqueue_indirect_dma source(%dma_start3A_92 : memref<10000x16xf32, #tpu.memory_space<hbm>>) target(%dma_start3A_86 : memref<128x16xf32, #tpu.memory_space<vmem>>) offsets(%dma_start3A_89 : memref<128xi32, #tpu.memory_space<vmem>>) semaphore(%arg20 : memref<!tpu.dma_semaphore, #tpu.memory_space<semaphore_mem>>)
      %dma_start3A_93 = arith.constant 1 : i32
      %dma_start3A_94 = arith.constant 128 : i32
      %dma_start3A_95 = arith.constant 0 : i32
      %dma_start3A_96 = tpu.memref_slice %arg14[%dma_start3A_94, %dma_start3A_95] : memref<512x16xf32, #tpu.memory_space<vmem>> -> memref<128x16xf32, #tpu.memory_space<vmem>>
      %dma_start3A_97 = arith.constant 0 : i32
      %dma_start3A_98 = tpu.memref_slice %arg11[%dma_start3A_93, %dma_start3A_97] : memref<4x128xi32, #tpu.memory_space<vmem>> -> memref<1x128xi32, #tpu.memory_space<vmem>>
      %dma_start3A_99 = tpu.memref_squeeze %dma_start3A_98 : memref<1x128xi32, #tpu.memory_space<vmem>> -> memref<128xi32, #tpu.memory_space<vmem>>
      %dma_start3A_100 = arith.constant 0 : i32
      %dma_start3A_101 = arith.constant 0 : i32
      %dma_start3A_102 = tpu.memref_slice %arg6[%dma_start3A_100, %dma_start3A_101] : memref<10000x16xf32, #tpu.memory_space<hbm>> -> memref<10000x16xf32, #tpu.memory_space<hbm>>
      tpu.enqueue_indirect_dma source(%dma_start3A_102 : memref<10000x16xf32, #tpu.memory_space<hbm>>) target(%dma_start3A_96 : memref<128x16xf32, #tpu.memory_space<vmem>>) offsets(%dma_start3A_99 : memref<128xi32, #tpu.memory_space<vmem>>) semaphore(%arg20 : memref<!tpu.dma_semaphore, #tpu.memory_space<semaphore_mem>>)
      %scan3A_103 = arith.constant 0 : i32
      %scan3A_104 = arith.constant 0 : i32
      %scan3A_105 = arith.constant 16 : i32
      %scan3A_106 = arith.addi %scan3A_104, %scan3A_105 : i32
      %scan3A_107 = arith.constant 1 : i32
      scf.for %scan3A_244 = %scan3A_104 to %scan3A_106 step %scan3A_107  : i32 {
        %mul3A_245 = arith.constant 8 : i32
        %mul3A_246 = arith.muli %scan3A_244, %mul3A_245 : i32
        %add3A_247 = arith.constant 0 : i32
        %add3A_248 = arith.addi %mul3A_246, %add3A_247 : i32
        %get3A = arith.index_cast %scan3A_244 : i32 to index
        %get3A_249 = arith.constant 0 : index
        %get3A_250 = tpu.vector_load %arg12[%get3A, %get3A_249] {strides = array<i32>} : memref<64x128xf32, #tpu.memory_space<vmem>>, vector<1x16xf32>,
        %get3A_251 = vector.shape_cast %get3A_250 : vector<1x16xf32> to vector<16xf32>
        %get3A_252 = arith.index_cast %add3A_248 : i32 to index
        %get3A_253 = arith.constant 0 : index
        %get3A_254 = tpu.vector_load %arg13[%get3A_252, %get3A_253] {strides = array<i32>} : memref<512x16xf32, #tpu.memory_space<vmem>>, vector<1x16xf32>,
        %get3A_255 = vector.shape_cast %get3A_254 : vector<1x16xf32> to vector<16xf32>
        %add3A_256 = arith.addf %get3A_251, %get3A_255 : vector<16xf32>
        %get3A_257 = arith.index_cast %add3A_248 : i32 to index
        %get3A_258 = arith.constant 0 : index
        %get3A_259 = tpu.vector_load %arg14[%get3A_257, %get3A_258] {strides = array<i32>} : memref<512x16xf32, #tpu.memory_space<vmem>>, vector<1x16xf32>,
        %get3A_260 = vector.shape_cast %get3A_259 : vector<1x16xf32> to vector<16xf32>
        %add3A_261 = arith.addf %add3A_256, %get3A_260 : vector<16xf32>
        %swap3A = arith.index_cast %scan3A_244 : i32 to index
        %swap3A_262 = arith.constant 0 : index
        %swap3A_263 = tpu.vector_load %arg15[%swap3A, %swap3A_262] {strides = array<i32>} : memref<64x128xf32, #tpu.memory_space<vmem>>, vector<1x16xf32>,
        %swap3A_264 = vector.shape_cast %swap3A_263 : vector<1x16xf32> to vector<16xf32>
        %swap3A_265 = vector.shape_cast %add3A_261 : vector<16xf32> to vector<1x16xf32>
        tpu.vector_store %arg15[%swap3A, %swap3A_262], %swap3A_265 {strides = array<i32>} : memref<64x128xf32, #tpu.memory_space<vmem>>, vector<1x16xf32>,
        %swap3A_266 = arith.index_cast %add3A_248 : i32 to index
        %swap3A_267 = arith.constant 0 : index
        %swap3A_268 = tpu.vector_load %arg16[%swap3A_266, %swap3A_267] {strides = array<i32>} : memref<512x16xf32, #tpu.memory_space<vmem>>, vector<1x16xf32>,
        %swap3A_269 = vector.shape_cast %swap3A_268 : vector<1x16xf32> to vector<16xf32>
        %swap3A_270 = vector.shape_cast %add3A_261 : vector<16xf32> to vector<1x16xf32>
        tpu.vector_store %arg16[%swap3A_266, %swap3A_267], %swap3A_270 {strides = array<i32>} : memref<512x16xf32, #tpu.memory_space<vmem>>, vector<1x16xf32>,
        %mul3A_271 = arith.constant 8 : i32
        %mul3A_272 = arith.muli %scan3A_244, %mul3A_271 : i32
        %add3A_273 = arith.constant 1 : i32
        %add3A_274 = arith.addi %mul3A_272, %add3A_273 : i32
        %get3A_275 = arith.index_cast %scan3A_244 : i32 to index
        %get3A_276 = arith.constant 16 : index
        %get3A_277 = tpu.vector_load %arg12[%get3A_275, %get3A_276] {strides = array<i32>} : memref<64x128xf32, #tpu.memory_space<vmem>>, vector<1x16xf32>,
        %get3A_278 = vector.shape_cast %get3A_277 : vector<1x16xf32> to vector<16xf32>
        %get3A_279 = arith.index_cast %add3A_274 : i32 to index
        %get3A_280 = arith.constant 0 : index
        %get3A_281 = tpu.vector_load %arg13[%get3A_279, %get3A_280] {strides = array<i32>} : memref<512x16xf32, #tpu.memory_space<vmem>>, vector<1x16xf32>,
        %get3A_282 = vector.shape_cast %get3A_281 : vector<1x16xf32> to vector<16xf32>
        %add3A_283 = arith.addf %get3A_278, %get3A_282 : vector<16xf32>
        %get3A_284 = arith.index_cast %add3A_274 : i32 to index
        %get3A_285 = arith.constant 0 : index
        %get3A_286 = tpu.vector_load %arg14[%get3A_284, %get3A_285] {strides = array<i32>} : memref<512x16xf32, #tpu.memory_space<vmem>>, vector<1x16xf32>,
        %get3A_287 = vector.shape_cast %get3A_286 : vector<1x16xf32> to vector<16xf32>
        %add3A_288 = arith.addf %add3A_283, %get3A_287 : vector<16xf32>
        %swap3A_289 = arith.index_cast %scan3A_244 : i32 to index
        %swap3A_290 = arith.constant 16 : index
        %swap3A_291 = tpu.vector_load %arg15[%swap3A_289, %swap3A_290] {strides = array<i32>} : memref<64x128xf32, #tpu.memory_space<vmem>>, vector<1x16xf32>,
        %swap3A_292 = vector.shape_cast %swap3A_291 : vector<1x16xf32> to vector<16xf32>
        %swap3A_293 = vector.shape_cast %add3A_288 : vector<16xf32> to vector<1x16xf32>
        tpu.vector_store %arg15[%swap3A_289, %swap3A_290], %swap3A_293 {strides = array<i32>} : memref<64x128xf32, #tpu.memory_space<vmem>>, vector<1x16xf32>,
        %swap3A_294 = arith.index_cast %add3A_274 : i32 to index
        %swap3A_295 = arith.constant 0 : index
        %swap3A_296 = tpu.vector_load %arg16[%swap3A_294, %swap3A_295] {strides = array<i32>} : memref<512x16xf32, #tpu.memory_space<vmem>>, vector<1x16xf32>,
        %swap3A_297 = vector.shape_cast %swap3A_296 : vector<1x16xf32> to vector<16xf32>
        %swap3A_298 = vector.shape_cast %add3A_288 : vector<16xf32> to vector<1x16xf32>
        tpu.vector_store %arg16[%swap3A_294, %swap3A_295], %swap3A_298 {strides = array<i32>} : memref<512x16xf32, #tpu.memory_space<vmem>>, vector<1x16xf32>,
        %mul3A_299 = arith.constant 8 : i32
        %mul3A_300 = arith.muli %scan3A_244, %mul3A_299 : i32
        %add3A_301 = arith.constant 2 : i32
        %add3A_302 = arith.addi %mul3A_300, %add3A_301 : i32
        %get3A_303 = arith.index_cast %scan3A_244 : i32 to index
        %get3A_304 = arith.constant 32 : index
        %get3A_305 = tpu.vector_load %arg12[%get3A_303, %get3A_304] {strides = array<i32>} : memref<64x128xf32, #tpu.memory_space<vmem>>, vector<1x16xf32>,
        %get3A_306 = vector.shape_cast %get3A_305 : vector<1x16xf32> to vector<16xf32>
        %get3A_307 = arith.index_cast %add3A_302 : i32 to index
        %get3A_308 = arith.constant 0 : index
        %get3A_309 = tpu.vector_load %arg13[%get3A_307, %get3A_308] {strides = array<i32>} : memref<512x16xf32, #tpu.memory_space<vmem>>, vector<1x16xf32>,
        %get3A_310 = vector.shape_cast %get3A_309 : vector<1x16xf32> to vector<16xf32>
        %add3A_311 = arith.addf %get3A_306, %get3A_310 : vector<16xf32>
        %get3A_312 = arith.index_cast %add3A_302 : i32 to index
        %get3A_313 = arith.constant 0 : index
        %get3A_314 = tpu.vector_load %arg14[%get3A_312, %get3A_313] {strides = array<i32>} : memref<512x16xf32, #tpu.memory_space<vmem>>, vector<1x16xf32>,
        %get3A_315 = vector.shape_cast %get3A_314 : vector<1x16xf32> to vector<16xf32>
        %add3A_316 = arith.addf %add3A_311, %get3A_315 : vector<16xf32>
        %swap3A_317 = arith.index_cast %scan3A_244 : i32 to index
        %swap3A_318 = arith.constant 32 : index
        %swap3A_319 = tpu.vector_load %arg15[%swap3A_317, %swap3A_318] {strides = array<i32>} : memref<64x128xf32, #tpu.memory_space<vmem>>, vector<1x16xf32>,
        %swap3A_320 = vector.shape_cast %swap3A_319 : vector<1x16xf32> to vector<16xf32>
        %swap3A_321 = vector.shape_cast %add3A_316 : vector<16xf32> to vector<1x16xf32>
        tpu.vector_store %arg15[%swap3A_317, %swap3A_318], %swap3A_321 {strides = array<i32>} : memref<64x128xf32, #tpu.memory_space<vmem>>, vector<1x16xf32>,
        %swap3A_322 = arith.index_cast %add3A_302 : i32 to index
        %swap3A_323 = arith.constant 0 : index
        %swap3A_324 = tpu.vector_load %arg16[%swap3A_322, %swap3A_323] {strides = array<i32>} : memref<512x16xf32, #tpu.memory_space<vmem>>, vector<1x16xf32>,
        %swap3A_325 = vector.shape_cast %swap3A_324 : vector<1x16xf32> to vector<16xf32>
        %swap3A_326 = vector.shape_cast %add3A_316 : vector<16xf32> to vector<1x16xf32>
        tpu.vector_store %arg16[%swap3A_322, %swap3A_323], %swap3A_326 {strides = array<i32>} : memref<512x16xf32, #tpu.memory_space<vmem>>, vector<1x16xf32>,
        %mul3A_327 = arith.constant 8 : i32
        %mul3A_328 = arith.muli %scan3A_244, %mul3A_327 : i32
        %add3A_329 = arith.constant 3 : i32
        %add3A_330 = arith.addi %mul3A_328, %add3A_329 : i32
        %get3A_331 = arith.index_cast %scan3A_244 : i32 to index
        %get3A_332 = arith.constant 48 : index
        %get3A_333 = tpu.vector_load %arg12[%get3A_331, %get3A_332] {strides = array<i32>} : memref<64x128xf32, #tpu.memory_space<vmem>>, vector<1x16xf32>,
        %get3A_334 = vector.shape_cast %get3A_333 : vector<1x16xf32> to vector<16xf32>
        %get3A_335 = arith.index_cast %add3A_330 : i32 to index
        %get3A_336 = arith.constant 0 : index
        %get3A_337 = tpu.vector_load %arg13[%get3A_335, %get3A_336] {strides = array<i32>} : memref<512x16xf32, #tpu.memory_space<vmem>>, vector<1x16xf32>,
        %get3A_338 = vector.shape_cast %get3A_337 : vector<1x16xf32> to vector<16xf32>
        %add3A_339 = arith.addf %get3A_334, %get3A_338 : vector<16xf32>
        %get3A_340 = arith.index_cast %add3A_330 : i32 to index
        %get3A_341 = arith.constant 0 : index
        %get3A_342 = tpu.vector_load %arg14[%get3A_340, %get3A_341] {strides = array<i32>} : memref<512x16xf32, #tpu.memory_space<vmem>>, vector<1x16xf32>,
        %get3A_343 = vector.shape_cast %get3A_342 : vector<1x16xf32> to vector<16xf32>
        %add3A_344 = arith.addf %add3A_339, %get3A_343 : vector<16xf32>
        %swap3A_345 = arith.index_cast %scan3A_244 : i32 to index
        %swap3A_346 = arith.constant 48 : index
        %swap3A_347 = tpu.vector_load %arg15[%swap3A_345, %swap3A_346] {strides = array<i32>} : memref<64x128xf32, #tpu.memory_space<vmem>>, vector<1x16xf32>,
        %swap3A_348 = vector.shape_cast %swap3A_347 : vector<1x16xf32> to vector<16xf32>
        %swap3A_349 = vector.shape_cast %add3A_344 : vector<16xf32> to vector<1x16xf32>
        tpu.vector_store %arg15[%swap3A_345, %swap3A_346], %swap3A_349 {strides = array<i32>} : memref<64x128xf32, #tpu.memory_space<vmem>>, vector<1x16xf32>,
        %swap3A_350 = arith.index_cast %add3A_330 : i32 to index
        %swap3A_351 = arith.constant 0 : index
        %swap3A_352 = tpu.vector_load %arg16[%swap3A_350, %swap3A_351] {strides = array<i32>} : memref<512x16xf32, #tpu.memory_space<vmem>>, vector<1x16xf32>,
        %swap3A_353 = vector.shape_cast %swap3A_352 : vector<1x16xf32> to vector<16xf32>
        %swap3A_354 = vector.shape_cast %add3A_344 : vector<16xf32> to vector<1x16xf32>
        tpu.vector_store %arg16[%swap3A_350, %swap3A_351], %swap3A_354 {strides = array<i32>} : memref<512x16xf32, #tpu.memory_space<vmem>>, vector<1x16xf32>,
        %mul3A_355 = arith.constant 8 : i32
        %mul3A_356 = arith.muli %scan3A_244, %mul3A_355 : i32
        %add3A_357 = arith.constant 4 : i32
        %add3A_358 = arith.addi %mul3A_356, %add3A_357 : i32
        %get3A_359 = arith.index_cast %scan3A_244 : i32 to index
        %get3A_360 = arith.constant 64 : index
        %get3A_361 = tpu.vector_load %arg12[%get3A_359, %get3A_360] {strides = array<i32>} : memref<64x128xf32, #tpu.memory_space<vmem>>, vector<1x16xf32>,
        %get3A_362 = vector.shape_cast %get3A_361 : vector<1x16xf32> to vector<16xf32>
        %get3A_363 = arith.index_cast %add3A_358 : i32 to index
        %get3A_364 = arith.constant 0 : index
        %get3A_365 = tpu.vector_load %arg13[%get3A_363, %get3A_364] {strides = array<i32>} : memref<512x16xf32, #tpu.memory_space<vmem>>, vector<1x16xf32>,
        %get3A_366 = vector.shape_cast %get3A_365 : vector<1x16xf32> to vector<16xf32>
        %add3A_367 = arith.addf %get3A_362, %get3A_366 : vector<16xf32>
        %get3A_368 = arith.index_cast %add3A_358 : i32 to index
        %get3A_369 = arith.constant 0 : index
        %get3A_370 = tpu.vector_load %arg14[%get3A_368, %get3A_369] {strides = array<i32>} : memref<512x16xf32, #tpu.memory_space<vmem>>, vector<1x16xf32>,
        %get3A_371 = vector.shape_cast %get3A_370 : vector<1x16xf32> to vector<16xf32>
        %add3A_372 = arith.addf %add3A_367, %get3A_371 : vector<16xf32>
        %swap3A_373 = arith.index_cast %scan3A_244 : i32 to index
        %swap3A_374 = arith.constant 64 : index
        %swap3A_375 = tpu.vector_load %arg15[%swap3A_373, %swap3A_374] {strides = array<i32>} : memref<64x128xf32, #tpu.memory_space<vmem>>, vector<1x16xf32>,
        %swap3A_376 = vector.shape_cast %swap3A_375 : vector<1x16xf32> to vector<16xf32>
        %swap3A_377 = vector.shape_cast %add3A_372 : vector<16xf32> to vector<1x16xf32>
        tpu.vector_store %arg15[%swap3A_373, %swap3A_374], %swap3A_377 {strides = array<i32>} : memref<64x128xf32, #tpu.memory_space<vmem>>, vector<1x16xf32>,
        %swap3A_378 = arith.index_cast %add3A_358 : i32 to index
        %swap3A_379 = arith.constant 0 : index
        %swap3A_380 = tpu.vector_load %arg16[%swap3A_378, %swap3A_379] {strides = array<i32>} : memref<512x16xf32, #tpu.memory_space<vmem>>, vector<1x16xf32>,
        %swap3A_381 = vector.shape_cast %swap3A_380 : vector<1x16xf32> to vector<16xf32>
        %swap3A_382 = vector.shape_cast %add3A_372 : vector<16xf32> to vector<1x16xf32>
        tpu.vector_store %arg16[%swap3A_378, %swap3A_379], %swap3A_382 {strides = array<i32>} : memref<512x16xf32, #tpu.memory_space<vmem>>, vector<1x16xf32>,
        %mul3A_383 = arith.constant 8 : i32
        %mul3A_384 = arith.muli %scan3A_244, %mul3A_383 : i32
        %add3A_385 = arith.constant 5 : i32
        %add3A_386 = arith.addi %mul3A_384, %add3A_385 : i32
        %get3A_387 = arith.index_cast %scan3A_244 : i32 to index
        %get3A_388 = arith.constant 80 : index
        %get3A_389 = tpu.vector_load %arg12[%get3A_387, %get3A_388] {strides = array<i32>} : memref<64x128xf32, #tpu.memory_space<vmem>>, vector<1x16xf32>,
        %get3A_390 = vector.shape_cast %get3A_389 : vector<1x16xf32> to vector<16xf32>
        %get3A_391 = arith.index_cast %add3A_386 : i32 to index
        %get3A_392 = arith.constant 0 : index
        %get3A_393 = tpu.vector_load %arg13[%get3A_391, %get3A_392] {strides = array<i32>} : memref<512x16xf32, #tpu.memory_space<vmem>>, vector<1x16xf32>,
        %get3A_394 = vector.shape_cast %get3A_393 : vector<1x16xf32> to vector<16xf32>
        %add3A_395 = arith.addf %get3A_390, %get3A_394 : vector<16xf32>
        %get3A_396 = arith.index_cast %add3A_386 : i32 to index
        %get3A_397 = arith.constant 0 : index
        %get3A_398 = tpu.vector_load %arg14[%get3A_396, %get3A_397] {strides = array<i32>} : memref<512x16xf32, #tpu.memory_space<vmem>>, vector<1x16xf32>,
        %get3A_399 = vector.shape_cast %get3A_398 : vector<1x16xf32> to vector<16xf32>
        %add3A_400 = arith.addf %add3A_395, %get3A_399 : vector<16xf32>
        %swap3A_401 = arith.index_cast %scan3A_244 : i32 to index
        %swap3A_402 = arith.constant 80 : index
        %swap3A_403 = tpu.vector_load %arg15[%swap3A_401, %swap3A_402] {strides = array<i32>} : memref<64x128xf32, #tpu.memory_space<vmem>>, vector<1x16xf32>,
        %swap3A_404 = vector.shape_cast %swap3A_403 : vector<1x16xf32> to vector<16xf32>
        %swap3A_405 = vector.shape_cast %add3A_400 : vector<16xf32> to vector<1x16xf32>
        tpu.vector_store %arg15[%swap3A_401, %swap3A_402], %swap3A_405 {strides = array<i32>} : memref<64x128xf32, #tpu.memory_space<vmem>>, vector<1x16xf32>,
        %swap3A_406 = arith.index_cast %add3A_386 : i32 to index
        %swap3A_407 = arith.constant 0 : index
        %swap3A_408 = tpu.vector_load %arg16[%swap3A_406, %swap3A_407] {strides = array<i32>} : memref<512x16xf32, #tpu.memory_space<vmem>>, vector<1x16xf32>,
        %swap3A_409 = vector.shape_cast %swap3A_408 : vector<1x16xf32> to vector<16xf32>
        %swap3A_410 = vector.shape_cast %add3A_400 : vector<16xf32> to vector<1x16xf32>
        tpu.vector_store %arg16[%swap3A_406, %swap3A_407], %swap3A_410 {strides = array<i32>} : memref<512x16xf32, #tpu.memory_space<vmem>>, vector<1x16xf32>,
        %mul3A_411 = arith.constant 8 : i32
        %mul3A_412 = arith.muli %scan3A_244, %mul3A_411 : i32
        %add3A_413 = arith.constant 6 : i32
        %add3A_414 = arith.addi %mul3A_412, %add3A_413 : i32
        %get3A_415 = arith.index_cast %scan3A_244 : i32 to index
        %get3A_416 = arith.constant 96 : index
        %get3A_417 = tpu.vector_load %arg12[%get3A_415, %get3A_416] {strides = array<i32>} : memref<64x128xf32, #tpu.memory_space<vmem>>, vector<1x16xf32>,
        %get3A_418 = vector.shape_cast %get3A_417 : vector<1x16xf32> to vector<16xf32>
        %get3A_419 = arith.index_cast %add3A_414 : i32 to index
        %get3A_420 = arith.constant 0 : index
        %get3A_421 = tpu.vector_load %arg13[%get3A_419, %get3A_420] {strides = array<i32>} : memref<512x16xf32, #tpu.memory_space<vmem>>, vector<1x16xf32>,
        %get3A_422 = vector.shape_cast %get3A_421 : vector<1x16xf32> to vector<16xf32>
        %add3A_423 = arith.addf %get3A_418, %get3A_422 : vector<16xf32>
        %get3A_424 = arith.index_cast %add3A_414 : i32 to index
        %get3A_425 = arith.constant 0 : index
        %get3A_426 = tpu.vector_load %arg14[%get3A_424, %get3A_425] {strides = array<i32>} : memref<512x16xf32, #tpu.memory_space<vmem>>, vector<1x16xf32>,
        %get3A_427 = vector.shape_cast %get3A_426 : vector<1x16xf32> to vector<16xf32>
        %add3A_428 = arith.addf %add3A_423, %get3A_427 : vector<16xf32>
        %swap3A_429 = arith.index_cast %scan3A_244 : i32 to index
        %swap3A_430 = arith.constant 96 : index
        %swap3A_431 = tpu.vector_load %arg15[%swap3A_429, %swap3A_430] {strides = array<i32>} : memref<64x128xf32, #tpu.memory_space<vmem>>, vector<1x16xf32>,
        %swap3A_432 = vector.shape_cast %swap3A_431 : vector<1x16xf32> to vector<16xf32>
        %swap3A_433 = vector.shape_cast %add3A_428 : vector<16xf32> to vector<1x16xf32>
        tpu.vector_store %arg15[%swap3A_429, %swap3A_430], %swap3A_433 {strides = array<i32>} : memref<64x128xf32, #tpu.memory_space<vmem>>, vector<1x16xf32>,
        %swap3A_434 = arith.index_cast %add3A_414 : i32 to index
        %swap3A_435 = arith.constant 0 : index
        %swap3A_436 = tpu.vector_load %arg16[%swap3A_434, %swap3A_435] {strides = array<i32>} : memref<512x16xf32, #tpu.memory_space<vmem>>, vector<1x16xf32>,
        %swap3A_437 = vector.shape_cast %swap3A_436 : vector<1x16xf32> to vector<16xf32>
        %swap3A_438 = vector.shape_cast %add3A_428 : vector<16xf32> to vector<1x16xf32>
        tpu.vector_store %arg16[%swap3A_434, %swap3A_435], %swap3A_438 {strides = array<i32>} : memref<512x16xf32, #tpu.memory_space<vmem>>, vector<1x16xf32>,
        %mul3A_439 = arith.constant 8 : i32
        %mul3A_440 = arith.muli %scan3A_244, %mul3A_439 : i32
        %add3A_441 = arith.constant 7 : i32
        %add3A_442 = arith.addi %mul3A_440, %add3A_441 : i32
        %get3A_443 = arith.index_cast %scan3A_244 : i32 to index
        %get3A_444 = arith.constant 112 : index
        %get3A_445 = tpu.vector_load %arg12[%get3A_443, %get3A_444] {strides = array<i32>} : memref<64x128xf32, #tpu.memory_space<vmem>>, vector<1x16xf32>,
        %get3A_446 = vector.shape_cast %get3A_445 : vector<1x16xf32> to vector<16xf32>
        %get3A_447 = arith.index_cast %add3A_442 : i32 to index
        %get3A_448 = arith.constant 0 : index
        %get3A_449 = tpu.vector_load %arg13[%get3A_447, %get3A_448] {strides = array<i32>} : memref<512x16xf32, #tpu.memory_space<vmem>>, vector<1x16xf32>,
        %get3A_450 = vector.shape_cast %get3A_449 : vector<1x16xf32> to vector<16xf32>
        %add3A_451 = arith.addf %get3A_446, %get3A_450 : vector<16xf32>
        %get3A_452 = arith.index_cast %add3A_442 : i32 to index
        %get3A_453 = arith.constant 0 : index
        %get3A_454 = tpu.vector_load %arg14[%get3A_452, %get3A_453] {strides = array<i32>} : memref<512x16xf32, #tpu.memory_space<vmem>>, vector<1x16xf32>,
        %get3A_455 = vector.shape_cast %get3A_454 : vector<1x16xf32> to vector<16xf32>
        %add3A_456 = arith.addf %add3A_451, %get3A_455 : vector<16xf32>
        %swap3A_457 = arith.index_cast %scan3A_244 : i32 to index
        %swap3A_458 = arith.constant 112 : index
        %swap3A_459 = tpu.vector_load %arg15[%swap3A_457, %swap3A_458] {strides = array<i32>} : memref<64x128xf32, #tpu.memory_space<vmem>>, vector<1x16xf32>,
        %swap3A_460 = vector.shape_cast %swap3A_459 : vector<1x16xf32> to vector<16xf32>
        %swap3A_461 = vector.shape_cast %add3A_456 : vector<16xf32> to vector<1x16xf32>
        tpu.vector_store %arg15[%swap3A_457, %swap3A_458], %swap3A_461 {strides = array<i32>} : memref<64x128xf32, #tpu.memory_space<vmem>>, vector<1x16xf32>,
        %swap3A_462 = arith.index_cast %add3A_442 : i32 to index
        %swap3A_463 = arith.constant 0 : index
        %swap3A_464 = tpu.vector_load %arg16[%swap3A_462, %swap3A_463] {strides = array<i32>} : memref<512x16xf32, #tpu.memory_space<vmem>>, vector<1x16xf32>,
        %swap3A_465 = vector.shape_cast %swap3A_464 : vector<1x16xf32> to vector<16xf32>
        %swap3A_466 = vector.shape_cast %add3A_456 : vector<16xf32> to vector<1x16xf32>
        tpu.vector_store %arg16[%swap3A_462, %swap3A_463], %swap3A_466 {strides = array<i32>} : memref<512x16xf32, #tpu.memory_space<vmem>>, vector<1x16xf32>,
      }
      %scan3A_108 = arith.constant 16 : i32
      %run_scoped3A = arith.constant 0 : i32
      "tpu.region"() ({
        %run_scoped3A_244 = tpu.sem_alloc : memref<!tpu.dma_semaphore, #tpu.memory_space<semaphore_mem>>
        %dma_start3A_245 = arith.constant 0 : i32
        %dma_start3A_246 = arith.constant 0 : i32
        %dma_start3A_247 = tpu.memref_slice %arg16[%dma_start3A_245, %dma_start3A_246] : memref<512x16xf32, #tpu.memory_space<vmem>> -> memref<128x16xf32, #tpu.memory_space<vmem>>
        %dma_start3A_248 = arith.constant 0 : i32
        %dma_start3A_249 = tpu.memref_slice %arg10[%run_scoped3A, %dma_start3A_248] : memref<4x128xi32, #tpu.memory_space<vmem>> -> memref<1x128xi32, #tpu.memory_space<vmem>>
        %dma_start3A_250 = tpu.memref_squeeze %dma_start3A_249 : memref<1x128xi32, #tpu.memory_space<vmem>> -> memref<128xi32, #tpu.memory_space<vmem>>
        %dma_start3A_251 = arith.constant 0 : i32
        %dma_start3A_252 = arith.constant 0 : i32
        %dma_start3A_253 = tpu.memref_slice %arg18[%dma_start3A_251, %dma_start3A_252] : memref<10000x16xf32, #tpu.memory_space<vmem_shared>> -> memref<10000x16xf32, #tpu.memory_space<vmem_shared>>
        tpu.enqueue_indirect_dma source(%dma_start3A_247 : memref<128x16xf32, #tpu.memory_space<vmem>>) target(%dma_start3A_253 : memref<10000x16xf32, #tpu.memory_space<vmem_shared>>) offsets(%dma_start3A_250 : memref<128xi32, #tpu.memory_space<vmem>>) semaphore(%run_scoped3A_244 : memref<!tpu.dma_semaphore, #tpu.memory_space<semaphore_mem>>) {add = true}
        %dma_wait3A_254 = arith.constant 0 : i32
        %dma_wait3A_255 = arith.constant 0 : i32
        %dma_wait3A_256 = tpu.memref_slice %arg16[%dma_wait3A_254, %dma_wait3A_255] : memref<512x16xf32, #tpu.memory_space<vmem>> -> memref<128x16xf32, #tpu.memory_space<vmem>>
        %dma_wait3A_257 = arith.constant 0 : i32
        %dma_wait3A_258 = tpu.memref_slice %arg10[%run_scoped3A, %dma_wait3A_257] : memref<4x128xi32, #tpu.memory_space<vmem>> -> memref<1x128xi32, #tpu.memory_space<vmem>>
        %dma_wait3A_259 = tpu.memref_squeeze %dma_wait3A_258 : memref<1x128xi32, #tpu.memory_space<vmem>> -> memref<128xi32, #tpu.memory_space<vmem>>
        %dma_wait3A_260 = arith.constant 0 : i32
        %dma_wait3A_261 = arith.constant 0 : i32
        %dma_wait3A_262 = tpu.memref_slice %arg18[%dma_wait3A_260, %dma_wait3A_261] : memref<10000x16xf32, #tpu.memory_space<vmem_shared>> -> memref<10000x16xf32, #tpu.memory_space<vmem_shared>>
        tpu.wait_indirect_dma semaphore(%run_scoped3A_244 : memref<!tpu.dma_semaphore, #tpu.memory_space<semaphore_mem>>) src(%dma_wait3A_256 : memref<128x16xf32, #tpu.memory_space<vmem>>) dst(%dma_wait3A_262 : memref<10000x16xf32, #tpu.memory_space<vmem_shared>>)
        tpu.yield
      }) : () -> ()
      %run_scoped3A_109 = arith.constant 0 : i32
      "tpu.region"() ({
        %run_scoped3A_244 = tpu.sem_alloc : memref<!tpu.dma_semaphore, #tpu.memory_space<semaphore_mem>>
        %dma_start3A_245 = arith.constant 0 : i32
        %dma_start3A_246 = arith.constant 0 : i32
        %dma_start3A_247 = tpu.memref_slice %arg16[%dma_start3A_245, %dma_start3A_246] : memref<512x16xf32, #tpu.memory_space<vmem>> -> memref<128x16xf32, #tpu.memory_space<vmem>>
        %dma_start3A_248 = arith.constant 0 : i32
        %dma_start3A_249 = tpu.memref_slice %arg11[%run_scoped3A_109, %dma_start3A_248] : memref<4x128xi32, #tpu.memory_space<vmem>> -> memref<1x128xi32, #tpu.memory_space<vmem>>
        %dma_start3A_250 = tpu.memref_squeeze %dma_start3A_249 : memref<1x128xi32, #tpu.memory_space<vmem>> -> memref<128xi32, #tpu.memory_space<vmem>>
        %dma_start3A_251 = arith.constant 0 : i32
        %dma_start3A_252 = arith.constant 0 : i32
        %dma_start3A_253 = tpu.memref_slice %arg19[%dma_start3A_251, %dma_start3A_252] : memref<10000x16xf32, #tpu.memory_space<vmem_shared>> -> memref<10000x16xf32, #tpu.memory_space<vmem_shared>>
        tpu.enqueue_indirect_dma source(%dma_start3A_247 : memref<128x16xf32, #tpu.memory_space<vmem>>) target(%dma_start3A_253 : memref<10000x16xf32, #tpu.memory_space<vmem_shared>>) offsets(%dma_start3A_250 : memref<128xi32, #tpu.memory_space<vmem>>) semaphore(%run_scoped3A_244 : memref<!tpu.dma_semaphore, #tpu.memory_space<semaphore_mem>>) {add = true}
        %dma_wait3A_254 = arith.constant 0 : i32
        %dma_wait3A_255 = arith.constant 0 : i32
        %dma_wait3A_256 = tpu.memref_slice %arg16[%dma_wait3A_254, %dma_wait3A_255] : memref<512x16xf32, #tpu.memory_space<vmem>> -> memref<128x16xf32, #tpu.memory_space<vmem>>
        %dma_wait3A_257 = arith.constant 0 : i32
        %dma_wait3A_258 = tpu.memref_slice %arg11[%run_scoped3A_109, %dma_wait3A_257] : memref<4x128xi32, #tpu.memory_space<vmem>> -> memref<1x128xi32, #tpu.memory_space<vmem>>
        %dma_wait3A_259 = tpu.memref_squeeze %dma_wait3A_258 : memref<1x128xi32, #tpu.memory_space<vmem>> -> memref<128xi32, #tpu.memory_space<vmem>>
        %dma_wait3A_260 = arith.constant 0 : i32
        %dma_wait3A_261 = arith.constant 0 : i32
        %dma_wait3A_262 = tpu.memref_slice %arg19[%dma_wait3A_260, %dma_wait3A_261] : memref<10000x16xf32, #tpu.memory_space<vmem_shared>> -> memref<10000x16xf32, #tpu.memory_space<vmem_shared>>
        tpu.wait_indirect_dma semaphore(%run_scoped3A_244 : memref<!tpu.dma_semaphore, #tpu.memory_space<semaphore_mem>>) src(%dma_wait3A_256 : memref<128x16xf32, #tpu.memory_space<vmem>>) dst(%dma_wait3A_262 : memref<10000x16xf32, #tpu.memory_space<vmem_shared>>)
        tpu.yield
      }) : () -> ()
      %dma_wait3A_110 = arith.constant 1 : i32
      %dma_wait3A_111 = arith.constant 128 : i32
      %dma_wait3A_112 = arith.constant 0 : i32
      %dma_wait3A_113 = tpu.memref_slice %arg13[%dma_wait3A_111, %dma_wait3A_112] : memref<512x16xf32, #tpu.memory_space<vmem>> -> memref<128x16xf32, #tpu.memory_space<vmem>>
      %dma_wait3A_114 = arith.constant 0 : i32
      %dma_wait3A_115 = tpu.memref_slice %arg10[%dma_wait3A_110, %dma_wait3A_114] : memref<4x128xi32, #tpu.memory_space<vmem>> -> memref<1x128xi32, #tpu.memory_space<vmem>>
      %dma_wait3A_116 = tpu.memref_squeeze %dma_wait3A_115 : memref<1x128xi32, #tpu.memory_space<vmem>> -> memref<128xi32, #tpu.memory_space<vmem>>
      %dma_wait3A_117 = arith.constant 0 : i32
      %dma_wait3A_118 = arith.constant 0 : i32
      %dma_wait3A_119 = tpu.memref_slice %arg5[%dma_wait3A_117, %dma_wait3A_118] : memref<10000x16xf32, #tpu.memory_space<hbm>> -> memref<10000x16xf32, #tpu.memory_space<hbm>>
      tpu.wait_indirect_dma semaphore(%arg20 : memref<!tpu.dma_semaphore, #tpu.memory_space<semaphore_mem>>) src(%dma_wait3A_119 : memref<10000x16xf32, #tpu.memory_space<hbm>>) dst(%dma_wait3A_113 : memref<128x16xf32, #tpu.memory_space<vmem>>)
      %dma_wait3A_120 = arith.constant 1 : i32
      %dma_wait3A_121 = arith.constant 128 : i32
      %dma_wait3A_122 = arith.constant 0 : i32
      %dma_wait3A_123 = tpu.memref_slice %arg14[%dma_wait3A_121, %dma_wait3A_122] : memref<512x16xf32, #tpu.memory_space<vmem>> -> memref<128x16xf32, #tpu.memory_space<vmem>>
      %dma_wait3A_124 = arith.constant 0 : i32
      %dma_wait3A_125 = tpu.memref_slice %arg11[%dma_wait3A_120, %dma_wait3A_124] : memref<4x128xi32, #tpu.memory_space<vmem>> -> memref<1x128xi32, #tpu.memory_space<vmem>>
      %dma_wait3A_126 = tpu.memref_squeeze %dma_wait3A_125 : memref<1x128xi32, #tpu.memory_space<vmem>> -> memref<128xi32, #tpu.memory_space<vmem>>
      %dma_wait3A_127 = arith.constant 0 : i32
      %dma_wait3A_128 = arith.constant 0 : i32
      %dma_wait3A_129 = tpu.memref_slice %arg6[%dma_wait3A_127, %dma_wait3A_128] : memref<10000x16xf32, #tpu.memory_space<hbm>> -> memref<10000x16xf32, #tpu.memory_space<hbm>>
      tpu.wait_indirect_dma semaphore(%arg20 : memref<!tpu.dma_semaphore, #tpu.memory_space<semaphore_mem>>) src(%dma_wait3A_129 : memref<10000x16xf32, #tpu.memory_space<hbm>>) dst(%dma_wait3A_123 : memref<128x16xf32, #tpu.memory_space<vmem>>)
      %dma_start3A_130 = arith.constant 2 : i32
      %dma_start3A_131 = arith.constant 256 : i32
      %dma_start3A_132 = arith.constant 0 : i32
      %dma_start3A_133 = tpu.memref_slice %arg13[%dma_start3A_131, %dma_start3A_132] : memref<512x16xf32, #tpu.memory_space<vmem>> -> memref<128x16xf32, #tpu.memory_space<vmem>>
      %dma_start3A_134 = arith.constant 0 : i32
      %dma_start3A_135 = tpu.memref_slice %arg10[%dma_start3A_130, %dma_start3A_134] : memref<4x128xi32, #tpu.memory_space<vmem>> -> memref<1x128xi32, #tpu.memory_space<vmem>>
      %dma_start3A_136 = tpu.memref_squeeze %dma_start3A_135 : memref<1x128xi32, #tpu.memory_space<vmem>> -> memref<128xi32, #tpu.memory_space<vmem>>
      %dma_start3A_137 = arith.constant 0 : i32
      %dma_start3A_138 = arith.constant 0 : i32
      %dma_start3A_139 = tpu.memref_slice %arg5[%dma_start3A_137, %dma_start3A_138] : memref<10000x16xf32, #tpu.memory_space<hbm>> -> memref<10000x16xf32, #tpu.memory_space<hbm>>
      tpu.enqueue_indirect_dma source(%dma_start3A_139 : memref<10000x16xf32, #tpu.memory_space<hbm>>) target(%dma_start3A_133 : memref<128x16xf32, #tpu.memory_space<vmem>>) offsets(%dma_start3A_136 : memref<128xi32, #tpu.memory_space<vmem>>) semaphore(%arg20 : memref<!tpu.dma_semaphore, #tpu.memory_space<semaphore_mem>>)
      %dma_start3A_140 = arith.constant 2 : i32
      %dma_start3A_141 = arith.constant 256 : i32
      %dma_start3A_142 = arith.constant 0 : i32
      %dma_start3A_143 = tpu.memref_slice %arg14[%dma_start3A_141, %dma_start3A_142] : memref<512x16xf32, #tpu.memory_space<vmem>> -> memref<128x16xf32, #tpu.memory_space<vmem>>
      %dma_start3A_144 = arith.constant 0 : i32
      %dma_start3A_145 = tpu.memref_slice %arg11[%dma_start3A_140, %dma_start3A_144] : memref<4x128xi32, #tpu.memory_space<vmem>> -> memref<1x128xi32, #tpu.memory_space<vmem>>
      %dma_start3A_146 = tpu.memref_squeeze %dma_start3A_145 : memref<1x128xi32, #tpu.memory_space<vmem>> -> memref<128xi32, #tpu.memory_space<vmem>>
      %dma_start3A_147 = arith.constant 0 : i32
      %dma_start3A_148 = arith.constant 0 : i32
      %dma_start3A_149 = tpu.memref_slice %arg6[%dma_start3A_147, %dma_start3A_148] : memref<10000x16xf32, #tpu.memory_space<hbm>> -> memref<10000x16xf32, #tpu.memory_space<hbm>>
      tpu.enqueue_indirect_dma source(%dma_start3A_149 : memref<10000x16xf32, #tpu.memory_space<hbm>>) target(%dma_start3A_143 : memref<128x16xf32, #tpu.memory_space<vmem>>) offsets(%dma_start3A_146 : memref<128xi32, #tpu.memory_space<vmem>>) semaphore(%arg20 : memref<!tpu.dma_semaphore, #tpu.memory_space<semaphore_mem>>)
      %scan3A_150 = arith.constant 0 : i32
      %scan3A_151 = arith.constant 16 : i32
      %scan3A_152 = arith.constant 16 : i32
      %scan3A_153 = arith.addi %scan3A_151, %scan3A_152 : i32
      %scan3A_154 = arith.constant 1 : i32
      scf.for %scan3A_244 = %scan3A_151 to %scan3A_153 step %scan3A_154  : i32 {
        %mul3A_245 = arith.constant 8 : i32
        %mul3A_246 = arith.muli %scan3A_244, %mul3A_245 : i32
        %add3A_247 = arith.constant 0 : i32
        %add3A_248 = arith.addi %mul3A_246, %add3A_247 : i32
        %get3A = arith.index_cast %scan3A_244 : i32 to index
        %get3A_249 = arith.constant 0 : index
        %get3A_250 = tpu.vector_load %arg12[%get3A, %get3A_249] {strides = array<i32>} : memref<64x128xf32, #tpu.memory_space<vmem>>, vector<1x16xf32>,
        %get3A_251 = vector.shape_cast %get3A_250 : vector<1x16xf32> to vector<16xf32>
        %get3A_252 = arith.index_cast %add3A_248 : i32 to index
        %get3A_253 = arith.constant 0 : index
        %get3A_254 = tpu.vector_load %arg13[%get3A_252, %get3A_253] {strides = array<i32>} : memref<512x16xf32, #tpu.memory_space<vmem>>, vector<1x16xf32>,
        %get3A_255 = vector.shape_cast %get3A_254 : vector<1x16xf32> to vector<16xf32>
        %add3A_256 = arith.addf %get3A_251, %get3A_255 : vector<16xf32>
        %get3A_257 = arith.index_cast %add3A_248 : i32 to index
        %get3A_258 = arith.constant 0 : index
        %get3A_259 = tpu.vector_load %arg14[%get3A_257, %get3A_258] {strides = array<i32>} : memref<512x16xf32, #tpu.memory_space<vmem>>, vector<1x16xf32>,
        %get3A_260 = vector.shape_cast %get3A_259 : vector<1x16xf32> to vector<16xf32>
        %add3A_261 = arith.addf %add3A_256, %get3A_260 : vector<16xf32>
        %swap3A = arith.index_cast %scan3A_244 : i32 to index
        %swap3A_262 = arith.constant 0 : index
        %swap3A_263 = tpu.vector_load %arg15[%swap3A, %swap3A_262] {strides = array<i32>} : memref<64x128xf32, #tpu.memory_space<vmem>>, vector<1x16xf32>,
        %swap3A_264 = vector.shape_cast %swap3A_263 : vector<1x16xf32> to vector<16xf32>
        %swap3A_265 = vector.shape_cast %add3A_261 : vector<16xf32> to vector<1x16xf32>
        tpu.vector_store %arg15[%swap3A, %swap3A_262], %swap3A_265 {strides = array<i32>} : memref<64x128xf32, #tpu.memory_space<vmem>>, vector<1x16xf32>,
        %swap3A_266 = arith.index_cast %add3A_248 : i32 to index
        %swap3A_267 = arith.constant 0 : index
        %swap3A_268 = tpu.vector_load %arg16[%swap3A_266, %swap3A_267] {strides = array<i32>} : memref<512x16xf32, #tpu.memory_space<vmem>>, vector<1x16xf32>,
        %swap3A_269 = vector.shape_cast %swap3A_268 : vector<1x16xf32> to vector<16xf32>
        %swap3A_270 = vector.shape_cast %add3A_261 : vector<16xf32> to vector<1x16xf32>
        tpu.vector_store %arg16[%swap3A_266, %swap3A_267], %swap3A_270 {strides = array<i32>} : memref<512x16xf32, #tpu.memory_space<vmem>>, vector<1x16xf32>,
        %mul3A_271 = arith.constant 8 : i32
        %mul3A_272 = arith.muli %scan3A_244, %mul3A_271 : i32
        %add3A_273 = arith.constant 1 : i32
        %add3A_274 = arith.addi %mul3A_272, %add3A_273 : i32
        %get3A_275 = arith.index_cast %scan3A_244 : i32 to index
        %get3A_276 = arith.constant 16 : index
        %get3A_277 = tpu.vector_load %arg12[%get3A_275, %get3A_276] {strides = array<i32>} : memref<64x128xf32, #tpu.memory_space<vmem>>, vector<1x16xf32>,
        %get3A_278 = vector.shape_cast %get3A_277 : vector<1x16xf32> to vector<16xf32>
        %get3A_279 = arith.index_cast %add3A_274 : i32 to index
        %get3A_280 = arith.constant 0 : index
        %get3A_281 = tpu.vector_load %arg13[%get3A_279, %get3A_280] {strides = array<i32>} : memref<512x16xf32, #tpu.memory_space<vmem>>, vector<1x16xf32>,
        %get3A_282 = vector.shape_cast %get3A_281 : vector<1x16xf32> to vector<16xf32>
        %add3A_283 = arith.addf %get3A_278, %get3A_282 : vector<16xf32>
        %get3A_284 = arith.index_cast %add3A_274 : i32 to index
        %get3A_285 = arith.constant 0 : index
        %get3A_286 = tpu.vector_load %arg14[%get3A_284, %get3A_285] {strides = array<i32>} : memref<512x16xf32, #tpu.memory_space<vmem>>, vector<1x16xf32>,
        %get3A_287 = vector.shape_cast %get3A_286 : vector<1x16xf32> to vector<16xf32>
        %add3A_288 = arith.addf %add3A_283, %get3A_287 : vector<16xf32>
        %swap3A_289 = arith.index_cast %scan3A_244 : i32 to index
        %swap3A_290 = arith.constant 16 : index
        %swap3A_291 = tpu.vector_load %arg15[%swap3A_289, %swap3A_290] {strides = array<i32>} : memref<64x128xf32, #tpu.memory_space<vmem>>, vector<1x16xf32>,
        %swap3A_292 = vector.shape_cast %swap3A_291 : vector<1x16xf32> to vector<16xf32>
        %swap3A_293 = vector.shape_cast %add3A_288 : vector<16xf32> to vector<1x16xf32>
        tpu.vector_store %arg15[%swap3A_289, %swap3A_290], %swap3A_293 {strides = array<i32>} : memref<64x128xf32, #tpu.memory_space<vmem>>, vector<1x16xf32>,
        %swap3A_294 = arith.index_cast %add3A_274 : i32 to index
        %swap3A_295 = arith.constant 0 : index
        %swap3A_296 = tpu.vector_load %arg16[%swap3A_294, %swap3A_295] {strides = array<i32>} : memref<512x16xf32, #tpu.memory_space<vmem>>, vector<1x16xf32>,
        %swap3A_297 = vector.shape_cast %swap3A_296 : vector<1x16xf32> to vector<16xf32>
        %swap3A_298 = vector.shape_cast %add3A_288 : vector<16xf32> to vector<1x16xf32>
        tpu.vector_store %arg16[%swap3A_294, %swap3A_295], %swap3A_298 {strides = array<i32>} : memref<512x16xf32, #tpu.memory_space<vmem>>, vector<1x16xf32>,
        %mul3A_299 = arith.constant 8 : i32
        %mul3A_300 = arith.muli %scan3A_244, %mul3A_299 : i32
        %add3A_301 = arith.constant 2 : i32
        %add3A_302 = arith.addi %mul3A_300, %add3A_301 : i32
        %get3A_303 = arith.index_cast %scan3A_244 : i32 to index
        %get3A_304 = arith.constant 32 : index
        %get3A_305 = tpu.vector_load %arg12[%get3A_303, %get3A_304] {strides = array<i32>} : memref<64x128xf32, #tpu.memory_space<vmem>>, vector<1x16xf32>,
        %get3A_306 = vector.shape_cast %get3A_305 : vector<1x16xf32> to vector<16xf32>
        %get3A_307 = arith.index_cast %add3A_302 : i32 to index
        %get3A_308 = arith.constant 0 : index
        %get3A_309 = tpu.vector_load %arg13[%get3A_307, %get3A_308] {strides = array<i32>} : memref<512x16xf32, #tpu.memory_space<vmem>>, vector<1x16xf32>,
        %get3A_310 = vector.shape_cast %get3A_309 : vector<1x16xf32> to vector<16xf32>
        %add3A_311 = arith.addf %get3A_306, %get3A_310 : vector<16xf32>
        %get3A_312 = arith.index_cast %add3A_302 : i32 to index
        %get3A_313 = arith.constant 0 : index
        %get3A_314 = tpu.vector_load %arg14[%get3A_312, %get3A_313] {strides = array<i32>} : memref<512x16xf32, #tpu.memory_space<vmem>>, vector<1x16xf32>,
        %get3A_315 = vector.shape_cast %get3A_314 : vector<1x16xf32> to vector<16xf32>
        %add3A_316 = arith.addf %add3A_311, %get3A_315 : vector<16xf32>
        %swap3A_317 = arith.index_cast %scan3A_244 : i32 to index
        %swap3A_318 = arith.constant 32 : index
        %swap3A_319 = tpu.vector_load %arg15[%swap3A_317, %swap3A_318] {strides = array<i32>} : memref<64x128xf32, #tpu.memory_space<vmem>>, vector<1x16xf32>,
        %swap3A_320 = vector.shape_cast %swap3A_319 : vector<1x16xf32> to vector<16xf32>
        %swap3A_321 = vector.shape_cast %add3A_316 : vector<16xf32> to vector<1x16xf32>
        tpu.vector_store %arg15[%swap3A_317, %swap3A_318], %swap3A_321 {strides = array<i32>} : memref<64x128xf32, #tpu.memory_space<vmem>>, vector<1x16xf32>,
        %swap3A_322 = arith.index_cast %add3A_302 : i32 to index
        %swap3A_323 = arith.constant 0 : index
        %swap3A_324 = tpu.vector_load %arg16[%swap3A_322, %swap3A_323] {strides = array<i32>} : memref<512x16xf32, #tpu.memory_space<vmem>>, vector<1x16xf32>,
        %swap3A_325 = vector.shape_cast %swap3A_324 : vector<1x16xf32> to vector<16xf32>
        %swap3A_326 = vector.shape_cast %add3A_316 : vector<16xf32> to vector<1x16xf32>
        tpu.vector_store %arg16[%swap3A_322, %swap3A_323], %swap3A_326 {strides = array<i32>} : memref<512x16xf32, #tpu.memory_space<vmem>>, vector<1x16xf32>,
        %mul3A_327 = arith.constant 8 : i32
        %mul3A_328 = arith.muli %scan3A_244, %mul3A_327 : i32
        %add3A_329 = arith.constant 3 : i32
        %add3A_330 = arith.addi %mul3A_328, %add3A_329 : i32
        %get3A_331 = arith.index_cast %scan3A_244 : i32 to index
        %get3A_332 = arith.constant 48 : index
        %get3A_333 = tpu.vector_load %arg12[%get3A_331, %get3A_332] {strides = array<i32>} : memref<64x128xf32, #tpu.memory_space<vmem>>, vector<1x16xf32>,
        %get3A_334 = vector.shape_cast %get3A_333 : vector<1x16xf32> to vector<16xf32>
        %get3A_335 = arith.index_cast %add3A_330 : i32 to index
        %get3A_336 = arith.constant 0 : index
        %get3A_337 = tpu.vector_load %arg13[%get3A_335, %get3A_336] {strides = array<i32>} : memref<512x16xf32, #tpu.memory_space<vmem>>, vector<1x16xf32>,
        %get3A_338 = vector.shape_cast %get3A_337 : vector<1x16xf32> to vector<16xf32>
        %add3A_339 = arith.addf %get3A_334, %get3A_338 : vector<16xf32>
        %get3A_340 = arith.index_cast %add3A_330 : i32 to index
        %get3A_341 = arith.constant 0 : index
        %get3A_342 = tpu.vector_load %arg14[%get3A_340, %get3A_341] {strides = array<i32>} : memref<512x16xf32, #tpu.memory_space<vmem>>, vector<1x16xf32>,
        %get3A_343 = vector.shape_cast %get3A_342 : vector<1x16xf32> to vector<16xf32>
        %add3A_344 = arith.addf %add3A_339, %get3A_343 : vector<16xf32>
        %swap3A_345 = arith.index_cast %scan3A_244 : i32 to index
        %swap3A_346 = arith.constant 48 : index
        %swap3A_347 = tpu.vector_load %arg15[%swap3A_345, %swap3A_346] {strides = array<i32>} : memref<64x128xf32, #tpu.memory_space<vmem>>, vector<1x16xf32>,
        %swap3A_348 = vector.shape_cast %swap3A_347 : vector<1x16xf32> to vector<16xf32>
        %swap3A_349 = vector.shape_cast %add3A_344 : vector<16xf32> to vector<1x16xf32>
        tpu.vector_store %arg15[%swap3A_345, %swap3A_346], %swap3A_349 {strides = array<i32>} : memref<64x128xf32, #tpu.memory_space<vmem>>, vector<1x16xf32>,
        %swap3A_350 = arith.index_cast %add3A_330 : i32 to index
        %swap3A_351 = arith.constant 0 : index
        %swap3A_352 = tpu.vector_load %arg16[%swap3A_350, %swap3A_351] {strides = array<i32>} : memref<512x16xf32, #tpu.memory_space<vmem>>, vector<1x16xf32>,
        %swap3A_353 = vector.shape_cast %swap3A_352 : vector<1x16xf32> to vector<16xf32>
        %swap3A_354 = vector.shape_cast %add3A_344 : vector<16xf32> to vector<1x16xf32>
        tpu.vector_store %arg16[%swap3A_350, %swap3A_351], %swap3A_354 {strides = array<i32>} : memref<512x16xf32, #tpu.memory_space<vmem>>, vector<1x16xf32>,
        %mul3A_355 = arith.constant 8 : i32
        %mul3A_356 = arith.muli %scan3A_244, %mul3A_355 : i32
        %add3A_357 = arith.constant 4 : i32
        %add3A_358 = arith.addi %mul3A_356, %add3A_357 : i32
        %get3A_359 = arith.index_cast %scan3A_244 : i32 to index
        %get3A_360 = arith.constant 64 : index
        %get3A_361 = tpu.vector_load %arg12[%get3A_359, %get3A_360] {strides = array<i32>} : memref<64x128xf32, #tpu.memory_space<vmem>>, vector<1x16xf32>,
        %get3A_362 = vector.shape_cast %get3A_361 : vector<1x16xf32> to vector<16xf32>
        %get3A_363 = arith.index_cast %add3A_358 : i32 to index
        %get3A_364 = arith.constant 0 : index
        %get3A_365 = tpu.vector_load %arg13[%get3A_363, %get3A_364] {strides = array<i32>} : memref<512x16xf32, #tpu.memory_space<vmem>>, vector<1x16xf32>,
        %get3A_366 = vector.shape_cast %get3A_365 : vector<1x16xf32> to vector<16xf32>
        %add3A_367 = arith.addf %get3A_362, %get3A_366 : vector<16xf32>
        %get3A_368 = arith.index_cast %add3A_358 : i32 to index
        %get3A_369 = arith.constant 0 : index
        %get3A_370 = tpu.vector_load %arg14[%get3A_368, %get3A_369] {strides = array<i32>} : memref<512x16xf32, #tpu.memory_space<vmem>>, vector<1x16xf32>,
        %get3A_371 = vector.shape_cast %get3A_370 : vector<1x16xf32> to vector<16xf32>
        %add3A_372 = arith.addf %add3A_367, %get3A_371 : vector<16xf32>
        %swap3A_373 = arith.index_cast %scan3A_244 : i32 to index
        %swap3A_374 = arith.constant 64 : index
        %swap3A_375 = tpu.vector_load %arg15[%swap3A_373, %swap3A_374] {strides = array<i32>} : memref<64x128xf32, #tpu.memory_space<vmem>>, vector<1x16xf32>,
        %swap3A_376 = vector.shape_cast %swap3A_375 : vector<1x16xf32> to vector<16xf32>
        %swap3A_377 = vector.shape_cast %add3A_372 : vector<16xf32> to vector<1x16xf32>
        tpu.vector_store %arg15[%swap3A_373, %swap3A_374], %swap3A_377 {strides = array<i32>} : memref<64x128xf32, #tpu.memory_space<vmem>>, vector<1x16xf32>,
        %swap3A_378 = arith.index_cast %add3A_358 : i32 to index
        %swap3A_379 = arith.constant 0 : index
        %swap3A_380 = tpu.vector_load %arg16[%swap3A_378, %swap3A_379] {strides = array<i32>} : memref<512x16xf32, #tpu.memory_space<vmem>>, vector<1x16xf32>,
        %swap3A_381 = vector.shape_cast %swap3A_380 : vector<1x16xf32> to vector<16xf32>
        %swap3A_382 = vector.shape_cast %add3A_372 : vector<16xf32> to vector<1x16xf32>
        tpu.vector_store %arg16[%swap3A_378, %swap3A_379], %swap3A_382 {strides = array<i32>} : memref<512x16xf32, #tpu.memory_space<vmem>>, vector<1x16xf32>,
        %mul3A_383 = arith.constant 8 : i32
        %mul3A_384 = arith.muli %scan3A_244, %mul3A_383 : i32
        %add3A_385 = arith.constant 5 : i32
        %add3A_386 = arith.addi %mul3A_384, %add3A_385 : i32
        %get3A_387 = arith.index_cast %scan3A_244 : i32 to index
        %get3A_388 = arith.constant 80 : index
        %get3A_389 = tpu.vector_load %arg12[%get3A_387, %get3A_388] {strides = array<i32>} : memref<64x128xf32, #tpu.memory_space<vmem>>, vector<1x16xf32>,
        %get3A_390 = vector.shape_cast %get3A_389 : vector<1x16xf32> to vector<16xf32>
        %get3A_391 = arith.index_cast %add3A_386 : i32 to index
        %get3A_392 = arith.constant 0 : index
        %get3A_393 = tpu.vector_load %arg13[%get3A_391, %get3A_392] {strides = array<i32>} : memref<512x16xf32, #tpu.memory_space<vmem>>, vector<1x16xf32>,
        %get3A_394 = vector.shape_cast %get3A_393 : vector<1x16xf32> to vector<16xf32>
        %add3A_395 = arith.addf %get3A_390, %get3A_394 : vector<16xf32>
        %get3A_396 = arith.index_cast %add3A_386 : i32 to index
        %get3A_397 = arith.constant 0 : index
        %get3A_398 = tpu.vector_load %arg14[%get3A_396, %get3A_397] {strides = array<i32>} : memref<512x16xf32, #tpu.memory_space<vmem>>, vector<1x16xf32>,
        %get3A_399 = vector.shape_cast %get3A_398 : vector<1x16xf32> to vector<16xf32>
        %add3A_400 = arith.addf %add3A_395, %get3A_399 : vector<16xf32>
        %swap3A_401 = arith.index_cast %scan3A_244 : i32 to index
        %swap3A_402 = arith.constant 80 : index
        %swap3A_403 = tpu.vector_load %arg15[%swap3A_401, %swap3A_402] {strides = array<i32>} : memref<64x128xf32, #tpu.memory_space<vmem>>, vector<1x16xf32>,
        %swap3A_404 = vector.shape_cast %swap3A_403 : vector<1x16xf32> to vector<16xf32>
        %swap3A_405 = vector.shape_cast %add3A_400 : vector<16xf32> to vector<1x16xf32>
        tpu.vector_store %arg15[%swap3A_401, %swap3A_402], %swap3A_405 {strides = array<i32>} : memref<64x128xf32, #tpu.memory_space<vmem>>, vector<1x16xf32>,
        %swap3A_406 = arith.index_cast %add3A_386 : i32 to index
        %swap3A_407 = arith.constant 0 : index
        %swap3A_408 = tpu.vector_load %arg16[%swap3A_406, %swap3A_407] {strides = array<i32>} : memref<512x16xf32, #tpu.memory_space<vmem>>, vector<1x16xf32>,
        %swap3A_409 = vector.shape_cast %swap3A_408 : vector<1x16xf32> to vector<16xf32>
        %swap3A_410 = vector.shape_cast %add3A_400 : vector<16xf32> to vector<1x16xf32>
        tpu.vector_store %arg16[%swap3A_406, %swap3A_407], %swap3A_410 {strides = array<i32>} : memref<512x16xf32, #tpu.memory_space<vmem>>, vector<1x16xf32>,
        %mul3A_411 = arith.constant 8 : i32
        %mul3A_412 = arith.muli %scan3A_244, %mul3A_411 : i32
        %add3A_413 = arith.constant 6 : i32
        %add3A_414 = arith.addi %mul3A_412, %add3A_413 : i32
        %get3A_415 = arith.index_cast %scan3A_244 : i32 to index
        %get3A_416 = arith.constant 96 : index
        %get3A_417 = tpu.vector_load %arg12[%get3A_415, %get3A_416] {strides = array<i32>} : memref<64x128xf32, #tpu.memory_space<vmem>>, vector<1x16xf32>,
        %get3A_418 = vector.shape_cast %get3A_417 : vector<1x16xf32> to vector<16xf32>
        %get3A_419 = arith.index_cast %add3A_414 : i32 to index
        %get3A_420 = arith.constant 0 : index
        %get3A_421 = tpu.vector_load %arg13[%get3A_419, %get3A_420] {strides = array<i32>} : memref<512x16xf32, #tpu.memory_space<vmem>>, vector<1x16xf32>,
        %get3A_422 = vector.shape_cast %get3A_421 : vector<1x16xf32> to vector<16xf32>
        %add3A_423 = arith.addf %get3A_418, %get3A_422 : vector<16xf32>
        %get3A_424 = arith.index_cast %add3A_414 : i32 to index
        %get3A_425 = arith.constant 0 : index
        %get3A_426 = tpu.vector_load %arg14[%get3A_424, %get3A_425] {strides = array<i32>} : memref<512x16xf32, #tpu.memory_space<vmem>>, vector<1x16xf32>,
        %get3A_427 = vector.shape_cast %get3A_426 : vector<1x16xf32> to vector<16xf32>
        %add3A_428 = arith.addf %add3A_423, %get3A_427 : vector<16xf32>
        %swap3A_429 = arith.index_cast %scan3A_244 : i32 to index
        %swap3A_430 = arith.constant 96 : index
        %swap3A_431 = tpu.vector_load %arg15[%swap3A_429, %swap3A_430] {strides = array<i32>} : memref<64x128xf32, #tpu.memory_space<vmem>>, vector<1x16xf32>,
        %swap3A_432 = vector.shape_cast %swap3A_431 : vector<1x16xf32> to vector<16xf32>
        %swap3A_433 = vector.shape_cast %add3A_428 : vector<16xf32> to vector<1x16xf32>
        tpu.vector_store %arg15[%swap3A_429, %swap3A_430], %swap3A_433 {strides = array<i32>} : memref<64x128xf32, #tpu.memory_space<vmem>>, vector<1x16xf32>,
        %swap3A_434 = arith.index_cast %add3A_414 : i32 to index
        %swap3A_435 = arith.constant 0 : index
        %swap3A_436 = tpu.vector_load %arg16[%swap3A_434, %swap3A_435] {strides = array<i32>} : memref<512x16xf32, #tpu.memory_space<vmem>>, vector<1x16xf32>,
        %swap3A_437 = vector.shape_cast %swap3A_436 : vector<1x16xf32> to vector<16xf32>
        %swap3A_438 = vector.shape_cast %add3A_428 : vector<16xf32> to vector<1x16xf32>
        tpu.vector_store %arg16[%swap3A_434, %swap3A_435], %swap3A_438 {strides = array<i32>} : memref<512x16xf32, #tpu.memory_space<vmem>>, vector<1x16xf32>,
        %mul3A_439 = arith.constant 8 : i32
        %mul3A_440 = arith.muli %scan3A_244, %mul3A_439 : i32
        %add3A_441 = arith.constant 7 : i32
        %add3A_442 = arith.addi %mul3A_440, %add3A_441 : i32
        %get3A_443 = arith.index_cast %scan3A_244 : i32 to index
        %get3A_444 = arith.constant 112 : index
        %get3A_445 = tpu.vector_load %arg12[%get3A_443, %get3A_444] {strides = array<i32>} : memref<64x128xf32, #tpu.memory_space<vmem>>, vector<1x16xf32>,
        %get3A_446 = vector.shape_cast %get3A_445 : vector<1x16xf32> to vector<16xf32>
        %get3A_447 = arith.index_cast %add3A_442 : i32 to index
        %get3A_448 = arith.constant 0 : index
        %get3A_449 = tpu.vector_load %arg13[%get3A_447, %get3A_448] {strides = array<i32>} : memref<512x16xf32, #tpu.memory_space<vmem>>, vector<1x16xf32>,
        %get3A_450 = vector.shape_cast %get3A_449 : vector<1x16xf32> to vector<16xf32>
        %add3A_451 = arith.addf %get3A_446, %get3A_450 : vector<16xf32>
        %get3A_452 = arith.index_cast %add3A_442 : i32 to index
        %get3A_453 = arith.constant 0 : index
        %get3A_454 = tpu.vector_load %arg14[%get3A_452, %get3A_453] {strides = array<i32>} : memref<512x16xf32, #tpu.memory_space<vmem>>, vector<1x16xf32>,
        %get3A_455 = vector.shape_cast %get3A_454 : vector<1x16xf32> to vector<16xf32>
        %add3A_456 = arith.addf %add3A_451, %get3A_455 : vector<16xf32>
        %swap3A_457 = arith.index_cast %scan3A_244 : i32 to index
        %swap3A_458 = arith.constant 112 : index
        %swap3A_459 = tpu.vector_load %arg15[%swap3A_457, %swap3A_458] {strides = array<i32>} : memref<64x128xf32, #tpu.memory_space<vmem>>, vector<1x16xf32>,
        %swap3A_460 = vector.shape_cast %swap3A_459 : vector<1x16xf32> to vector<16xf32>
        %swap3A_461 = vector.shape_cast %add3A_456 : vector<16xf32> to vector<1x16xf32>
        tpu.vector_store %arg15[%swap3A_457, %swap3A_458], %swap3A_461 {strides = array<i32>} : memref<64x128xf32, #tpu.memory_space<vmem>>, vector<1x16xf32>,
        %swap3A_462 = arith.index_cast %add3A_442 : i32 to index
        %swap3A_463 = arith.constant 0 : index
        %swap3A_464 = tpu.vector_load %arg16[%swap3A_462, %swap3A_463] {strides = array<i32>} : memref<512x16xf32, #tpu.memory_space<vmem>>, vector<1x16xf32>,
        %swap3A_465 = vector.shape_cast %swap3A_464 : vector<1x16xf32> to vector<16xf32>
        %swap3A_466 = vector.shape_cast %add3A_456 : vector<16xf32> to vector<1x16xf32>
        tpu.vector_store %arg16[%swap3A_462, %swap3A_463], %swap3A_466 {strides = array<i32>} : memref<512x16xf32, #tpu.memory_space<vmem>>, vector<1x16xf32>,
      }
      %scan3A_155 = arith.constant 16 : i32
      %run_scoped3A_156 = arith.constant 1 : i32
      "tpu.region"() ({
        %run_scoped3A_244 = tpu.sem_alloc : memref<!tpu.dma_semaphore, #tpu.memory_space<semaphore_mem>>
        %dma_start3A_245 = arith.constant 128 : i32
        %dma_start3A_246 = arith.constant 0 : i32
        %dma_start3A_247 = tpu.memref_slice %arg16[%dma_start3A_245, %dma_start3A_246] : memref<512x16xf32, #tpu.memory_space<vmem>> -> memref<128x16xf32, #tpu.memory_space<vmem>>
        %dma_start3A_248 = arith.constant 0 : i32
        %dma_start3A_249 = tpu.memref_slice %arg10[%run_scoped3A_156, %dma_start3A_248] : memref<4x128xi32, #tpu.memory_space<vmem>> -> memref<1x128xi32, #tpu.memory_space<vmem>>
        %dma_start3A_250 = tpu.memref_squeeze %dma_start3A_249 : memref<1x128xi32, #tpu.memory_space<vmem>> -> memref<128xi32, #tpu.memory_space<vmem>>
        %dma_start3A_251 = arith.constant 0 : i32
        %dma_start3A_252 = arith.constant 0 : i32
        %dma_start3A_253 = tpu.memref_slice %arg18[%dma_start3A_251, %dma_start3A_252] : memref<10000x16xf32, #tpu.memory_space<vmem_shared>> -> memref<10000x16xf32, #tpu.memory_space<vmem_shared>>
        tpu.enqueue_indirect_dma source(%dma_start3A_247 : memref<128x16xf32, #tpu.memory_space<vmem>>) target(%dma_start3A_253 : memref<10000x16xf32, #tpu.memory_space<vmem_shared>>) offsets(%dma_start3A_250 : memref<128xi32, #tpu.memory_space<vmem>>) semaphore(%run_scoped3A_244 : memref<!tpu.dma_semaphore, #tpu.memory_space<semaphore_mem>>) {add = true}
        %dma_wait3A_254 = arith.constant 128 : i32
        %dma_wait3A_255 = arith.constant 0 : i32
        %dma_wait3A_256 = tpu.memref_slice %arg16[%dma_wait3A_254, %dma_wait3A_255] : memref<512x16xf32, #tpu.memory_space<vmem>> -> memref<128x16xf32, #tpu.memory_space<vmem>>
        %dma_wait3A_257 = arith.constant 0 : i32
        %dma_wait3A_258 = tpu.memref_slice %arg10[%run_scoped3A_156, %dma_wait3A_257] : memref<4x128xi32, #tpu.memory_space<vmem>> -> memref<1x128xi32, #tpu.memory_space<vmem>>
        %dma_wait3A_259 = tpu.memref_squeeze %dma_wait3A_258 : memref<1x128xi32, #tpu.memory_space<vmem>> -> memref<128xi32, #tpu.memory_space<vmem>>
        %dma_wait3A_260 = arith.constant 0 : i32
        %dma_wait3A_261 = arith.constant 0 : i32
        %dma_wait3A_262 = tpu.memref_slice %arg18[%dma_wait3A_260, %dma_wait3A_261] : memref<10000x16xf32, #tpu.memory_space<vmem_shared>> -> memref<10000x16xf32, #tpu.memory_space<vmem_shared>>
        tpu.wait_indirect_dma semaphore(%run_scoped3A_244 : memref<!tpu.dma_semaphore, #tpu.memory_space<semaphore_mem>>) src(%dma_wait3A_256 : memref<128x16xf32, #tpu.memory_space<vmem>>) dst(%dma_wait3A_262 : memref<10000x16xf32, #tpu.memory_space<vmem_shared>>)
        tpu.yield
      }) : () -> ()
      %run_scoped3A_157 = arith.constant 1 : i32
      "tpu.region"() ({
        %run_scoped3A_244 = tpu.sem_alloc : memref<!tpu.dma_semaphore, #tpu.memory_space<semaphore_mem>>
        %dma_start3A_245 = arith.constant 128 : i32
        %dma_start3A_246 = arith.constant 0 : i32
        %dma_start3A_247 = tpu.memref_slice %arg16[%dma_start3A_245, %dma_start3A_246] : memref<512x16xf32, #tpu.memory_space<vmem>> -> memref<128x16xf32, #tpu.memory_space<vmem>>
        %dma_start3A_248 = arith.constant 0 : i32
        %dma_start3A_249 = tpu.memref_slice %arg11[%run_scoped3A_157, %dma_start3A_248] : memref<4x128xi32, #tpu.memory_space<vmem>> -> memref<1x128xi32, #tpu.memory_space<vmem>>
        %dma_start3A_250 = tpu.memref_squeeze %dma_start3A_249 : memref<1x128xi32, #tpu.memory_space<vmem>> -> memref<128xi32, #tpu.memory_space<vmem>>
        %dma_start3A_251 = arith.constant 0 : i32
        %dma_start3A_252 = arith.constant 0 : i32
        %dma_start3A_253 = tpu.memref_slice %arg19[%dma_start3A_251, %dma_start3A_252] : memref<10000x16xf32, #tpu.memory_space<vmem_shared>> -> memref<10000x16xf32, #tpu.memory_space<vmem_shared>>
        tpu.enqueue_indirect_dma source(%dma_start3A_247 : memref<128x16xf32, #tpu.memory_space<vmem>>) target(%dma_start3A_253 : memref<10000x16xf32, #tpu.memory_space<vmem_shared>>) offsets(%dma_start3A_250 : memref<128xi32, #tpu.memory_space<vmem>>) semaphore(%run_scoped3A_244 : memref<!tpu.dma_semaphore, #tpu.memory_space<semaphore_mem>>) {add = true}
        %dma_wait3A_254 = arith.constant 128 : i32
        %dma_wait3A_255 = arith.constant 0 : i32
        %dma_wait3A_256 = tpu.memref_slice %arg16[%dma_wait3A_254, %dma_wait3A_255] : memref<512x16xf32, #tpu.memory_space<vmem>> -> memref<128x16xf32, #tpu.memory_space<vmem>>
        %dma_wait3A_257 = arith.constant 0 : i32
        %dma_wait3A_258 = tpu.memref_slice %arg11[%run_scoped3A_157, %dma_wait3A_257] : memref<4x128xi32, #tpu.memory_space<vmem>> -> memref<1x128xi32, #tpu.memory_space<vmem>>
        %dma_wait3A_259 = tpu.memref_squeeze %dma_wait3A_258 : memref<1x128xi32, #tpu.memory_space<vmem>> -> memref<128xi32, #tpu.memory_space<vmem>>
        %dma_wait3A_260 = arith.constant 0 : i32
        %dma_wait3A_261 = arith.constant 0 : i32
        %dma_wait3A_262 = tpu.memref_slice %arg19[%dma_wait3A_260, %dma_wait3A_261] : memref<10000x16xf32, #tpu.memory_space<vmem_shared>> -> memref<10000x16xf32, #tpu.memory_space<vmem_shared>>
        tpu.wait_indirect_dma semaphore(%run_scoped3A_244 : memref<!tpu.dma_semaphore, #tpu.memory_space<semaphore_mem>>) src(%dma_wait3A_256 : memref<128x16xf32, #tpu.memory_space<vmem>>) dst(%dma_wait3A_262 : memref<10000x16xf32, #tpu.memory_space<vmem_shared>>)
        tpu.yield
      }) : () -> ()
      %dma_wait3A_158 = arith.constant 2 : i32
      %dma_wait3A_159 = arith.constant 256 : i32
      %dma_wait3A_160 = arith.constant 0 : i32
      %dma_wait3A_161 = tpu.memref_slice %arg13[%dma_wait3A_159, %dma_wait3A_160] : memref<512x16xf32, #tpu.memory_space<vmem>> -> memref<128x16xf32, #tpu.memory_space<vmem>>
      %dma_wait3A_162 = arith.constant 0 : i32
      %dma_wait3A_163 = tpu.memref_slice %arg10[%dma_wait3A_158, %dma_wait3A_162] : memref<4x128xi32, #tpu.memory_space<vmem>> -> memref<1x128xi32, #tpu.memory_space<vmem>>
      %dma_wait3A_164 = tpu.memref_squeeze %dma_wait3A_163 : memref<1x128xi32, #tpu.memory_space<vmem>> -> memref<128xi32, #tpu.memory_space<vmem>>
      %dma_wait3A_165 = arith.constant 0 : i32
      %dma_wait3A_166 = arith.constant 0 : i32
      %dma_wait3A_167 = tpu.memref_slice %arg5[%dma_wait3A_165, %dma_wait3A_166] : memref<10000x16xf32, #tpu.memory_space<hbm>> -> memref<10000x16xf32, #tpu.memory_space<hbm>>
      tpu.wait_indirect_dma semaphore(%arg20 : memref<!tpu.dma_semaphore, #tpu.memory_space<semaphore_mem>>) src(%dma_wait3A_167 : memref<10000x16xf32, #tpu.memory_space<hbm>>) dst(%dma_wait3A_161 : memref<128x16xf32, #tpu.memory_space<vmem>>)
      %dma_wait3A_168 = arith.constant 2 : i32
      %dma_wait3A_169 = arith.constant 256 : i32
      %dma_wait3A_170 = arith.constant 0 : i32
      %dma_wait3A_171 = tpu.memref_slice %arg14[%dma_wait3A_169, %dma_wait3A_170] : memref<512x16xf32, #tpu.memory_space<vmem>> -> memref<128x16xf32, #tpu.memory_space<vmem>>
      %dma_wait3A_172 = arith.constant 0 : i32
      %dma_wait3A_173 = tpu.memref_slice %arg11[%dma_wait3A_168, %dma_wait3A_172] : memref<4x128xi32, #tpu.memory_space<vmem>> -> memref<1x128xi32, #tpu.memory_space<vmem>>
      %dma_wait3A_174 = tpu.memref_squeeze %dma_wait3A_173 : memref<1x128xi32, #tpu.memory_space<vmem>> -> memref<128xi32, #tpu.memory_space<vmem>>
      %dma_wait3A_175 = arith.constant 0 : i32
      %dma_wait3A_176 = arith.constant 0 : i32
      %dma_wait3A_177 = tpu.memref_slice %arg6[%dma_wait3A_175, %dma_wait3A_176] : memref<10000x16xf32, #tpu.memory_space<hbm>> -> memref<10000x16xf32, #tpu.memory_space<hbm>>
      tpu.wait_indirect_dma semaphore(%arg20 : memref<!tpu.dma_semaphore, #tpu.memory_space<semaphore_mem>>) src(%dma_wait3A_177 : memref<10000x16xf32, #tpu.memory_space<hbm>>) dst(%dma_wait3A_171 : memref<128x16xf32, #tpu.memory_space<vmem>>)
      %dma_start3A_178 = arith.constant 3 : i32
      %dma_start3A_179 = arith.constant 384 : i32
      %dma_start3A_180 = arith.constant 0 : i32
      %dma_start3A_181 = tpu.memref_slice %arg13[%dma_start3A_179, %dma_start3A_180] : memref<512x16xf32, #tpu.memory_space<vmem>> -> memref<128x16xf32, #tpu.memory_space<vmem>>
      %dma_start3A_182 = arith.constant 0 : i32
      %dma_start3A_183 = tpu.memref_slice %arg10[%dma_start3A_178, %dma_start3A_182] : memref<4x128xi32, #tpu.memory_space<vmem>> -> memref<1x128xi32, #tpu.memory_space<vmem>>
      %dma_start3A_184 = tpu.memref_squeeze %dma_start3A_183 : memref<1x128xi32, #tpu.memory_space<vmem>> -> memref<128xi32, #tpu.memory_space<vmem>>
      %dma_start3A_185 = arith.constant 0 : i32
      %dma_start3A_186 = arith.constant 0 : i32
      %dma_start3A_187 = tpu.memref_slice %arg5[%dma_start3A_185, %dma_start3A_186] : memref<10000x16xf32, #tpu.memory_space<hbm>> -> memref<10000x16xf32, #tpu.memory_space<hbm>>
      tpu.enqueue_indirect_dma source(%dma_start3A_187 : memref<10000x16xf32, #tpu.memory_space<hbm>>) target(%dma_start3A_181 : memref<128x16xf32, #tpu.memory_space<vmem>>) offsets(%dma_start3A_184 : memref<128xi32, #tpu.memory_space<vmem>>) semaphore(%arg20 : memref<!tpu.dma_semaphore, #tpu.memory_space<semaphore_mem>>)
      %dma_start3A_188 = arith.constant 3 : i32
      %dma_start3A_189 = arith.constant 384 : i32
      %dma_start3A_190 = arith.constant 0 : i32
      %dma_start3A_191 = tpu.memref_slice %arg14[%dma_start3A_189, %dma_start3A_190] : memref<512x16xf32, #tpu.memory_space<vmem>> -> memref<128x16xf32, #tpu.memory_space<vmem>>
      %dma_start3A_192 = arith.constant 0 : i32
      %dma_start3A_193 = tpu.memref_slice %arg11[%dma_start3A_188, %dma_start3A_192] : memref<4x128xi32, #tpu.memory_space<vmem>> -> memref<1x128xi32, #tpu.memory_space<vmem>>
      %dma_start3A_194 = tpu.memref_squeeze %dma_start3A_193 : memref<1x128xi32, #tpu.memory_space<vmem>> -> memref<128xi32, #tpu.memory_space<vmem>>
      %dma_start3A_195 = arith.constant 0 : i32
      %dma_start3A_196 = arith.constant 0 : i32
      %dma_start3A_197 = tpu.memref_slice %arg6[%dma_start3A_195, %dma_start3A_196] : memref<10000x16xf32, #tpu.memory_space<hbm>> -> memref<10000x16xf32, #tpu.memory_space<hbm>>
      tpu.enqueue_indirect_dma source(%dma_start3A_197 : memref<10000x16xf32, #tpu.memory_space<hbm>>) target(%dma_start3A_191 : memref<128x16xf32, #tpu.memory_space<vmem>>) offsets(%dma_start3A_194 : memref<128xi32, #tpu.memory_space<vmem>>) semaphore(%arg20 : memref<!tpu.dma_semaphore, #tpu.memory_space<semaphore_mem>>)
      %scan3A_198 = arith.constant 0 : i32
      %scan3A_199 = arith.constant 32 : i32
      %scan3A_200 = arith.constant 16 : i32
      %scan3A_201 = arith.addi %scan3A_199, %scan3A_200 : i32
      %scan3A_202 = arith.constant 1 : i32
      scf.for %scan3A_244 = %scan3A_199 to %scan3A_201 step %scan3A_202  : i32 {
        %mul3A_245 = arith.constant 8 : i32
        %mul3A_246 = arith.muli %scan3A_244, %mul3A_245 : i32
        %add3A_247 = arith.constant 0 : i32
        %add3A_248 = arith.addi %mul3A_246, %add3A_247 : i32
        %get3A = arith.index_cast %scan3A_244 : i32 to index
        %get3A_249 = arith.constant 0 : index
        %get3A_250 = tpu.vector_load %arg12[%get3A, %get3A_249] {strides = array<i32>} : memref<64x128xf32, #tpu.memory_space<vmem>>, vector<1x16xf32>,
        %get3A_251 = vector.shape_cast %get3A_250 : vector<1x16xf32> to vector<16xf32>
        %get3A_252 = arith.index_cast %add3A_248 : i32 to index
        %get3A_253 = arith.constant 0 : index
        %get3A_254 = tpu.vector_load %arg13[%get3A_252, %get3A_253] {strides = array<i32>} : memref<512x16xf32, #tpu.memory_space<vmem>>, vector<1x16xf32>,
        %get3A_255 = vector.shape_cast %get3A_254 : vector<1x16xf32> to vector<16xf32>
        %add3A_256 = arith.addf %get3A_251, %get3A_255 : vector<16xf32>
        %get3A_257 = arith.index_cast %add3A_248 : i32 to index
        %get3A_258 = arith.constant 0 : index
        %get3A_259 = tpu.vector_load %arg14[%get3A_257, %get3A_258] {strides = array<i32>} : memref<512x16xf32, #tpu.memory_space<vmem>>, vector<1x16xf32>,
        %get3A_260 = vector.shape_cast %get3A_259 : vector<1x16xf32> to vector<16xf32>
        %add3A_261 = arith.addf %add3A_256, %get3A_260 : vector<16xf32>
        %swap3A = arith.index_cast %scan3A_244 : i32 to index
        %swap3A_262 = arith.constant 0 : index
        %swap3A_263 = tpu.vector_load %arg15[%swap3A, %swap3A_262] {strides = array<i32>} : memref<64x128xf32, #tpu.memory_space<vmem>>, vector<1x16xf32>,
        %swap3A_264 = vector.shape_cast %swap3A_263 : vector<1x16xf32> to vector<16xf32>
        %swap3A_265 = vector.shape_cast %add3A_261 : vector<16xf32> to vector<1x16xf32>
        tpu.vector_store %arg15[%swap3A, %swap3A_262], %swap3A_265 {strides = array<i32>} : memref<64x128xf32, #tpu.memory_space<vmem>>, vector<1x16xf32>,
        %swap3A_266 = arith.index_cast %add3A_248 : i32 to index
        %swap3A_267 = arith.constant 0 : index
        %swap3A_268 = tpu.vector_load %arg16[%swap3A_266, %swap3A_267] {strides = array<i32>} : memref<512x16xf32, #tpu.memory_space<vmem>>, vector<1x16xf32>,
        %swap3A_269 = vector.shape_cast %swap3A_268 : vector<1x16xf32> to vector<16xf32>
        %swap3A_270 = vector.shape_cast %add3A_261 : vector<16xf32> to vector<1x16xf32>
        tpu.vector_store %arg16[%swap3A_266, %swap3A_267], %swap3A_270 {strides = array<i32>} : memref<512x16xf32, #tpu.memory_space<vmem>>, vector<1x16xf32>,
        %mul3A_271 = arith.constant 8 : i32
        %mul3A_272 = arith.muli %scan3A_244, %mul3A_271 : i32
        %add3A_273 = arith.constant 1 : i32
        %add3A_274 = arith.addi %mul3A_272, %add3A_273 : i32
        %get3A_275 = arith.index_cast %scan3A_244 : i32 to index
        %get3A_276 = arith.constant 16 : index
        %get3A_277 = tpu.vector_load %arg12[%get3A_275, %get3A_276] {strides = array<i32>} : memref<64x128xf32, #tpu.memory_space<vmem>>, vector<1x16xf32>,
        %get3A_278 = vector.shape_cast %get3A_277 : vector<1x16xf32> to vector<16xf32>
        %get3A_279 = arith.index_cast %add3A_274 : i32 to index
        %get3A_280 = arith.constant 0 : index
        %get3A_281 = tpu.vector_load %arg13[%get3A_279, %get3A_280] {strides = array<i32>} : memref<512x16xf32, #tpu.memory_space<vmem>>, vector<1x16xf32>,
        %get3A_282 = vector.shape_cast %get3A_281 : vector<1x16xf32> to vector<16xf32>
        %add3A_283 = arith.addf %get3A_278, %get3A_282 : vector<16xf32>
        %get3A_284 = arith.index_cast %add3A_274 : i32 to index
        %get3A_285 = arith.constant 0 : index
        %get3A_286 = tpu.vector_load %arg14[%get3A_284, %get3A_285] {strides = array<i32>} : memref<512x16xf32, #tpu.memory_space<vmem>>, vector<1x16xf32>,
        %get3A_287 = vector.shape_cast %get3A_286 : vector<1x16xf32> to vector<16xf32>
        %add3A_288 = arith.addf %add3A_283, %get3A_287 : vector<16xf32>
        %swap3A_289 = arith.index_cast %scan3A_244 : i32 to index
        %swap3A_290 = arith.constant 16 : index
        %swap3A_291 = tpu.vector_load %arg15[%swap3A_289, %swap3A_290] {strides = array<i32>} : memref<64x128xf32, #tpu.memory_space<vmem>>, vector<1x16xf32>,
        %swap3A_292 = vector.shape_cast %swap3A_291 : vector<1x16xf32> to vector<16xf32>
        %swap3A_293 = vector.shape_cast %add3A_288 : vector<16xf32> to vector<1x16xf32>
        tpu.vector_store %arg15[%swap3A_289, %swap3A_290], %swap3A_293 {strides = array<i32>} : memref<64x128xf32, #tpu.memory_space<vmem>>, vector<1x16xf32>,
        %swap3A_294 = arith.index_cast %add3A_274 : i32 to index
        %swap3A_295 = arith.constant 0 : index
        %swap3A_296 = tpu.vector_load %arg16[%swap3A_294, %swap3A_295] {strides = array<i32>} : memref<512x16xf32, #tpu.memory_space<vmem>>, vector<1x16xf32>,
        %swap3A_297 = vector.shape_cast %swap3A_296 : vector<1x16xf32> to vector<16xf32>
        %swap3A_298 = vector.shape_cast %add3A_288 : vector<16xf32> to vector<1x16xf32>
        tpu.vector_store %arg16[%swap3A_294, %swap3A_295], %swap3A_298 {strides = array<i32>} : memref<512x16xf32, #tpu.memory_space<vmem>>, vector<1x16xf32>,
        %mul3A_299 = arith.constant 8 : i32
        %mul3A_300 = arith.muli %scan3A_244, %mul3A_299 : i32
        %add3A_301 = arith.constant 2 : i32
        %add3A_302 = arith.addi %mul3A_300, %add3A_301 : i32
        %get3A_303 = arith.index_cast %scan3A_244 : i32 to index
        %get3A_304 = arith.constant 32 : index
        %get3A_305 = tpu.vector_load %arg12[%get3A_303, %get3A_304] {strides = array<i32>} : memref<64x128xf32, #tpu.memory_space<vmem>>, vector<1x16xf32>,
        %get3A_306 = vector.shape_cast %get3A_305 : vector<1x16xf32> to vector<16xf32>
        %get3A_307 = arith.index_cast %add3A_302 : i32 to index
        %get3A_308 = arith.constant 0 : index
        %get3A_309 = tpu.vector_load %arg13[%get3A_307, %get3A_308] {strides = array<i32>} : memref<512x16xf32, #tpu.memory_space<vmem>>, vector<1x16xf32>,
        %get3A_310 = vector.shape_cast %get3A_309 : vector<1x16xf32> to vector<16xf32>
        %add3A_311 = arith.addf %get3A_306, %get3A_310 : vector<16xf32>
        %get3A_312 = arith.index_cast %add3A_302 : i32 to index
        %get3A_313 = arith.constant 0 : index
        %get3A_314 = tpu.vector_load %arg14[%get3A_312, %get3A_313] {strides = array<i32>} : memref<512x16xf32, #tpu.memory_space<vmem>>, vector<1x16xf32>,
        %get3A_315 = vector.shape_cast %get3A_314 : vector<1x16xf32> to vector<16xf32>
        %add3A_316 = arith.addf %add3A_311, %get3A_315 : vector<16xf32>
        %swap3A_317 = arith.index_cast %scan3A_244 : i32 to index
        %swap3A_318 = arith.constant 32 : index
        %swap3A_319 = tpu.vector_load %arg15[%swap3A_317, %swap3A_318] {strides = array<i32>} : memref<64x128xf32, #tpu.memory_space<vmem>>, vector<1x16xf32>,
        %swap3A_320 = vector.shape_cast %swap3A_319 : vector<1x16xf32> to vector<16xf32>
        %swap3A_321 = vector.shape_cast %add3A_316 : vector<16xf32> to vector<1x16xf32>
        tpu.vector_store %arg15[%swap3A_317, %swap3A_318], %swap3A_321 {strides = array<i32>} : memref<64x128xf32, #tpu.memory_space<vmem>>, vector<1x16xf32>,
        %swap3A_322 = arith.index_cast %add3A_302 : i32 to index
        %swap3A_323 = arith.constant 0 : index
        %swap3A_324 = tpu.vector_load %arg16[%swap3A_322, %swap3A_323] {strides = array<i32>} : memref<512x16xf32, #tpu.memory_space<vmem>>, vector<1x16xf32>,
        %swap3A_325 = vector.shape_cast %swap3A_324 : vector<1x16xf32> to vector<16xf32>
        %swap3A_326 = vector.shape_cast %add3A_316 : vector<16xf32> to vector<1x16xf32>
        tpu.vector_store %arg16[%swap3A_322, %swap3A_323], %swap3A_326 {strides = array<i32>} : memref<512x16xf32, #tpu.memory_space<vmem>>, vector<1x16xf32>,
        %mul3A_327 = arith.constant 8 : i32
        %mul3A_328 = arith.muli %scan3A_244, %mul3A_327 : i32
        %add3A_329 = arith.constant 3 : i32
        %add3A_330 = arith.addi %mul3A_328, %add3A_329 : i32
        %get3A_331 = arith.index_cast %scan3A_244 : i32 to index
        %get3A_332 = arith.constant 48 : index
        %get3A_333 = tpu.vector_load %arg12[%get3A_331, %get3A_332] {strides = array<i32>} : memref<64x128xf32, #tpu.memory_space<vmem>>, vector<1x16xf32>,
        %get3A_334 = vector.shape_cast %get3A_333 : vector<1x16xf32> to vector<16xf32>
        %get3A_335 = arith.index_cast %add3A_330 : i32 to index
        %get3A_336 = arith.constant 0 : index
        %get3A_337 = tpu.vector_load %arg13[%get3A_335, %get3A_336] {strides = array<i32>} : memref<512x16xf32, #tpu.memory_space<vmem>>, vector<1x16xf32>,
        %get3A_338 = vector.shape_cast %get3A_337 : vector<1x16xf32> to vector<16xf32>
        %add3A_339 = arith.addf %get3A_334, %get3A_338 : vector<16xf32>
        %get3A_340 = arith.index_cast %add3A_330 : i32 to index
        %get3A_341 = arith.constant 0 : index
        %get3A_342 = tpu.vector_load %arg14[%get3A_340, %get3A_341] {strides = array<i32>} : memref<512x16xf32, #tpu.memory_space<vmem>>, vector<1x16xf32>,
        %get3A_343 = vector.shape_cast %get3A_342 : vector<1x16xf32> to vector<16xf32>
        %add3A_344 = arith.addf %add3A_339, %get3A_343 : vector<16xf32>
        %swap3A_345 = arith.index_cast %scan3A_244 : i32 to index
        %swap3A_346 = arith.constant 48 : index
        %swap3A_347 = tpu.vector_load %arg15[%swap3A_345, %swap3A_346] {strides = array<i32>} : memref<64x128xf32, #tpu.memory_space<vmem>>, vector<1x16xf32>,
        %swap3A_348 = vector.shape_cast %swap3A_347 : vector<1x16xf32> to vector<16xf32>
        %swap3A_349 = vector.shape_cast %add3A_344 : vector<16xf32> to vector<1x16xf32>
        tpu.vector_store %arg15[%swap3A_345, %swap3A_346], %swap3A_349 {strides = array<i32>} : memref<64x128xf32, #tpu.memory_space<vmem>>, vector<1x16xf32>,
        %swap3A_350 = arith.index_cast %add3A_330 : i32 to index
        %swap3A_351 = arith.constant 0 : index
        %swap3A_352 = tpu.vector_load %arg16[%swap3A_350, %swap3A_351] {strides = array<i32>} : memref<512x16xf32, #tpu.memory_space<vmem>>, vector<1x16xf32>,
        %swap3A_353 = vector.shape_cast %swap3A_352 : vector<1x16xf32> to vector<16xf32>
        %swap3A_354 = vector.shape_cast %add3A_344 : vector<16xf32> to vector<1x16xf32>
        tpu.vector_store %arg16[%swap3A_350, %swap3A_351], %swap3A_354 {strides = array<i32>} : memref<512x16xf32, #tpu.memory_space<vmem>>, vector<1x16xf32>,
        %mul3A_355 = arith.constant 8 : i32
        %mul3A_356 = arith.muli %scan3A_244, %mul3A_355 : i32
        %add3A_357 = arith.constant 4 : i32
        %add3A_358 = arith.addi %mul3A_356, %add3A_357 : i32
        %get3A_359 = arith.index_cast %scan3A_244 : i32 to index
        %get3A_360 = arith.constant 64 : index
        %get3A_361 = tpu.vector_load %arg12[%get3A_359, %get3A_360] {strides = array<i32>} : memref<64x128xf32, #tpu.memory_space<vmem>>, vector<1x16xf32>,
        %get3A_362 = vector.shape_cast %get3A_361 : vector<1x16xf32> to vector<16xf32>
        %get3A_363 = arith.index_cast %add3A_358 : i32 to index
        %get3A_364 = arith.constant 0 : index
        %get3A_365 = tpu.vector_load %arg13[%get3A_363, %get3A_364] {strides = array<i32>} : memref<512x16xf32, #tpu.memory_space<vmem>>, vector<1x16xf32>,
        %get3A_366 = vector.shape_cast %get3A_365 : vector<1x16xf32> to vector<16xf32>
        %add3A_367 = arith.addf %get3A_362, %get3A_366 : vector<16xf32>
        %get3A_368 = arith.index_cast %add3A_358 : i32 to index
        %get3A_369 = arith.constant 0 : index
        %get3A_370 = tpu.vector_load %arg14[%get3A_368, %get3A_369] {strides = array<i32>} : memref<512x16xf32, #tpu.memory_space<vmem>>, vector<1x16xf32>,
        %get3A_371 = vector.shape_cast %get3A_370 : vector<1x16xf32> to vector<16xf32>
        %add3A_372 = arith.addf %add3A_367, %get3A_371 : vector<16xf32>
        %swap3A_373 = arith.index_cast %scan3A_244 : i32 to index
        %swap3A_374 = arith.constant 64 : index
        %swap3A_375 = tpu.vector_load %arg15[%swap3A_373, %swap3A_374] {strides = array<i32>} : memref<64x128xf32, #tpu.memory_space<vmem>>, vector<1x16xf32>,
        %swap3A_376 = vector.shape_cast %swap3A_375 : vector<1x16xf32> to vector<16xf32>
        %swap3A_377 = vector.shape_cast %add3A_372 : vector<16xf32> to vector<1x16xf32>
        tpu.vector_store %arg15[%swap3A_373, %swap3A_374], %swap3A_377 {strides = array<i32>} : memref<64x128xf32, #tpu.memory_space<vmem>>, vector<1x16xf32>,
        %swap3A_378 = arith.index_cast %add3A_358 : i32 to index
        %swap3A_379 = arith.constant 0 : index
        %swap3A_380 = tpu.vector_load %arg16[%swap3A_378, %swap3A_379] {strides = array<i32>} : memref<512x16xf32, #tpu.memory_space<vmem>>, vector<1x16xf32>,
        %swap3A_381 = vector.shape_cast %swap3A_380 : vector<1x16xf32> to vector<16xf32>
        %swap3A_382 = vector.shape_cast %add3A_372 : vector<16xf32> to vector<1x16xf32>
        tpu.vector_store %arg16[%swap3A_378, %swap3A_379], %swap3A_382 {strides = array<i32>} : memref<512x16xf32, #tpu.memory_space<vmem>>, vector<1x16xf32>,
        %mul3A_383 = arith.constant 8 : i32
        %mul3A_384 = arith.muli %scan3A_244, %mul3A_383 : i32
        %add3A_385 = arith.constant 5 : i32
        %add3A_386 = arith.addi %mul3A_384, %add3A_385 : i32
        %get3A_387 = arith.index_cast %scan3A_244 : i32 to index
        %get3A_388 = arith.constant 80 : index
        %get3A_389 = tpu.vector_load %arg12[%get3A_387, %get3A_388] {strides = array<i32>} : memref<64x128xf32, #tpu.memory_space<vmem>>, vector<1x16xf32>,
        %get3A_390 = vector.shape_cast %get3A_389 : vector<1x16xf32> to vector<16xf32>
        %get3A_391 = arith.index_cast %add3A_386 : i32 to index
        %get3A_392 = arith.constant 0 : index
        %get3A_393 = tpu.vector_load %arg13[%get3A_391, %get3A_392] {strides = array<i32>} : memref<512x16xf32, #tpu.memory_space<vmem>>, vector<1x16xf32>,
        %get3A_394 = vector.shape_cast %get3A_393 : vector<1x16xf32> to vector<16xf32>
        %add3A_395 = arith.addf %get3A_390, %get3A_394 : vector<16xf32>
        %get3A_396 = arith.index_cast %add3A_386 : i32 to index
        %get3A_397 = arith.constant 0 : index
        %get3A_398 = tpu.vector_load %arg14[%get3A_396, %get3A_397] {strides = array<i32>} : memref<512x16xf32, #tpu.memory_space<vmem>>, vector<1x16xf32>,
        %get3A_399 = vector.shape_cast %get3A_398 : vector<1x16xf32> to vector<16xf32>
        %add3A_400 = arith.addf %add3A_395, %get3A_399 : vector<16xf32>
        %swap3A_401 = arith.index_cast %scan3A_244 : i32 to index
        %swap3A_402 = arith.constant 80 : index
        %swap3A_403 = tpu.vector_load %arg15[%swap3A_401, %swap3A_402] {strides = array<i32>} : memref<64x128xf32, #tpu.memory_space<vmem>>, vector<1x16xf32>,
        %swap3A_404 = vector.shape_cast %swap3A_403 : vector<1x16xf32> to vector<16xf32>
        %swap3A_405 = vector.shape_cast %add3A_400 : vector<16xf32> to vector<1x16xf32>
        tpu.vector_store %arg15[%swap3A_401, %swap3A_402], %swap3A_405 {strides = array<i32>} : memref<64x128xf32, #tpu.memory_space<vmem>>, vector<1x16xf32>,
        %swap3A_406 = arith.index_cast %add3A_386 : i32 to index
        %swap3A_407 = arith.constant 0 : index
        %swap3A_408 = tpu.vector_load %arg16[%swap3A_406, %swap3A_407] {strides = array<i32>} : memref<512x16xf32, #tpu.memory_space<vmem>>, vector<1x16xf32>,
        %swap3A_409 = vector.shape_cast %swap3A_408 : vector<1x16xf32> to vector<16xf32>
        %swap3A_410 = vector.shape_cast %add3A_400 : vector<16xf32> to vector<1x16xf32>
        tpu.vector_store %arg16[%swap3A_406, %swap3A_407], %swap3A_410 {strides = array<i32>} : memref<512x16xf32, #tpu.memory_space<vmem>>, vector<1x16xf32>,
        %mul3A_411 = arith.constant 8 : i32
        %mul3A_412 = arith.muli %scan3A_244, %mul3A_411 : i32
        %add3A_413 = arith.constant 6 : i32
        %add3A_414 = arith.addi %mul3A_412, %add3A_413 : i32
        %get3A_415 = arith.index_cast %scan3A_244 : i32 to index
        %get3A_416 = arith.constant 96 : index
        %get3A_417 = tpu.vector_load %arg12[%get3A_415, %get3A_416] {strides = array<i32>} : memref<64x128xf32, #tpu.memory_space<vmem>>, vector<1x16xf32>,
        %get3A_418 = vector.shape_cast %get3A_417 : vector<1x16xf32> to vector<16xf32>
        %get3A_419 = arith.index_cast %add3A_414 : i32 to index
        %get3A_420 = arith.constant 0 : index
        %get3A_421 = tpu.vector_load %arg13[%get3A_419, %get3A_420] {strides = array<i32>} : memref<512x16xf32, #tpu.memory_space<vmem>>, vector<1x16xf32>,
        %get3A_422 = vector.shape_cast %get3A_421 : vector<1x16xf32> to vector<16xf32>
        %add3A_423 = arith.addf %get3A_418, %get3A_422 : vector<16xf32>
        %get3A_424 = arith.index_cast %add3A_414 : i32 to index
        %get3A_425 = arith.constant 0 : index
        %get3A_426 = tpu.vector_load %arg14[%get3A_424, %get3A_425] {strides = array<i32>} : memref<512x16xf32, #tpu.memory_space<vmem>>, vector<1x16xf32>,
        %get3A_427 = vector.shape_cast %get3A_426 : vector<1x16xf32> to vector<16xf32>
        %add3A_428 = arith.addf %add3A_423, %get3A_427 : vector<16xf32>
        %swap3A_429 = arith.index_cast %scan3A_244 : i32 to index
        %swap3A_430 = arith.constant 96 : index
        %swap3A_431 = tpu.vector_load %arg15[%swap3A_429, %swap3A_430] {strides = array<i32>} : memref<64x128xf32, #tpu.memory_space<vmem>>, vector<1x16xf32>,
        %swap3A_432 = vector.shape_cast %swap3A_431 : vector<1x16xf32> to vector<16xf32>
        %swap3A_433 = vector.shape_cast %add3A_428 : vector<16xf32> to vector<1x16xf32>
        tpu.vector_store %arg15[%swap3A_429, %swap3A_430], %swap3A_433 {strides = array<i32>} : memref<64x128xf32, #tpu.memory_space<vmem>>, vector<1x16xf32>,
        %swap3A_434 = arith.index_cast %add3A_414 : i32 to index
        %swap3A_435 = arith.constant 0 : index
        %swap3A_436 = tpu.vector_load %arg16[%swap3A_434, %swap3A_435] {strides = array<i32>} : memref<512x16xf32, #tpu.memory_space<vmem>>, vector<1x16xf32>,
        %swap3A_437 = vector.shape_cast %swap3A_436 : vector<1x16xf32> to vector<16xf32>
        %swap3A_438 = vector.shape_cast %add3A_428 : vector<16xf32> to vector<1x16xf32>
        tpu.vector_store %arg16[%swap3A_434, %swap3A_435], %swap3A_438 {strides = array<i32>} : memref<512x16xf32, #tpu.memory_space<vmem>>, vector<1x16xf32>,
        %mul3A_439 = arith.constant 8 : i32
        %mul3A_440 = arith.muli %scan3A_244, %mul3A_439 : i32
        %add3A_441 = arith.constant 7 : i32
        %add3A_442 = arith.addi %mul3A_440, %add3A_441 : i32
        %get3A_443 = arith.index_cast %scan3A_244 : i32 to index
        %get3A_444 = arith.constant 112 : index
        %get3A_445 = tpu.vector_load %arg12[%get3A_443, %get3A_444] {strides = array<i32>} : memref<64x128xf32, #tpu.memory_space<vmem>>, vector<1x16xf32>,
        %get3A_446 = vector.shape_cast %get3A_445 : vector<1x16xf32> to vector<16xf32>
        %get3A_447 = arith.index_cast %add3A_442 : i32 to index
        %get3A_448 = arith.constant 0 : index
        %get3A_449 = tpu.vector_load %arg13[%get3A_447, %get3A_448] {strides = array<i32>} : memref<512x16xf32, #tpu.memory_space<vmem>>, vector<1x16xf32>,
        %get3A_450 = vector.shape_cast %get3A_449 : vector<1x16xf32> to vector<16xf32>
        %add3A_451 = arith.addf %get3A_446, %get3A_450 : vector<16xf32>
        %get3A_452 = arith.index_cast %add3A_442 : i32 to index
        %get3A_453 = arith.constant 0 : index
        %get3A_454 = tpu.vector_load %arg14[%get3A_452, %get3A_453] {strides = array<i32>} : memref<512x16xf32, #tpu.memory_space<vmem>>, vector<1x16xf32>,
        %get3A_455 = vector.shape_cast %get3A_454 : vector<1x16xf32> to vector<16xf32>
        %add3A_456 = arith.addf %add3A_451, %get3A_455 : vector<16xf32>
        %swap3A_457 = arith.index_cast %scan3A_244 : i32 to index
        %swap3A_458 = arith.constant 112 : index
        %swap3A_459 = tpu.vector_load %arg15[%swap3A_457, %swap3A_458] {strides = array<i32>} : memref<64x128xf32, #tpu.memory_space<vmem>>, vector<1x16xf32>,
        %swap3A_460 = vector.shape_cast %swap3A_459 : vector<1x16xf32> to vector<16xf32>
        %swap3A_461 = vector.shape_cast %add3A_456 : vector<16xf32> to vector<1x16xf32>
        tpu.vector_store %arg15[%swap3A_457, %swap3A_458], %swap3A_461 {strides = array<i32>} : memref<64x128xf32, #tpu.memory_space<vmem>>, vector<1x16xf32>,
        %swap3A_462 = arith.index_cast %add3A_442 : i32 to index
        %swap3A_463 = arith.constant 0 : index
        %swap3A_464 = tpu.vector_load %arg16[%swap3A_462, %swap3A_463] {strides = array<i32>} : memref<512x16xf32, #tpu.memory_space<vmem>>, vector<1x16xf32>,
        %swap3A_465 = vector.shape_cast %swap3A_464 : vector<1x16xf32> to vector<16xf32>
        %swap3A_466 = vector.shape_cast %add3A_456 : vector<16xf32> to vector<1x16xf32>
        tpu.vector_store %arg16[%swap3A_462, %swap3A_463], %swap3A_466 {strides = array<i32>} : memref<512x16xf32, #tpu.memory_space<vmem>>, vector<1x16xf32>,
      }
      %scan3A_203 = arith.constant 16 : i32
      %run_scoped3A_204 = arith.constant 2 : i32
      "tpu.region"() ({
        %run_scoped3A_244 = tpu.sem_alloc : memref<!tpu.dma_semaphore, #tpu.memory_space<semaphore_mem>>
        %dma_start3A_245 = arith.constant 256 : i32
        %dma_start3A_246 = arith.constant 0 : i32
        %dma_start3A_247 = tpu.memref_slice %arg16[%dma_start3A_245, %dma_start3A_246] : memref<512x16xf32, #tpu.memory_space<vmem>> -> memref<128x16xf32, #tpu.memory_space<vmem>>
        %dma_start3A_248 = arith.constant 0 : i32
        %dma_start3A_249 = tpu.memref_slice %arg10[%run_scoped3A_204, %dma_start3A_248] : memref<4x128xi32, #tpu.memory_space<vmem>> -> memref<1x128xi32, #tpu.memory_space<vmem>>
        %dma_start3A_250 = tpu.memref_squeeze %dma_start3A_249 : memref<1x128xi32, #tpu.memory_space<vmem>> -> memref<128xi32, #tpu.memory_space<vmem>>
        %dma_start3A_251 = arith.constant 0 : i32
        %dma_start3A_252 = arith.constant 0 : i32
        %dma_start3A_253 = tpu.memref_slice %arg18[%dma_start3A_251, %dma_start3A_252] : memref<10000x16xf32, #tpu.memory_space<vmem_shared>> -> memref<10000x16xf32, #tpu.memory_space<vmem_shared>>
        tpu.enqueue_indirect_dma source(%dma_start3A_247 : memref<128x16xf32, #tpu.memory_space<vmem>>) target(%dma_start3A_253 : memref<10000x16xf32, #tpu.memory_space<vmem_shared>>) offsets(%dma_start3A_250 : memref<128xi32, #tpu.memory_space<vmem>>) semaphore(%run_scoped3A_244 : memref<!tpu.dma_semaphore, #tpu.memory_space<semaphore_mem>>) {add = true}
        %dma_wait3A_254 = arith.constant 256 : i32
        %dma_wait3A_255 = arith.constant 0 : i32
        %dma_wait3A_256 = tpu.memref_slice %arg16[%dma_wait3A_254, %dma_wait3A_255] : memref<512x16xf32, #tpu.memory_space<vmem>> -> memref<128x16xf32, #tpu.memory_space<vmem>>
        %dma_wait3A_257 = arith.constant 0 : i32
        %dma_wait3A_258 = tpu.memref_slice %arg10[%run_scoped3A_204, %dma_wait3A_257] : memref<4x128xi32, #tpu.memory_space<vmem>> -> memref<1x128xi32, #tpu.memory_space<vmem>>
        %dma_wait3A_259 = tpu.memref_squeeze %dma_wait3A_258 : memref<1x128xi32, #tpu.memory_space<vmem>> -> memref<128xi32, #tpu.memory_space<vmem>>
        %dma_wait3A_260 = arith.constant 0 : i32
        %dma_wait3A_261 = arith.constant 0 : i32
        %dma_wait3A_262 = tpu.memref_slice %arg18[%dma_wait3A_260, %dma_wait3A_261] : memref<10000x16xf32, #tpu.memory_space<vmem_shared>> -> memref<10000x16xf32, #tpu.memory_space<vmem_shared>>
        tpu.wait_indirect_dma semaphore(%run_scoped3A_244 : memref<!tpu.dma_semaphore, #tpu.memory_space<semaphore_mem>>) src(%dma_wait3A_256 : memref<128x16xf32, #tpu.memory_space<vmem>>) dst(%dma_wait3A_262 : memref<10000x16xf32, #tpu.memory_space<vmem_shared>>)
        tpu.yield
      }) : () -> ()
      %run_scoped3A_205 = arith.constant 2 : i32
      "tpu.region"() ({
        %run_scoped3A_244 = tpu.sem_alloc : memref<!tpu.dma_semaphore, #tpu.memory_space<semaphore_mem>>
        %dma_start3A_245 = arith.constant 256 : i32
        %dma_start3A_246 = arith.constant 0 : i32
        %dma_start3A_247 = tpu.memref_slice %arg16[%dma_start3A_245, %dma_start3A_246] : memref<512x16xf32, #tpu.memory_space<vmem>> -> memref<128x16xf32, #tpu.memory_space<vmem>>
        %dma_start3A_248 = arith.constant 0 : i32
        %dma_start3A_249 = tpu.memref_slice %arg11[%run_scoped3A_205, %dma_start3A_248] : memref<4x128xi32, #tpu.memory_space<vmem>> -> memref<1x128xi32, #tpu.memory_space<vmem>>
        %dma_start3A_250 = tpu.memref_squeeze %dma_start3A_249 : memref<1x128xi32, #tpu.memory_space<vmem>> -> memref<128xi32, #tpu.memory_space<vmem>>
        %dma_start3A_251 = arith.constant 0 : i32
        %dma_start3A_252 = arith.constant 0 : i32
        %dma_start3A_253 = tpu.memref_slice %arg19[%dma_start3A_251, %dma_start3A_252] : memref<10000x16xf32, #tpu.memory_space<vmem_shared>> -> memref<10000x16xf32, #tpu.memory_space<vmem_shared>>
        tpu.enqueue_indirect_dma source(%dma_start3A_247 : memref<128x16xf32, #tpu.memory_space<vmem>>) target(%dma_start3A_253 : memref<10000x16xf32, #tpu.memory_space<vmem_shared>>) offsets(%dma_start3A_250 : memref<128xi32, #tpu.memory_space<vmem>>) semaphore(%run_scoped3A_244 : memref<!tpu.dma_semaphore, #tpu.memory_space<semaphore_mem>>) {add = true}
        %dma_wait3A_254 = arith.constant 256 : i32
        %dma_wait3A_255 = arith.constant 0 : i32
        %dma_wait3A_256 = tpu.memref_slice %arg16[%dma_wait3A_254, %dma_wait3A_255] : memref<512x16xf32, #tpu.memory_space<vmem>> -> memref<128x16xf32, #tpu.memory_space<vmem>>
        %dma_wait3A_257 = arith.constant 0 : i32
        %dma_wait3A_258 = tpu.memref_slice %arg11[%run_scoped3A_205, %dma_wait3A_257] : memref<4x128xi32, #tpu.memory_space<vmem>> -> memref<1x128xi32, #tpu.memory_space<vmem>>
        %dma_wait3A_259 = tpu.memref_squeeze %dma_wait3A_258 : memref<1x128xi32, #tpu.memory_space<vmem>> -> memref<128xi32, #tpu.memory_space<vmem>>
        %dma_wait3A_260 = arith.constant 0 : i32
        %dma_wait3A_261 = arith.constant 0 : i32
        %dma_wait3A_262 = tpu.memref_slice %arg19[%dma_wait3A_260, %dma_wait3A_261] : memref<10000x16xf32, #tpu.memory_space<vmem_shared>> -> memref<10000x16xf32, #tpu.memory_space<vmem_shared>>
        tpu.wait_indirect_dma semaphore(%run_scoped3A_244 : memref<!tpu.dma_semaphore, #tpu.memory_space<semaphore_mem>>) src(%dma_wait3A_256 : memref<128x16xf32, #tpu.memory_space<vmem>>) dst(%dma_wait3A_262 : memref<10000x16xf32, #tpu.memory_space<vmem_shared>>)
        tpu.yield
      }) : () -> ()
      %dma_wait3A_206 = arith.constant 3 : i32
      %dma_wait3A_207 = arith.constant 384 : i32
      %dma_wait3A_208 = arith.constant 0 : i32
      %dma_wait3A_209 = tpu.memref_slice %arg13[%dma_wait3A_207, %dma_wait3A_208] : memref<512x16xf32, #tpu.memory_space<vmem>> -> memref<128x16xf32, #tpu.memory_space<vmem>>
      %dma_wait3A_210 = arith.constant 0 : i32
      %dma_wait3A_211 = tpu.memref_slice %arg10[%dma_wait3A_206, %dma_wait3A_210] : memref<4x128xi32, #tpu.memory_space<vmem>> -> memref<1x128xi32, #tpu.memory_space<vmem>>
      %dma_wait3A_212 = tpu.memref_squeeze %dma_wait3A_211 : memref<1x128xi32, #tpu.memory_space<vmem>> -> memref<128xi32, #tpu.memory_space<vmem>>
      %dma_wait3A_213 = arith.constant 0 : i32
      %dma_wait3A_214 = arith.constant 0 : i32
      %dma_wait3A_215 = tpu.memref_slice %arg5[%dma_wait3A_213, %dma_wait3A_214] : memref<10000x16xf32, #tpu.memory_space<hbm>> -> memref<10000x16xf32, #tpu.memory_space<hbm>>
      tpu.wait_indirect_dma semaphore(%arg20 : memref<!tpu.dma_semaphore, #tpu.memory_space<semaphore_mem>>) src(%dma_wait3A_215 : memref<10000x16xf32, #tpu.memory_space<hbm>>) dst(%dma_wait3A_209 : memref<128x16xf32, #tpu.memory_space<vmem>>)
      %dma_wait3A_216 = arith.constant 3 : i32
      %dma_wait3A_217 = arith.constant 384 : i32
      %dma_wait3A_218 = arith.constant 0 : i32
      %dma_wait3A_219 = tpu.memref_slice %arg14[%dma_wait3A_217, %dma_wait3A_218] : memref<512x16xf32, #tpu.memory_space<vmem>> -> memref<128x16xf32, #tpu.memory_space<vmem>>
      %dma_wait3A_220 = arith.constant 0 : i32
      %dma_wait3A_221 = tpu.memref_slice %arg11[%dma_wait3A_216, %dma_wait3A_220] : memref<4x128xi32, #tpu.memory_space<vmem>> -> memref<1x128xi32, #tpu.memory_space<vmem>>
      %dma_wait3A_222 = tpu.memref_squeeze %dma_wait3A_221 : memref<1x128xi32, #tpu.memory_space<vmem>> -> memref<128xi32, #tpu.memory_space<vmem>>
      %dma_wait3A_223 = arith.constant 0 : i32
      %dma_wait3A_224 = arith.constant 0 : i32
      %dma_wait3A_225 = tpu.memref_slice %arg6[%dma_wait3A_223, %dma_wait3A_224] : memref<10000x16xf32, #tpu.memory_space<hbm>> -> memref<10000x16xf32, #tpu.memory_space<hbm>>
      tpu.wait_indirect_dma semaphore(%arg20 : memref<!tpu.dma_semaphore, #tpu.memory_space<semaphore_mem>>) src(%dma_wait3A_225 : memref<10000x16xf32, #tpu.memory_space<hbm>>) dst(%dma_wait3A_219 : memref<128x16xf32, #tpu.memory_space<vmem>>)
      %scan3A_226 = arith.constant 0 : i32
      %scan3A_227 = arith.constant 48 : i32
      %scan3A_228 = arith.constant 16 : i32
      %scan3A_229 = arith.addi %scan3A_227, %scan3A_228 : i32
      %scan3A_230 = arith.constant 1 : i32
      scf.for %scan3A_244 = %scan3A_227 to %scan3A_229 step %scan3A_230  : i32 {
        %mul3A_245 = arith.constant 8 : i32
        %mul3A_246 = arith.muli %scan3A_244, %mul3A_245 : i32
        %add3A_247 = arith.constant 0 : i32
        %add3A_248 = arith.addi %mul3A_246, %add3A_247 : i32
        %get3A = arith.index_cast %scan3A_244 : i32 to index
        %get3A_249 = arith.constant 0 : index
        %get3A_250 = tpu.vector_load %arg12[%get3A, %get3A_249] {strides = array<i32>} : memref<64x128xf32, #tpu.memory_space<vmem>>, vector<1x16xf32>,
        %get3A_251 = vector.shape_cast %get3A_250 : vector<1x16xf32> to vector<16xf32>
        %get3A_252 = arith.index_cast %add3A_248 : i32 to index
        %get3A_253 = arith.constant 0 : index
        %get3A_254 = tpu.vector_load %arg13[%get3A_252, %get3A_253] {strides = array<i32>} : memref<512x16xf32, #tpu.memory_space<vmem>>, vector<1x16xf32>,
        %get3A_255 = vector.shape_cast %get3A_254 : vector<1x16xf32> to vector<16xf32>
        %add3A_256 = arith.addf %get3A_251, %get3A_255 : vector<16xf32>
        %get3A_257 = arith.index_cast %add3A_248 : i32 to index
        %get3A_258 = arith.constant 0 : index
        %get3A_259 = tpu.vector_load %arg14[%get3A_257, %get3A_258] {strides = array<i32>} : memref<512x16xf32, #tpu.memory_space<vmem>>, vector<1x16xf32>,
        %get3A_260 = vector.shape_cast %get3A_259 : vector<1x16xf32> to vector<16xf32>
        %add3A_261 = arith.addf %add3A_256, %get3A_260 : vector<16xf32>
        %swap3A = arith.index_cast %scan3A_244 : i32 to index
        %swap3A_262 = arith.constant 0 : index
        %swap3A_263 = tpu.vector_load %arg15[%swap3A, %swap3A_262] {strides = array<i32>} : memref<64x128xf32, #tpu.memory_space<vmem>>, vector<1x16xf32>,
        %swap3A_264 = vector.shape_cast %swap3A_263 : vector<1x16xf32> to vector<16xf32>
        %swap3A_265 = vector.shape_cast %add3A_261 : vector<16xf32> to vector<1x16xf32>
        tpu.vector_store %arg15[%swap3A, %swap3A_262], %swap3A_265 {strides = array<i32>} : memref<64x128xf32, #tpu.memory_space<vmem>>, vector<1x16xf32>,
        %swap3A_266 = arith.index_cast %add3A_248 : i32 to index
        %swap3A_267 = arith.constant 0 : index
        %swap3A_268 = tpu.vector_load %arg16[%swap3A_266, %swap3A_267] {strides = array<i32>} : memref<512x16xf32, #tpu.memory_space<vmem>>, vector<1x16xf32>,
        %swap3A_269 = vector.shape_cast %swap3A_268 : vector<1x16xf32> to vector<16xf32>
        %swap3A_270 = vector.shape_cast %add3A_261 : vector<16xf32> to vector<1x16xf32>
        tpu.vector_store %arg16[%swap3A_266, %swap3A_267], %swap3A_270 {strides = array<i32>} : memref<512x16xf32, #tpu.memory_space<vmem>>, vector<1x16xf32>,
        %mul3A_271 = arith.constant 8 : i32
        %mul3A_272 = arith.muli %scan3A_244, %mul3A_271 : i32
        %add3A_273 = arith.constant 1 : i32
        %add3A_274 = arith.addi %mul3A_272, %add3A_273 : i32
        %get3A_275 = arith.index_cast %scan3A_244 : i32 to index
        %get3A_276 = arith.constant 16 : index
        %get3A_277 = tpu.vector_load %arg12[%get3A_275, %get3A_276] {strides = array<i32>} : memref<64x128xf32, #tpu.memory_space<vmem>>, vector<1x16xf32>,
        %get3A_278 = vector.shape_cast %get3A_277 : vector<1x16xf32> to vector<16xf32>
        %get3A_279 = arith.index_cast %add3A_274 : i32 to index
        %get3A_280 = arith.constant 0 : index
        %get3A_281 = tpu.vector_load %arg13[%get3A_279, %get3A_280] {strides = array<i32>} : memref<512x16xf32, #tpu.memory_space<vmem>>, vector<1x16xf32>,
        %get3A_282 = vector.shape_cast %get3A_281 : vector<1x16xf32> to vector<16xf32>
        %add3A_283 = arith.addf %get3A_278, %get3A_282 : vector<16xf32>
        %get3A_284 = arith.index_cast %add3A_274 : i32 to index
        %get3A_285 = arith.constant 0 : index
        %get3A_286 = tpu.vector_load %arg14[%get3A_284, %get3A_285] {strides = array<i32>} : memref<512x16xf32, #tpu.memory_space<vmem>>, vector<1x16xf32>,
        %get3A_287 = vector.shape_cast %get3A_286 : vector<1x16xf32> to vector<16xf32>
        %add3A_288 = arith.addf %add3A_283, %get3A_287 : vector<16xf32>
        %swap3A_289 = arith.index_cast %scan3A_244 : i32 to index
        %swap3A_290 = arith.constant 16 : index
        %swap3A_291 = tpu.vector_load %arg15[%swap3A_289, %swap3A_290] {strides = array<i32>} : memref<64x128xf32, #tpu.memory_space<vmem>>, vector<1x16xf32>,
        %swap3A_292 = vector.shape_cast %swap3A_291 : vector<1x16xf32> to vector<16xf32>
        %swap3A_293 = vector.shape_cast %add3A_288 : vector<16xf32> to vector<1x16xf32>
        tpu.vector_store %arg15[%swap3A_289, %swap3A_290], %swap3A_293 {strides = array<i32>} : memref<64x128xf32, #tpu.memory_space<vmem>>, vector<1x16xf32>,
        %swap3A_294 = arith.index_cast %add3A_274 : i32 to index
        %swap3A_295 = arith.constant 0 : index
        %swap3A_296 = tpu.vector_load %arg16[%swap3A_294, %swap3A_295] {strides = array<i32>} : memref<512x16xf32, #tpu.memory_space<vmem>>, vector<1x16xf32>,
        %swap3A_297 = vector.shape_cast %swap3A_296 : vector<1x16xf32> to vector<16xf32>
        %swap3A_298 = vector.shape_cast %add3A_288 : vector<16xf32> to vector<1x16xf32>
        tpu.vector_store %arg16[%swap3A_294, %swap3A_295], %swap3A_298 {strides = array<i32>} : memref<512x16xf32, #tpu.memory_space<vmem>>, vector<1x16xf32>,
        %mul3A_299 = arith.constant 8 : i32
        %mul3A_300 = arith.muli %scan3A_244, %mul3A_299 : i32
        %add3A_301 = arith.constant 2 : i32
        %add3A_302 = arith.addi %mul3A_300, %add3A_301 : i32
        %get3A_303 = arith.index_cast %scan3A_244 : i32 to index
        %get3A_304 = arith.constant 32 : index
        %get3A_305 = tpu.vector_load %arg12[%get3A_303, %get3A_304] {strides = array<i32>} : memref<64x128xf32, #tpu.memory_space<vmem>>, vector<1x16xf32>,
        %get3A_306 = vector.shape_cast %get3A_305 : vector<1x16xf32> to vector<16xf32>
        %get3A_307 = arith.index_cast %add3A_302 : i32 to index
        %get3A_308 = arith.constant 0 : index
        %get3A_309 = tpu.vector_load %arg13[%get3A_307, %get3A_308] {strides = array<i32>} : memref<512x16xf32, #tpu.memory_space<vmem>>, vector<1x16xf32>,
        %get3A_310 = vector.shape_cast %get3A_309 : vector<1x16xf32> to vector<16xf32>
        %add3A_311 = arith.addf %get3A_306, %get3A_310 : vector<16xf32>
        %get3A_312 = arith.index_cast %add3A_302 : i32 to index
        %get3A_313 = arith.constant 0 : index
        %get3A_314 = tpu.vector_load %arg14[%get3A_312, %get3A_313] {strides = array<i32>} : memref<512x16xf32, #tpu.memory_space<vmem>>, vector<1x16xf32>,
        %get3A_315 = vector.shape_cast %get3A_314 : vector<1x16xf32> to vector<16xf32>
        %add3A_316 = arith.addf %add3A_311, %get3A_315 : vector<16xf32>
        %swap3A_317 = arith.index_cast %scan3A_244 : i32 to index
        %swap3A_318 = arith.constant 32 : index
        %swap3A_319 = tpu.vector_load %arg15[%swap3A_317, %swap3A_318] {strides = array<i32>} : memref<64x128xf32, #tpu.memory_space<vmem>>, vector<1x16xf32>,
        %swap3A_320 = vector.shape_cast %swap3A_319 : vector<1x16xf32> to vector<16xf32>
        %swap3A_321 = vector.shape_cast %add3A_316 : vector<16xf32> to vector<1x16xf32>
        tpu.vector_store %arg15[%swap3A_317, %swap3A_318], %swap3A_321 {strides = array<i32>} : memref<64x128xf32, #tpu.memory_space<vmem>>, vector<1x16xf32>,
        %swap3A_322 = arith.index_cast %add3A_302 : i32 to index
        %swap3A_323 = arith.constant 0 : index
        %swap3A_324 = tpu.vector_load %arg16[%swap3A_322, %swap3A_323] {strides = array<i32>} : memref<512x16xf32, #tpu.memory_space<vmem>>, vector<1x16xf32>,
        %swap3A_325 = vector.shape_cast %swap3A_324 : vector<1x16xf32> to vector<16xf32>
        %swap3A_326 = vector.shape_cast %add3A_316 : vector<16xf32> to vector<1x16xf32>
        tpu.vector_store %arg16[%swap3A_322, %swap3A_323], %swap3A_326 {strides = array<i32>} : memref<512x16xf32, #tpu.memory_space<vmem>>, vector<1x16xf32>,
        %mul3A_327 = arith.constant 8 : i32
        %mul3A_328 = arith.muli %scan3A_244, %mul3A_327 : i32
        %add3A_329 = arith.constant 3 : i32
        %add3A_330 = arith.addi %mul3A_328, %add3A_329 : i32
        %get3A_331 = arith.index_cast %scan3A_244 : i32 to index
        %get3A_332 = arith.constant 48 : index
        %get3A_333 = tpu.vector_load %arg12[%get3A_331, %get3A_332] {strides = array<i32>} : memref<64x128xf32, #tpu.memory_space<vmem>>, vector<1x16xf32>,
        %get3A_334 = vector.shape_cast %get3A_333 : vector<1x16xf32> to vector<16xf32>
        %get3A_335 = arith.index_cast %add3A_330 : i32 to index
        %get3A_336 = arith.constant 0 : index
        %get3A_337 = tpu.vector_load %arg13[%get3A_335, %get3A_336] {strides = array<i32>} : memref<512x16xf32, #tpu.memory_space<vmem>>, vector<1x16xf32>,
        %get3A_338 = vector.shape_cast %get3A_337 : vector<1x16xf32> to vector<16xf32>
        %add3A_339 = arith.addf %get3A_334, %get3A_338 : vector<16xf32>
        %get3A_340 = arith.index_cast %add3A_330 : i32 to index
        %get3A_341 = arith.constant 0 : index
        %get3A_342 = tpu.vector_load %arg14[%get3A_340, %get3A_341] {strides = array<i32>} : memref<512x16xf32, #tpu.memory_space<vmem>>, vector<1x16xf32>,
        %get3A_343 = vector.shape_cast %get3A_342 : vector<1x16xf32> to vector<16xf32>
        %add3A_344 = arith.addf %add3A_339, %get3A_343 : vector<16xf32>
        %swap3A_345 = arith.index_cast %scan3A_244 : i32 to index
        %swap3A_346 = arith.constant 48 : index
        %swap3A_347 = tpu.vector_load %arg15[%swap3A_345, %swap3A_346] {strides = array<i32>} : memref<64x128xf32, #tpu.memory_space<vmem>>, vector<1x16xf32>,
        %swap3A_348 = vector.shape_cast %swap3A_347 : vector<1x16xf32> to vector<16xf32>
        %swap3A_349 = vector.shape_cast %add3A_344 : vector<16xf32> to vector<1x16xf32>
        tpu.vector_store %arg15[%swap3A_345, %swap3A_346], %swap3A_349 {strides = array<i32>} : memref<64x128xf32, #tpu.memory_space<vmem>>, vector<1x16xf32>,
        %swap3A_350 = arith.index_cast %add3A_330 : i32 to index
        %swap3A_351 = arith.constant 0 : index
        %swap3A_352 = tpu.vector_load %arg16[%swap3A_350, %swap3A_351] {strides = array<i32>} : memref<512x16xf32, #tpu.memory_space<vmem>>, vector<1x16xf32>,
        %swap3A_353 = vector.shape_cast %swap3A_352 : vector<1x16xf32> to vector<16xf32>
        %swap3A_354 = vector.shape_cast %add3A_344 : vector<16xf32> to vector<1x16xf32>
        tpu.vector_store %arg16[%swap3A_350, %swap3A_351], %swap3A_354 {strides = array<i32>} : memref<512x16xf32, #tpu.memory_space<vmem>>, vector<1x16xf32>,
        %mul3A_355 = arith.constant 8 : i32
        %mul3A_356 = arith.muli %scan3A_244, %mul3A_355 : i32
        %add3A_357 = arith.constant 4 : i32
        %add3A_358 = arith.addi %mul3A_356, %add3A_357 : i32
        %get3A_359 = arith.index_cast %scan3A_244 : i32 to index
        %get3A_360 = arith.constant 64 : index
        %get3A_361 = tpu.vector_load %arg12[%get3A_359, %get3A_360] {strides = array<i32>} : memref<64x128xf32, #tpu.memory_space<vmem>>, vector<1x16xf32>,
        %get3A_362 = vector.shape_cast %get3A_361 : vector<1x16xf32> to vector<16xf32>
        %get3A_363 = arith.index_cast %add3A_358 : i32 to index
        %get3A_364 = arith.constant 0 : index
        %get3A_365 = tpu.vector_load %arg13[%get3A_363, %get3A_364] {strides = array<i32>} : memref<512x16xf32, #tpu.memory_space<vmem>>, vector<1x16xf32>,
        %get3A_366 = vector.shape_cast %get3A_365 : vector<1x16xf32> to vector<16xf32>
        %add3A_367 = arith.addf %get3A_362, %get3A_366 : vector<16xf32>
        %get3A_368 = arith.index_cast %add3A_358 : i32 to index
        %get3A_369 = arith.constant 0 : index
        %get3A_370 = tpu.vector_load %arg14[%get3A_368, %get3A_369] {strides = array<i32>} : memref<512x16xf32, #tpu.memory_space<vmem>>, vector<1x16xf32>,
        %get3A_371 = vector.shape_cast %get3A_370 : vector<1x16xf32> to vector<16xf32>
        %add3A_372 = arith.addf %add3A_367, %get3A_371 : vector<16xf32>
        %swap3A_373 = arith.index_cast %scan3A_244 : i32 to index
        %swap3A_374 = arith.constant 64 : index
        %swap3A_375 = tpu.vector_load %arg15[%swap3A_373, %swap3A_374] {strides = array<i32>} : memref<64x128xf32, #tpu.memory_space<vmem>>, vector<1x16xf32>,
        %swap3A_376 = vector.shape_cast %swap3A_375 : vector<1x16xf32> to vector<16xf32>
        %swap3A_377 = vector.shape_cast %add3A_372 : vector<16xf32> to vector<1x16xf32>
        tpu.vector_store %arg15[%swap3A_373, %swap3A_374], %swap3A_377 {strides = array<i32>} : memref<64x128xf32, #tpu.memory_space<vmem>>, vector<1x16xf32>,
        %swap3A_378 = arith.index_cast %add3A_358 : i32 to index
        %swap3A_379 = arith.constant 0 : index
        %swap3A_380 = tpu.vector_load %arg16[%swap3A_378, %swap3A_379] {strides = array<i32>} : memref<512x16xf32, #tpu.memory_space<vmem>>, vector<1x16xf32>,
        %swap3A_381 = vector.shape_cast %swap3A_380 : vector<1x16xf32> to vector<16xf32>
        %swap3A_382 = vector.shape_cast %add3A_372 : vector<16xf32> to vector<1x16xf32>
        tpu.vector_store %arg16[%swap3A_378, %swap3A_379], %swap3A_382 {strides = array<i32>} : memref<512x16xf32, #tpu.memory_space<vmem>>, vector<1x16xf32>,
        %mul3A_383 = arith.constant 8 : i32
        %mul3A_384 = arith.muli %scan3A_244, %mul3A_383 : i32
        %add3A_385 = arith.constant 5 : i32
        %add3A_386 = arith.addi %mul3A_384, %add3A_385 : i32
        %get3A_387 = arith.index_cast %scan3A_244 : i32 to index
        %get3A_388 = arith.constant 80 : index
        %get3A_389 = tpu.vector_load %arg12[%get3A_387, %get3A_388] {strides = array<i32>} : memref<64x128xf32, #tpu.memory_space<vmem>>, vector<1x16xf32>,
        %get3A_390 = vector.shape_cast %get3A_389 : vector<1x16xf32> to vector<16xf32>
        %get3A_391 = arith.index_cast %add3A_386 : i32 to index
        %get3A_392 = arith.constant 0 : index
        %get3A_393 = tpu.vector_load %arg13[%get3A_391, %get3A_392] {strides = array<i32>} : memref<512x16xf32, #tpu.memory_space<vmem>>, vector<1x16xf32>,
        %get3A_394 = vector.shape_cast %get3A_393 : vector<1x16xf32> to vector<16xf32>
        %add3A_395 = arith.addf %get3A_390, %get3A_394 : vector<16xf32>
        %get3A_396 = arith.index_cast %add3A_386 : i32 to index
        %get3A_397 = arith.constant 0 : index
        %get3A_398 = tpu.vector_load %arg14[%get3A_396, %get3A_397] {strides = array<i32>} : memref<512x16xf32, #tpu.memory_space<vmem>>, vector<1x16xf32>,
        %get3A_399 = vector.shape_cast %get3A_398 : vector<1x16xf32> to vector<16xf32>
        %add3A_400 = arith.addf %add3A_395, %get3A_399 : vector<16xf32>
        %swap3A_401 = arith.index_cast %scan3A_244 : i32 to index
        %swap3A_402 = arith.constant 80 : index
        %swap3A_403 = tpu.vector_load %arg15[%swap3A_401, %swap3A_402] {strides = array<i32>} : memref<64x128xf32, #tpu.memory_space<vmem>>, vector<1x16xf32>,
        %swap3A_404 = vector.shape_cast %swap3A_403 : vector<1x16xf32> to vector<16xf32>
        %swap3A_405 = vector.shape_cast %add3A_400 : vector<16xf32> to vector<1x16xf32>
        tpu.vector_store %arg15[%swap3A_401, %swap3A_402], %swap3A_405 {strides = array<i32>} : memref<64x128xf32, #tpu.memory_space<vmem>>, vector<1x16xf32>,
        %swap3A_406 = arith.index_cast %add3A_386 : i32 to index
        %swap3A_407 = arith.constant 0 : index
        %swap3A_408 = tpu.vector_load %arg16[%swap3A_406, %swap3A_407] {strides = array<i32>} : memref<512x16xf32, #tpu.memory_space<vmem>>, vector<1x16xf32>,
        %swap3A_409 = vector.shape_cast %swap3A_408 : vector<1x16xf32> to vector<16xf32>
        %swap3A_410 = vector.shape_cast %add3A_400 : vector<16xf32> to vector<1x16xf32>
        tpu.vector_store %arg16[%swap3A_406, %swap3A_407], %swap3A_410 {strides = array<i32>} : memref<512x16xf32, #tpu.memory_space<vmem>>, vector<1x16xf32>,
        %mul3A_411 = arith.constant 8 : i32
        %mul3A_412 = arith.muli %scan3A_244, %mul3A_411 : i32
        %add3A_413 = arith.constant 6 : i32
        %add3A_414 = arith.addi %mul3A_412, %add3A_413 : i32
        %get3A_415 = arith.index_cast %scan3A_244 : i32 to index
        %get3A_416 = arith.constant 96 : index
        %get3A_417 = tpu.vector_load %arg12[%get3A_415, %get3A_416] {strides = array<i32>} : memref<64x128xf32, #tpu.memory_space<vmem>>, vector<1x16xf32>,
        %get3A_418 = vector.shape_cast %get3A_417 : vector<1x16xf32> to vector<16xf32>
        %get3A_419 = arith.index_cast %add3A_414 : i32 to index
        %get3A_420 = arith.constant 0 : index
        %get3A_421 = tpu.vector_load %arg13[%get3A_419, %get3A_420] {strides = array<i32>} : memref<512x16xf32, #tpu.memory_space<vmem>>, vector<1x16xf32>,
        %get3A_422 = vector.shape_cast %get3A_421 : vector<1x16xf32> to vector<16xf32>
        %add3A_423 = arith.addf %get3A_418, %get3A_422 : vector<16xf32>
        %get3A_424 = arith.index_cast %add3A_414 : i32 to index
        %get3A_425 = arith.constant 0 : index
        %get3A_426 = tpu.vector_load %arg14[%get3A_424, %get3A_425] {strides = array<i32>} : memref<512x16xf32, #tpu.memory_space<vmem>>, vector<1x16xf32>,
        %get3A_427 = vector.shape_cast %get3A_426 : vector<1x16xf32> to vector<16xf32>
        %add3A_428 = arith.addf %add3A_423, %get3A_427 : vector<16xf32>
        %swap3A_429 = arith.index_cast %scan3A_244 : i32 to index
        %swap3A_430 = arith.constant 96 : index
        %swap3A_431 = tpu.vector_load %arg15[%swap3A_429, %swap3A_430] {strides = array<i32>} : memref<64x128xf32, #tpu.memory_space<vmem>>, vector<1x16xf32>,
        %swap3A_432 = vector.shape_cast %swap3A_431 : vector<1x16xf32> to vector<16xf32>
        %swap3A_433 = vector.shape_cast %add3A_428 : vector<16xf32> to vector<1x16xf32>
        tpu.vector_store %arg15[%swap3A_429, %swap3A_430], %swap3A_433 {strides = array<i32>} : memref<64x128xf32, #tpu.memory_space<vmem>>, vector<1x16xf32>,
        %swap3A_434 = arith.index_cast %add3A_414 : i32 to index
        %swap3A_435 = arith.constant 0 : index
        %swap3A_436 = tpu.vector_load %arg16[%swap3A_434, %swap3A_435] {strides = array<i32>} : memref<512x16xf32, #tpu.memory_space<vmem>>, vector<1x16xf32>,
        %swap3A_437 = vector.shape_cast %swap3A_436 : vector<1x16xf32> to vector<16xf32>
        %swap3A_438 = vector.shape_cast %add3A_428 : vector<16xf32> to vector<1x16xf32>
        tpu.vector_store %arg16[%swap3A_434, %swap3A_435], %swap3A_438 {strides = array<i32>} : memref<512x16xf32, #tpu.memory_space<vmem>>, vector<1x16xf32>,
        %mul3A_439 = arith.constant 8 : i32
        %mul3A_440 = arith.muli %scan3A_244, %mul3A_439 : i32
        %add3A_441 = arith.constant 7 : i32
        %add3A_442 = arith.addi %mul3A_440, %add3A_441 : i32
        %get3A_443 = arith.index_cast %scan3A_244 : i32 to index
        %get3A_444 = arith.constant 112 : index
        %get3A_445 = tpu.vector_load %arg12[%get3A_443, %get3A_444] {strides = array<i32>} : memref<64x128xf32, #tpu.memory_space<vmem>>, vector<1x16xf32>,
        %get3A_446 = vector.shape_cast %get3A_445 : vector<1x16xf32> to vector<16xf32>
        %get3A_447 = arith.index_cast %add3A_442 : i32 to index
        %get3A_448 = arith.constant 0 : index
        %get3A_449 = tpu.vector_load %arg13[%get3A_447, %get3A_448] {strides = array<i32>} : memref<512x16xf32, #tpu.memory_space<vmem>>, vector<1x16xf32>,
        %get3A_450 = vector.shape_cast %get3A_449 : vector<1x16xf32> to vector<16xf32>
        %add3A_451 = arith.addf %get3A_446, %get3A_450 : vector<16xf32>
        %get3A_452 = arith.index_cast %add3A_442 : i32 to index
        %get3A_453 = arith.constant 0 : index
        %get3A_454 = tpu.vector_load %arg14[%get3A_452, %get3A_453] {strides = array<i32>} : memref<512x16xf32, #tpu.memory_space<vmem>>, vector<1x16xf32>,
        %get3A_455 = vector.shape_cast %get3A_454 : vector<1x16xf32> to vector<16xf32>
        %add3A_456 = arith.addf %add3A_451, %get3A_455 : vector<16xf32>
        %swap3A_457 = arith.index_cast %scan3A_244 : i32 to index
        %swap3A_458 = arith.constant 112 : index
        %swap3A_459 = tpu.vector_load %arg15[%swap3A_457, %swap3A_458] {strides = array<i32>} : memref<64x128xf32, #tpu.memory_space<vmem>>, vector<1x16xf32>,
        %swap3A_460 = vector.shape_cast %swap3A_459 : vector<1x16xf32> to vector<16xf32>
        %swap3A_461 = vector.shape_cast %add3A_456 : vector<16xf32> to vector<1x16xf32>
        tpu.vector_store %arg15[%swap3A_457, %swap3A_458], %swap3A_461 {strides = array<i32>} : memref<64x128xf32, #tpu.memory_space<vmem>>, vector<1x16xf32>,
        %swap3A_462 = arith.index_cast %add3A_442 : i32 to index
        %swap3A_463 = arith.constant 0 : index
        %swap3A_464 = tpu.vector_load %arg16[%swap3A_462, %swap3A_463] {strides = array<i32>} : memref<512x16xf32, #tpu.memory_space<vmem>>, vector<1x16xf32>,
        %swap3A_465 = vector.shape_cast %swap3A_464 : vector<1x16xf32> to vector<16xf32>
        %swap3A_466 = vector.shape_cast %add3A_456 : vector<16xf32> to vector<1x16xf32>
        tpu.vector_store %arg16[%swap3A_462, %swap3A_463], %swap3A_466 {strides = array<i32>} : memref<512x16xf32, #tpu.memory_space<vmem>>, vector<1x16xf32>,
      }
      %scan3A_231 = arith.constant 16 : i32
      %mul3A_232 = arith.constant 64 : i32
      %mul3A_233 = arith.muli %add3A_30, %mul3A_232 : i32
      %dma_start3A_234 = arith.constant 0 : i32
      %dma_start3A_235 = tpu.memref_slice %arg7[%mul3A_233, %dma_start3A_234] : memref<40000x128xf32, #tpu.memory_space<hbm>> -> memref<64x128xf32, #tpu.memory_space<hbm>>
      %dma_start3A_236 = arith.constant 0 : i32
      %dma_start3A_237 = tpu.memref_slice %arg7[%mul3A_233, %dma_start3A_236] : memref<40000x128xf32, #tpu.memory_space<hbm>> -> memref<64x128xf32, #tpu.memory_space<hbm>>
      tpu.enqueue_dma source(%arg15 : memref<64x128xf32, #tpu.memory_space<vmem>>) target(%dma_start3A_237 : memref<64x128xf32, #tpu.memory_space<hbm>>) target_semaphore(%arg22 : memref<!tpu.dma_semaphore, #tpu.memory_space<semaphore_mem>>)
      %run_scoped3A_238 = arith.constant 3 : i32
      "tpu.region"() ({
        %run_scoped3A_244 = tpu.sem_alloc : memref<!tpu.dma_semaphore, #tpu.memory_space<semaphore_mem>>
        %dma_start3A_245 = arith.constant 384 : i32
        %dma_start3A_246 = arith.constant 0 : i32
        %dma_start3A_247 = tpu.memref_slice %arg16[%dma_start3A_245, %dma_start3A_246] : memref<512x16xf32, #tpu.memory_space<vmem>> -> memref<128x16xf32, #tpu.memory_space<vmem>>
        %dma_start3A_248 = arith.constant 0 : i32
        %dma_start3A_249 = tpu.memref_slice %arg10[%run_scoped3A_238, %dma_start3A_248] : memref<4x128xi32, #tpu.memory_space<vmem>> -> memref<1x128xi32, #tpu.memory_space<vmem>>
        %dma_start3A_250 = tpu.memref_squeeze %dma_start3A_249 : memref<1x128xi32, #tpu.memory_space<vmem>> -> memref<128xi32, #tpu.memory_space<vmem>>
        %dma_start3A_251 = arith.constant 0 : i32
        %dma_start3A_252 = arith.constant 0 : i32
        %dma_start3A_253 = tpu.memref_slice %arg18[%dma_start3A_251, %dma_start3A_252] : memref<10000x16xf32, #tpu.memory_space<vmem_shared>> -> memref<10000x16xf32, #tpu.memory_space<vmem_shared>>
        tpu.enqueue_indirect_dma source(%dma_start3A_247 : memref<128x16xf32, #tpu.memory_space<vmem>>) target(%dma_start3A_253 : memref<10000x16xf32, #tpu.memory_space<vmem_shared>>) offsets(%dma_start3A_250 : memref<128xi32, #tpu.memory_space<vmem>>) semaphore(%run_scoped3A_244 : memref<!tpu.dma_semaphore, #tpu.memory_space<semaphore_mem>>) {add = true}
        %dma_wait3A_254 = arith.constant 384 : i32
        %dma_wait3A_255 = arith.constant 0 : i32
        %dma_wait3A_256 = tpu.memref_slice %arg16[%dma_wait3A_254, %dma_wait3A_255] : memref<512x16xf32, #tpu.memory_space<vmem>> -> memref<128x16xf32, #tpu.memory_space<vmem>>
        %dma_wait3A_257 = arith.constant 0 : i32
        %dma_wait3A_258 = tpu.memref_slice %arg10[%run_scoped3A_238, %dma_wait3A_257] : memref<4x128xi32, #tpu.memory_space<vmem>> -> memref<1x128xi32, #tpu.memory_space<vmem>>
        %dma_wait3A_259 = tpu.memref_squeeze %dma_wait3A_258 : memref<1x128xi32, #tpu.memory_space<vmem>> -> memref<128xi32, #tpu.memory_space<vmem>>
        %dma_wait3A_260 = arith.constant 0 : i32
        %dma_wait3A_261 = arith.constant 0 : i32
        %dma_wait3A_262 = tpu.memref_slice %arg18[%dma_wait3A_260, %dma_wait3A_261] : memref<10000x16xf32, #tpu.memory_space<vmem_shared>> -> memref<10000x16xf32, #tpu.memory_space<vmem_shared>>
        tpu.wait_indirect_dma semaphore(%run_scoped3A_244 : memref<!tpu.dma_semaphore, #tpu.memory_space<semaphore_mem>>) src(%dma_wait3A_256 : memref<128x16xf32, #tpu.memory_space<vmem>>) dst(%dma_wait3A_262 : memref<10000x16xf32, #tpu.memory_space<vmem_shared>>)
        tpu.yield
      }) : () -> ()
      %run_scoped3A_239 = arith.constant 3 : i32
      "tpu.region"() ({
        %run_scoped3A_244 = tpu.sem_alloc : memref<!tpu.dma_semaphore, #tpu.memory_space<semaphore_mem>>
        %dma_start3A_245 = arith.constant 384 : i32
        %dma_start3A_246 = arith.constant 0 : i32
        %dma_start3A_247 = tpu.memref_slice %arg16[%dma_start3A_245, %dma_start3A_246] : memref<512x16xf32, #tpu.memory_space<vmem>> -> memref<128x16xf32, #tpu.memory_space<vmem>>
        %dma_start3A_248 = arith.constant 0 : i32
        %dma_start3A_249 = tpu.memref_slice %arg11[%run_scoped3A_239, %dma_start3A_248] : memref<4x128xi32, #tpu.memory_space<vmem>> -> memref<1x128xi32, #tpu.memory_space<vmem>>
        %dma_start3A_250 = tpu.memref_squeeze %dma_start3A_249 : memref<1x128xi32, #tpu.memory_space<vmem>> -> memref<128xi32, #tpu.memory_space<vmem>>
        %dma_start3A_251 = arith.constant 0 : i32
        %dma_start3A_252 = arith.constant 0 : i32
        %dma_start3A_253 = tpu.memref_slice %arg19[%dma_start3A_251, %dma_start3A_252] : memref<10000x16xf32, #tpu.memory_space<vmem_shared>> -> memref<10000x16xf32, #tpu.memory_space<vmem_shared>>
        tpu.enqueue_indirect_dma source(%dma_start3A_247 : memref<128x16xf32, #tpu.memory_space<vmem>>) target(%dma_start3A_253 : memref<10000x16xf32, #tpu.memory_space<vmem_shared>>) offsets(%dma_start3A_250 : memref<128xi32, #tpu.memory_space<vmem>>) semaphore(%run_scoped3A_244 : memref<!tpu.dma_semaphore, #tpu.memory_space<semaphore_mem>>) {add = true}
        %dma_wait3A_254 = arith.constant 384 : i32
        %dma_wait3A_255 = arith.constant 0 : i32
        %dma_wait3A_256 = tpu.memref_slice %arg16[%dma_wait3A_254, %dma_wait3A_255] : memref<512x16xf32, #tpu.memory_space<vmem>> -> memref<128x16xf32, #tpu.memory_space<vmem>>
        %dma_wait3A_257 = arith.constant 0 : i32
        %dma_wait3A_258 = tpu.memref_slice %arg11[%run_scoped3A_239, %dma_wait3A_257] : memref<4x128xi32, #tpu.memory_space<vmem>> -> memref<1x128xi32, #tpu.memory_space<vmem>>
        %dma_wait3A_259 = tpu.memref_squeeze %dma_wait3A_258 : memref<1x128xi32, #tpu.memory_space<vmem>> -> memref<128xi32, #tpu.memory_space<vmem>>
        %dma_wait3A_260 = arith.constant 0 : i32
        %dma_wait3A_261 = arith.constant 0 : i32
        %dma_wait3A_262 = tpu.memref_slice %arg19[%dma_wait3A_260, %dma_wait3A_261] : memref<10000x16xf32, #tpu.memory_space<vmem_shared>> -> memref<10000x16xf32, #tpu.memory_space<vmem_shared>>
        tpu.wait_indirect_dma semaphore(%run_scoped3A_244 : memref<!tpu.dma_semaphore, #tpu.memory_space<semaphore_mem>>) src(%dma_wait3A_256 : memref<128x16xf32, #tpu.memory_space<vmem>>) dst(%dma_wait3A_262 : memref<10000x16xf32, #tpu.memory_space<vmem_shared>>)
        tpu.yield
      }) : () -> ()
      %dma_wait3A_240 = arith.constant 0 : i32
      %dma_wait3A_241 = tpu.memref_slice %arg7[%mul3A_233, %dma_wait3A_240] : memref<40000x128xf32, #tpu.memory_space<hbm>> -> memref<64x128xf32, #tpu.memory_space<hbm>>
      %dma_wait3A_242 = arith.constant 0 : i32
      %dma_wait3A_243 = tpu.memref_slice %arg7[%mul3A_233, %dma_wait3A_242] : memref<40000x128xf32, #tpu.memory_space<hbm>> -> memref<64x128xf32, #tpu.memory_space<hbm>>
      tpu.wait_dma2 semaphore(%arg22 : memref<!tpu.dma_semaphore, #tpu.memory_space<semaphore_mem>>) src(%arg15 : memref<64x128xf32, #tpu.memory_space<vmem>>) dst(%dma_wait3A_243 : memref<64x128xf32, #tpu.memory_space<hbm>>)
    }
    %while3A_21 = arith.constant 1 : i32
    scf.for %while3A_27 = %while3A_19 to %while3A_15 step %while3A_21  : i32 {
      %mul3A_28 = arith.constant 32 : i32
      %mul3A_29 = arith.muli %mul3A_28, %while3A_27 : i32
      %add3A_30 = arith.addi %add3A, %mul3A_29 : i32
      %mul3A_31 = arith.constant 4 : i32
      %mul3A_32 = arith.muli %add3A_30, %mul3A_31 : i32
      "tpu.region"() ({
        %run_scoped3A_244 = tpu.sem_alloc : memref<!tpu.dma_semaphore, #tpu.memory_space<semaphore_mem>>
        %dma_start3A_245 = arith.constant 0 : i32
        %dma_start3A_246 = tpu.memref_slice %arg3[%mul3A_32, %dma_start3A_245] : memref<2500x128xi32, #tpu.memory_space<hbm>> -> memref<4x128xi32, #tpu.memory_space<hbm>>
        %dma_start3A_247 = arith.constant 0 : i32
        %dma_start3A_248 = tpu.memref_slice %arg3[%mul3A_32, %dma_start3A_247] : memref<2500x128xi32, #tpu.memory_space<hbm>> -> memref<4x128xi32, #tpu.memory_space<hbm>>
        tpu.enqueue_dma source(%dma_start3A_248 : memref<4x128xi32, #tpu.memory_space<hbm>>) target(%arg10 : memref<4x128xi32, #tpu.memory_space<vmem>>) target_semaphore(%run_scoped3A_244 : memref<!tpu.dma_semaphore, #tpu.memory_space<semaphore_mem>>)
        %dma_wait3A_249 = arith.constant 0 : i32
        %dma_wait3A_250 = tpu.memref_slice %arg3[%mul3A_32, %dma_wait3A_249] : memref<2500x128xi32, #tpu.memory_space<hbm>> -> memref<4x128xi32, #tpu.memory_space<hbm>>
        %dma_wait3A_251 = arith.constant 0 : i32
        %dma_wait3A_252 = tpu.memref_slice %arg3[%mul3A_32, %dma_wait3A_251] : memref<2500x128xi32, #tpu.memory_space<hbm>> -> memref<4x128xi32, #tpu.memory_space<hbm>>
        tpu.wait_dma2 semaphore(%run_scoped3A_244 : memref<!tpu.dma_semaphore, #tpu.memory_space<semaphore_mem>>) src(%dma_wait3A_252 : memref<4x128xi32, #tpu.memory_space<hbm>>) dst(%arg10 : memref<4x128xi32, #tpu.memory_space<vmem>>)
        tpu.yield
      }) : () -> ()
      %mul3A_33 = arith.constant 4 : i32
      %mul3A_34 = arith.muli %add3A_30, %mul3A_33 : i32
      "tpu.region"() ({
        %run_scoped3A_244 = tpu.sem_alloc : memref<!tpu.dma_semaphore, #tpu.memory_space<semaphore_mem>>
        %dma_start3A_245 = arith.constant 0 : i32
        %dma_start3A_246 = tpu.memref_slice %arg4[%mul3A_34, %dma_start3A_245] : memref<2500x128xi32, #tpu.memory_space<hbm>> -> memref<4x128xi32, #tpu.memory_space<hbm>>
        %dma_start3A_247 = arith.constant 0 : i32
        %dma_start3A_248 = tpu.memref_slice %arg4[%mul3A_34, %dma_start3A_247] : memref<2500x128xi32, #tpu.memory_space<hbm>> -> memref<4x128xi32, #tpu.memory_space<hbm>>
        tpu.enqueue_dma source(%dma_start3A_248 : memref<4x128xi32, #tpu.memory_space<hbm>>) target(%arg11 : memref<4x128xi32, #tpu.memory_space<vmem>>) target_semaphore(%run_scoped3A_244 : memref<!tpu.dma_semaphore, #tpu.memory_space<semaphore_mem>>)
        %dma_wait3A_249 = arith.constant 0 : i32
        %dma_wait3A_250 = tpu.memref_slice %arg4[%mul3A_34, %dma_wait3A_249] : memref<2500x128xi32, #tpu.memory_space<hbm>> -> memref<4x128xi32, #tpu.memory_space<hbm>>
        %dma_wait3A_251 = arith.constant 0 : i32
        %dma_wait3A_252 = tpu.memref_slice %arg4[%mul3A_34, %dma_wait3A_251] : memref<2500x128xi32, #tpu.memory_space<hbm>> -> memref<4x128xi32, #tpu.memory_space<hbm>>
        tpu.wait_dma2 semaphore(%run_scoped3A_244 : memref<!tpu.dma_semaphore, #tpu.memory_space<semaphore_mem>>) src(%dma_wait3A_252 : memref<4x128xi32, #tpu.memory_space<hbm>>) dst(%arg11 : memref<4x128xi32, #tpu.memory_space<vmem>>)
        tpu.yield
      }) : () -> ()
      %mul3A_35 = arith.constant 64 : i32
      %mul3A_36 = arith.muli %add3A_30, %mul3A_35 : i32
      %dma_start3A = arith.constant 0 : i32
      %dma_start3A_37 = tpu.memref_slice %arg2[%mul3A_36, %dma_start3A] : memref<40000x128xf32, #tpu.memory_space<hbm>> -> memref<64x128xf32, #tpu.memory_space<hbm>>
      %dma_start3A_38 = arith.constant 0 : i32
      %dma_start3A_39 = tpu.memref_slice %arg2[%mul3A_36, %dma_start3A_38] : memref<40000x128xf32, #tpu.memory_space<hbm>> -> memref<64x128xf32, #tpu.memory_space<hbm>>
      tpu.enqueue_dma source(%dma_start3A_39 : memref<64x128xf32, #tpu.memory_space<hbm>>) target(%arg12 : memref<64x128xf32, #tpu.memory_space<vmem>>) target_semaphore(%arg21 : memref<!tpu.dma_semaphore, #tpu.memory_space<semaphore_mem>>)
      %dma_start3A_40 = arith.constant 0 : i32
      %dma_start3A_41 = arith.constant 0 : i32
      %dma_start3A_42 = arith.constant 0 : i32
      %dma_start3A_43 = tpu.memref_slice %arg13[%dma_start3A_41, %dma_start3A_42] : memref<512x16xf32, #tpu.memory_space<vmem>> -> memref<128x16xf32, #tpu.memory_space<vmem>>
      %dma_start3A_44 = arith.constant 0 : i32
      %dma_start3A_45 = tpu.memref_slice %arg10[%dma_start3A_40, %dma_start3A_44] : memref<4x128xi32, #tpu.memory_space<vmem>> -> memref<1x128xi32, #tpu.memory_space<vmem>>
      %dma_start3A_46 = tpu.memref_squeeze %dma_start3A_45 : memref<1x128xi32, #tpu.memory_space<vmem>> -> memref<128xi32, #tpu.memory_space<vmem>>
      %dma_start3A_47 = arith.constant 0 : i32
      %dma_start3A_48 = arith.constant 0 : i32
      %dma_start3A_49 = tpu.memref_slice %arg5[%dma_start3A_47, %dma_start3A_48] : memref<10000x16xf32, #tpu.memory_space<hbm>> -> memref<10000x16xf32, #tpu.memory_space<hbm>>
      tpu.enqueue_indirect_dma source(%dma_start3A_49 : memref<10000x16xf32, #tpu.memory_space<hbm>>) target(%dma_start3A_43 : memref<128x16xf32, #tpu.memory_space<vmem>>) offsets(%dma_start3A_46 : memref<128xi32, #tpu.memory_space<vmem>>) semaphore(%arg20 : memref<!tpu.dma_semaphore, #tpu.memory_space<semaphore_mem>>)
      %dma_start3A_50 = arith.constant 0 : i32
      %dma_start3A_51 = arith.constant 0 : i32
      %dma_start3A_52 = arith.constant 0 : i32
      %dma_start3A_53 = tpu.memref_slice %arg14[%dma_start3A_51, %dma_start3A_52] : memref<512x16xf32, #tpu.memory_space<vmem>> -> memref<128x16xf32, #tpu.memory_space<vmem>>
      %dma_start3A_54 = arith.constant 0 : i32
      %dma_start3A_55 = tpu.memref_slice %arg11[%dma_start3A_50, %dma_start3A_54] : memref<4x128xi32, #tpu.memory_space<vmem>> -> memref<1x128xi32, #tpu.memory_space<vmem>>
      %dma_start3A_56 = tpu.memref_squeeze %dma_start3A_55 : memref<1x128xi32, #tpu.memory_space<vmem>> -> memref<128xi32, #tpu.memory_space<vmem>>
      %dma_start3A_57 = arith.constant 0 : i32
      %dma_start3A_58 = arith.constant 0 : i32
      %dma_start3A_59 = tpu.memref_slice %arg6[%dma_start3A_57, %dma_start3A_58] : memref<10000x16xf32, #tpu.memory_space<hbm>> -> memref<10000x16xf32, #tpu.memory_space<hbm>>
      tpu.enqueue_indirect_dma source(%dma_start3A_59 : memref<10000x16xf32, #tpu.memory_space<hbm>>) target(%dma_start3A_53 : memref<128x16xf32, #tpu.memory_space<vmem>>) offsets(%dma_start3A_56 : memref<128xi32, #tpu.memory_space<vmem>>) semaphore(%arg20 : memref<!tpu.dma_semaphore, #tpu.memory_space<semaphore_mem>>)
      %dma_wait3A = arith.constant 0 : i32
      %dma_wait3A_60 = tpu.memref_slice %arg2[%mul3A_36, %dma_wait3A] : memref<40000x128xf32, #tpu.memory_space<hbm>> -> memref<64x128xf32, #tpu.memory_space<hbm>>
      %dma_wait3A_61 = arith.constant 0 : i32
      %dma_wait3A_62 = tpu.memref_slice %arg2[%mul3A_36, %dma_wait3A_61] : memref<40000x128xf32, #tpu.memory_space<hbm>> -> memref<64x128xf32, #tpu.memory_space<hbm>>
      tpu.wait_dma2 semaphore(%arg21 : memref<!tpu.dma_semaphore, #tpu.memory_space<semaphore_mem>>) src(%dma_wait3A_62 : memref<64x128xf32, #tpu.memory_space<hbm>>) dst(%arg12 : memref<64x128xf32, #tpu.memory_space<vmem>>)
      %dma_wait3A_63 = arith.constant 0 : i32
      %dma_wait3A_64 = arith.constant 0 : i32
      %dma_wait3A_65 = arith.constant 0 : i32
      %dma_wait3A_66 = tpu.memref_slice %arg13[%dma_wait3A_64, %dma_wait3A_65] : memref<512x16xf32, #tpu.memory_space<vmem>> -> memref<128x16xf32, #tpu.memory_space<vmem>>
      %dma_wait3A_67 = arith.constant 0 : i32
      %dma_wait3A_68 = tpu.memref_slice %arg10[%dma_wait3A_63, %dma_wait3A_67] : memref<4x128xi32, #tpu.memory_space<vmem>> -> memref<1x128xi32, #tpu.memory_space<vmem>>
      %dma_wait3A_69 = tpu.memref_squeeze %dma_wait3A_68 : memref<1x128xi32, #tpu.memory_space<vmem>> -> memref<128xi32, #tpu.memory_space<vmem>>
      %dma_wait3A_70 = arith.constant 0 : i32
      %dma_wait3A_71 = arith.constant 0 : i32
      %dma_wait3A_72 = tpu.memref_slice %arg5[%dma_wait3A_70, %dma_wait3A_71] : memref<10000x16xf32, #tpu.memory_space<hbm>> -> memref<10000x16xf32, #tpu.memory_space<hbm>>
      tpu.wait_indirect_dma semaphore(%arg20 : memref<!tpu.dma_semaphore, #tpu.memory_space<semaphore_mem>>) src(%dma_wait3A_72 : memref<10000x16xf32, #tpu.memory_space<hbm>>) dst(%dma_wait3A_66 : memref<128x16xf32, #tpu.memory_space<vmem>>)
      %dma_wait3A_73 = arith.constant 0 : i32
      %dma_wait3A_74 = arith.constant 0 : i32
      %dma_wait3A_75 = arith.constant 0 : i32
      %dma_wait3A_76 = tpu.memref_slice %arg14[%dma_wait3A_74, %dma_wait3A_75] : memref<512x16xf32, #tpu.memory_space<vmem>> -> memref<128x16xf32, #tpu.memory_space<vmem>>
      %dma_wait3A_77 = arith.constant 0 : i32
      %dma_wait3A_78 = tpu.memref_slice %arg11[%dma_wait3A_73, %dma_wait3A_77] : memref<4x128xi32, #tpu.memory_space<vmem>> -> memref<1x128xi32, #tpu.memory_space<vmem>>
      %dma_wait3A_79 = tpu.memref_squeeze %dma_wait3A_78 : memref<1x128xi32, #tpu.memory_space<vmem>> -> memref<128xi32, #tpu.memory_space<vmem>>
      %dma_wait3A_80 = arith.constant 0 : i32
      %dma_wait3A_81 = arith.constant 0 : i32
      %dma_wait3A_82 = tpu.memref_slice %arg6[%dma_wait3A_80, %dma_wait3A_81] : memref<10000x16xf32, #tpu.memory_space<hbm>> -> memref<10000x16xf32, #tpu.memory_space<hbm>>
      tpu.wait_indirect_dma semaphore(%arg20 : memref<!tpu.dma_semaphore, #tpu.memory_space<semaphore_mem>>) src(%dma_wait3A_82 : memref<10000x16xf32, #tpu.memory_space<hbm>>) dst(%dma_wait3A_76 : memref<128x16xf32, #tpu.memory_space<vmem>>)
      %dma_start3A_83 = arith.constant 1 : i32
      %dma_start3A_84 = arith.constant 128 : i32
      %dma_start3A_85 = arith.constant 0 : i32
      %dma_start3A_86 = tpu.memref_slice %arg13[%dma_start3A_84, %dma_start3A_85] : memref<512x16xf32, #tpu.memory_space<vmem>> -> memref<128x16xf32, #tpu.memory_space<vmem>>
      %dma_start3A_87 = arith.constant 0 : i32
      %dma_start3A_88 = tpu.memref_slice %arg10[%dma_start3A_83, %dma_start3A_87] : memref<4x128xi32, #tpu.memory_space<vmem>> -> memref<1x128xi32, #tpu.memory_space<vmem>>
      %dma_start3A_89 = tpu.memref_squeeze %dma_start3A_88 : memref<1x128xi32, #tpu.memory_space<vmem>> -> memref<128xi32, #tpu.memory_space<vmem>>
      %dma_start3A_90 = arith.constant 0 : i32
      %dma_start3A_91 = arith.constant 0 : i32
      %dma_start3A_92 = tpu.memref_slice %arg5[%dma_start3A_90, %dma_start3A_91] : memref<10000x16xf32, #tpu.memory_space<hbm>> -> memref<10000x16xf32, #tpu.memory_space<hbm>>
      tpu.enqueue_indirect_dma source(%dma_start3A_92 : memref<10000x16xf32, #tpu.memory_space<hbm>>) target(%dma_start3A_86 : memref<128x16xf32, #tpu.memory_space<vmem>>) offsets(%dma_start3A_89 : memref<128xi32, #tpu.memory_space<vmem>>) semaphore(%arg20 : memref<!tpu.dma_semaphore, #tpu.memory_space<semaphore_mem>>)
      %dma_start3A_93 = arith.constant 1 : i32
      %dma_start3A_94 = arith.constant 128 : i32
      %dma_start3A_95 = arith.constant 0 : i32
      %dma_start3A_96 = tpu.memref_slice %arg14[%dma_start3A_94, %dma_start3A_95] : memref<512x16xf32, #tpu.memory_space<vmem>> -> memref<128x16xf32, #tpu.memory_space<vmem>>
      %dma_start3A_97 = arith.constant 0 : i32
      %dma_start3A_98 = tpu.memref_slice %arg11[%dma_start3A_93, %dma_start3A_97] : memref<4x128xi32, #tpu.memory_space<vmem>> -> memref<1x128xi32, #tpu.memory_space<vmem>>
      %dma_start3A_99 = tpu.memref_squeeze %dma_start3A_98 : memref<1x128xi32, #tpu.memory_space<vmem>> -> memref<128xi32, #tpu.memory_space<vmem>>
      %dma_start3A_100 = arith.constant 0 : i32
      %dma_start3A_101 = arith.constant 0 : i32
      %dma_start3A_102 = tpu.memref_slice %arg6[%dma_start3A_100, %dma_start3A_101] : memref<10000x16xf32, #tpu.memory_space<hbm>> -> memref<10000x16xf32, #tpu.memory_space<hbm>>
      tpu.enqueue_indirect_dma source(%dma_start3A_102 : memref<10000x16xf32, #tpu.memory_space<hbm>>) target(%dma_start3A_96 : memref<128x16xf32, #tpu.memory_space<vmem>>) offsets(%dma_start3A_99 : memref<128xi32, #tpu.memory_space<vmem>>) semaphore(%arg20 : memref<!tpu.dma_semaphore, #tpu.memory_space<semaphore_mem>>)
      %scan3A_103 = arith.constant 0 : i32
      %scan3A_104 = arith.constant 0 : i32
      %scan3A_105 = arith.constant 16 : i32
      %scan3A_106 = arith.addi %scan3A_104, %scan3A_105 : i32
      %scan3A_107 = arith.constant 1 : i32
      scf.for %scan3A_244 = %scan3A_104 to %scan3A_106 step %scan3A_107  : i32 {
        %mul3A_245 = arith.constant 8 : i32
        %mul3A_246 = arith.muli %scan3A_244, %mul3A_245 : i32
        %add3A_247 = arith.constant 0 : i32
        %add3A_248 = arith.addi %mul3A_246, %add3A_247 : i32
        %get3A = arith.index_cast %scan3A_244 : i32 to index
        %get3A_249 = arith.constant 0 : index
        %get3A_250 = tpu.vector_load %arg12[%get3A, %get3A_249] {strides = array<i32>} : memref<64x128xf32, #tpu.memory_space<vmem>>, vector<1x16xf32>,
        %get3A_251 = vector.shape_cast %get3A_250 : vector<1x16xf32> to vector<16xf32>
        %get3A_252 = arith.index_cast %add3A_248 : i32 to index
        %get3A_253 = arith.constant 0 : index
        %get3A_254 = tpu.vector_load %arg13[%get3A_252, %get3A_253] {strides = array<i32>} : memref<512x16xf32, #tpu.memory_space<vmem>>, vector<1x16xf32>,
        %get3A_255 = vector.shape_cast %get3A_254 : vector<1x16xf32> to vector<16xf32>
        %add3A_256 = arith.addf %get3A_251, %get3A_255 : vector<16xf32>
        %get3A_257 = arith.index_cast %add3A_248 : i32 to index
        %get3A_258 = arith.constant 0 : index
        %get3A_259 = tpu.vector_load %arg14[%get3A_257, %get3A_258] {strides = array<i32>} : memref<512x16xf32, #tpu.memory_space<vmem>>, vector<1x16xf32>,
        %get3A_260 = vector.shape_cast %get3A_259 : vector<1x16xf32> to vector<16xf32>
        %add3A_261 = arith.addf %add3A_256, %get3A_260 : vector<16xf32>
        %swap3A = arith.index_cast %scan3A_244 : i32 to index
        %swap3A_262 = arith.constant 0 : index
        %swap3A_263 = tpu.vector_load %arg15[%swap3A, %swap3A_262] {strides = array<i32>} : memref<64x128xf32, #tpu.memory_space<vmem>>, vector<1x16xf32>,
        %swap3A_264 = vector.shape_cast %swap3A_263 : vector<1x16xf32> to vector<16xf32>
        %swap3A_265 = vector.shape_cast %add3A_261 : vector<16xf32> to vector<1x16xf32>
        tpu.vector_store %arg15[%swap3A, %swap3A_262], %swap3A_265 {strides = array<i32>} : memref<64x128xf32, #tpu.memory_space<vmem>>, vector<1x16xf32>,
        %swap3A_266 = arith.index_cast %add3A_248 : i32 to index
        %swap3A_267 = arith.constant 0 : index
        %swap3A_268 = tpu.vector_load %arg16[%swap3A_266, %swap3A_267] {strides = array<i32>} : memref<512x16xf32, #tpu.memory_space<vmem>>, vector<1x16xf32>,
        %swap3A_269 = vector.shape_cast %swap3A_268 : vector<1x16xf32> to vector<16xf32>
        %swap3A_270 = vector.shape_cast %add3A_261 : vector<16xf32> to vector<1x16xf32>
        tpu.vector_store %arg16[%swap3A_266, %swap3A_267], %swap3A_270 {strides = array<i32>} : memref<512x16xf32, #tpu.memory_space<vmem>>, vector<1x16xf32>,
        %mul3A_271 = arith.constant 8 : i32
        %mul3A_272 = arith.muli %scan3A_244, %mul3A_271 : i32
        %add3A_273 = arith.constant 1 : i32
        %add3A_274 = arith.addi %mul3A_272, %add3A_273 : i32
        %get3A_275 = arith.index_cast %scan3A_244 : i32 to index
        %get3A_276 = arith.constant 16 : index
        %get3A_277 = tpu.vector_load %arg12[%get3A_275, %get3A_276] {strides = array<i32>} : memref<64x128xf32, #tpu.memory_space<vmem>>, vector<1x16xf32>,
        %get3A_278 = vector.shape_cast %get3A_277 : vector<1x16xf32> to vector<16xf32>
        %get3A_279 = arith.index_cast %add3A_274 : i32 to index
        %get3A_280 = arith.constant 0 : index
        %get3A_281 = tpu.vector_load %arg13[%get3A_279, %get3A_280] {strides = array<i32>} : memref<512x16xf32, #tpu.memory_space<vmem>>, vector<1x16xf32>,
        %get3A_282 = vector.shape_cast %get3A_281 : vector<1x16xf32> to vector<16xf32>
        %add3A_283 = arith.addf %get3A_278, %get3A_282 : vector<16xf32>
        %get3A_284 = arith.index_cast %add3A_274 : i32 to index
        %get3A_285 = arith.constant 0 : index
        %get3A_286 = tpu.vector_load %arg14[%get3A_284, %get3A_285] {strides = array<i32>} : memref<512x16xf32, #tpu.memory_space<vmem>>, vector<1x16xf32>,
        %get3A_287 = vector.shape_cast %get3A_286 : vector<1x16xf32> to vector<16xf32>
        %add3A_288 = arith.addf %add3A_283, %get3A_287 : vector<16xf32>
        %swap3A_289 = arith.index_cast %scan3A_244 : i32 to index
        %swap3A_290 = arith.constant 16 : index
        %swap3A_291 = tpu.vector_load %arg15[%swap3A_289, %swap3A_290] {strides = array<i32>} : memref<64x128xf32, #tpu.memory_space<vmem>>, vector<1x16xf32>,
        %swap3A_292 = vector.shape_cast %swap3A_291 : vector<1x16xf32> to vector<16xf32>
        %swap3A_293 = vector.shape_cast %add3A_288 : vector<16xf32> to vector<1x16xf32>
        tpu.vector_store %arg15[%swap3A_289, %swap3A_290], %swap3A_293 {strides = array<i32>} : memref<64x128xf32, #tpu.memory_space<vmem>>, vector<1x16xf32>,
        %swap3A_294 = arith.index_cast %add3A_274 : i32 to index
        %swap3A_295 = arith.constant 0 : index
        %swap3A_296 = tpu.vector_load %arg16[%swap3A_294, %swap3A_295] {strides = array<i32>} : memref<512x16xf32, #tpu.memory_space<vmem>>, vector<1x16xf32>,
        %swap3A_297 = vector.shape_cast %swap3A_296 : vector<1x16xf32> to vector<16xf32>
        %swap3A_298 = vector.shape_cast %add3A_288 : vector<16xf32> to vector<1x16xf32>
        tpu.vector_store %arg16[%swap3A_294, %swap3A_295], %swap3A_298 {strides = array<i32>} : memref<512x16xf32, #tpu.memory_space<vmem>>, vector<1x16xf32>,
        %mul3A_299 = arith.constant 8 : i32
        %mul3A_300 = arith.muli %scan3A_244, %mul3A_299 : i32
        %add3A_301 = arith.constant 2 : i32
        %add3A_302 = arith.addi %mul3A_300, %add3A_301 : i32
        %get3A_303 = arith.index_cast %scan3A_244 : i32 to index
        %get3A_304 = arith.constant 32 : index
        %get3A_305 = tpu.vector_load %arg12[%get3A_303, %get3A_304] {strides = array<i32>} : memref<64x128xf32, #tpu.memory_space<vmem>>, vector<1x16xf32>,
        %get3A_306 = vector.shape_cast %get3A_305 : vector<1x16xf32> to vector<16xf32>
        %get3A_307 = arith.index_cast %add3A_302 : i32 to index
        %get3A_308 = arith.constant 0 : index
        %get3A_309 = tpu.vector_load %arg13[%get3A_307, %get3A_308] {strides = array<i32>} : memref<512x16xf32, #tpu.memory_space<vmem>>, vector<1x16xf32>,
        %get3A_310 = vector.shape_cast %get3A_309 : vector<1x16xf32> to vector<16xf32>
        %add3A_311 = arith.addf %get3A_306, %get3A_310 : vector<16xf32>
        %get3A_312 = arith.index_cast %add3A_302 : i32 to index
        %get3A_313 = arith.constant 0 : index
        %get3A_314 = tpu.vector_load %arg14[%get3A_312, %get3A_313] {strides = array<i32>} : memref<512x16xf32, #tpu.memory_space<vmem>>, vector<1x16xf32>,
        %get3A_315 = vector.shape_cast %get3A_314 : vector<1x16xf32> to vector<16xf32>
        %add3A_316 = arith.addf %add3A_311, %get3A_315 : vector<16xf32>
        %swap3A_317 = arith.index_cast %scan3A_244 : i32 to index
        %swap3A_318 = arith.constant 32 : index
        %swap3A_319 = tpu.vector_load %arg15[%swap3A_317, %swap3A_318] {strides = array<i32>} : memref<64x128xf32, #tpu.memory_space<vmem>>, vector<1x16xf32>,
        %swap3A_320 = vector.shape_cast %swap3A_319 : vector<1x16xf32> to vector<16xf32>
        %swap3A_321 = vector.shape_cast %add3A_316 : vector<16xf32> to vector<1x16xf32>
        tpu.vector_store %arg15[%swap3A_317, %swap3A_318], %swap3A_321 {strides = array<i32>} : memref<64x128xf32, #tpu.memory_space<vmem>>, vector<1x16xf32>,
        %swap3A_322 = arith.index_cast %add3A_302 : i32 to index
        %swap3A_323 = arith.constant 0 : index
        %swap3A_324 = tpu.vector_load %arg16[%swap3A_322, %swap3A_323] {strides = array<i32>} : memref<512x16xf32, #tpu.memory_space<vmem>>, vector<1x16xf32>,
        %swap3A_325 = vector.shape_cast %swap3A_324 : vector<1x16xf32> to vector<16xf32>
        %swap3A_326 = vector.shape_cast %add3A_316 : vector<16xf32> to vector<1x16xf32>
        tpu.vector_store %arg16[%swap3A_322, %swap3A_323], %swap3A_326 {strides = array<i32>} : memref<512x16xf32, #tpu.memory_space<vmem>>, vector<1x16xf32>,
        %mul3A_327 = arith.constant 8 : i32
        %mul3A_328 = arith.muli %scan3A_244, %mul3A_327 : i32
        %add3A_329 = arith.constant 3 : i32
        %add3A_330 = arith.addi %mul3A_328, %add3A_329 : i32
        %get3A_331 = arith.index_cast %scan3A_244 : i32 to index
        %get3A_332 = arith.constant 48 : index
        %get3A_333 = tpu.vector_load %arg12[%get3A_331, %get3A_332] {strides = array<i32>} : memref<64x128xf32, #tpu.memory_space<vmem>>, vector<1x16xf32>,
        %get3A_334 = vector.shape_cast %get3A_333 : vector<1x16xf32> to vector<16xf32>
        %get3A_335 = arith.index_cast %add3A_330 : i32 to index
        %get3A_336 = arith.constant 0 : index
        %get3A_337 = tpu.vector_load %arg13[%get3A_335, %get3A_336] {strides = array<i32>} : memref<512x16xf32, #tpu.memory_space<vmem>>, vector<1x16xf32>,
        %get3A_338 = vector.shape_cast %get3A_337 : vector<1x16xf32> to vector<16xf32>
        %add3A_339 = arith.addf %get3A_334, %get3A_338 : vector<16xf32>
        %get3A_340 = arith.index_cast %add3A_330 : i32 to index
        %get3A_341 = arith.constant 0 : index
        %get3A_342 = tpu.vector_load %arg14[%get3A_340, %get3A_341] {strides = array<i32>} : memref<512x16xf32, #tpu.memory_space<vmem>>, vector<1x16xf32>,
        %get3A_343 = vector.shape_cast %get3A_342 : vector<1x16xf32> to vector<16xf32>
        %add3A_344 = arith.addf %add3A_339, %get3A_343 : vector<16xf32>
        %swap3A_345 = arith.index_cast %scan3A_244 : i32 to index
        %swap3A_346 = arith.constant 48 : index
        %swap3A_347 = tpu.vector_load %arg15[%swap3A_345, %swap3A_346] {strides = array<i32>} : memref<64x128xf32, #tpu.memory_space<vmem>>, vector<1x16xf32>,
        %swap3A_348 = vector.shape_cast %swap3A_347 : vector<1x16xf32> to vector<16xf32>
        %swap3A_349 = vector.shape_cast %add3A_344 : vector<16xf32> to vector<1x16xf32>
        tpu.vector_store %arg15[%swap3A_345, %swap3A_346], %swap3A_349 {strides = array<i32>} : memref<64x128xf32, #tpu.memory_space<vmem>>, vector<1x16xf32>,
        %swap3A_350 = arith.index_cast %add3A_330 : i32 to index
        %swap3A_351 = arith.constant 0 : index
        %swap3A_352 = tpu.vector_load %arg16[%swap3A_350, %swap3A_351] {strides = array<i32>} : memref<512x16xf32, #tpu.memory_space<vmem>>, vector<1x16xf32>,
        %swap3A_353 = vector.shape_cast %swap3A_352 : vector<1x16xf32> to vector<16xf32>
        %swap3A_354 = vector.shape_cast %add3A_344 : vector<16xf32> to vector<1x16xf32>
        tpu.vector_store %arg16[%swap3A_350, %swap3A_351], %swap3A_354 {strides = array<i32>} : memref<512x16xf32, #tpu.memory_space<vmem>>, vector<1x16xf32>,
        %mul3A_355 = arith.constant 8 : i32
        %mul3A_356 = arith.muli %scan3A_244, %mul3A_355 : i32
        %add3A_357 = arith.constant 4 : i32
        %add3A_358 = arith.addi %mul3A_356, %add3A_357 : i32
        %get3A_359 = arith.index_cast %scan3A_244 : i32 to index
        %get3A_360 = arith.constant 64 : index
        %get3A_361 = tpu.vector_load %arg12[%get3A_359, %get3A_360] {strides = array<i32>} : memref<64x128xf32, #tpu.memory_space<vmem>>, vector<1x16xf32>,
        %get3A_362 = vector.shape_cast %get3A_361 : vector<1x16xf32> to vector<16xf32>
        %get3A_363 = arith.index_cast %add3A_358 : i32 to index
        %get3A_364 = arith.constant 0 : index
        %get3A_365 = tpu.vector_load %arg13[%get3A_363, %get3A_364] {strides = array<i32>} : memref<512x16xf32, #tpu.memory_space<vmem>>, vector<1x16xf32>,
        %get3A_366 = vector.shape_cast %get3A_365 : vector<1x16xf32> to vector<16xf32>
        %add3A_367 = arith.addf %get3A_362, %get3A_366 : vector<16xf32>
        %get3A_368 = arith.index_cast %add3A_358 : i32 to index
        %get3A_369 = arith.constant 0 : index
        %get3A_370 = tpu.vector_load %arg14[%get3A_368, %get3A_369] {strides = array<i32>} : memref<512x16xf32, #tpu.memory_space<vmem>>, vector<1x16xf32>,
        %get3A_371 = vector.shape_cast %get3A_370 : vector<1x16xf32> to vector<16xf32>
        %add3A_372 = arith.addf %add3A_367, %get3A_371 : vector<16xf32>
        %swap3A_373 = arith.index_cast %scan3A_244 : i32 to index
        %swap3A_374 = arith.constant 64 : index
        %swap3A_375 = tpu.vector_load %arg15[%swap3A_373, %swap3A_374] {strides = array<i32>} : memref<64x128xf32, #tpu.memory_space<vmem>>, vector<1x16xf32>,
        %swap3A_376 = vector.shape_cast %swap3A_375 : vector<1x16xf32> to vector<16xf32>
        %swap3A_377 = vector.shape_cast %add3A_372 : vector<16xf32> to vector<1x16xf32>
        tpu.vector_store %arg15[%swap3A_373, %swap3A_374], %swap3A_377 {strides = array<i32>} : memref<64x128xf32, #tpu.memory_space<vmem>>, vector<1x16xf32>,
        %swap3A_378 = arith.index_cast %add3A_358 : i32 to index
        %swap3A_379 = arith.constant 0 : index
        %swap3A_380 = tpu.vector_load %arg16[%swap3A_378, %swap3A_379] {strides = array<i32>} : memref<512x16xf32, #tpu.memory_space<vmem>>, vector<1x16xf32>,
        %swap3A_381 = vector.shape_cast %swap3A_380 : vector<1x16xf32> to vector<16xf32>
        %swap3A_382 = vector.shape_cast %add3A_372 : vector<16xf32> to vector<1x16xf32>
        tpu.vector_store %arg16[%swap3A_378, %swap3A_379], %swap3A_382 {strides = array<i32>} : memref<512x16xf32, #tpu.memory_space<vmem>>, vector<1x16xf32>,
        %mul3A_383 = arith.constant 8 : i32
        %mul3A_384 = arith.muli %scan3A_244, %mul3A_383 : i32
        %add3A_385 = arith.constant 5 : i32
        %add3A_386 = arith.addi %mul3A_384, %add3A_385 : i32
        %get3A_387 = arith.index_cast %scan3A_244 : i32 to index
        %get3A_388 = arith.constant 80 : index
        %get3A_389 = tpu.vector_load %arg12[%get3A_387, %get3A_388] {strides = array<i32>} : memref<64x128xf32, #tpu.memory_space<vmem>>, vector<1x16xf32>,
        %get3A_390 = vector.shape_cast %get3A_389 : vector<1x16xf32> to vector<16xf32>
        %get3A_391 = arith.index_cast %add3A_386 : i32 to index
        %get3A_392 = arith.constant 0 : index
        %get3A_393 = tpu.vector_load %arg13[%get3A_391, %get3A_392] {strides = array<i32>} : memref<512x16xf32, #tpu.memory_space<vmem>>, vector<1x16xf32>,
        %get3A_394 = vector.shape_cast %get3A_393 : vector<1x16xf32> to vector<16xf32>
        %add3A_395 = arith.addf %get3A_390, %get3A_394 : vector<16xf32>
        %get3A_396 = arith.index_cast %add3A_386 : i32 to index
        %get3A_397 = arith.constant 0 : index
        %get3A_398 = tpu.vector_load %arg14[%get3A_396, %get3A_397] {strides = array<i32>} : memref<512x16xf32, #tpu.memory_space<vmem>>, vector<1x16xf32>,
        %get3A_399 = vector.shape_cast %get3A_398 : vector<1x16xf32> to vector<16xf32>
        %add3A_400 = arith.addf %add3A_395, %get3A_399 : vector<16xf32>
        %swap3A_401 = arith.index_cast %scan3A_244 : i32 to index
        %swap3A_402 = arith.constant 80 : index
        %swap3A_403 = tpu.vector_load %arg15[%swap3A_401, %swap3A_402] {strides = array<i32>} : memref<64x128xf32, #tpu.memory_space<vmem>>, vector<1x16xf32>,
        %swap3A_404 = vector.shape_cast %swap3A_403 : vector<1x16xf32> to vector<16xf32>
        %swap3A_405 = vector.shape_cast %add3A_400 : vector<16xf32> to vector<1x16xf32>
        tpu.vector_store %arg15[%swap3A_401, %swap3A_402], %swap3A_405 {strides = array<i32>} : memref<64x128xf32, #tpu.memory_space<vmem>>, vector<1x16xf32>,
        %swap3A_406 = arith.index_cast %add3A_386 : i32 to index
        %swap3A_407 = arith.constant 0 : index
        %swap3A_408 = tpu.vector_load %arg16[%swap3A_406, %swap3A_407] {strides = array<i32>} : memref<512x16xf32, #tpu.memory_space<vmem>>, vector<1x16xf32>,
        %swap3A_409 = vector.shape_cast %swap3A_408 : vector<1x16xf32> to vector<16xf32>
        %swap3A_410 = vector.shape_cast %add3A_400 : vector<16xf32> to vector<1x16xf32>
        tpu.vector_store %arg16[%swap3A_406, %swap3A_407], %swap3A_410 {strides = array<i32>} : memref<512x16xf32, #tpu.memory_space<vmem>>, vector<1x16xf32>,
        %mul3A_411 = arith.constant 8 : i32
        %mul3A_412 = arith.muli %scan3A_244, %mul3A_411 : i32
        %add3A_413 = arith.constant 6 : i32
        %add3A_414 = arith.addi %mul3A_412, %add3A_413 : i32
        %get3A_415 = arith.index_cast %scan3A_244 : i32 to index
        %get3A_416 = arith.constant 96 : index
        %get3A_417 = tpu.vector_load %arg12[%get3A_415, %get3A_416] {strides = array<i32>} : memref<64x128xf32, #tpu.memory_space<vmem>>, vector<1x16xf32>,
        %get3A_418 = vector.shape_cast %get3A_417 : vector<1x16xf32> to vector<16xf32>
        %get3A_419 = arith.index_cast %add3A_414 : i32 to index
        %get3A_420 = arith.constant 0 : index
        %get3A_421 = tpu.vector_load %arg13[%get3A_419, %get3A_420] {strides = array<i32>} : memref<512x16xf32, #tpu.memory_space<vmem>>, vector<1x16xf32>,
        %get3A_422 = vector.shape_cast %get3A_421 : vector<1x16xf32> to vector<16xf32>
        %add3A_423 = arith.addf %get3A_418, %get3A_422 : vector<16xf32>
        %get3A_424 = arith.index_cast %add3A_414 : i32 to index
        %get3A_425 = arith.constant 0 : index
        %get3A_426 = tpu.vector_load %arg14[%get3A_424, %get3A_425] {strides = array<i32>} : memref<512x16xf32, #tpu.memory_space<vmem>>, vector<1x16xf32>,
        %get3A_427 = vector.shape_cast %get3A_426 : vector<1x16xf32> to vector<16xf32>
        %add3A_428 = arith.addf %add3A_423, %get3A_427 : vector<16xf32>
        %swap3A_429 = arith.index_cast %scan3A_244 : i32 to index
        %swap3A_430 = arith.constant 96 : index
        %swap3A_431 = tpu.vector_load %arg15[%swap3A_429, %swap3A_430] {strides = array<i32>} : memref<64x128xf32, #tpu.memory_space<vmem>>, vector<1x16xf32>,
        %swap3A_432 = vector.shape_cast %swap3A_431 : vector<1x16xf32> to vector<16xf32>
        %swap3A_433 = vector.shape_cast %add3A_428 : vector<16xf32> to vector<1x16xf32>
        tpu.vector_store %arg15[%swap3A_429, %swap3A_430], %swap3A_433 {strides = array<i32>} : memref<64x128xf32, #tpu.memory_space<vmem>>, vector<1x16xf32>,
        %swap3A_434 = arith.index_cast %add3A_414 : i32 to index
        %swap3A_435 = arith.constant 0 : index
        %swap3A_436 = tpu.vector_load %arg16[%swap3A_434, %swap3A_435] {strides = array<i32>} : memref<512x16xf32, #tpu.memory_space<vmem>>, vector<1x16xf32>,
        %swap3A_437 = vector.shape_cast %swap3A_436 : vector<1x16xf32> to vector<16xf32>
        %swap3A_438 = vector.shape_cast %add3A_428 : vector<16xf32> to vector<1x16xf32>
        tpu.vector_store %arg16[%swap3A_434, %swap3A_435], %swap3A_438 {strides = array<i32>} : memref<512x16xf32, #tpu.memory_space<vmem>>, vector<1x16xf32>,
        %mul3A_439 = arith.constant 8 : i32
        %mul3A_440 = arith.muli %scan3A_244, %mul3A_439 : i32
        %add3A_441 = arith.constant 7 : i32
        %add3A_442 = arith.addi %mul3A_440, %add3A_441 : i32
        %get3A_443 = arith.index_cast %scan3A_244 : i32 to index
        %get3A_444 = arith.constant 112 : index
        %get3A_445 = tpu.vector_load %arg12[%get3A_443, %get3A_444] {strides = array<i32>} : memref<64x128xf32, #tpu.memory_space<vmem>>, vector<1x16xf32>,
        %get3A_446 = vector.shape_cast %get3A_445 : vector<1x16xf32> to vector<16xf32>
        %get3A_447 = arith.index_cast %add3A_442 : i32 to index
        %get3A_448 = arith.constant 0 : index
        %get3A_449 = tpu.vector_load %arg13[%get3A_447, %get3A_448] {strides = array<i32>} : memref<512x16xf32, #tpu.memory_space<vmem>>, vector<1x16xf32>,
        %get3A_450 = vector.shape_cast %get3A_449 : vector<1x16xf32> to vector<16xf32>
        %add3A_451 = arith.addf %get3A_446, %get3A_450 : vector<16xf32>
        %get3A_452 = arith.index_cast %add3A_442 : i32 to index
        %get3A_453 = arith.constant 0 : index
        %get3A_454 = tpu.vector_load %arg14[%get3A_452, %get3A_453] {strides = array<i32>} : memref<512x16xf32, #tpu.memory_space<vmem>>, vector<1x16xf32>,
        %get3A_455 = vector.shape_cast %get3A_454 : vector<1x16xf32> to vector<16xf32>
        %add3A_456 = arith.addf %add3A_451, %get3A_455 : vector<16xf32>
        %swap3A_457 = arith.index_cast %scan3A_244 : i32 to index
        %swap3A_458 = arith.constant 112 : index
        %swap3A_459 = tpu.vector_load %arg15[%swap3A_457, %swap3A_458] {strides = array<i32>} : memref<64x128xf32, #tpu.memory_space<vmem>>, vector<1x16xf32>,
        %swap3A_460 = vector.shape_cast %swap3A_459 : vector<1x16xf32> to vector<16xf32>
        %swap3A_461 = vector.shape_cast %add3A_456 : vector<16xf32> to vector<1x16xf32>
        tpu.vector_store %arg15[%swap3A_457, %swap3A_458], %swap3A_461 {strides = array<i32>} : memref<64x128xf32, #tpu.memory_space<vmem>>, vector<1x16xf32>,
        %swap3A_462 = arith.index_cast %add3A_442 : i32 to index
        %swap3A_463 = arith.constant 0 : index
        %swap3A_464 = tpu.vector_load %arg16[%swap3A_462, %swap3A_463] {strides = array<i32>} : memref<512x16xf32, #tpu.memory_space<vmem>>, vector<1x16xf32>,
        %swap3A_465 = vector.shape_cast %swap3A_464 : vector<1x16xf32> to vector<16xf32>
        %swap3A_466 = vector.shape_cast %add3A_456 : vector<16xf32> to vector<1x16xf32>
        tpu.vector_store %arg16[%swap3A_462, %swap3A_463], %swap3A_466 {strides = array<i32>} : memref<512x16xf32, #tpu.memory_space<vmem>>, vector<1x16xf32>,
      }
      %scan3A_108 = arith.constant 16 : i32
      %run_scoped3A = arith.constant 0 : i32
      "tpu.region"() ({
        %run_scoped3A_244 = tpu.sem_alloc : memref<!tpu.dma_semaphore, #tpu.memory_space<semaphore_mem>>
        %dma_start3A_245 = arith.constant 0 : i32
        %dma_start3A_246 = arith.constant 0 : i32
        %dma_start3A_247 = tpu.memref_slice %arg16[%dma_start3A_245, %dma_start3A_246] : memref<512x16xf32, #tpu.memory_space<vmem>> -> memref<128x16xf32, #tpu.memory_space<vmem>>
        %dma_start3A_248 = arith.constant 0 : i32
        %dma_start3A_249 = tpu.memref_slice %arg10[%run_scoped3A, %dma_start3A_248] : memref<4x128xi32, #tpu.memory_space<vmem>> -> memref<1x128xi32, #tpu.memory_space<vmem>>
        %dma_start3A_250 = tpu.memref_squeeze %dma_start3A_249 : memref<1x128xi32, #tpu.memory_space<vmem>> -> memref<128xi32, #tpu.memory_space<vmem>>
        %dma_start3A_251 = arith.constant 0 : i32
        %dma_start3A_252 = arith.constant 0 : i32
        %dma_start3A_253 = tpu.memref_slice %arg18[%dma_start3A_251, %dma_start3A_252] : memref<10000x16xf32, #tpu.memory_space<vmem_shared>> -> memref<10000x16xf32, #tpu.memory_space<vmem_shared>>
        tpu.enqueue_indirect_dma source(%dma_start3A_247 : memref<128x16xf32, #tpu.memory_space<vmem>>) target(%dma_start3A_253 : memref<10000x16xf32, #tpu.memory_space<vmem_shared>>) offsets(%dma_start3A_250 : memref<128xi32, #tpu.memory_space<vmem>>) semaphore(%run_scoped3A_244 : memref<!tpu.dma_semaphore, #tpu.memory_space<semaphore_mem>>) {add = true}
        %dma_wait3A_254 = arith.constant 0 : i32
        %dma_wait3A_255 = arith.constant 0 : i32
        %dma_wait3A_256 = tpu.memref_slice %arg16[%dma_wait3A_254, %dma_wait3A_255] : memref<512x16xf32, #tpu.memory_space<vmem>> -> memref<128x16xf32, #tpu.memory_space<vmem>>
        %dma_wait3A_257 = arith.constant 0 : i32
        %dma_wait3A_258 = tpu.memref_slice %arg10[%run_scoped3A, %dma_wait3A_257] : memref<4x128xi32, #tpu.memory_space<vmem>> -> memref<1x128xi32, #tpu.memory_space<vmem>>
        %dma_wait3A_259 = tpu.memref_squeeze %dma_wait3A_258 : memref<1x128xi32, #tpu.memory_space<vmem>> -> memref<128xi32, #tpu.memory_space<vmem>>
        %dma_wait3A_260 = arith.constant 0 : i32
        %dma_wait3A_261 = arith.constant 0 : i32
        %dma_wait3A_262 = tpu.memref_slice %arg18[%dma_wait3A_260, %dma_wait3A_261] : memref<10000x16xf32, #tpu.memory_space<vmem_shared>> -> memref<10000x16xf32, #tpu.memory_space<vmem_shared>>
        tpu.wait_indirect_dma semaphore(%run_scoped3A_244 : memref<!tpu.dma_semaphore, #tpu.memory_space<semaphore_mem>>) src(%dma_wait3A_256 : memref<128x16xf32, #tpu.memory_space<vmem>>) dst(%dma_wait3A_262 : memref<10000x16xf32, #tpu.memory_space<vmem_shared>>)
        tpu.yield
      }) : () -> ()
      %run_scoped3A_109 = arith.constant 0 : i32
      "tpu.region"() ({
        %run_scoped3A_244 = tpu.sem_alloc : memref<!tpu.dma_semaphore, #tpu.memory_space<semaphore_mem>>
        %dma_start3A_245 = arith.constant 0 : i32
        %dma_start3A_246 = arith.constant 0 : i32
        %dma_start3A_247 = tpu.memref_slice %arg16[%dma_start3A_245, %dma_start3A_246] : memref<512x16xf32, #tpu.memory_space<vmem>> -> memref<128x16xf32, #tpu.memory_space<vmem>>
        %dma_start3A_248 = arith.constant 0 : i32
        %dma_start3A_249 = tpu.memref_slice %arg11[%run_scoped3A_109, %dma_start3A_248] : memref<4x128xi32, #tpu.memory_space<vmem>> -> memref<1x128xi32, #tpu.memory_space<vmem>>
        %dma_start3A_250 = tpu.memref_squeeze %dma_start3A_249 : memref<1x128xi32, #tpu.memory_space<vmem>> -> memref<128xi32, #tpu.memory_space<vmem>>
        %dma_start3A_251 = arith.constant 0 : i32
        %dma_start3A_252 = arith.constant 0 : i32
        %dma_start3A_253 = tpu.memref_slice %arg19[%dma_start3A_251, %dma_start3A_252] : memref<10000x16xf32, #tpu.memory_space<vmem_shared>> -> memref<10000x16xf32, #tpu.memory_space<vmem_shared>>
        tpu.enqueue_indirect_dma source(%dma_start3A_247 : memref<128x16xf32, #tpu.memory_space<vmem>>) target(%dma_start3A_253 : memref<10000x16xf32, #tpu.memory_space<vmem_shared>>) offsets(%dma_start3A_250 : memref<128xi32, #tpu.memory_space<vmem>>) semaphore(%run_scoped3A_244 : memref<!tpu.dma_semaphore, #tpu.memory_space<semaphore_mem>>) {add = true}
        %dma_wait3A_254 = arith.constant 0 : i32
        %dma_wait3A_255 = arith.constant 0 : i32
        %dma_wait3A_256 = tpu.memref_slice %arg16[%dma_wait3A_254, %dma_wait3A_255] : memref<512x16xf32, #tpu.memory_space<vmem>> -> memref<128x16xf32, #tpu.memory_space<vmem>>
        %dma_wait3A_257 = arith.constant 0 : i32
        %dma_wait3A_258 = tpu.memref_slice %arg11[%run_scoped3A_109, %dma_wait3A_257] : memref<4x128xi32, #tpu.memory_space<vmem>> -> memref<1x128xi32, #tpu.memory_space<vmem>>
        %dma_wait3A_259 = tpu.memref_squeeze %dma_wait3A_258 : memref<1x128xi32, #tpu.memory_space<vmem>> -> memref<128xi32, #tpu.memory_space<vmem>>
        %dma_wait3A_260 = arith.constant 0 : i32
        %dma_wait3A_261 = arith.constant 0 : i32
        %dma_wait3A_262 = tpu.memref_slice %arg19[%dma_wait3A_260, %dma_wait3A_261] : memref<10000x16xf32, #tpu.memory_space<vmem_shared>> -> memref<10000x16xf32, #tpu.memory_space<vmem_shared>>
        tpu.wait_indirect_dma semaphore(%run_scoped3A_244 : memref<!tpu.dma_semaphore, #tpu.memory_space<semaphore_mem>>) src(%dma_wait3A_256 : memref<128x16xf32, #tpu.memory_space<vmem>>) dst(%dma_wait3A_262 : memref<10000x16xf32, #tpu.memory_space<vmem_shared>>)
        tpu.yield
      }) : () -> ()
      %dma_wait3A_110 = arith.constant 1 : i32
      %dma_wait3A_111 = arith.constant 128 : i32
      %dma_wait3A_112 = arith.constant 0 : i32
      %dma_wait3A_113 = tpu.memref_slice %arg13[%dma_wait3A_111, %dma_wait3A_112] : memref<512x16xf32, #tpu.memory_space<vmem>> -> memref<128x16xf32, #tpu.memory_space<vmem>>
      %dma_wait3A_114 = arith.constant 0 : i32
      %dma_wait3A_115 = tpu.memref_slice %arg10[%dma_wait3A_110, %dma_wait3A_114] : memref<4x128xi32, #tpu.memory_space<vmem>> -> memref<1x128xi32, #tpu.memory_space<vmem>>
      %dma_wait3A_116 = tpu.memref_squeeze %dma_wait3A_115 : memref<1x128xi32, #tpu.memory_space<vmem>> -> memref<128xi32, #tpu.memory_space<vmem>>
      %dma_wait3A_117 = arith.constant 0 : i32
      %dma_wait3A_118 = arith.constant 0 : i32
      %dma_wait3A_119 = tpu.memref_slice %arg5[%dma_wait3A_117, %dma_wait3A_118] : memref<10000x16xf32, #tpu.memory_space<hbm>> -> memref<10000x16xf32, #tpu.memory_space<hbm>>
      tpu.wait_indirect_dma semaphore(%arg20 : memref<!tpu.dma_semaphore, #tpu.memory_space<semaphore_mem>>) src(%dma_wait3A_119 : memref<10000x16xf32, #tpu.memory_space<hbm>>) dst(%dma_wait3A_113 : memref<128x16xf32, #tpu.memory_space<vmem>>)
      %dma_wait3A_120 = arith.constant 1 : i32
      %dma_wait3A_121 = arith.constant 128 : i32
      %dma_wait3A_122 = arith.constant 0 : i32
      %dma_wait3A_123 = tpu.memref_slice %arg14[%dma_wait3A_121, %dma_wait3A_122] : memref<512x16xf32, #tpu.memory_space<vmem>> -> memref<128x16xf32, #tpu.memory_space<vmem>>
      %dma_wait3A_124 = arith.constant 0 : i32
      %dma_wait3A_125 = tpu.memref_slice %arg11[%dma_wait3A_120, %dma_wait3A_124] : memref<4x128xi32, #tpu.memory_space<vmem>> -> memref<1x128xi32, #tpu.memory_space<vmem>>
      %dma_wait3A_126 = tpu.memref_squeeze %dma_wait3A_125 : memref<1x128xi32, #tpu.memory_space<vmem>> -> memref<128xi32, #tpu.memory_space<vmem>>
      %dma_wait3A_127 = arith.constant 0 : i32
      %dma_wait3A_128 = arith.constant 0 : i32
      %dma_wait3A_129 = tpu.memref_slice %arg6[%dma_wait3A_127, %dma_wait3A_128] : memref<10000x16xf32, #tpu.memory_space<hbm>> -> memref<10000x16xf32, #tpu.memory_space<hbm>>
      tpu.wait_indirect_dma semaphore(%arg20 : memref<!tpu.dma_semaphore, #tpu.memory_space<semaphore_mem>>) src(%dma_wait3A_129 : memref<10000x16xf32, #tpu.memory_space<hbm>>) dst(%dma_wait3A_123 : memref<128x16xf32, #tpu.memory_space<vmem>>)
      %dma_start3A_130 = arith.constant 2 : i32
      %dma_start3A_131 = arith.constant 256 : i32
      %dma_start3A_132 = arith.constant 0 : i32
      %dma_start3A_133 = tpu.memref_slice %arg13[%dma_start3A_131, %dma_start3A_132] : memref<512x16xf32, #tpu.memory_space<vmem>> -> memref<128x16xf32, #tpu.memory_space<vmem>>
      %dma_start3A_134 = arith.constant 0 : i32
      %dma_start3A_135 = tpu.memref_slice %arg10[%dma_start3A_130, %dma_start3A_134] : memref<4x128xi32, #tpu.memory_space<vmem>> -> memref<1x128xi32, #tpu.memory_space<vmem>>
      %dma_start3A_136 = tpu.memref_squeeze %dma_start3A_135 : memref<1x128xi32, #tpu.memory_space<vmem>> -> memref<128xi32, #tpu.memory_space<vmem>>
      %dma_start3A_137 = arith.constant 0 : i32
      %dma_start3A_138 = arith.constant 0 : i32
      %dma_start3A_139 = tpu.memref_slice %arg5[%dma_start3A_137, %dma_start3A_138] : memref<10000x16xf32, #tpu.memory_space<hbm>> -> memref<10000x16xf32, #tpu.memory_space<hbm>>
      tpu.enqueue_indirect_dma source(%dma_start3A_139 : memref<10000x16xf32, #tpu.memory_space<hbm>>) target(%dma_start3A_133 : memref<128x16xf32, #tpu.memory_space<vmem>>) offsets(%dma_start3A_136 : memref<128xi32, #tpu.memory_space<vmem>>) semaphore(%arg20 : memref<!tpu.dma_semaphore, #tpu.memory_space<semaphore_mem>>)
      %dma_start3A_140 = arith.constant 2 : i32
      %dma_start3A_141 = arith.constant 256 : i32
      %dma_start3A_142 = arith.constant 0 : i32
      %dma_start3A_143 = tpu.memref_slice %arg14[%dma_start3A_141, %dma_start3A_142] : memref<512x16xf32, #tpu.memory_space<vmem>> -> memref<128x16xf32, #tpu.memory_space<vmem>>
      %dma_start3A_144 = arith.constant 0 : i32
      %dma_start3A_145 = tpu.memref_slice %arg11[%dma_start3A_140, %dma_start3A_144] : memref<4x128xi32, #tpu.memory_space<vmem>> -> memref<1x128xi32, #tpu.memory_space<vmem>>
      %dma_start3A_146 = tpu.memref_squeeze %dma_start3A_145 : memref<1x128xi32, #tpu.memory_space<vmem>> -> memref<128xi32, #tpu.memory_space<vmem>>
      %dma_start3A_147 = arith.constant 0 : i32
      %dma_start3A_148 = arith.constant 0 : i32
      %dma_start3A_149 = tpu.memref_slice %arg6[%dma_start3A_147, %dma_start3A_148] : memref<10000x16xf32, #tpu.memory_space<hbm>> -> memref<10000x16xf32, #tpu.memory_space<hbm>>
      tpu.enqueue_indirect_dma source(%dma_start3A_149 : memref<10000x16xf32, #tpu.memory_space<hbm>>) target(%dma_start3A_143 : memref<128x16xf32, #tpu.memory_space<vmem>>) offsets(%dma_start3A_146 : memref<128xi32, #tpu.memory_space<vmem>>) semaphore(%arg20 : memref<!tpu.dma_semaphore, #tpu.memory_space<semaphore_mem>>)
      %scan3A_150 = arith.constant 0 : i32
      %scan3A_151 = arith.constant 16 : i32
      %scan3A_152 = arith.constant 16 : i32
      %scan3A_153 = arith.addi %scan3A_151, %scan3A_152 : i32
      %scan3A_154 = arith.constant 1 : i32
      scf.for %scan3A_244 = %scan3A_151 to %scan3A_153 step %scan3A_154  : i32 {
        %mul3A_245 = arith.constant 8 : i32
        %mul3A_246 = arith.muli %scan3A_244, %mul3A_245 : i32
        %add3A_247 = arith.constant 0 : i32
        %add3A_248 = arith.addi %mul3A_246, %add3A_247 : i32
        %get3A = arith.index_cast %scan3A_244 : i32 to index
        %get3A_249 = arith.constant 0 : index
        %get3A_250 = tpu.vector_load %arg12[%get3A, %get3A_249] {strides = array<i32>} : memref<64x128xf32, #tpu.memory_space<vmem>>, vector<1x16xf32>,
        %get3A_251 = vector.shape_cast %get3A_250 : vector<1x16xf32> to vector<16xf32>
        %get3A_252 = arith.index_cast %add3A_248 : i32 to index
        %get3A_253 = arith.constant 0 : index
        %get3A_254 = tpu.vector_load %arg13[%get3A_252, %get3A_253] {strides = array<i32>} : memref<512x16xf32, #tpu.memory_space<vmem>>, vector<1x16xf32>,
        %get3A_255 = vector.shape_cast %get3A_254 : vector<1x16xf32> to vector<16xf32>
        %add3A_256 = arith.addf %get3A_251, %get3A_255 : vector<16xf32>
        %get3A_257 = arith.index_cast %add3A_248 : i32 to index
        %get3A_258 = arith.constant 0 : index
        %get3A_259 = tpu.vector_load %arg14[%get3A_257, %get3A_258] {strides = array<i32>} : memref<512x16xf32, #tpu.memory_space<vmem>>, vector<1x16xf32>,
        %get3A_260 = vector.shape_cast %get3A_259 : vector<1x16xf32> to vector<16xf32>
        %add3A_261 = arith.addf %add3A_256, %get3A_260 : vector<16xf32>
        %swap3A = arith.index_cast %scan3A_244 : i32 to index
        %swap3A_262 = arith.constant 0 : index
        %swap3A_263 = tpu.vector_load %arg15[%swap3A, %swap3A_262] {strides = array<i32>} : memref<64x128xf32, #tpu.memory_space<vmem>>, vector<1x16xf32>,
        %swap3A_264 = vector.shape_cast %swap3A_263 : vector<1x16xf32> to vector<16xf32>
        %swap3A_265 = vector.shape_cast %add3A_261 : vector<16xf32> to vector<1x16xf32>
        tpu.vector_store %arg15[%swap3A, %swap3A_262], %swap3A_265 {strides = array<i32>} : memref<64x128xf32, #tpu.memory_space<vmem>>, vector<1x16xf32>,
        %swap3A_266 = arith.index_cast %add3A_248 : i32 to index
        %swap3A_267 = arith.constant 0 : index
        %swap3A_268 = tpu.vector_load %arg16[%swap3A_266, %swap3A_267] {strides = array<i32>} : memref<512x16xf32, #tpu.memory_space<vmem>>, vector<1x16xf32>,
        %swap3A_269 = vector.shape_cast %swap3A_268 : vector<1x16xf32> to vector<16xf32>
        %swap3A_270 = vector.shape_cast %add3A_261 : vector<16xf32> to vector<1x16xf32>
        tpu.vector_store %arg16[%swap3A_266, %swap3A_267], %swap3A_270 {strides = array<i32>} : memref<512x16xf32, #tpu.memory_space<vmem>>, vector<1x16xf32>,
        %mul3A_271 = arith.constant 8 : i32
        %mul3A_272 = arith.muli %scan3A_244, %mul3A_271 : i32
        %add3A_273 = arith.constant 1 : i32
        %add3A_274 = arith.addi %mul3A_272, %add3A_273 : i32
        %get3A_275 = arith.index_cast %scan3A_244 : i32 to index
        %get3A_276 = arith.constant 16 : index
        %get3A_277 = tpu.vector_load %arg12[%get3A_275, %get3A_276] {strides = array<i32>} : memref<64x128xf32, #tpu.memory_space<vmem>>, vector<1x16xf32>,
        %get3A_278 = vector.shape_cast %get3A_277 : vector<1x16xf32> to vector<16xf32>
        %get3A_279 = arith.index_cast %add3A_274 : i32 to index
        %get3A_280 = arith.constant 0 : index
        %get3A_281 = tpu.vector_load %arg13[%get3A_279, %get3A_280] {strides = array<i32>} : memref<512x16xf32, #tpu.memory_space<vmem>>, vector<1x16xf32>,
        %get3A_282 = vector.shape_cast %get3A_281 : vector<1x16xf32> to vector<16xf32>
        %add3A_283 = arith.addf %get3A_278, %get3A_282 : vector<16xf32>
        %get3A_284 = arith.index_cast %add3A_274 : i32 to index
        %get3A_285 = arith.constant 0 : index
        %get3A_286 = tpu.vector_load %arg14[%get3A_284, %get3A_285] {strides = array<i32>} : memref<512x16xf32, #tpu.memory_space<vmem>>, vector<1x16xf32>,
        %get3A_287 = vector.shape_cast %get3A_286 : vector<1x16xf32> to vector<16xf32>
        %add3A_288 = arith.addf %add3A_283, %get3A_287 : vector<16xf32>
        %swap3A_289 = arith.index_cast %scan3A_244 : i32 to index
        %swap3A_290 = arith.constant 16 : index
        %swap3A_291 = tpu.vector_load %arg15[%swap3A_289, %swap3A_290] {strides = array<i32>} : memref<64x128xf32, #tpu.memory_space<vmem>>, vector<1x16xf32>,
        %swap3A_292 = vector.shape_cast %swap3A_291 : vector<1x16xf32> to vector<16xf32>
        %swap3A_293 = vector.shape_cast %add3A_288 : vector<16xf32> to vector<1x16xf32>
        tpu.vector_store %arg15[%swap3A_289, %swap3A_290], %swap3A_293 {strides = array<i32>} : memref<64x128xf32, #tpu.memory_space<vmem>>, vector<1x16xf32>,
        %swap3A_294 = arith.index_cast %add3A_274 : i32 to index
        %swap3A_295 = arith.constant 0 : index
        %swap3A_296 = tpu.vector_load %arg16[%swap3A_294, %swap3A_295] {strides = array<i32>} : memref<512x16xf32, #tpu.memory_space<vmem>>, vector<1x16xf32>,
        %swap3A_297 = vector.shape_cast %swap3A_296 : vector<1x16xf32> to vector<16xf32>
        %swap3A_298 = vector.shape_cast %add3A_288 : vector<16xf32> to vector<1x16xf32>
        tpu.vector_store %arg16[%swap3A_294, %swap3A_295], %swap3A_298 {strides = array<i32>} : memref<512x16xf32, #tpu.memory_space<vmem>>, vector<1x16xf32>,
        %mul3A_299 = arith.constant 8 : i32
        %mul3A_300 = arith.muli %scan3A_244, %mul3A_299 : i32
        %add3A_301 = arith.constant 2 : i32
        %add3A_302 = arith.addi %mul3A_300, %add3A_301 : i32
        %get3A_303 = arith.index_cast %scan3A_244 : i32 to index
        %get3A_304 = arith.constant 32 : index
        %get3A_305 = tpu.vector_load %arg12[%get3A_303, %get3A_304] {strides = array<i32>} : memref<64x128xf32, #tpu.memory_space<vmem>>, vector<1x16xf32>,
        %get3A_306 = vector.shape_cast %get3A_305 : vector<1x16xf32> to vector<16xf32>
        %get3A_307 = arith.index_cast %add3A_302 : i32 to index
        %get3A_308 = arith.constant 0 : index
        %get3A_309 = tpu.vector_load %arg13[%get3A_307, %get3A_308] {strides = array<i32>} : memref<512x16xf32, #tpu.memory_space<vmem>>, vector<1x16xf32>,
        %get3A_310 = vector.shape_cast %get3A_309 : vector<1x16xf32> to vector<16xf32>
        %add3A_311 = arith.addf %get3A_306, %get3A_310 : vector<16xf32>
        %get3A_312 = arith.index_cast %add3A_302 : i32 to index
        %get3A_313 = arith.constant 0 : index
        %get3A_314 = tpu.vector_load %arg14[%get3A_312, %get3A_313] {strides = array<i32>} : memref<512x16xf32, #tpu.memory_space<vmem>>, vector<1x16xf32>,
        %get3A_315 = vector.shape_cast %get3A_314 : vector<1x16xf32> to vector<16xf32>
        %add3A_316 = arith.addf %add3A_311, %get3A_315 : vector<16xf32>
        %swap3A_317 = arith.index_cast %scan3A_244 : i32 to index
        %swap3A_318 = arith.constant 32 : index
        %swap3A_319 = tpu.vector_load %arg15[%swap3A_317, %swap3A_318] {strides = array<i32>} : memref<64x128xf32, #tpu.memory_space<vmem>>, vector<1x16xf32>,
        %swap3A_320 = vector.shape_cast %swap3A_319 : vector<1x16xf32> to vector<16xf32>
        %swap3A_321 = vector.shape_cast %add3A_316 : vector<16xf32> to vector<1x16xf32>
        tpu.vector_store %arg15[%swap3A_317, %swap3A_318], %swap3A_321 {strides = array<i32>} : memref<64x128xf32, #tpu.memory_space<vmem>>, vector<1x16xf32>,
        %swap3A_322 = arith.index_cast %add3A_302 : i32 to index
        %swap3A_323 = arith.constant 0 : index
        %swap3A_324 = tpu.vector_load %arg16[%swap3A_322, %swap3A_323] {strides = array<i32>} : memref<512x16xf32, #tpu.memory_space<vmem>>, vector<1x16xf32>,
        %swap3A_325 = vector.shape_cast %swap3A_324 : vector<1x16xf32> to vector<16xf32>
        %swap3A_326 = vector.shape_cast %add3A_316 : vector<16xf32> to vector<1x16xf32>
        tpu.vector_store %arg16[%swap3A_322, %swap3A_323], %swap3A_326 {strides = array<i32>} : memref<512x16xf32, #tpu.memory_space<vmem>>, vector<1x16xf32>,
        %mul3A_327 = arith.constant 8 : i32
        %mul3A_328 = arith.muli %scan3A_244, %mul3A_327 : i32
        %add3A_329 = arith.constant 3 : i32
        %add3A_330 = arith.addi %mul3A_328, %add3A_329 : i32
        %get3A_331 = arith.index_cast %scan3A_244 : i32 to index
        %get3A_332 = arith.constant 48 : index
        %get3A_333 = tpu.vector_load %arg12[%get3A_331, %get3A_332] {strides = array<i32>} : memref<64x128xf32, #tpu.memory_space<vmem>>, vector<1x16xf32>,
        %get3A_334 = vector.shape_cast %get3A_333 : vector<1x16xf32> to vector<16xf32>
        %get3A_335 = arith.index_cast %add3A_330 : i32 to index
        %get3A_336 = arith.constant 0 : index
        %get3A_337 = tpu.vector_load %arg13[%get3A_335, %get3A_336] {strides = array<i32>} : memref<512x16xf32, #tpu.memory_space<vmem>>, vector<1x16xf32>,
        %get3A_338 = vector.shape_cast %get3A_337 : vector<1x16xf32> to vector<16xf32>
        %add3A_339 = arith.addf %get3A_334, %get3A_338 : vector<16xf32>
        %get3A_340 = arith.index_cast %add3A_330 : i32 to index
        %get3A_341 = arith.constant 0 : index
        %get3A_342 = tpu.vector_load %arg14[%get3A_340, %get3A_341] {strides = array<i32>} : memref<512x16xf32, #tpu.memory_space<vmem>>, vector<1x16xf32>,
        %get3A_343 = vector.shape_cast %get3A_342 : vector<1x16xf32> to vector<16xf32>
        %add3A_344 = arith.addf %add3A_339, %get3A_343 : vector<16xf32>
        %swap3A_345 = arith.index_cast %scan3A_244 : i32 to index
        %swap3A_346 = arith.constant 48 : index
        %swap3A_347 = tpu.vector_load %arg15[%swap3A_345, %swap3A_346] {strides = array<i32>} : memref<64x128xf32, #tpu.memory_space<vmem>>, vector<1x16xf32>,
        %swap3A_348 = vector.shape_cast %swap3A_347 : vector<1x16xf32> to vector<16xf32>
        %swap3A_349 = vector.shape_cast %add3A_344 : vector<16xf32> to vector<1x16xf32>
        tpu.vector_store %arg15[%swap3A_345, %swap3A_346], %swap3A_349 {strides = array<i32>} : memref<64x128xf32, #tpu.memory_space<vmem>>, vector<1x16xf32>,
        %swap3A_350 = arith.index_cast %add3A_330 : i32 to index
        %swap3A_351 = arith.constant 0 : index
        %swap3A_352 = tpu.vector_load %arg16[%swap3A_350, %swap3A_351] {strides = array<i32>} : memref<512x16xf32, #tpu.memory_space<vmem>>, vector<1x16xf32>,
        %swap3A_353 = vector.shape_cast %swap3A_352 : vector<1x16xf32> to vector<16xf32>
        %swap3A_354 = vector.shape_cast %add3A_344 : vector<16xf32> to vector<1x16xf32>
        tpu.vector_store %arg16[%swap3A_350, %swap3A_351], %swap3A_354 {strides = array<i32>} : memref<512x16xf32, #tpu.memory_space<vmem>>, vector<1x16xf32>,
        %mul3A_355 = arith.constant 8 : i32
        %mul3A_356 = arith.muli %scan3A_244, %mul3A_355 : i32
        %add3A_357 = arith.constant 4 : i32
        %add3A_358 = arith.addi %mul3A_356, %add3A_357 : i32
        %get3A_359 = arith.index_cast %scan3A_244 : i32 to index
        %get3A_360 = arith.constant 64 : index
        %get3A_361 = tpu.vector_load %arg12[%get3A_359, %get3A_360] {strides = array<i32>} : memref<64x128xf32, #tpu.memory_space<vmem>>, vector<1x16xf32>,
        %get3A_362 = vector.shape_cast %get3A_361 : vector<1x16xf32> to vector<16xf32>
        %get3A_363 = arith.index_cast %add3A_358 : i32 to index
        %get3A_364 = arith.constant 0 : index
        %get3A_365 = tpu.vector_load %arg13[%get3A_363, %get3A_364] {strides = array<i32>} : memref<512x16xf32, #tpu.memory_space<vmem>>, vector<1x16xf32>,
        %get3A_366 = vector.shape_cast %get3A_365 : vector<1x16xf32> to vector<16xf32>
        %add3A_367 = arith.addf %get3A_362, %get3A_366 : vector<16xf32>
        %get3A_368 = arith.index_cast %add3A_358 : i32 to index
        %get3A_369 = arith.constant 0 : index
        %get3A_370 = tpu.vector_load %arg14[%get3A_368, %get3A_369] {strides = array<i32>} : memref<512x16xf32, #tpu.memory_space<vmem>>, vector<1x16xf32>,
        %get3A_371 = vector.shape_cast %get3A_370 : vector<1x16xf32> to vector<16xf32>
        %add3A_372 = arith.addf %add3A_367, %get3A_371 : vector<16xf32>
        %swap3A_373 = arith.index_cast %scan3A_244 : i32 to index
        %swap3A_374 = arith.constant 64 : index
        %swap3A_375 = tpu.vector_load %arg15[%swap3A_373, %swap3A_374] {strides = array<i32>} : memref<64x128xf32, #tpu.memory_space<vmem>>, vector<1x16xf32>,
        %swap3A_376 = vector.shape_cast %swap3A_375 : vector<1x16xf32> to vector<16xf32>
        %swap3A_377 = vector.shape_cast %add3A_372 : vector<16xf32> to vector<1x16xf32>
        tpu.vector_store %arg15[%swap3A_373, %swap3A_374], %swap3A_377 {strides = array<i32>} : memref<64x128xf32, #tpu.memory_space<vmem>>, vector<1x16xf32>,
        %swap3A_378 = arith.index_cast %add3A_358 : i32 to index
        %swap3A_379 = arith.constant 0 : index
        %swap3A_380 = tpu.vector_load %arg16[%swap3A_378, %swap3A_379] {strides = array<i32>} : memref<512x16xf32, #tpu.memory_space<vmem>>, vector<1x16xf32>,
        %swap3A_381 = vector.shape_cast %swap3A_380 : vector<1x16xf32> to vector<16xf32>
        %swap3A_382 = vector.shape_cast %add3A_372 : vector<16xf32> to vector<1x16xf32>
        tpu.vector_store %arg16[%swap3A_378, %swap3A_379], %swap3A_382 {strides = array<i32>} : memref<512x16xf32, #tpu.memory_space<vmem>>, vector<1x16xf32>,
        %mul3A_383 = arith.constant 8 : i32
        %mul3A_384 = arith.muli %scan3A_244, %mul3A_383 : i32
        %add3A_385 = arith.constant 5 : i32
        %add3A_386 = arith.addi %mul3A_384, %add3A_385 : i32
        %get3A_387 = arith.index_cast %scan3A_244 : i32 to index
        %get3A_388 = arith.constant 80 : index
        %get3A_389 = tpu.vector_load %arg12[%get3A_387, %get3A_388] {strides = array<i32>} : memref<64x128xf32, #tpu.memory_space<vmem>>, vector<1x16xf32>,
        %get3A_390 = vector.shape_cast %get3A_389 : vector<1x16xf32> to vector<16xf32>
        %get3A_391 = arith.index_cast %add3A_386 : i32 to index
        %get3A_392 = arith.constant 0 : index
        %get3A_393 = tpu.vector_load %arg13[%get3A_391, %get3A_392] {strides = array<i32>} : memref<512x16xf32, #tpu.memory_space<vmem>>, vector<1x16xf32>,
        %get3A_394 = vector.shape_cast %get3A_393 : vector<1x16xf32> to vector<16xf32>
        %add3A_395 = arith.addf %get3A_390, %get3A_394 : vector<16xf32>
        %get3A_396 = arith.index_cast %add3A_386 : i32 to index
        %get3A_397 = arith.constant 0 : index
        %get3A_398 = tpu.vector_load %arg14[%get3A_396, %get3A_397] {strides = array<i32>} : memref<512x16xf32, #tpu.memory_space<vmem>>, vector<1x16xf32>,
        %get3A_399 = vector.shape_cast %get3A_398 : vector<1x16xf32> to vector<16xf32>
        %add3A_400 = arith.addf %add3A_395, %get3A_399 : vector<16xf32>
        %swap3A_401 = arith.index_cast %scan3A_244 : i32 to index
        %swap3A_402 = arith.constant 80 : index
        %swap3A_403 = tpu.vector_load %arg15[%swap3A_401, %swap3A_402] {strides = array<i32>} : memref<64x128xf32, #tpu.memory_space<vmem>>, vector<1x16xf32>,
        %swap3A_404 = vector.shape_cast %swap3A_403 : vector<1x16xf32> to vector<16xf32>
        %swap3A_405 = vector.shape_cast %add3A_400 : vector<16xf32> to vector<1x16xf32>
        tpu.vector_store %arg15[%swap3A_401, %swap3A_402], %swap3A_405 {strides = array<i32>} : memref<64x128xf32, #tpu.memory_space<vmem>>, vector<1x16xf32>,
        %swap3A_406 = arith.index_cast %add3A_386 : i32 to index
        %swap3A_407 = arith.constant 0 : index
        %swap3A_408 = tpu.vector_load %arg16[%swap3A_406, %swap3A_407] {strides = array<i32>} : memref<512x16xf32, #tpu.memory_space<vmem>>, vector<1x16xf32>,
        %swap3A_409 = vector.shape_cast %swap3A_408 : vector<1x16xf32> to vector<16xf32>
        %swap3A_410 = vector.shape_cast %add3A_400 : vector<16xf32> to vector<1x16xf32>
        tpu.vector_store %arg16[%swap3A_406, %swap3A_407], %swap3A_410 {strides = array<i32>} : memref<512x16xf32, #tpu.memory_space<vmem>>, vector<1x16xf32>,
        %mul3A_411 = arith.constant 8 : i32
        %mul3A_412 = arith.muli %scan3A_244, %mul3A_411 : i32
        %add3A_413 = arith.constant 6 : i32
        %add3A_414 = arith.addi %mul3A_412, %add3A_413 : i32
        %get3A_415 = arith.index_cast %scan3A_244 : i32 to index
        %get3A_416 = arith.constant 96 : index
        %get3A_417 = tpu.vector_load %arg12[%get3A_415, %get3A_416] {strides = array<i32>} : memref<64x128xf32, #tpu.memory_space<vmem>>, vector<1x16xf32>,
        %get3A_418 = vector.shape_cast %get3A_417 : vector<1x16xf32> to vector<16xf32>
        %get3A_419 = arith.index_cast %add3A_414 : i32 to index
        %get3A_420 = arith.constant 0 : index
        %get3A_421 = tpu.vector_load %arg13[%get3A_419, %get3A_420] {strides = array<i32>} : memref<512x16xf32, #tpu.memory_space<vmem>>, vector<1x16xf32>,
        %get3A_422 = vector.shape_cast %get3A_421 : vector<1x16xf32> to vector<16xf32>
        %add3A_423 = arith.addf %get3A_418, %get3A_422 : vector<16xf32>
        %get3A_424 = arith.index_cast %add3A_414 : i32 to index
        %get3A_425 = arith.constant 0 : index
        %get3A_426 = tpu.vector_load %arg14[%get3A_424, %get3A_425] {strides = array<i32>} : memref<512x16xf32, #tpu.memory_space<vmem>>, vector<1x16xf32>,
        %get3A_427 = vector.shape_cast %get3A_426 : vector<1x16xf32> to vector<16xf32>
        %add3A_428 = arith.addf %add3A_423, %get3A_427 : vector<16xf32>
        %swap3A_429 = arith.index_cast %scan3A_244 : i32 to index
        %swap3A_430 = arith.constant 96 : index
        %swap3A_431 = tpu.vector_load %arg15[%swap3A_429, %swap3A_430] {strides = array<i32>} : memref<64x128xf32, #tpu.memory_space<vmem>>, vector<1x16xf32>,
        %swap3A_432 = vector.shape_cast %swap3A_431 : vector<1x16xf32> to vector<16xf32>
        %swap3A_433 = vector.shape_cast %add3A_428 : vector<16xf32> to vector<1x16xf32>
        tpu.vector_store %arg15[%swap3A_429, %swap3A_430], %swap3A_433 {strides = array<i32>} : memref<64x128xf32, #tpu.memory_space<vmem>>, vector<1x16xf32>,
        %swap3A_434 = arith.index_cast %add3A_414 : i32 to index
        %swap3A_435 = arith.constant 0 : index
        %swap3A_436 = tpu.vector_load %arg16[%swap3A_434, %swap3A_435] {strides = array<i32>} : memref<512x16xf32, #tpu.memory_space<vmem>>, vector<1x16xf32>,
        %swap3A_437 = vector.shape_cast %swap3A_436 : vector<1x16xf32> to vector<16xf32>
        %swap3A_438 = vector.shape_cast %add3A_428 : vector<16xf32> to vector<1x16xf32>
        tpu.vector_store %arg16[%swap3A_434, %swap3A_435], %swap3A_438 {strides = array<i32>} : memref<512x16xf32, #tpu.memory_space<vmem>>, vector<1x16xf32>,
        %mul3A_439 = arith.constant 8 : i32
        %mul3A_440 = arith.muli %scan3A_244, %mul3A_439 : i32
        %add3A_441 = arith.constant 7 : i32
        %add3A_442 = arith.addi %mul3A_440, %add3A_441 : i32
        %get3A_443 = arith.index_cast %scan3A_244 : i32 to index
        %get3A_444 = arith.constant 112 : index
        %get3A_445 = tpu.vector_load %arg12[%get3A_443, %get3A_444] {strides = array<i32>} : memref<64x128xf32, #tpu.memory_space<vmem>>, vector<1x16xf32>,
        %get3A_446 = vector.shape_cast %get3A_445 : vector<1x16xf32> to vector<16xf32>
        %get3A_447 = arith.index_cast %add3A_442 : i32 to index
        %get3A_448 = arith.constant 0 : index
        %get3A_449 = tpu.vector_load %arg13[%get3A_447, %get3A_448] {strides = array<i32>} : memref<512x16xf32, #tpu.memory_space<vmem>>, vector<1x16xf32>,
        %get3A_450 = vector.shape_cast %get3A_449 : vector<1x16xf32> to vector<16xf32>
        %add3A_451 = arith.addf %get3A_446, %get3A_450 : vector<16xf32>
        %get3A_452 = arith.index_cast %add3A_442 : i32 to index
        %get3A_453 = arith.constant 0 : index
        %get3A_454 = tpu.vector_load %arg14[%get3A_452, %get3A_453] {strides = array<i32>} : memref<512x16xf32, #tpu.memory_space<vmem>>, vector<1x16xf32>,
        %get3A_455 = vector.shape_cast %get3A_454 : vector<1x16xf32> to vector<16xf32>
        %add3A_456 = arith.addf %add3A_451, %get3A_455 : vector<16xf32>
        %swap3A_457 = arith.index_cast %scan3A_244 : i32 to index
        %swap3A_458 = arith.constant 112 : index
        %swap3A_459 = tpu.vector_load %arg15[%swap3A_457, %swap3A_458] {strides = array<i32>} : memref<64x128xf32, #tpu.memory_space<vmem>>, vector<1x16xf32>,
        %swap3A_460 = vector.shape_cast %swap3A_459 : vector<1x16xf32> to vector<16xf32>
        %swap3A_461 = vector.shape_cast %add3A_456 : vector<16xf32> to vector<1x16xf32>
        tpu.vector_store %arg15[%swap3A_457, %swap3A_458], %swap3A_461 {strides = array<i32>} : memref<64x128xf32, #tpu.memory_space<vmem>>, vector<1x16xf32>,
        %swap3A_462 = arith.index_cast %add3A_442 : i32 to index
        %swap3A_463 = arith.constant 0 : index
        %swap3A_464 = tpu.vector_load %arg16[%swap3A_462, %swap3A_463] {strides = array<i32>} : memref<512x16xf32, #tpu.memory_space<vmem>>, vector<1x16xf32>,
        %swap3A_465 = vector.shape_cast %swap3A_464 : vector<1x16xf32> to vector<16xf32>
        %swap3A_466 = vector.shape_cast %add3A_456 : vector<16xf32> to vector<1x16xf32>
        tpu.vector_store %arg16[%swap3A_462, %swap3A_463], %swap3A_466 {strides = array<i32>} : memref<512x16xf32, #tpu.memory_space<vmem>>, vector<1x16xf32>,
      }
      %scan3A_155 = arith.constant 16 : i32
      %run_scoped3A_156 = arith.constant 1 : i32
      "tpu.region"() ({
        %run_scoped3A_244 = tpu.sem_alloc : memref<!tpu.dma_semaphore, #tpu.memory_space<semaphore_mem>>
        %dma_start3A_245 = arith.constant 128 : i32
        %dma_start3A_246 = arith.constant 0 : i32
        %dma_start3A_247 = tpu.memref_slice %arg16[%dma_start3A_245, %dma_start3A_246] : memref<512x16xf32, #tpu.memory_space<vmem>> -> memref<128x16xf32, #tpu.memory_space<vmem>>
        %dma_start3A_248 = arith.constant 0 : i32
        %dma_start3A_249 = tpu.memref_slice %arg10[%run_scoped3A_156, %dma_start3A_248] : memref<4x128xi32, #tpu.memory_space<vmem>> -> memref<1x128xi32, #tpu.memory_space<vmem>>
        %dma_start3A_250 = tpu.memref_squeeze %dma_start3A_249 : memref<1x128xi32, #tpu.memory_space<vmem>> -> memref<128xi32, #tpu.memory_space<vmem>>
        %dma_start3A_251 = arith.constant 0 : i32
        %dma_start3A_252 = arith.constant 0 : i32
        %dma_start3A_253 = tpu.memref_slice %arg18[%dma_start3A_251, %dma_start3A_252] : memref<10000x16xf32, #tpu.memory_space<vmem_shared>> -> memref<10000x16xf32, #tpu.memory_space<vmem_shared>>
        tpu.enqueue_indirect_dma source(%dma_start3A_247 : memref<128x16xf32, #tpu.memory_space<vmem>>) target(%dma_start3A_253 : memref<10000x16xf32, #tpu.memory_space<vmem_shared>>) offsets(%dma_start3A_250 : memref<128xi32, #tpu.memory_space<vmem>>) semaphore(%run_scoped3A_244 : memref<!tpu.dma_semaphore, #tpu.memory_space<semaphore_mem>>) {add = true}
        %dma_wait3A_254 = arith.constant 128 : i32
        %dma_wait3A_255 = arith.constant 0 : i32
        %dma_wait3A_256 = tpu.memref_slice %arg16[%dma_wait3A_254, %dma_wait3A_255] : memref<512x16xf32, #tpu.memory_space<vmem>> -> memref<128x16xf32, #tpu.memory_space<vmem>>
        %dma_wait3A_257 = arith.constant 0 : i32
        %dma_wait3A_258 = tpu.memref_slice %arg10[%run_scoped3A_156, %dma_wait3A_257] : memref<4x128xi32, #tpu.memory_space<vmem>> -> memref<1x128xi32, #tpu.memory_space<vmem>>
        %dma_wait3A_259 = tpu.memref_squeeze %dma_wait3A_258 : memref<1x128xi32, #tpu.memory_space<vmem>> -> memref<128xi32, #tpu.memory_space<vmem>>
        %dma_wait3A_260 = arith.constant 0 : i32
        %dma_wait3A_261 = arith.constant 0 : i32
        %dma_wait3A_262 = tpu.memref_slice %arg18[%dma_wait3A_260, %dma_wait3A_261] : memref<10000x16xf32, #tpu.memory_space<vmem_shared>> -> memref<10000x16xf32, #tpu.memory_space<vmem_shared>>
        tpu.wait_indirect_dma semaphore(%run_scoped3A_244 : memref<!tpu.dma_semaphore, #tpu.memory_space<semaphore_mem>>) src(%dma_wait3A_256 : memref<128x16xf32, #tpu.memory_space<vmem>>) dst(%dma_wait3A_262 : memref<10000x16xf32, #tpu.memory_space<vmem_shared>>)
        tpu.yield
      }) : () -> ()
      %run_scoped3A_157 = arith.constant 1 : i32
      "tpu.region"() ({
        %run_scoped3A_244 = tpu.sem_alloc : memref<!tpu.dma_semaphore, #tpu.memory_space<semaphore_mem>>
        %dma_start3A_245 = arith.constant 128 : i32
        %dma_start3A_246 = arith.constant 0 : i32
        %dma_start3A_247 = tpu.memref_slice %arg16[%dma_start3A_245, %dma_start3A_246] : memref<512x16xf32, #tpu.memory_space<vmem>> -> memref<128x16xf32, #tpu.memory_space<vmem>>
        %dma_start3A_248 = arith.constant 0 : i32
        %dma_start3A_249 = tpu.memref_slice %arg11[%run_scoped3A_157, %dma_start3A_248] : memref<4x128xi32, #tpu.memory_space<vmem>> -> memref<1x128xi32, #tpu.memory_space<vmem>>
        %dma_start3A_250 = tpu.memref_squeeze %dma_start3A_249 : memref<1x128xi32, #tpu.memory_space<vmem>> -> memref<128xi32, #tpu.memory_space<vmem>>
        %dma_start3A_251 = arith.constant 0 : i32
        %dma_start3A_252 = arith.constant 0 : i32
        %dma_start3A_253 = tpu.memref_slice %arg19[%dma_start3A_251, %dma_start3A_252] : memref<10000x16xf32, #tpu.memory_space<vmem_shared>> -> memref<10000x16xf32, #tpu.memory_space<vmem_shared>>
        tpu.enqueue_indirect_dma source(%dma_start3A_247 : memref<128x16xf32, #tpu.memory_space<vmem>>) target(%dma_start3A_253 : memref<10000x16xf32, #tpu.memory_space<vmem_shared>>) offsets(%dma_start3A_250 : memref<128xi32, #tpu.memory_space<vmem>>) semaphore(%run_scoped3A_244 : memref<!tpu.dma_semaphore, #tpu.memory_space<semaphore_mem>>) {add = true}
        %dma_wait3A_254 = arith.constant 128 : i32
        %dma_wait3A_255 = arith.constant 0 : i32
        %dma_wait3A_256 = tpu.memref_slice %arg16[%dma_wait3A_254, %dma_wait3A_255] : memref<512x16xf32, #tpu.memory_space<vmem>> -> memref<128x16xf32, #tpu.memory_space<vmem>>
        %dma_wait3A_257 = arith.constant 0 : i32
        %dma_wait3A_258 = tpu.memref_slice %arg11[%run_scoped3A_157, %dma_wait3A_257] : memref<4x128xi32, #tpu.memory_space<vmem>> -> memref<1x128xi32, #tpu.memory_space<vmem>>
        %dma_wait3A_259 = tpu.memref_squeeze %dma_wait3A_258 : memref<1x128xi32, #tpu.memory_space<vmem>> -> memref<128xi32, #tpu.memory_space<vmem>>
        %dma_wait3A_260 = arith.constant 0 : i32
        %dma_wait3A_261 = arith.constant 0 : i32
        %dma_wait3A_262 = tpu.memref_slice %arg19[%dma_wait3A_260, %dma_wait3A_261] : memref<10000x16xf32, #tpu.memory_space<vmem_shared>> -> memref<10000x16xf32, #tpu.memory_space<vmem_shared>>
        tpu.wait_indirect_dma semaphore(%run_scoped3A_244 : memref<!tpu.dma_semaphore, #tpu.memory_space<semaphore_mem>>) src(%dma_wait3A_256 : memref<128x16xf32, #tpu.memory_space<vmem>>) dst(%dma_wait3A_262 : memref<10000x16xf32, #tpu.memory_space<vmem_shared>>)
        tpu.yield
      }) : () -> ()
      %dma_wait3A_158 = arith.constant 2 : i32
      %dma_wait3A_159 = arith.constant 256 : i32
      %dma_wait3A_160 = arith.constant 0 : i32
      %dma_wait3A_161 = tpu.memref_slice %arg13[%dma_wait3A_159, %dma_wait3A_160] : memref<512x16xf32, #tpu.memory_space<vmem>> -> memref<128x16xf32, #tpu.memory_space<vmem>>
      %dma_wait3A_162 = arith.constant 0 : i32
      %dma_wait3A_163 = tpu.memref_slice %arg10[%dma_wait3A_158, %dma_wait3A_162] : memref<4x128xi32, #tpu.memory_space<vmem>> -> memref<1x128xi32, #tpu.memory_space<vmem>>
      %dma_wait3A_164 = tpu.memref_squeeze %dma_wait3A_163 : memref<1x128xi32, #tpu.memory_space<vmem>> -> memref<128xi32, #tpu.memory_space<vmem>>
      %dma_wait3A_165 = arith.constant 0 : i32
      %dma_wait3A_166 = arith.constant 0 : i32
      %dma_wait3A_167 = tpu.memref_slice %arg5[%dma_wait3A_165, %dma_wait3A_166] : memref<10000x16xf32, #tpu.memory_space<hbm>> -> memref<10000x16xf32, #tpu.memory_space<hbm>>
      tpu.wait_indirect_dma semaphore(%arg20 : memref<!tpu.dma_semaphore, #tpu.memory_space<semaphore_mem>>) src(%dma_wait3A_167 : memref<10000x16xf32, #tpu.memory_space<hbm>>) dst(%dma_wait3A_161 : memref<128x16xf32, #tpu.memory_space<vmem>>)
      %dma_wait3A_168 = arith.constant 2 : i32
      %dma_wait3A_169 = arith.constant 256 : i32
      %dma_wait3A_170 = arith.constant 0 : i32
      %dma_wait3A_171 = tpu.memref_slice %arg14[%dma_wait3A_169, %dma_wait3A_170] : memref<512x16xf32, #tpu.memory_space<vmem>> -> memref<128x16xf32, #tpu.memory_space<vmem>>
      %dma_wait3A_172 = arith.constant 0 : i32
      %dma_wait3A_173 = tpu.memref_slice %arg11[%dma_wait3A_168, %dma_wait3A_172] : memref<4x128xi32, #tpu.memory_space<vmem>> -> memref<1x128xi32, #tpu.memory_space<vmem>>
      %dma_wait3A_174 = tpu.memref_squeeze %dma_wait3A_173 : memref<1x128xi32, #tpu.memory_space<vmem>> -> memref<128xi32, #tpu.memory_space<vmem>>
      %dma_wait3A_175 = arith.constant 0 : i32
      %dma_wait3A_176 = arith.constant 0 : i32
      %dma_wait3A_177 = tpu.memref_slice %arg6[%dma_wait3A_175, %dma_wait3A_176] : memref<10000x16xf32, #tpu.memory_space<hbm>> -> memref<10000x16xf32, #tpu.memory_space<hbm>>
      tpu.wait_indirect_dma semaphore(%arg20 : memref<!tpu.dma_semaphore, #tpu.memory_space<semaphore_mem>>) src(%dma_wait3A_177 : memref<10000x16xf32, #tpu.memory_space<hbm>>) dst(%dma_wait3A_171 : memref<128x16xf32, #tpu.memory_space<vmem>>)
      %dma_start3A_178 = arith.constant 3 : i32
      %dma_start3A_179 = arith.constant 384 : i32
      %dma_start3A_180 = arith.constant 0 : i32
      %dma_start3A_181 = tpu.memref_slice %arg13[%dma_start3A_179, %dma_start3A_180] : memref<512x16xf32, #tpu.memory_space<vmem>> -> memref<128x16xf32, #tpu.memory_space<vmem>>
      %dma_start3A_182 = arith.constant 0 : i32
      %dma_start3A_183 = tpu.memref_slice %arg10[%dma_start3A_178, %dma_start3A_182] : memref<4x128xi32, #tpu.memory_space<vmem>> -> memref<1x128xi32, #tpu.memory_space<vmem>>
      %dma_start3A_184 = tpu.memref_squeeze %dma_start3A_183 : memref<1x128xi32, #tpu.memory_space<vmem>> -> memref<128xi32, #tpu.memory_space<vmem>>
      %dma_start3A_185 = arith.constant 0 : i32
      %dma_start3A_186 = arith.constant 0 : i32
      %dma_start3A_187 = tpu.memref_slice %arg5[%dma_start3A_185, %dma_start3A_186] : memref<10000x16xf32, #tpu.memory_space<hbm>> -> memref<10000x16xf32, #tpu.memory_space<hbm>>
      tpu.enqueue_indirect_dma source(%dma_start3A_187 : memref<10000x16xf32, #tpu.memory_space<hbm>>) target(%dma_start3A_181 : memref<128x16xf32, #tpu.memory_space<vmem>>) offsets(%dma_start3A_184 : memref<128xi32, #tpu.memory_space<vmem>>) semaphore(%arg20 : memref<!tpu.dma_semaphore, #tpu.memory_space<semaphore_mem>>)
      %dma_start3A_188 = arith.constant 3 : i32
      %dma_start3A_189 = arith.constant 384 : i32
      %dma_start3A_190 = arith.constant 0 : i32
      %dma_start3A_191 = tpu.memref_slice %arg14[%dma_start3A_189, %dma_start3A_190] : memref<512x16xf32, #tpu.memory_space<vmem>> -> memref<128x16xf32, #tpu.memory_space<vmem>>
      %dma_start3A_192 = arith.constant 0 : i32
      %dma_start3A_193 = tpu.memref_slice %arg11[%dma_start3A_188, %dma_start3A_192] : memref<4x128xi32, #tpu.memory_space<vmem>> -> memref<1x128xi32, #tpu.memory_space<vmem>>
      %dma_start3A_194 = tpu.memref_squeeze %dma_start3A_193 : memref<1x128xi32, #tpu.memory_space<vmem>> -> memref<128xi32, #tpu.memory_space<vmem>>
      %dma_start3A_195 = arith.constant 0 : i32
      %dma_start3A_196 = arith.constant 0 : i32
      %dma_start3A_197 = tpu.memref_slice %arg6[%dma_start3A_195, %dma_start3A_196] : memref<10000x16xf32, #tpu.memory_space<hbm>> -> memref<10000x16xf32, #tpu.memory_space<hbm>>
      tpu.enqueue_indirect_dma source(%dma_start3A_197 : memref<10000x16xf32, #tpu.memory_space<hbm>>) target(%dma_start3A_191 : memref<128x16xf32, #tpu.memory_space<vmem>>) offsets(%dma_start3A_194 : memref<128xi32, #tpu.memory_space<vmem>>) semaphore(%arg20 : memref<!tpu.dma_semaphore, #tpu.memory_space<semaphore_mem>>)
      %scan3A_198 = arith.constant 0 : i32
      %scan3A_199 = arith.constant 32 : i32
      %scan3A_200 = arith.constant 16 : i32
      %scan3A_201 = arith.addi %scan3A_199, %scan3A_200 : i32
      %scan3A_202 = arith.constant 1 : i32
      scf.for %scan3A_244 = %scan3A_199 to %scan3A_201 step %scan3A_202  : i32 {
        %mul3A_245 = arith.constant 8 : i32
        %mul3A_246 = arith.muli %scan3A_244, %mul3A_245 : i32
        %add3A_247 = arith.constant 0 : i32
        %add3A_248 = arith.addi %mul3A_246, %add3A_247 : i32
        %get3A = arith.index_cast %scan3A_244 : i32 to index
        %get3A_249 = arith.constant 0 : index
        %get3A_250 = tpu.vector_load %arg12[%get3A, %get3A_249] {strides = array<i32>} : memref<64x128xf32, #tpu.memory_space<vmem>>, vector<1x16xf32>,
        %get3A_251 = vector.shape_cast %get3A_250 : vector<1x16xf32> to vector<16xf32>
        %get3A_252 = arith.index_cast %add3A_248 : i32 to index
        %get3A_253 = arith.constant 0 : index
        %get3A_254 = tpu.vector_load %arg13[%get3A_252, %get3A_253] {strides = array<i32>} : memref<512x16xf32, #tpu.memory_space<vmem>>, vector<1x16xf32>,
        %get3A_255 = vector.shape_cast %get3A_254 : vector<1x16xf32> to vector<16xf32>
        %add3A_256 = arith.addf %get3A_251, %get3A_255 : vector<16xf32>
        %get3A_257 = arith.index_cast %add3A_248 : i32 to index
        %get3A_258 = arith.constant 0 : index
        %get3A_259 = tpu.vector_load %arg14[%get3A_257, %get3A_258] {strides = array<i32>} : memref<512x16xf32, #tpu.memory_space<vmem>>, vector<1x16xf32>,
        %get3A_260 = vector.shape_cast %get3A_259 : vector<1x16xf32> to vector<16xf32>
        %add3A_261 = arith.addf %add3A_256, %get3A_260 : vector<16xf32>
        %swap3A = arith.index_cast %scan3A_244 : i32 to index
        %swap3A_262 = arith.constant 0 : index
        %swap3A_263 = tpu.vector_load %arg15[%swap3A, %swap3A_262] {strides = array<i32>} : memref<64x128xf32, #tpu.memory_space<vmem>>, vector<1x16xf32>,
        %swap3A_264 = vector.shape_cast %swap3A_263 : vector<1x16xf32> to vector<16xf32>
        %swap3A_265 = vector.shape_cast %add3A_261 : vector<16xf32> to vector<1x16xf32>
        tpu.vector_store %arg15[%swap3A, %swap3A_262], %swap3A_265 {strides = array<i32>} : memref<64x128xf32, #tpu.memory_space<vmem>>, vector<1x16xf32>,
        %swap3A_266 = arith.index_cast %add3A_248 : i32 to index
        %swap3A_267 = arith.constant 0 : index
        %swap3A_268 = tpu.vector_load %arg16[%swap3A_266, %swap3A_267] {strides = array<i32>} : memref<512x16xf32, #tpu.memory_space<vmem>>, vector<1x16xf32>,
        %swap3A_269 = vector.shape_cast %swap3A_268 : vector<1x16xf32> to vector<16xf32>
        %swap3A_270 = vector.shape_cast %add3A_261 : vector<16xf32> to vector<1x16xf32>
        tpu.vector_store %arg16[%swap3A_266, %swap3A_267], %swap3A_270 {strides = array<i32>} : memref<512x16xf32, #tpu.memory_space<vmem>>, vector<1x16xf32>,
        %mul3A_271 = arith.constant 8 : i32
        %mul3A_272 = arith.muli %scan3A_244, %mul3A_271 : i32
        %add3A_273 = arith.constant 1 : i32
        %add3A_274 = arith.addi %mul3A_272, %add3A_273 : i32
        %get3A_275 = arith.index_cast %scan3A_244 : i32 to index
        %get3A_276 = arith.constant 16 : index
        %get3A_277 = tpu.vector_load %arg12[%get3A_275, %get3A_276] {strides = array<i32>} : memref<64x128xf32, #tpu.memory_space<vmem>>, vector<1x16xf32>,
        %get3A_278 = vector.shape_cast %get3A_277 : vector<1x16xf32> to vector<16xf32>
        %get3A_279 = arith.index_cast %add3A_274 : i32 to index
        %get3A_280 = arith.constant 0 : index
        %get3A_281 = tpu.vector_load %arg13[%get3A_279, %get3A_280] {strides = array<i32>} : memref<512x16xf32, #tpu.memory_space<vmem>>, vector<1x16xf32>,
        %get3A_282 = vector.shape_cast %get3A_281 : vector<1x16xf32> to vector<16xf32>
        %add3A_283 = arith.addf %get3A_278, %get3A_282 : vector<16xf32>
        %get3A_284 = arith.index_cast %add3A_274 : i32 to index
        %get3A_285 = arith.constant 0 : index
        %get3A_286 = tpu.vector_load %arg14[%get3A_284, %get3A_285] {strides = array<i32>} : memref<512x16xf32, #tpu.memory_space<vmem>>, vector<1x16xf32>,
        %get3A_287 = vector.shape_cast %get3A_286 : vector<1x16xf32> to vector<16xf32>
        %add3A_288 = arith.addf %add3A_283, %get3A_287 : vector<16xf32>
        %swap3A_289 = arith.index_cast %scan3A_244 : i32 to index
        %swap3A_290 = arith.constant 16 : index
        %swap3A_291 = tpu.vector_load %arg15[%swap3A_289, %swap3A_290] {strides = array<i32>} : memref<64x128xf32, #tpu.memory_space<vmem>>, vector<1x16xf32>,
        %swap3A_292 = vector.shape_cast %swap3A_291 : vector<1x16xf32> to vector<16xf32>
        %swap3A_293 = vector.shape_cast %add3A_288 : vector<16xf32> to vector<1x16xf32>
        tpu.vector_store %arg15[%swap3A_289, %swap3A_290], %swap3A_293 {strides = array<i32>} : memref<64x128xf32, #tpu.memory_space<vmem>>, vector<1x16xf32>,
        %swap3A_294 = arith.index_cast %add3A_274 : i32 to index
        %swap3A_295 = arith.constant 0 : index
        %swap3A_296 = tpu.vector_load %arg16[%swap3A_294, %swap3A_295] {strides = array<i32>} : memref<512x16xf32, #tpu.memory_space<vmem>>, vector<1x16xf32>,
        %swap3A_297 = vector.shape_cast %swap3A_296 : vector<1x16xf32> to vector<16xf32>
        %swap3A_298 = vector.shape_cast %add3A_288 : vector<16xf32> to vector<1x16xf32>
        tpu.vector_store %arg16[%swap3A_294, %swap3A_295], %swap3A_298 {strides = array<i32>} : memref<512x16xf32, #tpu.memory_space<vmem>>, vector<1x16xf32>,
        %mul3A_299 = arith.constant 8 : i32
        %mul3A_300 = arith.muli %scan3A_244, %mul3A_299 : i32
        %add3A_301 = arith.constant 2 : i32
        %add3A_302 = arith.addi %mul3A_300, %add3A_301 : i32
        %get3A_303 = arith.index_cast %scan3A_244 : i32 to index
        %get3A_304 = arith.constant 32 : index
        %get3A_305 = tpu.vector_load %arg12[%get3A_303, %get3A_304] {strides = array<i32>} : memref<64x128xf32, #tpu.memory_space<vmem>>, vector<1x16xf32>,
        %get3A_306 = vector.shape_cast %get3A_305 : vector<1x16xf32> to vector<16xf32>
        %get3A_307 = arith.index_cast %add3A_302 : i32 to index
        %get3A_308 = arith.constant 0 : index
        %get3A_309 = tpu.vector_load %arg13[%get3A_307, %get3A_308] {strides = array<i32>} : memref<512x16xf32, #tpu.memory_space<vmem>>, vector<1x16xf32>,
        %get3A_310 = vector.shape_cast %get3A_309 : vector<1x16xf32> to vector<16xf32>
        %add3A_311 = arith.addf %get3A_306, %get3A_310 : vector<16xf32>
        %get3A_312 = arith.index_cast %add3A_302 : i32 to index
        %get3A_313 = arith.constant 0 : index
        %get3A_314 = tpu.vector_load %arg14[%get3A_312, %get3A_313] {strides = array<i32>} : memref<512x16xf32, #tpu.memory_space<vmem>>, vector<1x16xf32>,
        %get3A_315 = vector.shape_cast %get3A_314 : vector<1x16xf32> to vector<16xf32>
        %add3A_316 = arith.addf %add3A_311, %get3A_315 : vector<16xf32>
        %swap3A_317 = arith.index_cast %scan3A_244 : i32 to index
        %swap3A_318 = arith.constant 32 : index
        %swap3A_319 = tpu.vector_load %arg15[%swap3A_317, %swap3A_318] {strides = array<i32>} : memref<64x128xf32, #tpu.memory_space<vmem>>, vector<1x16xf32>,
        %swap3A_320 = vector.shape_cast %swap3A_319 : vector<1x16xf32> to vector<16xf32>
        %swap3A_321 = vector.shape_cast %add3A_316 : vector<16xf32> to vector<1x16xf32>
        tpu.vector_store %arg15[%swap3A_317, %swap3A_318], %swap3A_321 {strides = array<i32>} : memref<64x128xf32, #tpu.memory_space<vmem>>, vector<1x16xf32>,
        %swap3A_322 = arith.index_cast %add3A_302 : i32 to index
        %swap3A_323 = arith.constant 0 : index
        %swap3A_324 = tpu.vector_load %arg16[%swap3A_322, %swap3A_323] {strides = array<i32>} : memref<512x16xf32, #tpu.memory_space<vmem>>, vector<1x16xf32>,
        %swap3A_325 = vector.shape_cast %swap3A_324 : vector<1x16xf32> to vector<16xf32>
        %swap3A_326 = vector.shape_cast %add3A_316 : vector<16xf32> to vector<1x16xf32>
        tpu.vector_store %arg16[%swap3A_322, %swap3A_323], %swap3A_326 {strides = array<i32>} : memref<512x16xf32, #tpu.memory_space<vmem>>, vector<1x16xf32>,
        %mul3A_327 = arith.constant 8 : i32
        %mul3A_328 = arith.muli %scan3A_244, %mul3A_327 : i32
        %add3A_329 = arith.constant 3 : i32
        %add3A_330 = arith.addi %mul3A_328, %add3A_329 : i32
        %get3A_331 = arith.index_cast %scan3A_244 : i32 to index
        %get3A_332 = arith.constant 48 : index
        %get3A_333 = tpu.vector_load %arg12[%get3A_331, %get3A_332] {strides = array<i32>} : memref<64x128xf32, #tpu.memory_space<vmem>>, vector<1x16xf32>,
        %get3A_334 = vector.shape_cast %get3A_333 : vector<1x16xf32> to vector<16xf32>
        %get3A_335 = arith.index_cast %add3A_330 : i32 to index
        %get3A_336 = arith.constant 0 : index
        %get3A_337 = tpu.vector_load %arg13[%get3A_335, %get3A_336] {strides = array<i32>} : memref<512x16xf32, #tpu.memory_space<vmem>>, vector<1x16xf32>,
        %get3A_338 = vector.shape_cast %get3A_337 : vector<1x16xf32> to vector<16xf32>
        %add3A_339 = arith.addf %get3A_334, %get3A_338 : vector<16xf32>
        %get3A_340 = arith.index_cast %add3A_330 : i32 to index
        %get3A_341 = arith.constant 0 : index
        %get3A_342 = tpu.vector_load %arg14[%get3A_340, %get3A_341] {strides = array<i32>} : memref<512x16xf32, #tpu.memory_space<vmem>>, vector<1x16xf32>,
        %get3A_343 = vector.shape_cast %get3A_342 : vector<1x16xf32> to vector<16xf32>
        %add3A_344 = arith.addf %add3A_339, %get3A_343 : vector<16xf32>
        %swap3A_345 = arith.index_cast %scan3A_244 : i32 to index
        %swap3A_346 = arith.constant 48 : index
        %swap3A_347 = tpu.vector_load %arg15[%swap3A_345, %swap3A_346] {strides = array<i32>} : memref<64x128xf32, #tpu.memory_space<vmem>>, vector<1x16xf32>,
        %swap3A_348 = vector.shape_cast %swap3A_347 : vector<1x16xf32> to vector<16xf32>
        %swap3A_349 = vector.shape_cast %add3A_344 : vector<16xf32> to vector<1x16xf32>
        tpu.vector_store %arg15[%swap3A_345, %swap3A_346], %swap3A_349 {strides = array<i32>} : memref<64x128xf32, #tpu.memory_space<vmem>>, vector<1x16xf32>,
        %swap3A_350 = arith.index_cast %add3A_330 : i32 to index
        %swap3A_351 = arith.constant 0 : index
        %swap3A_352 = tpu.vector_load %arg16[%swap3A_350, %swap3A_351] {strides = array<i32>} : memref<512x16xf32, #tpu.memory_space<vmem>>, vector<1x16xf32>,
        %swap3A_353 = vector.shape_cast %swap3A_352 : vector<1x16xf32> to vector<16xf32>
        %swap3A_354 = vector.shape_cast %add3A_344 : vector<16xf32> to vector<1x16xf32>
        tpu.vector_store %arg16[%swap3A_350, %swap3A_351], %swap3A_354 {strides = array<i32>} : memref<512x16xf32, #tpu.memory_space<vmem>>, vector<1x16xf32>,
        %mul3A_355 = arith.constant 8 : i32
        %mul3A_356 = arith.muli %scan3A_244, %mul3A_355 : i32
        %add3A_357 = arith.constant 4 : i32
        %add3A_358 = arith.addi %mul3A_356, %add3A_357 : i32
        %get3A_359 = arith.index_cast %scan3A_244 : i32 to index
        %get3A_360 = arith.constant 64 : index
        %get3A_361 = tpu.vector_load %arg12[%get3A_359, %get3A_360] {strides = array<i32>} : memref<64x128xf32, #tpu.memory_space<vmem>>, vector<1x16xf32>,
        %get3A_362 = vector.shape_cast %get3A_361 : vector<1x16xf32> to vector<16xf32>
        %get3A_363 = arith.index_cast %add3A_358 : i32 to index
        %get3A_364 = arith.constant 0 : index
        %get3A_365 = tpu.vector_load %arg13[%get3A_363, %get3A_364] {strides = array<i32>} : memref<512x16xf32, #tpu.memory_space<vmem>>, vector<1x16xf32>,
        %get3A_366 = vector.shape_cast %get3A_365 : vector<1x16xf32> to vector<16xf32>
        %add3A_367 = arith.addf %get3A_362, %get3A_366 : vector<16xf32>
        %get3A_368 = arith.index_cast %add3A_358 : i32 to index
        %get3A_369 = arith.constant 0 : index
        %get3A_370 = tpu.vector_load %arg14[%get3A_368, %get3A_369] {strides = array<i32>} : memref<512x16xf32, #tpu.memory_space<vmem>>, vector<1x16xf32>,
        %get3A_371 = vector.shape_cast %get3A_370 : vector<1x16xf32> to vector<16xf32>
        %add3A_372 = arith.addf %add3A_367, %get3A_371 : vector<16xf32>
        %swap3A_373 = arith.index_cast %scan3A_244 : i32 to index
        %swap3A_374 = arith.constant 64 : index
        %swap3A_375 = tpu.vector_load %arg15[%swap3A_373, %swap3A_374] {strides = array<i32>} : memref<64x128xf32, #tpu.memory_space<vmem>>, vector<1x16xf32>,
        %swap3A_376 = vector.shape_cast %swap3A_375 : vector<1x16xf32> to vector<16xf32>
        %swap3A_377 = vector.shape_cast %add3A_372 : vector<16xf32> to vector<1x16xf32>
        tpu.vector_store %arg15[%swap3A_373, %swap3A_374], %swap3A_377 {strides = array<i32>} : memref<64x128xf32, #tpu.memory_space<vmem>>, vector<1x16xf32>,
        %swap3A_378 = arith.index_cast %add3A_358 : i32 to index
        %swap3A_379 = arith.constant 0 : index
        %swap3A_380 = tpu.vector_load %arg16[%swap3A_378, %swap3A_379] {strides = array<i32>} : memref<512x16xf32, #tpu.memory_space<vmem>>, vector<1x16xf32>,
        %swap3A_381 = vector.shape_cast %swap3A_380 : vector<1x16xf32> to vector<16xf32>
        %swap3A_382 = vector.shape_cast %add3A_372 : vector<16xf32> to vector<1x16xf32>
        tpu.vector_store %arg16[%swap3A_378, %swap3A_379], %swap3A_382 {strides = array<i32>} : memref<512x16xf32, #tpu.memory_space<vmem>>, vector<1x16xf32>,
        %mul3A_383 = arith.constant 8 : i32
        %mul3A_384 = arith.muli %scan3A_244, %mul3A_383 : i32
        %add3A_385 = arith.constant 5 : i32
        %add3A_386 = arith.addi %mul3A_384, %add3A_385 : i32
        %get3A_387 = arith.index_cast %scan3A_244 : i32 to index
        %get3A_388 = arith.constant 80 : index
        %get3A_389 = tpu.vector_load %arg12[%get3A_387, %get3A_388] {strides = array<i32>} : memref<64x128xf32, #tpu.memory_space<vmem>>, vector<1x16xf32>,
        %get3A_390 = vector.shape_cast %get3A_389 : vector<1x16xf32> to vector<16xf32>
        %get3A_391 = arith.index_cast %add3A_386 : i32 to index
        %get3A_392 = arith.constant 0 : index
        %get3A_393 = tpu.vector_load %arg13[%get3A_391, %get3A_392] {strides = array<i32>} : memref<512x16xf32, #tpu.memory_space<vmem>>, vector<1x16xf32>,
        %get3A_394 = vector.shape_cast %get3A_393 : vector<1x16xf32> to vector<16xf32>
        %add3A_395 = arith.addf %get3A_390, %get3A_394 : vector<16xf32>
        %get3A_396 = arith.index_cast %add3A_386 : i32 to index
        %get3A_397 = arith.constant 0 : index
        %get3A_398 = tpu.vector_load %arg14[%get3A_396, %get3A_397] {strides = array<i32>} : memref<512x16xf32, #tpu.memory_space<vmem>>, vector<1x16xf32>,
        %get3A_399 = vector.shape_cast %get3A_398 : vector<1x16xf32> to vector<16xf32>
        %add3A_400 = arith.addf %add3A_395, %get3A_399 : vector<16xf32>
        %swap3A_401 = arith.index_cast %scan3A_244 : i32 to index
        %swap3A_402 = arith.constant 80 : index
        %swap3A_403 = tpu.vector_load %arg15[%swap3A_401, %swap3A_402] {strides = array<i32>} : memref<64x128xf32, #tpu.memory_space<vmem>>, vector<1x16xf32>,
        %swap3A_404 = vector.shape_cast %swap3A_403 : vector<1x16xf32> to vector<16xf32>
        %swap3A_405 = vector.shape_cast %add3A_400 : vector<16xf32> to vector<1x16xf32>
        tpu.vector_store %arg15[%swap3A_401, %swap3A_402], %swap3A_405 {strides = array<i32>} : memref<64x128xf32, #tpu.memory_space<vmem>>, vector<1x16xf32>,
        %swap3A_406 = arith.index_cast %add3A_386 : i32 to index
        %swap3A_407 = arith.constant 0 : index
        %swap3A_408 = tpu.vector_load %arg16[%swap3A_406, %swap3A_407] {strides = array<i32>} : memref<512x16xf32, #tpu.memory_space<vmem>>, vector<1x16xf32>,
        %swap3A_409 = vector.shape_cast %swap3A_408 : vector<1x16xf32> to vector<16xf32>
        %swap3A_410 = vector.shape_cast %add3A_400 : vector<16xf32> to vector<1x16xf32>
        tpu.vector_store %arg16[%swap3A_406, %swap3A_407], %swap3A_410 {strides = array<i32>} : memref<512x16xf32, #tpu.memory_space<vmem>>, vector<1x16xf32>,
        %mul3A_411 = arith.constant 8 : i32
        %mul3A_412 = arith.muli %scan3A_244, %mul3A_411 : i32
        %add3A_413 = arith.constant 6 : i32
        %add3A_414 = arith.addi %mul3A_412, %add3A_413 : i32
        %get3A_415 = arith.index_cast %scan3A_244 : i32 to index
        %get3A_416 = arith.constant 96 : index
        %get3A_417 = tpu.vector_load %arg12[%get3A_415, %get3A_416] {strides = array<i32>} : memref<64x128xf32, #tpu.memory_space<vmem>>, vector<1x16xf32>,
        %get3A_418 = vector.shape_cast %get3A_417 : vector<1x16xf32> to vector<16xf32>
        %get3A_419 = arith.index_cast %add3A_414 : i32 to index
        %get3A_420 = arith.constant 0 : index
        %get3A_421 = tpu.vector_load %arg13[%get3A_419, %get3A_420] {strides = array<i32>} : memref<512x16xf32, #tpu.memory_space<vmem>>, vector<1x16xf32>,
        %get3A_422 = vector.shape_cast %get3A_421 : vector<1x16xf32> to vector<16xf32>
        %add3A_423 = arith.addf %get3A_418, %get3A_422 : vector<16xf32>
        %get3A_424 = arith.index_cast %add3A_414 : i32 to index
        %get3A_425 = arith.constant 0 : index
        %get3A_426 = tpu.vector_load %arg14[%get3A_424, %get3A_425] {strides = array<i32>} : memref<512x16xf32, #tpu.memory_space<vmem>>, vector<1x16xf32>,
        %get3A_427 = vector.shape_cast %get3A_426 : vector<1x16xf32> to vector<16xf32>
        %add3A_428 = arith.addf %add3A_423, %get3A_427 : vector<16xf32>
        %swap3A_429 = arith.index_cast %scan3A_244 : i32 to index
        %swap3A_430 = arith.constant 96 : index
        %swap3A_431 = tpu.vector_load %arg15[%swap3A_429, %swap3A_430] {strides = array<i32>} : memref<64x128xf32, #tpu.memory_space<vmem>>, vector<1x16xf32>,
        %swap3A_432 = vector.shape_cast %swap3A_431 : vector<1x16xf32> to vector<16xf32>
        %swap3A_433 = vector.shape_cast %add3A_428 : vector<16xf32> to vector<1x16xf32>
        tpu.vector_store %arg15[%swap3A_429, %swap3A_430], %swap3A_433 {strides = array<i32>} : memref<64x128xf32, #tpu.memory_space<vmem>>, vector<1x16xf32>,
        %swap3A_434 = arith.index_cast %add3A_414 : i32 to index
        %swap3A_435 = arith.constant 0 : index
        %swap3A_436 = tpu.vector_load %arg16[%swap3A_434, %swap3A_435] {strides = array<i32>} : memref<512x16xf32, #tpu.memory_space<vmem>>, vector<1x16xf32>,
        %swap3A_437 = vector.shape_cast %swap3A_436 : vector<1x16xf32> to vector<16xf32>
        %swap3A_438 = vector.shape_cast %add3A_428 : vector<16xf32> to vector<1x16xf32>
        tpu.vector_store %arg16[%swap3A_434, %swap3A_435], %swap3A_438 {strides = array<i32>} : memref<512x16xf32, #tpu.memory_space<vmem>>, vector<1x16xf32>,
        %mul3A_439 = arith.constant 8 : i32
        %mul3A_440 = arith.muli %scan3A_244, %mul3A_439 : i32
        %add3A_441 = arith.constant 7 : i32
        %add3A_442 = arith.addi %mul3A_440, %add3A_441 : i32
        %get3A_443 = arith.index_cast %scan3A_244 : i32 to index
        %get3A_444 = arith.constant 112 : index
        %get3A_445 = tpu.vector_load %arg12[%get3A_443, %get3A_444] {strides = array<i32>} : memref<64x128xf32, #tpu.memory_space<vmem>>, vector<1x16xf32>,
        %get3A_446 = vector.shape_cast %get3A_445 : vector<1x16xf32> to vector<16xf32>
        %get3A_447 = arith.index_cast %add3A_442 : i32 to index
        %get3A_448 = arith.constant 0 : index
        %get3A_449 = tpu.vector_load %arg13[%get3A_447, %get3A_448] {strides = array<i32>} : memref<512x16xf32, #tpu.memory_space<vmem>>, vector<1x16xf32>,
        %get3A_450 = vector.shape_cast %get3A_449 : vector<1x16xf32> to vector<16xf32>
        %add3A_451 = arith.addf %get3A_446, %get3A_450 : vector<16xf32>
        %get3A_452 = arith.index_cast %add3A_442 : i32 to index
        %get3A_453 = arith.constant 0 : index
        %get3A_454 = tpu.vector_load %arg14[%get3A_452, %get3A_453] {strides = array<i32>} : memref<512x16xf32, #tpu.memory_space<vmem>>, vector<1x16xf32>,
        %get3A_455 = vector.shape_cast %get3A_454 : vector<1x16xf32> to vector<16xf32>
        %add3A_456 = arith.addf %add3A_451, %get3A_455 : vector<16xf32>
        %swap3A_457 = arith.index_cast %scan3A_244 : i32 to index
        %swap3A_458 = arith.constant 112 : index
        %swap3A_459 = tpu.vector_load %arg15[%swap3A_457, %swap3A_458] {strides = array<i32>} : memref<64x128xf32, #tpu.memory_space<vmem>>, vector<1x16xf32>,
        %swap3A_460 = vector.shape_cast %swap3A_459 : vector<1x16xf32> to vector<16xf32>
        %swap3A_461 = vector.shape_cast %add3A_456 : vector<16xf32> to vector<1x16xf32>
        tpu.vector_store %arg15[%swap3A_457, %swap3A_458], %swap3A_461 {strides = array<i32>} : memref<64x128xf32, #tpu.memory_space<vmem>>, vector<1x16xf32>,
        %swap3A_462 = arith.index_cast %add3A_442 : i32 to index
        %swap3A_463 = arith.constant 0 : index
        %swap3A_464 = tpu.vector_load %arg16[%swap3A_462, %swap3A_463] {strides = array<i32>} : memref<512x16xf32, #tpu.memory_space<vmem>>, vector<1x16xf32>,
        %swap3A_465 = vector.shape_cast %swap3A_464 : vector<1x16xf32> to vector<16xf32>
        %swap3A_466 = vector.shape_cast %add3A_456 : vector<16xf32> to vector<1x16xf32>
        tpu.vector_store %arg16[%swap3A_462, %swap3A_463], %swap3A_466 {strides = array<i32>} : memref<512x16xf32, #tpu.memory_space<vmem>>, vector<1x16xf32>,
      }
      %scan3A_203 = arith.constant 16 : i32
      %run_scoped3A_204 = arith.constant 2 : i32
      "tpu.region"() ({
        %run_scoped3A_244 = tpu.sem_alloc : memref<!tpu.dma_semaphore, #tpu.memory_space<semaphore_mem>>
        %dma_start3A_245 = arith.constant 256 : i32
        %dma_start3A_246 = arith.constant 0 : i32
        %dma_start3A_247 = tpu.memref_slice %arg16[%dma_start3A_245, %dma_start3A_246] : memref<512x16xf32, #tpu.memory_space<vmem>> -> memref<128x16xf32, #tpu.memory_space<vmem>>
        %dma_start3A_248 = arith.constant 0 : i32
        %dma_start3A_249 = tpu.memref_slice %arg10[%run_scoped3A_204, %dma_start3A_248] : memref<4x128xi32, #tpu.memory_space<vmem>> -> memref<1x128xi32, #tpu.memory_space<vmem>>
        %dma_start3A_250 = tpu.memref_squeeze %dma_start3A_249 : memref<1x128xi32, #tpu.memory_space<vmem>> -> memref<128xi32, #tpu.memory_space<vmem>>
        %dma_start3A_251 = arith.constant 0 : i32
        %dma_start3A_252 = arith.constant 0 : i32
        %dma_start3A_253 = tpu.memref_slice %arg18[%dma_start3A_251, %dma_start3A_252] : memref<10000x16xf32, #tpu.memory_space<vmem_shared>> -> memref<10000x16xf32, #tpu.memory_space<vmem_shared>>
        tpu.enqueue_indirect_dma source(%dma_start3A_247 : memref<128x16xf32, #tpu.memory_space<vmem>>) target(%dma_start3A_253 : memref<10000x16xf32, #tpu.memory_space<vmem_shared>>) offsets(%dma_start3A_250 : memref<128xi32, #tpu.memory_space<vmem>>) semaphore(%run_scoped3A_244 : memref<!tpu.dma_semaphore, #tpu.memory_space<semaphore_mem>>) {add = true}
        %dma_wait3A_254 = arith.constant 256 : i32
        %dma_wait3A_255 = arith.constant 0 : i32
        %dma_wait3A_256 = tpu.memref_slice %arg16[%dma_wait3A_254, %dma_wait3A_255] : memref<512x16xf32, #tpu.memory_space<vmem>> -> memref<128x16xf32, #tpu.memory_space<vmem>>
        %dma_wait3A_257 = arith.constant 0 : i32
        %dma_wait3A_258 = tpu.memref_slice %arg10[%run_scoped3A_204, %dma_wait3A_257] : memref<4x128xi32, #tpu.memory_space<vmem>> -> memref<1x128xi32, #tpu.memory_space<vmem>>
        %dma_wait3A_259 = tpu.memref_squeeze %dma_wait3A_258 : memref<1x128xi32, #tpu.memory_space<vmem>> -> memref<128xi32, #tpu.memory_space<vmem>>
        %dma_wait3A_260 = arith.constant 0 : i32
        %dma_wait3A_261 = arith.constant 0 : i32
        %dma_wait3A_262 = tpu.memref_slice %arg18[%dma_wait3A_260, %dma_wait3A_261] : memref<10000x16xf32, #tpu.memory_space<vmem_shared>> -> memref<10000x16xf32, #tpu.memory_space<vmem_shared>>
        tpu.wait_indirect_dma semaphore(%run_scoped3A_244 : memref<!tpu.dma_semaphore, #tpu.memory_space<semaphore_mem>>) src(%dma_wait3A_256 : memref<128x16xf32, #tpu.memory_space<vmem>>) dst(%dma_wait3A_262 : memref<10000x16xf32, #tpu.memory_space<vmem_shared>>)
        tpu.yield
      }) : () -> ()
      %run_scoped3A_205 = arith.constant 2 : i32
      "tpu.region"() ({
        %run_scoped3A_244 = tpu.sem_alloc : memref<!tpu.dma_semaphore, #tpu.memory_space<semaphore_mem>>
        %dma_start3A_245 = arith.constant 256 : i32
        %dma_start3A_246 = arith.constant 0 : i32
        %dma_start3A_247 = tpu.memref_slice %arg16[%dma_start3A_245, %dma_start3A_246] : memref<512x16xf32, #tpu.memory_space<vmem>> -> memref<128x16xf32, #tpu.memory_space<vmem>>
        %dma_start3A_248 = arith.constant 0 : i32
        %dma_start3A_249 = tpu.memref_slice %arg11[%run_scoped3A_205, %dma_start3A_248] : memref<4x128xi32, #tpu.memory_space<vmem>> -> memref<1x128xi32, #tpu.memory_space<vmem>>
        %dma_start3A_250 = tpu.memref_squeeze %dma_start3A_249 : memref<1x128xi32, #tpu.memory_space<vmem>> -> memref<128xi32, #tpu.memory_space<vmem>>
        %dma_start3A_251 = arith.constant 0 : i32
        %dma_start3A_252 = arith.constant 0 : i32
        %dma_start3A_253 = tpu.memref_slice %arg19[%dma_start3A_251, %dma_start3A_252] : memref<10000x16xf32, #tpu.memory_space<vmem_shared>> -> memref<10000x16xf32, #tpu.memory_space<vmem_shared>>
        tpu.enqueue_indirect_dma source(%dma_start3A_247 : memref<128x16xf32, #tpu.memory_space<vmem>>) target(%dma_start3A_253 : memref<10000x16xf32, #tpu.memory_space<vmem_shared>>) offsets(%dma_start3A_250 : memref<128xi32, #tpu.memory_space<vmem>>) semaphore(%run_scoped3A_244 : memref<!tpu.dma_semaphore, #tpu.memory_space<semaphore_mem>>) {add = true}
        %dma_wait3A_254 = arith.constant 256 : i32
        %dma_wait3A_255 = arith.constant 0 : i32
        %dma_wait3A_256 = tpu.memref_slice %arg16[%dma_wait3A_254, %dma_wait3A_255] : memref<512x16xf32, #tpu.memory_space<vmem>> -> memref<128x16xf32, #tpu.memory_space<vmem>>
        %dma_wait3A_257 = arith.constant 0 : i32
        %dma_wait3A_258 = tpu.memref_slice %arg11[%run_scoped3A_205, %dma_wait3A_257] : memref<4x128xi32, #tpu.memory_space<vmem>> -> memref<1x128xi32, #tpu.memory_space<vmem>>
        %dma_wait3A_259 = tpu.memref_squeeze %dma_wait3A_258 : memref<1x128xi32, #tpu.memory_space<vmem>> -> memref<128xi32, #tpu.memory_space<vmem>>
        %dma_wait3A_260 = arith.constant 0 : i32
        %dma_wait3A_261 = arith.constant 0 : i32
        %dma_wait3A_262 = tpu.memref_slice %arg19[%dma_wait3A_260, %dma_wait3A_261] : memref<10000x16xf32, #tpu.memory_space<vmem_shared>> -> memref<10000x16xf32, #tpu.memory_space<vmem_shared>>
        tpu.wait_indirect_dma semaphore(%run_scoped3A_244 : memref<!tpu.dma_semaphore, #tpu.memory_space<semaphore_mem>>) src(%dma_wait3A_256 : memref<128x16xf32, #tpu.memory_space<vmem>>) dst(%dma_wait3A_262 : memref<10000x16xf32, #tpu.memory_space<vmem_shared>>)
        tpu.yield
      }) : () -> ()
      %dma_wait3A_206 = arith.constant 3 : i32
      %dma_wait3A_207 = arith.constant 384 : i32
      %dma_wait3A_208 = arith.constant 0 : i32
      %dma_wait3A_209 = tpu.memref_slice %arg13[%dma_wait3A_207, %dma_wait3A_208] : memref<512x16xf32, #tpu.memory_space<vmem>> -> memref<128x16xf32, #tpu.memory_space<vmem>>
      %dma_wait3A_210 = arith.constant 0 : i32
      %dma_wait3A_211 = tpu.memref_slice %arg10[%dma_wait3A_206, %dma_wait3A_210] : memref<4x128xi32, #tpu.memory_space<vmem>> -> memref<1x128xi32, #tpu.memory_space<vmem>>
      %dma_wait3A_212 = tpu.memref_squeeze %dma_wait3A_211 : memref<1x128xi32, #tpu.memory_space<vmem>> -> memref<128xi32, #tpu.memory_space<vmem>>
      %dma_wait3A_213 = arith.constant 0 : i32
      %dma_wait3A_214 = arith.constant 0 : i32
      %dma_wait3A_215 = tpu.memref_slice %arg5[%dma_wait3A_213, %dma_wait3A_214] : memref<10000x16xf32, #tpu.memory_space<hbm>> -> memref<10000x16xf32, #tpu.memory_space<hbm>>
      tpu.wait_indirect_dma semaphore(%arg20 : memref<!tpu.dma_semaphore, #tpu.memory_space<semaphore_mem>>) src(%dma_wait3A_215 : memref<10000x16xf32, #tpu.memory_space<hbm>>) dst(%dma_wait3A_209 : memref<128x16xf32, #tpu.memory_space<vmem>>)
      %dma_wait3A_216 = arith.constant 3 : i32
      %dma_wait3A_217 = arith.constant 384 : i32
      %dma_wait3A_218 = arith.constant 0 : i32
      %dma_wait3A_219 = tpu.memref_slice %arg14[%dma_wait3A_217, %dma_wait3A_218] : memref<512x16xf32, #tpu.memory_space<vmem>> -> memref<128x16xf32, #tpu.memory_space<vmem>>
      %dma_wait3A_220 = arith.constant 0 : i32
      %dma_wait3A_221 = tpu.memref_slice %arg11[%dma_wait3A_216, %dma_wait3A_220] : memref<4x128xi32, #tpu.memory_space<vmem>> -> memref<1x128xi32, #tpu.memory_space<vmem>>
      %dma_wait3A_222 = tpu.memref_squeeze %dma_wait3A_221 : memref<1x128xi32, #tpu.memory_space<vmem>> -> memref<128xi32, #tpu.memory_space<vmem>>
      %dma_wait3A_223 = arith.constant 0 : i32
      %dma_wait3A_224 = arith.constant 0 : i32
      %dma_wait3A_225 = tpu.memref_slice %arg6[%dma_wait3A_223, %dma_wait3A_224] : memref<10000x16xf32, #tpu.memory_space<hbm>> -> memref<10000x16xf32, #tpu.memory_space<hbm>>
      tpu.wait_indirect_dma semaphore(%arg20 : memref<!tpu.dma_semaphore, #tpu.memory_space<semaphore_mem>>) src(%dma_wait3A_225 : memref<10000x16xf32, #tpu.memory_space<hbm>>) dst(%dma_wait3A_219 : memref<128x16xf32, #tpu.memory_space<vmem>>)
      %scan3A_226 = arith.constant 0 : i32
      %scan3A_227 = arith.constant 48 : i32
      %scan3A_228 = arith.constant 16 : i32
      %scan3A_229 = arith.addi %scan3A_227, %scan3A_228 : i32
      %scan3A_230 = arith.constant 1 : i32
      scf.for %scan3A_244 = %scan3A_227 to %scan3A_229 step %scan3A_230  : i32 {
        %mul3A_245 = arith.constant 8 : i32
        %mul3A_246 = arith.muli %scan3A_244, %mul3A_245 : i32
        %add3A_247 = arith.constant 0 : i32
        %add3A_248 = arith.addi %mul3A_246, %add3A_247 : i32
        %get3A = arith.index_cast %scan3A_244 : i32 to index
        %get3A_249 = arith.constant 0 : index
        %get3A_250 = tpu.vector_load %arg12[%get3A, %get3A_249] {strides = array<i32>} : memref<64x128xf32, #tpu.memory_space<vmem>>, vector<1x16xf32>,
        %get3A_251 = vector.shape_cast %get3A_250 : vector<1x16xf32> to vector<16xf32>
        %get3A_252 = arith.index_cast %add3A_248 : i32 to index
        %get3A_253 = arith.constant 0 : index
        %get3A_254 = tpu.vector_load %arg13[%get3A_252, %get3A_253] {strides = array<i32>} : memref<512x16xf32, #tpu.memory_space<vmem>>, vector<1x16xf32>,
        %get3A_255 = vector.shape_cast %get3A_254 : vector<1x16xf32> to vector<16xf32>
        %add3A_256 = arith.addf %get3A_251, %get3A_255 : vector<16xf32>
        %get3A_257 = arith.index_cast %add3A_248 : i32 to index
        %get3A_258 = arith.constant 0 : index
        %get3A_259 = tpu.vector_load %arg14[%get3A_257, %get3A_258] {strides = array<i32>} : memref<512x16xf32, #tpu.memory_space<vmem>>, vector<1x16xf32>,
        %get3A_260 = vector.shape_cast %get3A_259 : vector<1x16xf32> to vector<16xf32>
        %add3A_261 = arith.addf %add3A_256, %get3A_260 : vector<16xf32>
        %swap3A = arith.index_cast %scan3A_244 : i32 to index
        %swap3A_262 = arith.constant 0 : index
        %swap3A_263 = tpu.vector_load %arg15[%swap3A, %swap3A_262] {strides = array<i32>} : memref<64x128xf32, #tpu.memory_space<vmem>>, vector<1x16xf32>,
        %swap3A_264 = vector.shape_cast %swap3A_263 : vector<1x16xf32> to vector<16xf32>
        %swap3A_265 = vector.shape_cast %add3A_261 : vector<16xf32> to vector<1x16xf32>
        tpu.vector_store %arg15[%swap3A, %swap3A_262], %swap3A_265 {strides = array<i32>} : memref<64x128xf32, #tpu.memory_space<vmem>>, vector<1x16xf32>,
        %swap3A_266 = arith.index_cast %add3A_248 : i32 to index
        %swap3A_267 = arith.constant 0 : index
        %swap3A_268 = tpu.vector_load %arg16[%swap3A_266, %swap3A_267] {strides = array<i32>} : memref<512x16xf32, #tpu.memory_space<vmem>>, vector<1x16xf32>,
        %swap3A_269 = vector.shape_cast %swap3A_268 : vector<1x16xf32> to vector<16xf32>
        %swap3A_270 = vector.shape_cast %add3A_261 : vector<16xf32> to vector<1x16xf32>
        tpu.vector_store %arg16[%swap3A_266, %swap3A_267], %swap3A_270 {strides = array<i32>} : memref<512x16xf32, #tpu.memory_space<vmem>>, vector<1x16xf32>,
        %mul3A_271 = arith.constant 8 : i32
        %mul3A_272 = arith.muli %scan3A_244, %mul3A_271 : i32
        %add3A_273 = arith.constant 1 : i32
        %add3A_274 = arith.addi %mul3A_272, %add3A_273 : i32
        %get3A_275 = arith.index_cast %scan3A_244 : i32 to index
        %get3A_276 = arith.constant 16 : index
        %get3A_277 = tpu.vector_load %arg12[%get3A_275, %get3A_276] {strides = array<i32>} : memref<64x128xf32, #tpu.memory_space<vmem>>, vector<1x16xf32>,
        %get3A_278 = vector.shape_cast %get3A_277 : vector<1x16xf32> to vector<16xf32>
        %get3A_279 = arith.index_cast %add3A_274 : i32 to index
        %get3A_280 = arith.constant 0 : index
        %get3A_281 = tpu.vector_load %arg13[%get3A_279, %get3A_280] {strides = array<i32>} : memref<512x16xf32, #tpu.memory_space<vmem>>, vector<1x16xf32>,
        %get3A_282 = vector.shape_cast %get3A_281 : vector<1x16xf32> to vector<16xf32>
        %add3A_283 = arith.addf %get3A_278, %get3A_282 : vector<16xf32>
        %get3A_284 = arith.index_cast %add3A_274 : i32 to index
        %get3A_285 = arith.constant 0 : index
        %get3A_286 = tpu.vector_load %arg14[%get3A_284, %get3A_285] {strides = array<i32>} : memref<512x16xf32, #tpu.memory_space<vmem>>, vector<1x16xf32>,
        %get3A_287 = vector.shape_cast %get3A_286 : vector<1x16xf32> to vector<16xf32>
        %add3A_288 = arith.addf %add3A_283, %get3A_287 : vector<16xf32>
        %swap3A_289 = arith.index_cast %scan3A_244 : i32 to index
        %swap3A_290 = arith.constant 16 : index
        %swap3A_291 = tpu.vector_load %arg15[%swap3A_289, %swap3A_290] {strides = array<i32>} : memref<64x128xf32, #tpu.memory_space<vmem>>, vector<1x16xf32>,
        %swap3A_292 = vector.shape_cast %swap3A_291 : vector<1x16xf32> to vector<16xf32>
        %swap3A_293 = vector.shape_cast %add3A_288 : vector<16xf32> to vector<1x16xf32>
        tpu.vector_store %arg15[%swap3A_289, %swap3A_290], %swap3A_293 {strides = array<i32>} : memref<64x128xf32, #tpu.memory_space<vmem>>, vector<1x16xf32>,
        %swap3A_294 = arith.index_cast %add3A_274 : i32 to index
        %swap3A_295 = arith.constant 0 : index
        %swap3A_296 = tpu.vector_load %arg16[%swap3A_294, %swap3A_295] {strides = array<i32>} : memref<512x16xf32, #tpu.memory_space<vmem>>, vector<1x16xf32>,
        %swap3A_297 = vector.shape_cast %swap3A_296 : vector<1x16xf32> to vector<16xf32>
        %swap3A_298 = vector.shape_cast %add3A_288 : vector<16xf32> to vector<1x16xf32>
        tpu.vector_store %arg16[%swap3A_294, %swap3A_295], %swap3A_298 {strides = array<i32>} : memref<512x16xf32, #tpu.memory_space<vmem>>, vector<1x16xf32>,
        %mul3A_299 = arith.constant 8 : i32
        %mul3A_300 = arith.muli %scan3A_244, %mul3A_299 : i32
        %add3A_301 = arith.constant 2 : i32
        %add3A_302 = arith.addi %mul3A_300, %add3A_301 : i32
        %get3A_303 = arith.index_cast %scan3A_244 : i32 to index
        %get3A_304 = arith.constant 32 : index
        %get3A_305 = tpu.vector_load %arg12[%get3A_303, %get3A_304] {strides = array<i32>} : memref<64x128xf32, #tpu.memory_space<vmem>>, vector<1x16xf32>,
        %get3A_306 = vector.shape_cast %get3A_305 : vector<1x16xf32> to vector<16xf32>
        %get3A_307 = arith.index_cast %add3A_302 : i32 to index
        %get3A_308 = arith.constant 0 : index
        %get3A_309 = tpu.vector_load %arg13[%get3A_307, %get3A_308] {strides = array<i32>} : memref<512x16xf32, #tpu.memory_space<vmem>>, vector<1x16xf32>,
        %get3A_310 = vector.shape_cast %get3A_309 : vector<1x16xf32> to vector<16xf32>
        %add3A_311 = arith.addf %get3A_306, %get3A_310 : vector<16xf32>
        %get3A_312 = arith.index_cast %add3A_302 : i32 to index
        %get3A_313 = arith.constant 0 : index
        %get3A_314 = tpu.vector_load %arg14[%get3A_312, %get3A_313] {strides = array<i32>} : memref<512x16xf32, #tpu.memory_space<vmem>>, vector<1x16xf32>,
        %get3A_315 = vector.shape_cast %get3A_314 : vector<1x16xf32> to vector<16xf32>
        %add3A_316 = arith.addf %add3A_311, %get3A_315 : vector<16xf32>
        %swap3A_317 = arith.index_cast %scan3A_244 : i32 to index
        %swap3A_318 = arith.constant 32 : index
        %swap3A_319 = tpu.vector_load %arg15[%swap3A_317, %swap3A_318] {strides = array<i32>} : memref<64x128xf32, #tpu.memory_space<vmem>>, vector<1x16xf32>,
        %swap3A_320 = vector.shape_cast %swap3A_319 : vector<1x16xf32> to vector<16xf32>
        %swap3A_321 = vector.shape_cast %add3A_316 : vector<16xf32> to vector<1x16xf32>
        tpu.vector_store %arg15[%swap3A_317, %swap3A_318], %swap3A_321 {strides = array<i32>} : memref<64x128xf32, #tpu.memory_space<vmem>>, vector<1x16xf32>,
        %swap3A_322 = arith.index_cast %add3A_302 : i32 to index
        %swap3A_323 = arith.constant 0 : index
        %swap3A_324 = tpu.vector_load %arg16[%swap3A_322, %swap3A_323] {strides = array<i32>} : memref<512x16xf32, #tpu.memory_space<vmem>>, vector<1x16xf32>,
        %swap3A_325 = vector.shape_cast %swap3A_324 : vector<1x16xf32> to vector<16xf32>
        %swap3A_326 = vector.shape_cast %add3A_316 : vector<16xf32> to vector<1x16xf32>
        tpu.vector_store %arg16[%swap3A_322, %swap3A_323], %swap3A_326 {strides = array<i32>} : memref<512x16xf32, #tpu.memory_space<vmem>>, vector<1x16xf32>,
        %mul3A_327 = arith.constant 8 : i32
        %mul3A_328 = arith.muli %scan3A_244, %mul3A_327 : i32
        %add3A_329 = arith.constant 3 : i32
        %add3A_330 = arith.addi %mul3A_328, %add3A_329 : i32
        %get3A_331 = arith.index_cast %scan3A_244 : i32 to index
        %get3A_332 = arith.constant 48 : index
        %get3A_333 = tpu.vector_load %arg12[%get3A_331, %get3A_332] {strides = array<i32>} : memref<64x128xf32, #tpu.memory_space<vmem>>, vector<1x16xf32>,
        %get3A_334 = vector.shape_cast %get3A_333 : vector<1x16xf32> to vector<16xf32>
        %get3A_335 = arith.index_cast %add3A_330 : i32 to index
        %get3A_336 = arith.constant 0 : index
        %get3A_337 = tpu.vector_load %arg13[%get3A_335, %get3A_336] {strides = array<i32>} : memref<512x16xf32, #tpu.memory_space<vmem>>, vector<1x16xf32>,
        %get3A_338 = vector.shape_cast %get3A_337 : vector<1x16xf32> to vector<16xf32>
        %add3A_339 = arith.addf %get3A_334, %get3A_338 : vector<16xf32>
        %get3A_340 = arith.index_cast %add3A_330 : i32 to index
        %get3A_341 = arith.constant 0 : index
        %get3A_342 = tpu.vector_load %arg14[%get3A_340, %get3A_341] {strides = array<i32>} : memref<512x16xf32, #tpu.memory_space<vmem>>, vector<1x16xf32>,
        %get3A_343 = vector.shape_cast %get3A_342 : vector<1x16xf32> to vector<16xf32>
        %add3A_344 = arith.addf %add3A_339, %get3A_343 : vector<16xf32>
        %swap3A_345 = arith.index_cast %scan3A_244 : i32 to index
        %swap3A_346 = arith.constant 48 : index
        %swap3A_347 = tpu.vector_load %arg15[%swap3A_345, %swap3A_346] {strides = array<i32>} : memref<64x128xf32, #tpu.memory_space<vmem>>, vector<1x16xf32>,
        %swap3A_348 = vector.shape_cast %swap3A_347 : vector<1x16xf32> to vector<16xf32>
        %swap3A_349 = vector.shape_cast %add3A_344 : vector<16xf32> to vector<1x16xf32>
        tpu.vector_store %arg15[%swap3A_345, %swap3A_346], %swap3A_349 {strides = array<i32>} : memref<64x128xf32, #tpu.memory_space<vmem>>, vector<1x16xf32>,
        %swap3A_350 = arith.index_cast %add3A_330 : i32 to index
        %swap3A_351 = arith.constant 0 : index
        %swap3A_352 = tpu.vector_load %arg16[%swap3A_350, %swap3A_351] {strides = array<i32>} : memref<512x16xf32, #tpu.memory_space<vmem>>, vector<1x16xf32>,
        %swap3A_353 = vector.shape_cast %swap3A_352 : vector<1x16xf32> to vector<16xf32>
        %swap3A_354 = vector.shape_cast %add3A_344 : vector<16xf32> to vector<1x16xf32>
        tpu.vector_store %arg16[%swap3A_350, %swap3A_351], %swap3A_354 {strides = array<i32>} : memref<512x16xf32, #tpu.memory_space<vmem>>, vector<1x16xf32>,
        %mul3A_355 = arith.constant 8 : i32
        %mul3A_356 = arith.muli %scan3A_244, %mul3A_355 : i32
        %add3A_357 = arith.constant 4 : i32
        %add3A_358 = arith.addi %mul3A_356, %add3A_357 : i32
        %get3A_359 = arith.index_cast %scan3A_244 : i32 to index
        %get3A_360 = arith.constant 64 : index
        %get3A_361 = tpu.vector_load %arg12[%get3A_359, %get3A_360] {strides = array<i32>} : memref<64x128xf32, #tpu.memory_space<vmem>>, vector<1x16xf32>,
        %get3A_362 = vector.shape_cast %get3A_361 : vector<1x16xf32> to vector<16xf32>
        %get3A_363 = arith.index_cast %add3A_358 : i32 to index
        %get3A_364 = arith.constant 0 : index
        %get3A_365 = tpu.vector_load %arg13[%get3A_363, %get3A_364] {strides = array<i32>} : memref<512x16xf32, #tpu.memory_space<vmem>>, vector<1x16xf32>,
        %get3A_366 = vector.shape_cast %get3A_365 : vector<1x16xf32> to vector<16xf32>
        %add3A_367 = arith.addf %get3A_362, %get3A_366 : vector<16xf32>
        %get3A_368 = arith.index_cast %add3A_358 : i32 to index
        %get3A_369 = arith.constant 0 : index
        %get3A_370 = tpu.vector_load %arg14[%get3A_368, %get3A_369] {strides = array<i32>} : memref<512x16xf32, #tpu.memory_space<vmem>>, vector<1x16xf32>,
        %get3A_371 = vector.shape_cast %get3A_370 : vector<1x16xf32> to vector<16xf32>
        %add3A_372 = arith.addf %add3A_367, %get3A_371 : vector<16xf32>
        %swap3A_373 = arith.index_cast %scan3A_244 : i32 to index
        %swap3A_374 = arith.constant 64 : index
        %swap3A_375 = tpu.vector_load %arg15[%swap3A_373, %swap3A_374] {strides = array<i32>} : memref<64x128xf32, #tpu.memory_space<vmem>>, vector<1x16xf32>,
        %swap3A_376 = vector.shape_cast %swap3A_375 : vector<1x16xf32> to vector<16xf32>
        %swap3A_377 = vector.shape_cast %add3A_372 : vector<16xf32> to vector<1x16xf32>
        tpu.vector_store %arg15[%swap3A_373, %swap3A_374], %swap3A_377 {strides = array<i32>} : memref<64x128xf32, #tpu.memory_space<vmem>>, vector<1x16xf32>,
        %swap3A_378 = arith.index_cast %add3A_358 : i32 to index
        %swap3A_379 = arith.constant 0 : index
        %swap3A_380 = tpu.vector_load %arg16[%swap3A_378, %swap3A_379] {strides = array<i32>} : memref<512x16xf32, #tpu.memory_space<vmem>>, vector<1x16xf32>,
        %swap3A_381 = vector.shape_cast %swap3A_380 : vector<1x16xf32> to vector<16xf32>
        %swap3A_382 = vector.shape_cast %add3A_372 : vector<16xf32> to vector<1x16xf32>
        tpu.vector_store %arg16[%swap3A_378, %swap3A_379], %swap3A_382 {strides = array<i32>} : memref<512x16xf32, #tpu.memory_space<vmem>>, vector<1x16xf32>,
        %mul3A_383 = arith.constant 8 : i32
        %mul3A_384 = arith.muli %scan3A_244, %mul3A_383 : i32
        %add3A_385 = arith.constant 5 : i32
        %add3A_386 = arith.addi %mul3A_384, %add3A_385 : i32
        %get3A_387 = arith.index_cast %scan3A_244 : i32 to index
        %get3A_388 = arith.constant 80 : index
        %get3A_389 = tpu.vector_load %arg12[%get3A_387, %get3A_388] {strides = array<i32>} : memref<64x128xf32, #tpu.memory_space<vmem>>, vector<1x16xf32>,
        %get3A_390 = vector.shape_cast %get3A_389 : vector<1x16xf32> to vector<16xf32>
        %get3A_391 = arith.index_cast %add3A_386 : i32 to index
        %get3A_392 = arith.constant 0 : index
        %get3A_393 = tpu.vector_load %arg13[%get3A_391, %get3A_392] {strides = array<i32>} : memref<512x16xf32, #tpu.memory_space<vmem>>, vector<1x16xf32>,
        %get3A_394 = vector.shape_cast %get3A_393 : vector<1x16xf32> to vector<16xf32>
        %add3A_395 = arith.addf %get3A_390, %get3A_394 : vector<16xf32>
        %get3A_396 = arith.index_cast %add3A_386 : i32 to index
        %get3A_397 = arith.constant 0 : index
        %get3A_398 = tpu.vector_load %arg14[%get3A_396, %get3A_397] {strides = array<i32>} : memref<512x16xf32, #tpu.memory_space<vmem>>, vector<1x16xf32>,
        %get3A_399 = vector.shape_cast %get3A_398 : vector<1x16xf32> to vector<16xf32>
        %add3A_400 = arith.addf %add3A_395, %get3A_399 : vector<16xf32>
        %swap3A_401 = arith.index_cast %scan3A_244 : i32 to index
        %swap3A_402 = arith.constant 80 : index
        %swap3A_403 = tpu.vector_load %arg15[%swap3A_401, %swap3A_402] {strides = array<i32>} : memref<64x128xf32, #tpu.memory_space<vmem>>, vector<1x16xf32>,
        %swap3A_404 = vector.shape_cast %swap3A_403 : vector<1x16xf32> to vector<16xf32>
        %swap3A_405 = vector.shape_cast %add3A_400 : vector<16xf32> to vector<1x16xf32>
        tpu.vector_store %arg15[%swap3A_401, %swap3A_402], %swap3A_405 {strides = array<i32>} : memref<64x128xf32, #tpu.memory_space<vmem>>, vector<1x16xf32>,
        %swap3A_406 = arith.index_cast %add3A_386 : i32 to index
        %swap3A_407 = arith.constant 0 : index
        %swap3A_408 = tpu.vector_load %arg16[%swap3A_406, %swap3A_407] {strides = array<i32>} : memref<512x16xf32, #tpu.memory_space<vmem>>, vector<1x16xf32>,
        %swap3A_409 = vector.shape_cast %swap3A_408 : vector<1x16xf32> to vector<16xf32>
        %swap3A_410 = vector.shape_cast %add3A_400 : vector<16xf32> to vector<1x16xf32>
        tpu.vector_store %arg16[%swap3A_406, %swap3A_407], %swap3A_410 {strides = array<i32>} : memref<512x16xf32, #tpu.memory_space<vmem>>, vector<1x16xf32>,
        %mul3A_411 = arith.constant 8 : i32
        %mul3A_412 = arith.muli %scan3A_244, %mul3A_411 : i32
        %add3A_413 = arith.constant 6 : i32
        %add3A_414 = arith.addi %mul3A_412, %add3A_413 : i32
        %get3A_415 = arith.index_cast %scan3A_244 : i32 to index
        %get3A_416 = arith.constant 96 : index
        %get3A_417 = tpu.vector_load %arg12[%get3A_415, %get3A_416] {strides = array<i32>} : memref<64x128xf32, #tpu.memory_space<vmem>>, vector<1x16xf32>,
        %get3A_418 = vector.shape_cast %get3A_417 : vector<1x16xf32> to vector<16xf32>
        %get3A_419 = arith.index_cast %add3A_414 : i32 to index
        %get3A_420 = arith.constant 0 : index
        %get3A_421 = tpu.vector_load %arg13[%get3A_419, %get3A_420] {strides = array<i32>} : memref<512x16xf32, #tpu.memory_space<vmem>>, vector<1x16xf32>,
        %get3A_422 = vector.shape_cast %get3A_421 : vector<1x16xf32> to vector<16xf32>
        %add3A_423 = arith.addf %get3A_418, %get3A_422 : vector<16xf32>
        %get3A_424 = arith.index_cast %add3A_414 : i32 to index
        %get3A_425 = arith.constant 0 : index
        %get3A_426 = tpu.vector_load %arg14[%get3A_424, %get3A_425] {strides = array<i32>} : memref<512x16xf32, #tpu.memory_space<vmem>>, vector<1x16xf32>,
        %get3A_427 = vector.shape_cast %get3A_426 : vector<1x16xf32> to vector<16xf32>
        %add3A_428 = arith.addf %add3A_423, %get3A_427 : vector<16xf32>
        %swap3A_429 = arith.index_cast %scan3A_244 : i32 to index
        %swap3A_430 = arith.constant 96 : index
        %swap3A_431 = tpu.vector_load %arg15[%swap3A_429, %swap3A_430] {strides = array<i32>} : memref<64x128xf32, #tpu.memory_space<vmem>>, vector<1x16xf32>,
        %swap3A_432 = vector.shape_cast %swap3A_431 : vector<1x16xf32> to vector<16xf32>
        %swap3A_433 = vector.shape_cast %add3A_428 : vector<16xf32> to vector<1x16xf32>
        tpu.vector_store %arg15[%swap3A_429, %swap3A_430], %swap3A_433 {strides = array<i32>} : memref<64x128xf32, #tpu.memory_space<vmem>>, vector<1x16xf32>,
        %swap3A_434 = arith.index_cast %add3A_414 : i32 to index
        %swap3A_435 = arith.constant 0 : index
        %swap3A_436 = tpu.vector_load %arg16[%swap3A_434, %swap3A_435] {strides = array<i32>} : memref<512x16xf32, #tpu.memory_space<vmem>>, vector<1x16xf32>,
        %swap3A_437 = vector.shape_cast %swap3A_436 : vector<1x16xf32> to vector<16xf32>
        %swap3A_438 = vector.shape_cast %add3A_428 : vector<16xf32> to vector<1x16xf32>
        tpu.vector_store %arg16[%swap3A_434, %swap3A_435], %swap3A_438 {strides = array<i32>} : memref<512x16xf32, #tpu.memory_space<vmem>>, vector<1x16xf32>,
        %mul3A_439 = arith.constant 8 : i32
        %mul3A_440 = arith.muli %scan3A_244, %mul3A_439 : i32
        %add3A_441 = arith.constant 7 : i32
        %add3A_442 = arith.addi %mul3A_440, %add3A_441 : i32
        %get3A_443 = arith.index_cast %scan3A_244 : i32 to index
        %get3A_444 = arith.constant 112 : index
        %get3A_445 = tpu.vector_load %arg12[%get3A_443, %get3A_444] {strides = array<i32>} : memref<64x128xf32, #tpu.memory_space<vmem>>, vector<1x16xf32>,
        %get3A_446 = vector.shape_cast %get3A_445 : vector<1x16xf32> to vector<16xf32>
        %get3A_447 = arith.index_cast %add3A_442 : i32 to index
        %get3A_448 = arith.constant 0 : index
        %get3A_449 = tpu.vector_load %arg13[%get3A_447, %get3A_448] {strides = array<i32>} : memref<512x16xf32, #tpu.memory_space<vmem>>, vector<1x16xf32>,
        %get3A_450 = vector.shape_cast %get3A_449 : vector<1x16xf32> to vector<16xf32>
        %add3A_451 = arith.addf %get3A_446, %get3A_450 : vector<16xf32>
        %get3A_452 = arith.index_cast %add3A_442 : i32 to index
        %get3A_453 = arith.constant 0 : index
        %get3A_454 = tpu.vector_load %arg14[%get3A_452, %get3A_453] {strides = array<i32>} : memref<512x16xf32, #tpu.memory_space<vmem>>, vector<1x16xf32>,
        %get3A_455 = vector.shape_cast %get3A_454 : vector<1x16xf32> to vector<16xf32>
        %add3A_456 = arith.addf %add3A_451, %get3A_455 : vector<16xf32>
        %swap3A_457 = arith.index_cast %scan3A_244 : i32 to index
        %swap3A_458 = arith.constant 112 : index
        %swap3A_459 = tpu.vector_load %arg15[%swap3A_457, %swap3A_458] {strides = array<i32>} : memref<64x128xf32, #tpu.memory_space<vmem>>, vector<1x16xf32>,
        %swap3A_460 = vector.shape_cast %swap3A_459 : vector<1x16xf32> to vector<16xf32>
        %swap3A_461 = vector.shape_cast %add3A_456 : vector<16xf32> to vector<1x16xf32>
        tpu.vector_store %arg15[%swap3A_457, %swap3A_458], %swap3A_461 {strides = array<i32>} : memref<64x128xf32, #tpu.memory_space<vmem>>, vector<1x16xf32>,
        %swap3A_462 = arith.index_cast %add3A_442 : i32 to index
        %swap3A_463 = arith.constant 0 : index
        %swap3A_464 = tpu.vector_load %arg16[%swap3A_462, %swap3A_463] {strides = array<i32>} : memref<512x16xf32, #tpu.memory_space<vmem>>, vector<1x16xf32>,
        %swap3A_465 = vector.shape_cast %swap3A_464 : vector<1x16xf32> to vector<16xf32>
        %swap3A_466 = vector.shape_cast %add3A_456 : vector<16xf32> to vector<1x16xf32>
        tpu.vector_store %arg16[%swap3A_462, %swap3A_463], %swap3A_466 {strides = array<i32>} : memref<512x16xf32, #tpu.memory_space<vmem>>, vector<1x16xf32>,
      }
      %scan3A_231 = arith.constant 16 : i32
      %mul3A_232 = arith.constant 64 : i32
      %mul3A_233 = arith.muli %add3A_30, %mul3A_232 : i32
      %dma_start3A_234 = arith.constant 0 : i32
      %dma_start3A_235 = tpu.memref_slice %arg7[%mul3A_233, %dma_start3A_234] : memref<40000x128xf32, #tpu.memory_space<hbm>> -> memref<64x128xf32, #tpu.memory_space<hbm>>
      %dma_start3A_236 = arith.constant 0 : i32
      %dma_start3A_237 = tpu.memref_slice %arg7[%mul3A_233, %dma_start3A_236] : memref<40000x128xf32, #tpu.memory_space<hbm>> -> memref<64x128xf32, #tpu.memory_space<hbm>>
      tpu.enqueue_dma source(%arg15 : memref<64x128xf32, #tpu.memory_space<vmem>>) target(%dma_start3A_237 : memref<64x128xf32, #tpu.memory_space<hbm>>) target_semaphore(%arg22 : memref<!tpu.dma_semaphore, #tpu.memory_space<semaphore_mem>>)
      %run_scoped3A_238 = arith.constant 3 : i32
      "tpu.region"() ({
        %run_scoped3A_244 = tpu.sem_alloc : memref<!tpu.dma_semaphore, #tpu.memory_space<semaphore_mem>>
        %dma_start3A_245 = arith.constant 384 : i32
        %dma_start3A_246 = arith.constant 0 : i32
        %dma_start3A_247 = tpu.memref_slice %arg16[%dma_start3A_245, %dma_start3A_246] : memref<512x16xf32, #tpu.memory_space<vmem>> -> memref<128x16xf32, #tpu.memory_space<vmem>>
        %dma_start3A_248 = arith.constant 0 : i32
        %dma_start3A_249 = tpu.memref_slice %arg10[%run_scoped3A_238, %dma_start3A_248] : memref<4x128xi32, #tpu.memory_space<vmem>> -> memref<1x128xi32, #tpu.memory_space<vmem>>
        %dma_start3A_250 = tpu.memref_squeeze %dma_start3A_249 : memref<1x128xi32, #tpu.memory_space<vmem>> -> memref<128xi32, #tpu.memory_space<vmem>>
        %dma_start3A_251 = arith.constant 0 : i32
        %dma_start3A_252 = arith.constant 0 : i32
        %dma_start3A_253 = tpu.memref_slice %arg18[%dma_start3A_251, %dma_start3A_252] : memref<10000x16xf32, #tpu.memory_space<vmem_shared>> -> memref<10000x16xf32, #tpu.memory_space<vmem_shared>>
        tpu.enqueue_indirect_dma source(%dma_start3A_247 : memref<128x16xf32, #tpu.memory_space<vmem>>) target(%dma_start3A_253 : memref<10000x16xf32, #tpu.memory_space<vmem_shared>>) offsets(%dma_start3A_250 : memref<128xi32, #tpu.memory_space<vmem>>) semaphore(%run_scoped3A_244 : memref<!tpu.dma_semaphore, #tpu.memory_space<semaphore_mem>>) {add = true}
        %dma_wait3A_254 = arith.constant 384 : i32
        %dma_wait3A_255 = arith.constant 0 : i32
        %dma_wait3A_256 = tpu.memref_slice %arg16[%dma_wait3A_254, %dma_wait3A_255] : memref<512x16xf32, #tpu.memory_space<vmem>> -> memref<128x16xf32, #tpu.memory_space<vmem>>
        %dma_wait3A_257 = arith.constant 0 : i32
        %dma_wait3A_258 = tpu.memref_slice %arg10[%run_scoped3A_238, %dma_wait3A_257] : memref<4x128xi32, #tpu.memory_space<vmem>> -> memref<1x128xi32, #tpu.memory_space<vmem>>
        %dma_wait3A_259 = tpu.memref_squeeze %dma_wait3A_258 : memref<1x128xi32, #tpu.memory_space<vmem>> -> memref<128xi32, #tpu.memory_space<vmem>>
        %dma_wait3A_260 = arith.constant 0 : i32
        %dma_wait3A_261 = arith.constant 0 : i32
        %dma_wait3A_262 = tpu.memref_slice %arg18[%dma_wait3A_260, %dma_wait3A_261] : memref<10000x16xf32, #tpu.memory_space<vmem_shared>> -> memref<10000x16xf32, #tpu.memory_space<vmem_shared>>
        tpu.wait_indirect_dma semaphore(%run_scoped3A_244 : memref<!tpu.dma_semaphore, #tpu.memory_space<semaphore_mem>>) src(%dma_wait3A_256 : memref<128x16xf32, #tpu.memory_space<vmem>>) dst(%dma_wait3A_262 : memref<10000x16xf32, #tpu.memory_space<vmem_shared>>)
        tpu.yield
      }) : () -> ()
      %run_scoped3A_239 = arith.constant 3 : i32
      "tpu.region"() ({
        %run_scoped3A_244 = tpu.sem_alloc : memref<!tpu.dma_semaphore, #tpu.memory_space<semaphore_mem>>
        %dma_start3A_245 = arith.constant 384 : i32
        %dma_start3A_246 = arith.constant 0 : i32
        %dma_start3A_247 = tpu.memref_slice %arg16[%dma_start3A_245, %dma_start3A_246] : memref<512x16xf32, #tpu.memory_space<vmem>> -> memref<128x16xf32, #tpu.memory_space<vmem>>
        %dma_start3A_248 = arith.constant 0 : i32
        %dma_start3A_249 = tpu.memref_slice %arg11[%run_scoped3A_239, %dma_start3A_248] : memref<4x128xi32, #tpu.memory_space<vmem>> -> memref<1x128xi32, #tpu.memory_space<vmem>>
        %dma_start3A_250 = tpu.memref_squeeze %dma_start3A_249 : memref<1x128xi32, #tpu.memory_space<vmem>> -> memref<128xi32, #tpu.memory_space<vmem>>
        %dma_start3A_251 = arith.constant 0 : i32
        %dma_start3A_252 = arith.constant 0 : i32
        %dma_start3A_253 = tpu.memref_slice %arg19[%dma_start3A_251, %dma_start3A_252] : memref<10000x16xf32, #tpu.memory_space<vmem_shared>> -> memref<10000x16xf32, #tpu.memory_space<vmem_shared>>
        tpu.enqueue_indirect_dma source(%dma_start3A_247 : memref<128x16xf32, #tpu.memory_space<vmem>>) target(%dma_start3A_253 : memref<10000x16xf32, #tpu.memory_space<vmem_shared>>) offsets(%dma_start3A_250 : memref<128xi32, #tpu.memory_space<vmem>>) semaphore(%run_scoped3A_244 : memref<!tpu.dma_semaphore, #tpu.memory_space<semaphore_mem>>) {add = true}
        %dma_wait3A_254 = arith.constant 384 : i32
        %dma_wait3A_255 = arith.constant 0 : i32
        %dma_wait3A_256 = tpu.memref_slice %arg16[%dma_wait3A_254, %dma_wait3A_255] : memref<512x16xf32, #tpu.memory_space<vmem>> -> memref<128x16xf32, #tpu.memory_space<vmem>>
        %dma_wait3A_257 = arith.constant 0 : i32
        %dma_wait3A_258 = tpu.memref_slice %arg11[%run_scoped3A_239, %dma_wait3A_257] : memref<4x128xi32, #tpu.memory_space<vmem>> -> memref<1x128xi32, #tpu.memory_space<vmem>>
        %dma_wait3A_259 = tpu.memref_squeeze %dma_wait3A_258 : memref<1x128xi32, #tpu.memory_space<vmem>> -> memref<128xi32, #tpu.memory_space<vmem>>
        %dma_wait3A_260 = arith.constant 0 : i32
        %dma_wait3A_261 = arith.constant 0 : i32
        %dma_wait3A_262 = tpu.memref_slice %arg19[%dma_wait3A_260, %dma_wait3A_261] : memref<10000x16xf32, #tpu.memory_space<vmem_shared>> -> memref<10000x16xf32, #tpu.memory_space<vmem_shared>>
        tpu.wait_indirect_dma semaphore(%run_scoped3A_244 : memref<!tpu.dma_semaphore, #tpu.memory_space<semaphore_mem>>) src(%dma_wait3A_256 : memref<128x16xf32, #tpu.memory_space<vmem>>) dst(%dma_wait3A_262 : memref<10000x16xf32, #tpu.memory_space<vmem_shared>>)
        tpu.yield
      }) : () -> ()
      %dma_wait3A_240 = arith.constant 0 : i32
      %dma_wait3A_241 = tpu.memref_slice %arg7[%mul3A_233, %dma_wait3A_240] : memref<40000x128xf32, #tpu.memory_space<hbm>> -> memref<64x128xf32, #tpu.memory_space<hbm>>
      %dma_wait3A_242 = arith.constant 0 : i32
      %dma_wait3A_243 = tpu.memref_slice %arg7[%mul3A_233, %dma_wait3A_242] : memref<40000x128xf32, #tpu.memory_space<hbm>> -> memref<64x128xf32, #tpu.memory_space<hbm>>
      tpu.wait_dma2 semaphore(%arg22 : memref<!tpu.dma_semaphore, #tpu.memory_space<semaphore_mem>>) src(%arg15 : memref<64x128xf32, #tpu.memory_space<vmem>>) dst(%dma_wait3A_243 : memref<64x128xf32, #tpu.memory_space<hbm>>)
    }
    %barrier3A_22 = arith.constant 0 : index
    tpu.barrier barrier_id(%barrier3A_22)
    %mul3A_23 = arith.constant 625 : i32
    %mul3A_24 = arith.muli %arg1, %mul3A_23 : i32
    "tpu.region"() ({
      %run_scoped3A = tpu.sem_alloc : memref<!tpu.dma_semaphore, #tpu.memory_space<semaphore_mem>>
      %dma_start3A = arith.constant 0 : i32
      %dma_start3A_27 = arith.constant 0 : i32
      %dma_start3A_28 = tpu.memref_slice %arg8[%arg0, %arg1, %dma_start3A, %dma_start3A_27] : memref<2x16x625x16xf32, #tpu.memory_space<hbm>> -> memref<1x1x625x16xf32, #tpu.memory_space<hbm>>
      %dma_start3A_29 = tpu.memref_squeeze %dma_start3A_28 : memref<1x1x625x16xf32, #tpu.memory_space<hbm>> -> memref<625x16xf32, #tpu.memory_space<hbm>>
      %dma_start3A_30 = arith.constant 0 : i32
      %dma_start3A_31 = tpu.memref_slice %arg18[%mul3A_24, %dma_start3A_30] : memref<10000x16xf32, #tpu.memory_space<vmem_shared>> -> memref<625x16xf32, #tpu.memory_space<vmem_shared>>
      tpu.enqueue_dma source(%dma_start3A_31 : memref<625x16xf32, #tpu.memory_space<vmem_shared>>) target(%dma_start3A_29 : memref<625x16xf32, #tpu.memory_space<hbm>>) target_semaphore(%run_scoped3A : memref<!tpu.dma_semaphore, #tpu.memory_space<semaphore_mem>>)
      %dma_wait3A = arith.constant 0 : i32
      %dma_wait3A_32 = arith.constant 0 : i32
      %dma_wait3A_33 = tpu.memref_slice %arg8[%arg0, %arg1, %dma_wait3A, %dma_wait3A_32] : memref<2x16x625x16xf32, #tpu.memory_space<hbm>> -> memref<1x1x625x16xf32, #tpu.memory_space<hbm>>
      %dma_wait3A_34 = tpu.memref_squeeze %dma_wait3A_33 : memref<1x1x625x16xf32, #tpu.memory_space<hbm>> -> memref<625x16xf32, #tpu.memory_space<hbm>>
      %dma_wait3A_35 = arith.constant 0 : i32
      %dma_wait3A_36 = tpu.memref_slice %arg18[%mul3A_24, %dma_wait3A_35] : memref<10000x16xf32, #tpu.memory_space<vmem_shared>> -> memref<625x16xf32, #tpu.memory_space<vmem_shared>>
      tpu.wait_dma2 semaphore(%run_scoped3A : memref<!tpu.dma_semaphore, #tpu.memory_space<semaphore_mem>>) src(%dma_wait3A_36 : memref<625x16xf32, #tpu.memory_space<vmem_shared>>) dst(%dma_wait3A_34 : memref<625x16xf32, #tpu.memory_space<hbm>>)
      tpu.yield
    }) : () -> ()
    %mul3A_25 = arith.constant 625 : i32
    %mul3A_26 = arith.muli %arg1, %mul3A_25 : i32
    "tpu.region"() ({
      %run_scoped3A = tpu.sem_alloc : memref<!tpu.dma_semaphore, #tpu.memory_space<semaphore_mem>>
      %dma_start3A = arith.constant 0 : i32
      %dma_start3A_27 = arith.constant 0 : i32
      %dma_start3A_28 = tpu.memref_slice %arg9[%arg0, %arg1, %dma_start3A, %dma_start3A_27] : memref<2x16x625x16xf32, #tpu.memory_space<hbm>> -> memref<1x1x625x16xf32, #tpu.memory_space<hbm>>
      %dma_start3A_29 = tpu.memref_squeeze %dma_start3A_28 : memref<1x1x625x16xf32, #tpu.memory_space<hbm>> -> memref<625x16xf32, #tpu.memory_space<hbm>>
      %dma_start3A_30 = arith.constant 0 : i32
      %dma_start3A_31 = tpu.memref_slice %arg19[%mul3A_26, %dma_start3A_30] : memref<10000x16xf32, #tpu.memory_space<vmem_shared>> -> memref<625x16xf32, #tpu.memory_space<vmem_shared>>
      tpu.enqueue_dma source(%dma_start3A_31 : memref<625x16xf32, #tpu.memory_space<vmem_shared>>) target(%dma_start3A_29 : memref<625x16xf32, #tpu.memory_space<hbm>>) target_semaphore(%run_scoped3A : memref<!tpu.dma_semaphore, #tpu.memory_space<semaphore_mem>>)
      %dma_wait3A = arith.constant 0 : i32
      %dma_wait3A_32 = arith.constant 0 : i32
      %dma_wait3A_33 = tpu.memref_slice %arg9[%arg0, %arg1, %dma_wait3A, %dma_wait3A_32] : memref<2x16x625x16xf32, #tpu.memory_space<hbm>> -> memref<1x1x625x16xf32, #tpu.memory_space<hbm>>
      %dma_wait3A_34 = tpu.memref_squeeze %dma_wait3A_33 : memref<1x1x625x16xf32, #tpu.memory_space<hbm>> -> memref<625x16xf32, #tpu.memory_space<hbm>>
      %dma_wait3A_35 = arith.constant 0 : i32
      %dma_wait3A_36 = tpu.memref_slice %arg19[%mul3A_26, %dma_wait3A_35] : memref<10000x16xf32, #tpu.memory_space<vmem_shared>> -> memref<625x16xf32, #tpu.memory_space<vmem_shared>>
      tpu.wait_dma2 semaphore(%run_scoped3A : memref<!tpu.dma_semaphore, #tpu.memory_space<semaphore_mem>>) src(%dma_wait3A_36 : memref<625x16xf32, #tpu.memory_space<vmem_shared>>) dst(%dma_wait3A_34 : memref<625x16xf32, #tpu.memory_space<hbm>>)
      tpu.yield
    }) : () -> ()
    return
  }
}

module attributes {stable_mosaic.version = 14 : i64} {
  func.func @_node_pre_body(%arg0: memref<1250x1024xf32, #tpu.memory_space<vmem>>, %arg1: memref<1024x128xf32, #tpu.memory_space<vmem>>, %arg2: memref<1024x128xf32, #tpu.memory_space<vmem>>, %arg3: memref<1x64xf32, #tpu.memory_space<vmem>>, %arg4: memref<64x16xf32, #tpu.memory_space<vmem>>, %arg5: memref<1x16xf32, #tpu.memory_space<vmem>>, %arg6: memref<1250x128xf32, #tpu.memory_space<vmem>>, %arg7: memref<1250x128xf32, #tpu.memory_space<vmem>>, %arg8: memref<1x16xf32, #tpu.memory_space<vmem>>) attributes {dimension_semantics = [], scalar_prefetch = 0 : i64, scratch_operands = 0 : i64, tpu.core_type = #tpu.core_type<tc>} {
    %get3A = arith.constant 0 : index
    %get3A_0 = arith.constant 0 : index
    %get3A_1 = vector.load %arg0[%get3A, %get3A_0] : memref<1250x1024xf32, #tpu.memory_space<vmem>>, vector<1250x1024xf32>
    %get3A_2 = arith.constant 0 : index
    %get3A_3 = arith.constant 0 : index
    %get3A_4 = vector.load %arg1[%get3A_2, %get3A_3] : memref<1024x128xf32, #tpu.memory_space<vmem>>, vector<1024x128xf32>
    %dot_general3A = arith.constant dense<0.000000e+00> : vector<1250x128xf32>
    %dot_general3A_5 = tpu.matmul %get3A_1, %get3A_4, %dot_general3A {dimension_numbers = #tpu.dot_dimension_numbers<[1], [0], [0], [1], [0, 0, 1, 1], [], []>, transpose_lhs_hint = false} : vector<1250x1024xf32>, vector<1024x128xf32>, vector<1250x128xf32> -> vector<1250x128xf32>
    %swap3A = arith.constant 0 : index
    %swap3A_6 = arith.constant 0 : index
    %swap3A_7 = vector.load %arg6[%swap3A, %swap3A_6] : memref<1250x128xf32, #tpu.memory_space<vmem>>, vector<1250x128xf32>
    tpu.vector_store %arg6[%swap3A, %swap3A_6], %dot_general3A_5 {strides = array<i32>} : memref<1250x128xf32, #tpu.memory_space<vmem>>, vector<1250x128xf32>,
    %get3A_8 = arith.constant 0 : index
    %get3A_9 = arith.constant 0 : index
    %get3A_10 = vector.load %arg2[%get3A_8, %get3A_9] : memref<1024x128xf32, #tpu.memory_space<vmem>>, vector<1024x128xf32>
    %dot_general3A_11 = arith.constant dense<0.000000e+00> : vector<1250x128xf32>
    %dot_general3A_12 = tpu.matmul %get3A_1, %get3A_10, %dot_general3A_11 {dimension_numbers = #tpu.dot_dimension_numbers<[1], [0], [0], [1], [0, 0, 1, 1], [], []>, transpose_lhs_hint = false} : vector<1250x1024xf32>, vector<1024x128xf32>, vector<1250x128xf32> -> vector<1250x128xf32>
    %swap3A_13 = arith.constant 0 : index
    %swap3A_14 = arith.constant 0 : index
    %swap3A_15 = vector.load %arg7[%swap3A_13, %swap3A_14] : memref<1250x128xf32, #tpu.memory_space<vmem>>, vector<1250x128xf32>
    tpu.vector_store %arg7[%swap3A_13, %swap3A_14], %dot_general3A_12 {strides = array<i32>} : memref<1250x128xf32, #tpu.memory_space<vmem>>, vector<1250x128xf32>,
    %get3A_16 = arith.constant 0 : index
    %get3A_17 = arith.constant 0 : index
    %get3A_18 = vector.load %arg3[%get3A_16, %get3A_17] : memref<1x64xf32, #tpu.memory_space<vmem>>, vector<1x64xf32>
    %get3A_19 = arith.constant 0 : index
    %get3A_20 = arith.constant 0 : index
    %get3A_21 = vector.load %arg4[%get3A_19, %get3A_20] : memref<64x16xf32, #tpu.memory_space<vmem>>, vector<64x16xf32>
    %dot_general3A_22 = arith.constant dense<0.000000e+00> : vector<1x16xf32>
    %dot_general3A_23 = tpu.matmul %get3A_18, %get3A_21, %dot_general3A_22 {dimension_numbers = #tpu.dot_dimension_numbers<[1], [0], [0], [1], [0, 0, 1, 1], [], []>, transpose_lhs_hint = false} : vector<1x64xf32>, vector<64x16xf32>, vector<1x16xf32> -> vector<1x16xf32>
    %get3A_24 = arith.constant 0 : index
    %get3A_25 = arith.constant 0 : index
    %get3A_26 = vector.load %arg5[%get3A_24, %get3A_25] : memref<1x16xf32, #tpu.memory_space<vmem>>, vector<1x16xf32>
    %add3A = arith.addf %dot_general3A_23, %get3A_26 : vector<1x16xf32>
    %swap3A_27 = arith.constant 0 : index
    %swap3A_28 = arith.constant 0 : index
    %swap3A_29 = vector.load %arg8[%swap3A_27, %swap3A_28] : memref<1x16xf32, #tpu.memory_space<vmem>>, vector<1x16xf32>
    tpu.vector_store %arg8[%swap3A_27, %swap3A_28], %add3A {strides = array<i32>} : memref<1x16xf32, #tpu.memory_space<vmem>>, vector<1x16xf32>,
    return
  }
}

module attributes {stable_mosaic.version = 14 : i64} {
  func.func @_edge_dense_body(%arg0: i32, %arg1: memref<4000x128xf32, #tpu.memory_space<vmem>>, %arg2: memref<128x128xf32, #tpu.memory_space<vmem>>, %arg3: memref<1x128xf32, #tpu.memory_space<vmem>>, %arg4: memref<4000x128xf32, #tpu.memory_space<vmem>>) attributes {dimension_semantics = [#tpu.dimension_semantics<arbitrary>], iteration_bounds = array<i64: 10>, scalar_prefetch = 0 : i64, scratch_operands = 0 : i64, tpu.core_type = #tpu.core_type<tc>, window_params = [{transform_indices = @transform_0, window_bounds = array<i64: 4000, 128>}, {pipeline_mode = #tpu.pipeline_mode<synchronous>, transform_indices = @transform_1, window_bounds = array<i64: 128, 128>}, {pipeline_mode = #tpu.pipeline_mode<synchronous>, transform_indices = @transform_2, window_bounds = array<i64: 1, 128>}, {transform_indices = @transform_3, window_bounds = array<i64: 4000, 128>}]} {
    %get3A = arith.constant 0 : index
    %get3A_0 = arith.constant 0 : index
    %get3A_1 = vector.load %arg1[%get3A, %get3A_0] : memref<4000x128xf32, #tpu.memory_space<vmem>>, vector<4000x128xf32>
    %get3A_2 = arith.constant 0 : index
    %get3A_3 = arith.constant 0 : index
    %get3A_4 = vector.load %arg2[%get3A_2, %get3A_3] : memref<128x128xf32, #tpu.memory_space<vmem>>, vector<128x128xf32>
    %dot_general3A = arith.constant dense<0.000000e+00> : vector<4000x128xf32>
    %dot_general3A_5 = tpu.matmul %get3A_1, %get3A_4, %dot_general3A {dimension_numbers = #tpu.dot_dimension_numbers<[1], [0], [0], [1], [0, 0, 1, 1], [], []>, transpose_lhs_hint = false} : vector<4000x128xf32>, vector<128x128xf32>, vector<4000x128xf32> -> vector<4000x128xf32>
    %get3A_6 = arith.constant 0 : index
    %get3A_7 = arith.constant 0 : index
    %get3A_8 = vector.load %arg3[%get3A_6, %get3A_7] : memref<1x128xf32, #tpu.memory_space<vmem>>, vector<1x128xf32>
    %add3A = vector.broadcast %get3A_8 : vector<1x128xf32> to vector<4000x128xf32>
    %add3A_9 = arith.addf %dot_general3A_5, %add3A : vector<4000x128xf32>
    %swap3A = arith.constant 0 : index
    %swap3A_10 = arith.constant 0 : index
    %swap3A_11 = vector.load %arg4[%swap3A, %swap3A_10] : memref<4000x128xf32, #tpu.memory_space<vmem>>, vector<4000x128xf32>
    tpu.vector_store %arg4[%swap3A, %swap3A_10], %add3A_9 {strides = array<i32>} : memref<4000x128xf32, #tpu.memory_space<vmem>>, vector<4000x128xf32>,
    return
  }
  func.func @transform_0(%arg0: i32) -> (i32, i32) {
    %c0_i32 = arith.constant 0 : i32
    %c0_i32_0 = arith.constant 0 : i32
    return %arg0, %c0_i32 : i32, i32
  }
  func.func @transform_1(%arg0: i32) -> (i32, i32) {
    %c0_i32 = arith.constant 0 : i32
    %c0_i32_0 = arith.constant 0 : i32
    %c0_i32_1 = arith.constant 0 : i32
    return %c0_i32, %c0_i32_0 : i32, i32
  }
  func.func @transform_2(%arg0: i32) -> (i32, i32) {
    %c0_i32 = arith.constant 0 : i32
    %c0_i32_0 = arith.constant 0 : i32
    %c0_i32_1 = arith.constant 0 : i32
    return %c0_i32, %c0_i32_0 : i32, i32
  }
  func.func @transform_3(%arg0: i32) -> (i32, i32) {
    %c0_i32 = arith.constant 0 : i32
    %c0_i32_0 = arith.constant 0 : i32
    return %arg0, %c0_i32 : i32, i32
  }
}

module attributes {stable_mosaic.version = 14 : i64} {
  func.func @_node_glob_body(%arg0: memref<1250x1024xf32, #tpu.memory_space<vmem>>, %arg1: memref<2x1250x128xf32, #tpu.memory_space<vmem>>, %arg2: memref<2x1250x128xf32, #tpu.memory_space<vmem>>, %arg3: memref<1024x1024xf32, #tpu.memory_space<vmem>>, %arg4: memref<128x1024xf32, #tpu.memory_space<vmem>>, %arg5: memref<128x1024xf32, #tpu.memory_space<vmem>>, %arg6: memref<1x64xf32, #tpu.memory_space<vmem>>, %arg7: memref<64x128xf32, #tpu.memory_space<vmem>>, %arg8: memref<1x128xf32, #tpu.memory_space<vmem>>, %arg9: memref<1x64xf32, #tpu.memory_space<vmem>>, %arg10: memref<64x64xf32, #tpu.memory_space<vmem>>, %arg11: memref<128x64xf32, #tpu.memory_space<vmem>>, %arg12: memref<16x64xf32, #tpu.memory_space<vmem>>, %arg13: memref<1x64xf32, #tpu.memory_space<vmem>>, %arg14: memref<1250x1024xf32, #tpu.memory_space<vmem>>, %arg15: memref<1x64xf32, #tpu.memory_space<vmem>>) attributes {dimension_semantics = [], scalar_prefetch = 0 : i64, scratch_operands = 0 : i64, tpu.core_type = #tpu.core_type<tc>} {
    %get3A = arith.constant 0 : index
    %get3A_0 = arith.constant 0 : index
    %get3A_1 = arith.constant 0 : index
    %get3A_2 = vector.load %arg1[%get3A, %get3A_0, %get3A_1] : memref<2x1250x128xf32, #tpu.memory_space<vmem>>, vector<1x1250x128xf32>
    %get3A_3 = vector.shape_cast %get3A_2 : vector<1x1250x128xf32> to vector<1250x128xf32>
    %get3A_4 = arith.constant 1 : index
    %get3A_5 = arith.constant 0 : index
    %get3A_6 = arith.constant 0 : index
    %get3A_7 = vector.load %arg1[%get3A_4, %get3A_5, %get3A_6] : memref<2x1250x128xf32, #tpu.memory_space<vmem>>, vector<1x1250x128xf32>
    %get3A_8 = vector.shape_cast %get3A_7 : vector<1x1250x128xf32> to vector<1250x128xf32>
    %add3A = arith.addf %get3A_3, %get3A_8 : vector<1250x128xf32>
    %get3A_9 = arith.constant 0 : index
    %get3A_10 = arith.constant 0 : index
    %get3A_11 = arith.constant 0 : index
    %get3A_12 = vector.load %arg2[%get3A_9, %get3A_10, %get3A_11] : memref<2x1250x128xf32, #tpu.memory_space<vmem>>, vector<1x1250x128xf32>
    %get3A_13 = vector.shape_cast %get3A_12 : vector<1x1250x128xf32> to vector<1250x128xf32>
    %get3A_14 = arith.constant 1 : index
    %get3A_15 = arith.constant 0 : index
    %get3A_16 = arith.constant 0 : index
    %get3A_17 = vector.load %arg2[%get3A_14, %get3A_15, %get3A_16] : memref<2x1250x128xf32, #tpu.memory_space<vmem>>, vector<1x1250x128xf32>
    %get3A_18 = vector.shape_cast %get3A_17 : vector<1x1250x128xf32> to vector<1250x128xf32>
    %add3A_19 = arith.addf %get3A_13, %get3A_18 : vector<1250x128xf32>
    %get3A_20 = arith.constant 0 : index
    %get3A_21 = arith.constant 0 : index
    %get3A_22 = vector.load %arg6[%get3A_20, %get3A_21] : memref<1x64xf32, #tpu.memory_space<vmem>>, vector<1x64xf32>
    %get3A_23 = arith.constant 0 : index
    %get3A_24 = arith.constant 0 : index
    %get3A_25 = vector.load %arg7[%get3A_23, %get3A_24] : memref<64x128xf32, #tpu.memory_space<vmem>>, vector<64x128xf32>
    %dot_general3A = arith.constant dense<0.000000e+00> : vector<1x128xf32>
    %dot_general3A_26 = tpu.matmul %get3A_22, %get3A_25, %dot_general3A {dimension_numbers = #tpu.dot_dimension_numbers<[1], [0], [0], [1], [0, 0, 1, 1], [], []>, transpose_lhs_hint = false} : vector<1x64xf32>, vector<64x128xf32>, vector<1x128xf32> -> vector<1x128xf32>
    %get3A_27 = arith.constant 0 : index
    %get3A_28 = arith.constant 0 : index
    %get3A_29 = vector.load %arg8[%get3A_27, %get3A_28] : memref<1x128xf32, #tpu.memory_space<vmem>>, vector<1x128xf32>
    %add3A_30 = arith.addf %dot_general3A_26, %get3A_29 : vector<1x128xf32>
    %concatenate3A = tpu.concatenate %add3A_30, %add3A_30, %add3A_30, %add3A_30, %add3A_30, %add3A_30, %add3A_30, %add3A_30 in 1 : vector<1x128xf32>, vector<1x128xf32>, vector<1x128xf32>, vector<1x128xf32>, vector<1x128xf32>, vector<1x128xf32>, vector<1x128xf32>, vector<1x128xf32> -> vector<1x1024xf32>
    %get3A_31 = arith.constant 0 : index
    %get3A_32 = arith.constant 0 : index
    %get3A_33 = vector.load %arg0[%get3A_31, %get3A_32] : memref<1250x1024xf32, #tpu.memory_space<vmem>>, vector<1250x1024xf32>
    %get3A_34 = arith.constant 0 : index
    %get3A_35 = arith.constant 0 : index
    %get3A_36 = vector.load %arg3[%get3A_34, %get3A_35] : memref<1024x1024xf32, #tpu.memory_space<vmem>>, vector<1024x1024xf32>
    %dot_general3A_37 = arith.constant dense<0.000000e+00> : vector<1250x1024xf32>
    %dot_general3A_38 = tpu.matmul %get3A_33, %get3A_36, %dot_general3A_37 {dimension_numbers = #tpu.dot_dimension_numbers<[1], [0], [0], [1], [0, 0, 1, 1], [], []>, transpose_lhs_hint = false} : vector<1250x1024xf32>, vector<1024x1024xf32>, vector<1250x1024xf32> -> vector<1250x1024xf32>
    %get3A_39 = arith.constant 0 : index
    %get3A_40 = arith.constant 0 : index
    %get3A_41 = vector.load %arg4[%get3A_39, %get3A_40] : memref<128x1024xf32, #tpu.memory_space<vmem>>, vector<128x1024xf32>
    %dot_general3A_42 = arith.constant dense<0.000000e+00> : vector<1250x1024xf32>
    %dot_general3A_43 = tpu.matmul %add3A, %get3A_41, %dot_general3A_42 {dimension_numbers = #tpu.dot_dimension_numbers<[1], [0], [0], [1], [0, 0, 1, 1], [], []>, transpose_lhs_hint = false} : vector<1250x128xf32>, vector<128x1024xf32>, vector<1250x1024xf32> -> vector<1250x1024xf32>
    %add3A_44 = arith.addf %dot_general3A_38, %dot_general3A_43 : vector<1250x1024xf32>
    %get3A_45 = arith.constant 0 : index
    %get3A_46 = arith.constant 0 : index
    %get3A_47 = vector.load %arg5[%get3A_45, %get3A_46] : memref<128x1024xf32, #tpu.memory_space<vmem>>, vector<128x1024xf32>
    %dot_general3A_48 = arith.constant dense<0.000000e+00> : vector<1250x1024xf32>
    %dot_general3A_49 = tpu.matmul %add3A_19, %get3A_47, %dot_general3A_48 {dimension_numbers = #tpu.dot_dimension_numbers<[1], [0], [0], [1], [0, 0, 1, 1], [], []>, transpose_lhs_hint = false} : vector<1250x128xf32>, vector<128x1024xf32>, vector<1250x1024xf32> -> vector<1250x1024xf32>
    %add3A_50 = arith.addf %add3A_44, %dot_general3A_49 : vector<1250x1024xf32>
    %add3A_51 = vector.broadcast %concatenate3A : vector<1x1024xf32> to vector<1250x1024xf32>
    %add3A_52 = arith.addf %add3A_50, %add3A_51 : vector<1250x1024xf32>
    %swap3A = arith.constant 0 : index
    %swap3A_53 = arith.constant 0 : index
    %swap3A_54 = vector.load %arg14[%swap3A, %swap3A_53] : memref<1250x1024xf32, #tpu.memory_space<vmem>>, vector<1250x1024xf32>
    tpu.vector_store %arg14[%swap3A, %swap3A_53], %add3A_52 {strides = array<i32>} : memref<1250x1024xf32, #tpu.memory_space<vmem>>, vector<1250x1024xf32>,
    %reduce_sum3A = arith.constant dense<0.000000e+00> : vector<1024xf32>
    %reduce_sum3A_55 = vector.multi_reduction <add>, %add3A_52, %reduce_sum3A [0] : vector<1250x1024xf32> to vector<1024xf32>
    %broadcast_in_dim3A = vector.shape_cast %reduce_sum3A_55 : vector<1024xf32> to vector<1x1024xf32>
    %slice3A = vector.extract_strided_slice %broadcast_in_dim3A {offsets = [0, 0], sizes = [1, 128], strides = [1, 1]} : vector<1x1024xf32> to vector<1x128xf32>
    %add3A_56 = arith.constant 0.000000e+00 : f32
    %add3A_57 = vector.broadcast %add3A_56 : f32 to vector<1x128xf32>
    %add3A_58 = arith.addf %add3A_57, %slice3A : vector<1x128xf32>
    %slice3A_59 = vector.extract_strided_slice %broadcast_in_dim3A {offsets = [0, 128], sizes = [1, 128], strides = [1, 1]} : vector<1x1024xf32> to vector<1x128xf32>
    %add3A_60 = arith.addf %add3A_58, %slice3A_59 : vector<1x128xf32>
    %slice3A_61 = vector.extract_strided_slice %broadcast_in_dim3A {offsets = [0, 256], sizes = [1, 128], strides = [1, 1]} : vector<1x1024xf32> to vector<1x128xf32>
    %add3A_62 = arith.addf %add3A_60, %slice3A_61 : vector<1x128xf32>
    %slice3A_63 = vector.extract_strided_slice %broadcast_in_dim3A {offsets = [0, 384], sizes = [1, 128], strides = [1, 1]} : vector<1x1024xf32> to vector<1x128xf32>
    %add3A_64 = arith.addf %add3A_62, %slice3A_63 : vector<1x128xf32>
    %slice3A_65 = vector.extract_strided_slice %broadcast_in_dim3A {offsets = [0, 512], sizes = [1, 128], strides = [1, 1]} : vector<1x1024xf32> to vector<1x128xf32>
    %add3A_66 = arith.addf %add3A_64, %slice3A_65 : vector<1x128xf32>
    %slice3A_67 = vector.extract_strided_slice %broadcast_in_dim3A {offsets = [0, 640], sizes = [1, 128], strides = [1, 1]} : vector<1x1024xf32> to vector<1x128xf32>
    %add3A_68 = arith.addf %add3A_66, %slice3A_67 : vector<1x128xf32>
    %slice3A_69 = vector.extract_strided_slice %broadcast_in_dim3A {offsets = [0, 768], sizes = [1, 128], strides = [1, 1]} : vector<1x1024xf32> to vector<1x128xf32>
    %add3A_70 = arith.addf %add3A_68, %slice3A_69 : vector<1x128xf32>
    %slice3A_71 = vector.extract_strided_slice %broadcast_in_dim3A {offsets = [0, 896], sizes = [1, 128], strides = [1, 1]} : vector<1x1024xf32> to vector<1x128xf32>
    %add3A_72 = arith.addf %add3A_70, %slice3A_71 : vector<1x128xf32>
    %reduce_sum3A_73 = arith.constant dense<0.000000e+00> : vector<128xf32>
    %reduce_sum3A_74 = vector.multi_reduction <add>, %add3A, %reduce_sum3A_73 [0] : vector<1250x128xf32> to vector<128xf32>
    %broadcast_in_dim3A_75 = vector.shape_cast %reduce_sum3A_74 : vector<128xf32> to vector<1x128xf32>
    %slice3A_76 = vector.extract_strided_slice %broadcast_in_dim3A_75 {offsets = [0, 0], sizes = [1, 16], strides = [1, 1]} : vector<1x128xf32> to vector<1x16xf32>
    %add3A_77 = arith.constant 0.000000e+00 : f32
    %add3A_78 = vector.broadcast %add3A_77 : f32 to vector<1x16xf32>
    %add3A_79 = arith.addf %add3A_78, %slice3A_76 : vector<1x16xf32>
    %slice3A_80 = vector.extract_strided_slice %broadcast_in_dim3A_75 {offsets = [0, 16], sizes = [1, 16], strides = [1, 1]} : vector<1x128xf32> to vector<1x16xf32>
    %add3A_81 = arith.addf %add3A_79, %slice3A_80 : vector<1x16xf32>
    %slice3A_82 = vector.extract_strided_slice %broadcast_in_dim3A_75 {offsets = [0, 32], sizes = [1, 16], strides = [1, 1]} : vector<1x128xf32> to vector<1x16xf32>
    %add3A_83 = arith.addf %add3A_81, %slice3A_82 : vector<1x16xf32>
    %slice3A_84 = vector.extract_strided_slice %broadcast_in_dim3A_75 {offsets = [0, 48], sizes = [1, 16], strides = [1, 1]} : vector<1x128xf32> to vector<1x16xf32>
    %add3A_85 = arith.addf %add3A_83, %slice3A_84 : vector<1x16xf32>
    %slice3A_86 = vector.extract_strided_slice %broadcast_in_dim3A_75 {offsets = [0, 64], sizes = [1, 16], strides = [1, 1]} : vector<1x128xf32> to vector<1x16xf32>
    %add3A_87 = arith.addf %add3A_85, %slice3A_86 : vector<1x16xf32>
    %slice3A_88 = vector.extract_strided_slice %broadcast_in_dim3A_75 {offsets = [0, 80], sizes = [1, 16], strides = [1, 1]} : vector<1x128xf32> to vector<1x16xf32>
    %add3A_89 = arith.addf %add3A_87, %slice3A_88 : vector<1x16xf32>
    %slice3A_90 = vector.extract_strided_slice %broadcast_in_dim3A_75 {offsets = [0, 96], sizes = [1, 16], strides = [1, 1]} : vector<1x128xf32> to vector<1x16xf32>
    %add3A_91 = arith.addf %add3A_89, %slice3A_90 : vector<1x16xf32>
    %slice3A_92 = vector.extract_strided_slice %broadcast_in_dim3A_75 {offsets = [0, 112], sizes = [1, 16], strides = [1, 1]} : vector<1x128xf32> to vector<1x16xf32>
    %add3A_93 = arith.addf %add3A_91, %slice3A_92 : vector<1x16xf32>
    %get3A_94 = arith.constant 0 : index
    %get3A_95 = arith.constant 0 : index
    %get3A_96 = vector.load %arg9[%get3A_94, %get3A_95] : memref<1x64xf32, #tpu.memory_space<vmem>>, vector<1x64xf32>
    %get3A_97 = arith.constant 0 : index
    %get3A_98 = arith.constant 0 : index
    %get3A_99 = vector.load %arg10[%get3A_97, %get3A_98] : memref<64x64xf32, #tpu.memory_space<vmem>>, vector<64x64xf32>
    %dot_general3A_100 = arith.constant dense<0.000000e+00> : vector<1x64xf32>
    %dot_general3A_101 = tpu.matmul %get3A_96, %get3A_99, %dot_general3A_100 {dimension_numbers = #tpu.dot_dimension_numbers<[1], [0], [0], [1], [0, 0, 1, 1], [], []>, transpose_lhs_hint = false} : vector<1x64xf32>, vector<64x64xf32>, vector<1x64xf32> -> vector<1x64xf32>
    %get3A_102 = arith.constant 0 : index
    %get3A_103 = arith.constant 0 : index
    %get3A_104 = vector.load %arg11[%get3A_102, %get3A_103] : memref<128x64xf32, #tpu.memory_space<vmem>>, vector<128x64xf32>
    %dot_general3A_105 = arith.constant dense<0.000000e+00> : vector<1x64xf32>
    %dot_general3A_106 = tpu.matmul %add3A_72, %get3A_104, %dot_general3A_105 {dimension_numbers = #tpu.dot_dimension_numbers<[1], [0], [0], [1], [0, 0, 1, 1], [], []>, transpose_lhs_hint = false} : vector<1x128xf32>, vector<128x64xf32>, vector<1x64xf32> -> vector<1x64xf32>
    %add3A_107 = arith.addf %dot_general3A_101, %dot_general3A_106 : vector<1x64xf32>
    %get3A_108 = arith.constant 0 : index
    %get3A_109 = arith.constant 0 : index
    %get3A_110 = vector.load %arg12[%get3A_108, %get3A_109] : memref<16x64xf32, #tpu.memory_space<vmem>>, vector<16x64xf32>
    %dot_general3A_111 = arith.constant dense<0.000000e+00> : vector<1x64xf32>
    %dot_general3A_112 = tpu.matmul %add3A_93, %get3A_110, %dot_general3A_111 {dimension_numbers = #tpu.dot_dimension_numbers<[1], [0], [0], [1], [0, 0, 1, 1], [], []>, transpose_lhs_hint = false} : vector<1x16xf32>, vector<16x64xf32>, vector<1x64xf32> -> vector<1x64xf32>
    %add3A_113 = arith.addf %add3A_107, %dot_general3A_112 : vector<1x64xf32>
    %get3A_114 = arith.constant 0 : index
    %get3A_115 = arith.constant 0 : index
    %get3A_116 = vector.load %arg13[%get3A_114, %get3A_115] : memref<1x64xf32, #tpu.memory_space<vmem>>, vector<1x64xf32>
    %add3A_117 = arith.addf %add3A_113, %get3A_116 : vector<1x64xf32>
    %swap3A_118 = arith.constant 0 : index
    %swap3A_119 = arith.constant 0 : index
    %swap3A_120 = vector.load %arg15[%swap3A_118, %swap3A_119] : memref<1x64xf32, #tpu.memory_space<vmem>>, vector<1x64xf32>
    tpu.vector_store %arg15[%swap3A_118, %swap3A_119], %add3A_117 {strides = array<i32>} : memref<1x64xf32, #tpu.memory_space<vmem>>, vector<1x64xf32>,
    return
  }
}

</mosaic_0001>

<sc_bundles>
// kernel: kernel.6.cloned.1.call-start
scs
__scs_entry_jumppad:
0x0: {  	(pc) =	sbr.rel $0x88, $3  }
0x1: {  	(tag) =	ssettag $0x0;
	lr =	simm.s32 $0x1  }
0x2: {  	[smem:$0x3F95] =	sst lr;
	_ =	strace $0xD0000000  }
0x3: {  	_ = 	snop  }
0x4: {  	_ = 	snop  }
0x5: {  	_ = 	snop  }
0x6: {  	_ = 	snop  }
0x7: {  	_ = 	snop  }
__scs_overlays_trampoline_lowered:
0x8: {  	[smem:$0x3FA4] =	sst s0  }
0x9: {  	[smem:$0x3FA5] =	sst s1  }
0xa: {  	[smem:$0x3FA6] =	sst s2  }
0xb: {  	[smem:$0x3FA7] =	sst s3  }
0xc: {  	[smem:$0x3FA8] =	sst s4  }
0xd: {  	[smem:$0x3FA9] =	sst s5  }
0xe: {  	[smem:$0x3FAA] =	sst s6  }
0xf: {  	[smem:$0x3FAB] =	sst s7  }
0x10: {  	[smem:$0x3FAC] =	sst s8  }
0x11: {  	[smem:$0x3FAD] =	sst s9;
	s0 =	simm.s32 @!p0 $0x0  }
0x12: {  	s1 =	sld [smem:$0x3F93];
	s0 =	simm.s32 @p0 $0x1  }
0x13: {  	[smem:$0x3FAE] =	sst s0;
	s0 =	simm.s32 @!p1 $0x0  }
0x14: {  	s2 =	sld [smem:$0x3F92];
	s0 =	simm.s32 @p1 $0x1  }
0x15: {  	[smem:$0x3FAF] =	sst s0;
	s0 =	simm.s32 @!p2 $0x0  }
0x16: {  	s3 =	sld [smem:$0x3FDB];
	s0 =	simm.s32 @p2 $0x1  }
0x17: {  	s4 =	simm.s32 $0x1BF5;
	[smem:$0x3FB1] =	sst s0  }
0x18: {  	s0 =	sld [smem:$0x3F94];
	_ =	swait.ge [sflag:s4], $0x0  }
0x19: {  	s7 =	sld [smem:$0x3F95]  }
0x1a: {  	s8 =	sadd.s32 $0xFFFFE003, lr  }
0x1b: {  	s9 =	sadd.s32 $0xFFFFFEF7, lr;
	s5 =	simm.s32 $0xFFFFFFFF;
	p2 =	slt.u32 s8, $0xFFFFF086  }
0x1c: {  	p1 =	slt.u32 s9, $0xF7A;
	s5 =	simm.s32 @!p2 $0x0  }
0x1d: {  	s5 =	simm.s32 @p1 $0x1;
	p0 =	seq.s32 s7, s2  }
0x1e: {  	s7 =	smul.u32 @!p0 $0xF7A, s2;
	p2 =	seq.s32 @!p0 s5, $0x0  }
0x1f: {  	s9 =	smul.u32 $0xF7A, s1;
	s8 =	simm.s32 @!p0 $0x1BF5;
	p2 =	por !p2, p0  }
0x20: {  	[sflag:s8] =	ssyncset.s32 @!p0 $0xFFFFF086;
	s6 =	sadd.s32 @!p0 s3, s7;
	s7 =	simm.s32 @!p0 $0x108  }
0x21: {  	s3 =	sadd.s32 s3, s9;
	s6 =	sadd.s32 @!p0 $0x88, s6;
	s7 =	simm.s32 @p2 $0x1082  }
0x22: {  	[simem:s7], [sflag:s8] =	dma.local @!p0 [hbm:s6], $0xF7A  }
0x23: {  	s9 =	sor.u32 $0xD0000000, s2;
	s6 =	simm.s32 $0x108;
	_ =	swait.ge @!p0 [sflag:s8], $0x0  }
0x24: {  	s3 =	sadd.s32 $0x88, s3;
	s6 =	simm.s32 @!p1 $0x1082;
	[sflag:s4] =	ssyncset.s32 $0xFFFFF086  }
0x25: {  	[simem:s6], [sflag:s4] =	dma.local [hbm:s3], $0xF7A  }
0x26: {  	[smem:$0x3F95] =	sst s1;
	(tag) =	ssettag s2;
	_ =	strace s9  }
0x27: {  	s1 =	sld [smem:$0x3FA5]  }
0x28: {  	s2 =	sld [smem:$0x3FA6]  }
0x29: {  	s4 =	sld [smem:$0x3FA8]  }
0x2a: {  	p0 =	seq.s32 s5, $0x0;
	s5 =	sld [smem:$0x3FA9]  }
0x2b: {  	s6 =	sld [smem:$0x3FAA]  }
0x2c: {  	s7 =	sld [smem:$0x3FAB]  }
0x2d: {  	s3 =	simm.s32 $0x108;
	s8 =	sld [smem:$0x3FAC]  }
0x2e: {  	s3 =	simm.s32 @!p0 $0x1082;
	s9 =	sld [smem:$0x3FAD]  }
0x2f: {  	lr =	sadd.s32 s0, s3;
	s0 =	sld [smem:$0x3FA4]  }
0x30: {  	s3 =	sld [smem:$0x3FA7]  }
0x31: {  	[smem:$0x3FB0] =	sst s10  }
0x32: {  	s10 =	sld [smem:$0x3FAE];
	_ =	sdelay $0x3  }
0x33: {  	p0 =	seq.s32 s10, $0x1;
	s10 =	sld [smem:$0x3FB0];
	_ =	sdelay $0x3  }
0x34: {  	[smem:$0x3FB0] =	sst s10  }
0x35: {  	s10 =	sld [smem:$0x3FAF];
	_ =	sdelay $0x3  }
0x36: {  	p1 =	seq.s32 s10, $0x1;
	s10 =	sld [smem:$0x3FB0];
	_ =	sdelay $0x3  }
0x37: {  	[smem:$0x3FB0] =	sst s10  }
0x38: {  	s10 =	sld [smem:$0x3FB1]  }
0x39: {  	_ = 	snop;
	(pc) =	sbr.ind lr, $3  }
0x3a: {  	_ = 	snop  }
0x3b: {  	_ = 	snop  }
0x3c: {  	p2 =	seq.s32 s10, $0x1;
	s10 =	sld [smem:$0x3FB0]  }
0x3d: {  	_ =	shalt  }
0x3e: {  	_ =	shalt  }
0x3f: {  	_ =	shalt  }
0x40: {  	_ =	shalt  }
0x41: {  	_ =	shalt  }
0x42: {  	_ =	shalt  }
0x43: {  	_ =	shalt  }
0x44: {  	_ =	shalt  }
0x45: {  	_ =	shalt  }
0x46: {  	_ =	shalt  }
0x47: {  	_ =	shalt  }
0x48: {  	_ =	shalt  }
0x49: {  	_ =	shalt  }
0x4a: {  	_ =	shalt  }
0x4b: {  	_ =	shalt  }
0x4c: {  	_ =	shalt  }
0x4d: {  	_ =	shalt  }
0x4e: {  	_ =	shalt  }
0x4f: {  	_ =	shalt  }
0x50: {  	_ =	shalt  }
0x51: {  	_ =	shalt  }
0x52: {  	_ =	shalt  }
0x53: {  	_ =	shalt  }
0x54: {  	_ =	shalt  }
0x55: {  	_ =	shalt  }
0x56: {  	_ =	shalt  }
0x57: {  	_ =	shalt  }
0x58: {  	_ =	shalt  }
0x59: {  	_ =	shalt  }
0x5a: {  	_ =	shalt  }
0x5b: {  	_ =	shalt  }
0x5c: {  	_ =	shalt  }
0x5d: {  	_ =	shalt  }
0x5e: {  	_ =	shalt  }
0x5f: {  	_ =	shalt  }
0x60: {  	_ =	shalt  }
0x61: {  	_ =	shalt  }
0x62: {  	_ =	shalt  }
0x63: {  	_ =	shalt  }
0x64: {  	_ =	shalt  }
0x65: {  	_ =	shalt  }
0x66: {  	_ =	shalt  }
0x67: {  	_ =	shalt  }
0x68: {  	_ =	shalt  }
0x69: {  	_ =	shalt  }
0x6a: {  	_ =	shalt  }
0x6b: {  	_ =	shalt  }
0x6c: {  	_ =	shalt  }
0x6d: {  	_ =	shalt  }
0x6e: {  	_ =	shalt  }
0x6f: {  	_ =	shalt  }
0x70: {  	_ =	shalt  }
0x71: {  	_ =	shalt  }
0x72: {  	_ =	shalt  }
0x73: {  	_ =	shalt  }
0x74: {  	_ =	shalt  }
0x75: {  	_ =	shalt  }
0x76: {  	_ =	shalt  }
0x77: {  	_ =	shalt  }
0x78: {  	_ =	shalt  }
0x79: {  	_ =	shalt  }
0x7a: {  	_ =	shalt  }
0x7b: {  	_ =	shalt  }
0x7c: {  	_ =	shalt  }
0x7d: {  	_ =	shalt  }
0x7e: {  	_ =	shalt  }
0x7f: {  	_ =	shalt  }
0x80: {  	_ =	shalt  }
0x81: {  	_ =	shalt  }
0x82: {  	_ =	shalt  }
0x83: {  	_ =	shalt  }
0x84: {  	_ =	shalt  }
0x85: {  	_ =	shalt  }
0x86: {  	_ =	shalt  }
0x87: {  	_ =	shalt  }
.Lfunc_end0:
.L_simem_size_0:
called_computation_lowered:
.L_overlay_start_0:
0x88: {  	s2 =	sld [smem:$0x3FD9]  }
0x89: {  	s3 =	sld [smem:$0x3FFE];
	_ =	sdelay $0x1  }
0x8a: {  	s1 =	srdreg.scid  }
0x8b: {  	s0 =	sand.u32 $0x1, s1  }
0x8c: {  	s14 =	sshll.u32 s0, $0xA;
	s2 =	sadd.s32 s3, s2  }
0x8d: {  	s2 =	sadd.s32 s2, s14  }
0x8e: {  	[smem:$0x3FBC] =	sst s2  }
0x8f: {  	_ = 	snop  }
0x90: {  	s2 =	sld [smem:$0x3FD0];
	_ =	sdelay $0x2  }
0x91: {  	s15 =	simm.s32 $0xA;
	s4 =	simm.s32 $0x10  }
0x92: {  	[smem:s4], [sflag:s15] =	dma.local [hbm:s2], $0x1  }
0x93: {  	_ =	swait.eq [sflag:s15], $0x1  }
0x94: {  	[sflag:s15] =	ssyncset.done $0x0  }
0x95: {  	s16 =	sld [smem:$0x10];
	[sflag:s15] =	ssyncadd.s32 $0xFFFFFFFF  }
0x96: {  	s17 =	sld [smem:$0x11];
	(tm) =	ssettm $0x1  }
0x97: {  	s18 =	sld [smem:$0x3FFB];
	_ =	sdelay $0x3  }
0x98: {  	_ =	strace s18  }
0x99: {  	s4 =	sld [smem:$0x3FFC];
	_ =	sdelay $0x3  }
0x9a: {  	_ =	strace s4  }
0x9b: {  	s4 =	sld [smem:$0x3FFD];
	_ =	sdelay $0x3  }
0x9c: {  	_ =	strace s4  }
0x9d: {  	_ =	strace $0x8FFFFFFF  }
0x9e: {  	s19 =	sld [smem:$0x3FDB];
	_ =	sdelay $0x1  }
0x9f: {  	s5 =	simm.s32 $_scs_section_size  }
0xa0: {  	s6 =	simm.s32 $_size__tile_overlayer_lowered;
	s7 =	simm.s32 $_tile_overlayer_lowered  }
0xa1: {  	s22 =	simm.s32 $0x1BFF;
	s21 =	sshll.u32 s7, $0x1;
	s4 =	sadd.s32 s5, s19  }
0xa2: {  	s8 =	simm.s32 $0x0;
	s20 =	sshll.u32 s6, $0x1;
	s6 =	sadd.s32 s21, s4  }
0xa3: {  	[timem:s8], [sflag:s22] =	dma.local [hbm:s6], s20  }
0xa4: {  	_ =	swait.ge [sflag:s22], s20  }
0xa5: {  	s5 =	ssub.s32 $0x0, s20;
	[sflag:s22] =	ssyncset.done $0x0  }
0xa6: {  	[sflag:s22] =	ssyncadd.s32 s5;
	_ =	sdelay $0x1  }
0xa7: {  	s23 =	simm.s32 $0x1B8B  }
0xa8: {  	_ =	swait.ge [sflag:s23], $0x1  }
0xa9: {  	[sflag:s23] =	ssyncset.done $0x0  }
0xaa: {  	s25 =	simm.s32 $0x1B8E;
	s24 =	sld [smem:$0x3FFE];
	[sflag:s23] =	ssyncadd.s32 $0xFFFFFFFF  }
0xab: {  	s26 =	simm.s32 $execute0_lowered;
	[smem:$0x3FD2] =	sst s25  }
0xac: {  	s6 =	sshll.u32 s26, $0x1;
	_ =	strace $0x80000046;
	[dreg:$0x1] =	wrdreg $0xFFFFFFFF  }
0xad: {  	s28 =	simm.s32 $_size_execute0_lowered;
	s4 =	sadd.s32 s4, s6;
	[dreg:$0x0] =	wrdreg $0x0  }
0xae: {  	s6 =	sshll.u32 s28, $0x1;
	[dreg:$0x2] =	wrdreg s4  }
0xaf: {  	[dreg:$0x3] =	wrdreg s6  }
0xb0: {  	[dreg:$0x4] =	wrdreg $0xC0  }
0xb1: {  	_ =	task [dreg:s8], $0x5FFFF  }
0xb2: {  	[dreg:$0x1] =	wrdreg $0xFFFFFFFF  }
0xb3: {  	[dreg:$0x0] =	wrdreg $0x60  }
0xb4: {  	[dreg:$0x2] =	wrdreg s17  }
0xb5: {  	[dreg:$0x3] =	wrdreg s24  }
0xb6: {  	[dreg:$0x4] =	wrdreg s16  }
0xb7: {  	[dreg:$0x5] =	wrdreg $0xCB100  }
0xb8: {  	[dreg:$0x6] =	wrdreg $0xF2200  }
0xb9: {  	[dreg:$0x7] =	wrdreg $0x9  }
0xba: {  	_ =	task.clear_ibuf [dreg:s8], $0x8FFFF;
	_ =	strace $0x90000046  }
0xbb: {  	s29 =	simm.s32 $0x9;
	_ =	strace $0x80000048  }
0xbc: {  	_ =	swait.ge [sflag:s29], $0x1  }
0xbd: {  	[sflag:s29] =	ssyncadd.s32 $0xFFFFFFFF  }
0xbe: {  	_ =	strace $0x90000048  }
0xbf: {  	_ =	sfence  }
0xc0: {  	s30 =	sld [smem:$0x0];
	_ =	sdelay $0x2  }
0xc1: {  	s31 =	sshll.u32 s1, $0xD;
	s1 =	sshrl.u32 s1, $0x2  }
0xc2: {  	s3 =	sand.u32 $0x4000, s31;
	s1 =	sadd.s32 s1, s30  }
0xc3: {  	s0 =	sor.u32 s3, s0;
	s1 =	sshll.u32 s1, $0x11  }
0xc4: {  	s0 =	sor.u32 s1, s0  }
0xc5: {  	s0 =	sadd.s32 $0x8F2B, s0  }
0xc6: {  	[sflag:s0] =	ssyncadd.remote.s32 $0x1  }
0xc7: {  	_ =	sfence.sel $0xFFFF  }
0xc8: {  	[dreg:$0x0] =	wrdreg $0xFFFFFFFF;
	(pc) =	sbr.abs _section_cstart, $3  }
0xc9: {  	[dreg:$0x1] =	wrdreg $0xFFFFFFFF  }
0xca: {  	_ =	task.clear_ibuf [dreg:s8], $0x2FFFF;
	_ =	strace $0x9FFFFFFF  }
0xcb: {  	(tm) =	ssettm $0x7FFFFFFF  }
tec
execute0_lowered:
.L_overlay_start_1:
0x0: {  	(tag) =	ssettag $0x1  }
0x1: {  	s0 =	rddreg [dreg:$0x1]  }
0x2: {  	s4 =	rddreg [dreg:$0x3]  }
0x3: {  	s5 =	rddreg [dreg:$0x4]  }
0x4: {  	s1 =	srdreg.scid;
	s11 =	stileid.u32;
	s3 =	simm.s32 $0x0  }
0x5: {  	s12 =	simm.s32 $0x14;
	s19 =	simm.s32 $0x4;
	s20 =	simm.s32 $0x200  }
0x6: {  	s22 =	simm.s32 $0x80;
	s29 =	simm.s32 $0x280;
	s31 =	simm.s32 $0x8400  }
0x7: {  	s18 =	simm.s32 $0x300;
	s16 =	simm.s32 $0x8C00;
	s17 =	simm.s32 $0x180  }
0x8: {  	s14 =	simm.s32 $0x380;
	s21 =	simm.s32 $0x9C00;
	s23 =	simm.s32 $0x3  }
0x9: {  	s13 =	simm.s32 $0x0;
	s1 =	sand.u32 $0x1, s1;
	s2 =	smul.u32 $0x2710, s11  }
0xa: {  	[smem:$0x7FF] =	sst s3;
	s7 =	sadd.s32 $0xD000, s0;
	s8 =	sadd.s32 $0x3000, s0  }
0xb: {  	s9 =	sadd.s32 $0x8000, s0;
	s10 =	sadd.s32 $0x2AA00, s0;
	s24 =	smul.u32 $0x27100, s1  }
0xc: {  	_ =	strace $0x80000047;
	s6 =	ssub.s32 $0x2, s1;
	s1 =	sshll.u32 s1, $0x4  }
0xd: {  	s25 =	sshrl.u32 s6, $0x1;
	s11 =	sor.u32 s11, s1;
	s15 =	sadd.s32 s2, s4  }
0xe: {  	s1 =	simm.s32 $0x5C00;
	s3 =	sadd.s32 s2, s24;
	s26 =	ssub.s32 s6, s25  }
0xf: {  	p0 =	slt.u32 s11, $0x11;
	s24 =	sadd.s32 s2, s5;
	s25 =	simm.s32 $0x2  }
0x10: {  	s2 =	simm.s32 $0x9400;
	[dreg:$0x6] =	wrdreg s15;
	s3 =	sshrl.u32 s3, $0x3  }
0x11: {  	s30 =	smax.u32 s26, $0x1;
	[dreg:$0x7] =	wrdreg s24;
	s0 =	sadd.s32 s3, s0  }
0x12: {  	s6 =	simm.s32 $0x6400;
	[dreg:$0xa] =	wrdreg s30;
	s28 =	sadd.s32 $0x16E00, s0  }
0x13: {  	s12 =	simm.s32 @!p0 $0x13;
	s0 =	sadd.s32 $0x20C00, s0;
	[dreg:$0x8] =	wrdreg s28  }
0x14: {  	v0 =	vimm.f32 $0.0e+00;
	s26 =	simm.s32 $0x1;
	[dreg:$0x9] =	wrdreg s0;
	s0 =	simm.s32 $0x100  }
.LBB2_1:
0x15: {  	[dreg:$0xb] =	wrdreg s13;
	s3 =	simm.s32 $0x40;
	s13 =	simm.s32 $0x0  }
.LBB2_2:
0x16: {  	p0 =	sne.s32 s3, $0x9C00;
	[tilespmem:s13+$0xA400] =	vst v0;
	s13 =	smov.u32 s3;
	s3 =	sadd.s32 $0x40, s3  }
.Ltmp0:
0x17: {  	(pc) =	sbr.rel @p0 .LBB2_2-.Ltmp0, $2  }
0x18: {  	_ =	sdelay $0x2  }
0x19: {  	s13 =	sshra.s32 s13, $0x2  }
0x1a: {  	[tilespmem:s13+$0xA400] =	vst v0;
	s3 =	simm.s32 $0xA400  }
0x1b: {  	[spmem:s15] =	stream.linear.scatter [tilespmem:s3], [sflag:$0x4], $0x2710, $0x38;
	[tilespmem:$0x11930] =	vst v63  }
0x1c: {  	_ =	swait.ge [sflag:s19], $0x2710  }
0x1d: {  	[sflag:s19] =	ssyncset.done $0x0  }
0x1e: {  	[sflag:s19] =	ssyncadd.s32 $0xFFFFD8F0  }
0x1f: {  	[spmem:s24] =	stream.linear.scatter [tilespmem:s3], [sflag:$0x4], $0x2710, $0x38;
	[tilespmem:$0x11930] =	vst v63  }
0x20: {  	_ =	swait.ge [sflag:s19], $0x2710  }
0x21: {  	[sflag:s19] =	ssyncset.done $0x0  }
0x22: {  	[sflag:s19] =	ssyncadd.s32 $0xFFFFD8F0  }
0x23: {  	s28 =	simm.s32 $0x0;
	s24 =	simm.s32 $0x0;
	[bflag:$0x0] =	sbarrier.arrive $0xFFFF  }
.LBB2_4:
0x24: {  	s3 =	sshll.u32 s28, $0x5  }
0x25: {  	s3 =	sor.u32 s11, s3  }
0x26: {  	s13 =	sshll.u32 s3, $0x6  }
0x27: {  	s15 =	sadd.s32 s7, s13  }
0x28: {  	[tilespmem:s24], [sflag:$0x4] =	stream.linear.gather [hbm4b:s15+s24], $0x200, $0x38;
	[tilespmem:$0x11930] =	vst v63  }
0x29: {  	_ =	swait.ge [sflag:s19], $0x200  }
0x2a: {  	[sflag:s19] =	ssyncset.done $0x0  }
0x2b: {  	[sflag:s19] =	ssyncadd.s32 $0xFFFFFE00  }
0x2c: {  	s15 =	rddreg [dreg:$0x2]  }
0x2d: {  	s13 =	sadd.s32 s15, s13  }
0x2e: {  	[tilespmem:s20], [sflag:$0x4] =	stream.linear.gather [hbm4b:s13+s24], $0x200, $0x38;
	[tilespmem:$0x11930] =	vst v63  }
0x2f: {  	_ =	swait.ge [sflag:s19], $0x200  }
0x30: {  	[sflag:s19] =	ssyncset.done $0x0  }
0x31: {  	[sflag:s19] =	ssyncadd.s32 $0xFFFFFE00  }
0x32: {  	s30 =	sshll.u32 s3, $0xA;
	s13 =	rddreg [dreg:$0x0]  }
0x33: {  	s15 =	simm.s32 $0x400;
	s3 =	sadd.s32 s13, s30  }
0x34: {  	[tilespmem:s15], [sflag:$0x2] =	stream.linear.gather [hbm4b:s3+s24], $0x2000, $0x38;
	[tilespmem:$0x11930] =	vst v63  }
0x35: {  	s13 =	simm.s32 $0x2400  }
0x36: {  	[tilespmem:s13], [sflag:$0x1] =	stream.indirect.gather [hbm4b:s8+s22], $0x10, s24, s22, $0xb8;
	[tilespmem:$0x11930] =	vst v63  }
0x37: {  	s15 =	simm.s32 $0x4400  }
0x38: {  	[tilespmem:s15], [sflag:$0x1] =	stream.indirect.gather [hbm4b:s9+s22], $0x10, s20, s22, $0xb8;
	[tilespmem:$0x11930] =	vst v63  }
0x39: {  	_ =	swait.ge [sflag:s25], $0x2000  }
0x3a: {  	[sflag:s25] =	ssyncset.done $0x0  }
0x3b: {  	[sflag:s25] =	ssyncadd.s32 $0xFFFFE000  }
0x3c: {  	_ =	swait.ge [sflag:s26], $0x800  }
0x3d: {  	[sflag:s26] =	ssyncset.done $0x0  }
0x3e: {  	[sflag:s26] =	ssyncadd.s32 $0xFFFFF800  }
0x3f: {  	_ =	swait.ge [sflag:s26], $0x800  }
0x40: {  	[sflag:s26] =	ssyncset.done $0x0  }
0x41: {  	s13 =	simm.s32 $0x2C00;
	[sflag:s26] =	ssyncadd.s32 $0xFFFFF800  }
0x42: {  	[tilespmem:s13], [sflag:$0x1] =	stream.indirect.gather [hbm4b:s8+s22], $0x10, s22, s22, $0xb8;
	[tilespmem:$0x11930] =	vst v63  }
0x43: {  	s3 =	simm.s32 $0x0;
	s15 =	simm.s32 $0x4C00  }
0x44: {  	[tilespmem:s15], [sflag:$0x1] =	stream.indirect.gather [hbm4b:s9+s22], $0x10, s29, s22, $0xb8;
	[tilespmem:$0x11930] =	vst v63  }
0x45: {  	v1 =	vld [tilespmem:s3+$0x470]  }
0x46: {  	v2 =	vld [tilespmem:s3+$0x2470]  }
0x47: {  	v3 =	vld [tilespmem:s3+$0x400]  }
0x48: {  	v4 =	vld [tilespmem:s3+$0x4470]  }
0x49: {  	v5 =	vld [tilespmem:s3+$0x2400]  }
0x4a: {  	v6 =	vld [tilespmem:s3+$0x410]  }
0x4b: {  	v7 =	vld [tilespmem:s3+$0x2410]  }
0x4c: {  	v8 =	vld [tilespmem:s3+$0x2420]  }
0x4d: {  	v10 =	vld [tilespmem:s3+$0x2430]  }
0x4e: {  	v11 =	vld [tilespmem:s3+$0x440]  }
0x4f: {  	v12 =	vld [tilespmem:s3+$0x2440]  }
0x50: {  	v13 =	vld [tilespmem:s3+$0x450]  }
0x51: {  	v14 =	vld [tilespmem:s3+$0x2450]  }
0x52: {  	v15 =	vld [tilespmem:s3+$0x460]  }
0x53: {  	v16 =	vld [tilespmem:s3+$0x4400];
	v1 =	vadd.f32 v2, v1  }
0x54: {  	v17 =	vld [tilespmem:s3+$0x4410]  }
0x55: {  	v2 =	vld [tilespmem:s3+$0x420];
	v1 =	vadd.f32 v4, v1  }
0x56: {  	v4 =	vld [tilespmem:s3+$0x430]  }
0x57: {  	v18 =	vld [tilespmem:s3+$0x4420];
	[tilespmem:s3+$0x8470] =	vst v1  }
0x58: {  	v3 =	vadd.f32 v5, v3;
	[tilespmem:s3+$0x6470] =	vst v1;
	v1 =	vld [tilespmem:s3+$0x2460]  }
0x59: {  	v9 =	vld [tilespmem:s3+$0x4430];
	v19 =	vadd.f32 v7, v6  }
0x5a: {  	v7 =	vld [tilespmem:s3+$0x4440];
	v6 =	vadd.f32 v12, v11;
	v12 =	vadd.f32 v16, v3  }
0x5b: {  	v20 =	vadd.f32 v8, v2;
	v5 =	vadd.f32 v10, v4;
	v4 =	vld [tilespmem:s3+$0x4450]  }
0x5c: {  	s15 =	simm.s32 $0x80;
	v3 =	vld [tilespmem:s3+$0x4460];
	v11 =	vadd.f32 v17, v19;
	v2 =	vadd.f32 v14, v13  }
0x5d: {  	s13 =	simm.s32 $0x400;
	v8 =	vld [tilespmem:s15+$0x470];
	[tilespmem:s3+$0x6400] =	vst v12;
	v10 =	vadd.f32 v18, v20;
	v1 =	vadd.f32 v1, v15  }
.LBB2_5:
0x5e: {  	p0 =	sne.s32 s13, $0x1E00;
	v13 =	vld [tilespmem:s15+$0x2470];
	[tilespmem:s3+$0x8400] =	vst v12;
	v5 =	vadd.f32 v9, v5  }
0x5f: {  	v9 =	vld [tilespmem:s15+$0x400];
	[tilespmem:s3+$0x6410] =	vst v11;
	v6 =	vadd.f32 v7, v6  }
0x60: {  	v7 =	vld [tilespmem:s15+$0x4470];
	[tilespmem:s3+$0x8410] =	vst v11;
	v2 =	vadd.f32 v4, v2  }
0x61: {  	v4 =	vld [tilespmem:s15+$0x2400];
	[tilespmem:s3+$0x6420] =	vst v10;
	v1 =	vadd.f32 v3, v1  }
0x62: {  	v3 =	vld [tilespmem:s15+$0x410];
	[tilespmem:s3+$0x8420] =	vst v10  }
0x63: {  	v10 =	vld [tilespmem:s15+$0x2410];
	v8 =	vadd.f32 v13, v8;
	[tilespmem:s3+$0x6430] =	vst v5  }
0x64: {  	v11 =	vld [tilespmem:s15+$0x420];
	[tilespmem:s3+$0x8430] =	vst v5  }
0x65: {  	v5 =	vld [tilespmem:s15+$0x2420];
	v7 =	vadd.f32 v7, v8;
	[tilespmem:s3+$0x6440] =	vst v6  }
0x66: {  	v4 =	vadd.f32 v4, v9;
	v8 =	vld [tilespmem:s15+$0x430];
	[tilespmem:s3+$0x8440] =	vst v6  }
0x67: {  	v6 =	vld [tilespmem:s15+$0x2430];
	[tilespmem:s15+$0x8470] =	vst v7  }
0x68: {  	v3 =	vadd.f32 v10, v3;
	v9 =	vld [tilespmem:s15+$0x440];
	[tilespmem:s3+$0x6450] =	vst v2  }
0x69: {  	v10 =	vld [tilespmem:s15+$0x2440];
	[tilespmem:s3+$0x8450] =	vst v2  }
0x6a: {  	v13 =	vadd.f32 v5, v11;
	v2 =	vld [tilespmem:s15+$0x450];
	[tilespmem:s3+$0x6460] =	vst v1  }
0x6b: {  	v11 =	vld [tilespmem:s15+$0x2450];
	[tilespmem:s3+$0x8460] =	vst v1;
	s3 =	smov.u32 s15  }
0x6c: {  	v5 =	vadd.f32 v6, v8;
	v1 =	vld [tilespmem:s3+$0x460];
	[tilespmem:s3+$0x6470] =	vst v7  }
0x6d: {  	v8 =	vld [tilespmem:s3+$0x2460]  }
0x6e: {  	v12 =	vld [tilespmem:s3+$0x4400];
	v6 =	vadd.f32 v10, v9  }
0x6f: {  	v10 =	vld [tilespmem:s3+$0x4410]  }
0x70: {  	v14 =	vld [tilespmem:s3+$0x4420];
	v2 =	vadd.f32 v11, v2  }
.Ltmp1:
0x71: {  	v9 =	vld [tilespmem:s3+$0x4430];
	(pc) =	sbr.rel @p0 .LBB2_5-.Ltmp1, $4  }
0x72: {  	v7 =	vld [tilespmem:s3+$0x4440];
	v1 =	vadd.f32 v8, v1  }
0x73: {  	v12 =	vadd.f32 v12, v4;
	v4 =	vld [tilespmem:s3+$0x4450]  }
0x74: {  	s15 =	sshra.s32 s13, $0x2;
	v11 =	vadd.f32 v10, v3;
	v3 =	vld [tilespmem:s3+$0x4460]  }
0x75: {  	s13 =	sadd.s32 $0x200, s13;
	v8 =	vld [tilespmem:s15+$0x470];
	[tilespmem:s3+$0x6400] =	vst v12;
	v10 =	vadd.f32 v14, v13  }
0x76: {  	v13 =	vld [tilespmem:s15+$0x2470];
	[tilespmem:s3+$0x8400] =	vst v12  }
0x77: {  	v12 =	vld [tilespmem:s15+$0x400];
	[tilespmem:s3+$0x6410] =	vst v11  }
0x78: {  	v14 =	vld [tilespmem:s15+$0x4470];
	[tilespmem:s3+$0x8410] =	vst v11  }
0x79: {  	v5 =	vadd.f32 v9, v5;
	v11 =	vld [tilespmem:s15+$0x2400];
	[tilespmem:s3+$0x6420] =	vst v10  }
0x7a: {  	v15 =	vld [tilespmem:s15+$0x410];
	[tilespmem:s3+$0x8420] =	vst v10  }
0x7b: {  	v6 =	vadd.f32 v7, v6;
	v9 =	vld [tilespmem:s15+$0x2410];
	[tilespmem:s3+$0x6430] =	vst v5;
	v7 =	vadd.f32 v13, v8  }
0x7c: {  	v10 =	vld [tilespmem:s15+$0x420];
	[tilespmem:s3+$0x8430] =	vst v5  }
0x7d: {  	v5 =	vld [tilespmem:s15+$0x2420];
	[tilespmem:s3+$0x6440] =	vst v6;
	v7 =	vadd.f32 v14, v7  }
0x7e: {  	v2 =	vadd.f32 v4, v2;
	v8 =	vld [tilespmem:s15+$0x430];
	[tilespmem:s3+$0x8440] =	vst v6  }
0x7f: {  	v6 =	vld [tilespmem:s15+$0x2430];
	[tilespmem:s15+$0x8470] =	vst v7  }
0x80: {  	v1 =	vadd.f32 v3, v1;
	v4 =	vld [tilespmem:s15+$0x440];
	[tilespmem:s3+$0x6450] =	vst v2  }
0x81: {  	v13 =	vld [tilespmem:s15+$0x2440];
	[tilespmem:s3+$0x8450] =	vst v2  }
0x82: {  	v2 =	vld [tilespmem:s15+$0x450];
	[tilespmem:s3+$0x6460] =	vst v1  }
0x83: {  	v3 =	vld [tilespmem:s15+$0x2450];
	[tilespmem:s3+$0x8460] =	vst v1  }
0x84: {  	v14 =	vld [tilespmem:s15+$0x4400];
	_ =	sdelay $0x1  }
0x85: {  	v16 =	vld [tilespmem:s15+$0x4410]  }
0x86: {  	v11 =	vadd.f32 v11, v12  }
0x87: {  	v17 =	vld [tilespmem:s15+$0x4420]  }
0x88: {  	v9 =	vadd.f32 v9, v15;
	v1 =	vld [tilespmem:s15+$0x460];
	v11 =	vadd.f32 v14, v11  }
0x89: {  	[tilespmem:s15+$0x6470] =	vst v7;
	v12 =	vld [tilespmem:s15+$0x4430]  }
0x8a: {  	v5 =	vadd.f32 v5, v10;
	v7 =	vld [tilespmem:s15+$0x2460];
	v9 =	vadd.f32 v16, v9;
	[tilespmem:s15+$0x6400] =	vst v11  }
0x8b: {  	v18 =	vld [tilespmem:s15+$0x4440];
	[tilespmem:s15+$0x8400] =	vst v11  }
0x8c: {  	v6 =	vadd.f32 v6, v8;
	v5 =	vadd.f32 v17, v5;
	[tilespmem:s15+$0x6410] =	vst v9  }
0x8d: {  	v15 =	vld [tilespmem:s15+$0x4460];
	[tilespmem:s15+$0x8410] =	vst v9  }
0x8e: {  	v4 =	vadd.f32 v13, v4;
	v6 =	vadd.f32 v12, v6;
	[tilespmem:s15+$0x6420] =	vst v5  }
0x8f: {  	v2 =	vadd.f32 v3, v2;
	v14 =	vld [tilespmem:s15+$0x4450];
	[tilespmem:s15+$0x8420] =	vst v5  }
0x90: {  	v3 =	vadd.f32 v18, v4;
	v1 =	vadd.f32 v7, v1;
	[tilespmem:s15+$0x6430] =	vst v6  }
0x91: {  	[tilespmem:s15+$0x8430] =	vst v6  }
0x92: {  	[tilespmem:s15+$0x6440] =	vst v3;
	v1 =	vadd.f32 v15, v1  }
0x93: {  	[tilespmem:s15+$0x8440] =	vst v3  }
0x94: {  	[tilespmem:s15+$0x6460] =	vst v1;
	v2 =	vadd.f32 v14, v2  }
0x95: {  	[tilespmem:s15+$0x8460] =	vst v1  }
0x96: {  	[tilespmem:s15+$0x6450] =	vst v2  }
0x97: {  	[tilespmem:s15+$0x8450] =	vst v2;
	s15 =	simm.s32 $0x0  }
0x98: {  	[spmem:s4] =	stream.indirect.scatter.add.f32 [tilespmem:s31], [sflag:$0x4], $0x10, s15, s22, $0xb8;
	[tilespmem:$0x11930] =	vst v63  }
0x99: {  	_ =	swait.ge [sflag:s19], $0x800  }
0x9a: {  	[sflag:s19] =	ssyncset.done $0x0  }
0x9b: {  	[sflag:s19] =	ssyncadd.s32 $0xFFFFF800  }
0x9c: {  	[spmem:s5] =	stream.indirect.scatter.add.f32 [tilespmem:s31], [sflag:$0x4], $0x10, s20, s22, $0xb8;
	[tilespmem:$0x11930] =	vst v63  }
0x9d: {  	_ =	swait.ge [sflag:s19], $0x800  }
0x9e: {  	[sflag:s19] =	ssyncset.done $0x0  }
0x9f: {  	[sflag:s19] =	ssyncadd.s32 $0xFFFFF800  }
0xa0: {  	_ =	swait.ge [sflag:s26], $0x800  }
0xa1: {  	[sflag:s26] =	ssyncset.done $0x0  }
0xa2: {  	[sflag:s26] =	ssyncadd.s32 $0xFFFFF800  }
0xa3: {  	_ =	swait.ge [sflag:s26], $0x800  }
0xa4: {  	[sflag:s26] =	ssyncset.done $0x0  }
0xa5: {  	s13 =	simm.s32 $0x3400;
	[sflag:s26] =	ssyncadd.s32 $0xFFFFF800  }
0xa6: {  	[tilespmem:s13], [sflag:$0x1] =	stream.indirect.gather [hbm4b:s8+s22], $0x10, s0, s22, $0xb8;
	[tilespmem:$0x11930] =	vst v63  }
0xa7: {  	s3 =	simm.s32 $0x0;
	s15 =	simm.s32 $0x5400  }
0xa8: {  	[tilespmem:s15], [sflag:$0x1] =	stream.indirect.gather [hbm4b:s9+s22], $0x10, s18, s22, $0xb8;
	[tilespmem:$0x11930] =	vst v63  }
0xa9: {  	v1 =	vld [tilespmem:s3+$0xC70]  }
0xaa: {  	v2 =	vld [tilespmem:s3+$0x2C70]  }
0xab: {  	v3 =	vld [tilespmem:s3+$0xC00]  }
0xac: {  	v4 =	vld [tilespmem:s3+$0x4C70]  }
0xad: {  	v5 =	vld [tilespmem:s3+$0x2C00]  }
0xae: {  	v6 =	vld [tilespmem:s3+$0xC10]  }
0xaf: {  	v7 =	vld [tilespmem:s3+$0x2C10]  }
0xb0: {  	v8 =	vld [tilespmem:s3+$0x2C20]  }
0xb1: {  	v10 =	vld [tilespmem:s3+$0x2C30]  }
0xb2: {  	v11 =	vld [tilespmem:s3+$0xC40]  }
0xb3: {  	v12 =	vld [tilespmem:s3+$0x2C40]  }
0xb4: {  	v13 =	vld [tilespmem:s3+$0xC50]  }
0xb5: {  	v14 =	vld [tilespmem:s3+$0x2C50]  }
0xb6: {  	v15 =	vld [tilespmem:s3+$0xC60]  }
0xb7: {  	v61 =	vld [tilespmem:s3+$0x4C00];
	v1 =	vadd.f32 v2, v1  }
0xb8: {  	v62 =	vld [tilespmem:s3+$0x4C10]  }
0xb9: {  	v2 =	vld [tilespmem:s3+$0xC20];
	v1 =	vadd.f32 v4, v1  }
0xba: {  	v4 =	vld [tilespmem:s3+$0xC30]  }
0xbb: {  	v63 =	vld [tilespmem:s3+$0x4C20];
	[tilespmem:s3+$0x8C70] =	vst v1  }
0xbc: {  	v3 =	vadd.f32 v5, v3;
	[tilespmem:s3+$0x6C70] =	vst v1;
	v1 =	vld [tilespmem:s3+$0x2C60]  }
0xbd: {  	v9 =	vld [tilespmem:s3+$0x4C30];
	v19 =	vadd.f32 v7, v6  }
0xbe: {  	v7 =	vld [tilespmem:s3+$0x4C40];
	v6 =	vadd.f32 v12, v11;
	v12 =	vadd.f32 v61, v3  }
0xbf: {  	v20 =	vadd.f32 v8, v2;
	v5 =	vadd.f32 v10, v4;
	v4 =	vld [tilespmem:s3+$0x4C50]  }
0xc0: {  	s15 =	simm.s32 $0x80;
	v3 =	vld [tilespmem:s3+$0x4C60];
	v11 =	vadd.f32 v62, v19;
	v2 =	vadd.f32 v14, v13  }
0xc1: {  	s13 =	simm.s32 $0x400;
	v8 =	vld [tilespmem:s15+$0xC70];
	[tilespmem:s3+$0x6C00] =	vst v12;
	v10 =	vadd.f32 v63, v20;
	v1 =	vadd.f32 v1, v15  }
.LBB2_7:
0xc2: {  	p0 =	sne.s32 s13, $0x1E00;
	v13 =	vld [tilespmem:s15+$0x2C70];
	[tilespmem:s3+$0x8C00] =	vst v12;
	v5 =	vadd.f32 v9, v5  }
0xc3: {  	v9 =	vld [tilespmem:s15+$0xC00];
	[tilespmem:s3+$0x6C10] =	vst v11;
	v6 =	vadd.f32 v7, v6  }
0xc4: {  	v7 =	vld [tilespmem:s15+$0x4C70];
	[tilespmem:s3+$0x8C10] =	vst v11;
	v2 =	vadd.f32 v4, v2  }
0xc5: {  	v4 =	vld [tilespmem:s15+$0x2C00];
	[tilespmem:s3+$0x6C20] =	vst v10;
	v1 =	vadd.f32 v3, v1  }
0xc6: {  	v3 =	vld [tilespmem:s15+$0xC10];
	[tilespmem:s3+$0x8C20] =	vst v10  }
0xc7: {  	v10 =	vld [tilespmem:s15+$0x2C10];
	v8 =	vadd.f32 v13, v8;
	[tilespmem:s3+$0x6C30] =	vst v5  }
0xc8: {  	v11 =	vld [tilespmem:s15+$0xC20];
	[tilespmem:s3+$0x8C30] =	vst v5  }
0xc9: {  	v5 =	vld [tilespmem:s15+$0x2C20];
	v7 =	vadd.f32 v7, v8;
	[tilespmem:s3+$0x6C40] =	vst v6  }
0xca: {  	v4 =	vadd.f32 v4, v9;
	v8 =	vld [tilespmem:s15+$0xC30];
	[tilespmem:s3+$0x8C40] =	vst v6  }
0xcb: {  	v6 =	vld [tilespmem:s15+$0x2C30];
	[tilespmem:s15+$0x8C70] =	vst v7  }
0xcc: {  	v3 =	vadd.f32 v10, v3;
	v9 =	vld [tilespmem:s15+$0xC40];
	[tilespmem:s3+$0x6C50] =	vst v2  }
0xcd: {  	v10 =	vld [tilespmem:s15+$0x2C40];
	[tilespmem:s3+$0x8C50] =	vst v2  }
0xce: {  	v13 =	vadd.f32 v5, v11;
	v2 =	vld [tilespmem:s15+$0xC50];
	[tilespmem:s3+$0x6C60] =	vst v1  }
0xcf: {  	v11 =	vld [tilespmem:s15+$0x2C50];
	[tilespmem:s3+$0x8C60] =	vst v1;
	s3 =	smov.u32 s15  }
0xd0: {  	v5 =	vadd.f32 v6, v8;
	v1 =	vld [tilespmem:s3+$0xC60];
	[tilespmem:s3+$0x6C70] =	vst v7  }
0xd1: {  	v8 =	vld [tilespmem:s3+$0x2C60]  }
0xd2: {  	v12 =	vld [tilespmem:s3+$0x4C00];
	v6 =	vadd.f32 v10, v9  }
0xd3: {  	v10 =	vld [tilespmem:s3+$0x4C10]  }
0xd4: {  	v14 =	vld [tilespmem:s3+$0x4C20];
	v2 =	vadd.f32 v11, v2  }
.Ltmp2:
0xd5: {  	v9 =	vld [tilespmem:s3+$0x4C30];
	(pc) =	sbr.rel @p0 .LBB2_7-.Ltmp2, $4  }
0xd6: {  	v7 =	vld [tilespmem:s3+$0x4C40];
	v1 =	vadd.f32 v8, v1  }
0xd7: {  	v12 =	vadd.f32 v12, v4;
	v4 =	vld [tilespmem:s3+$0x4C50]  }
0xd8: {  	s15 =	sshra.s32 s13, $0x2;
	v11 =	vadd.f32 v10, v3;
	v3 =	vld [tilespmem:s3+$0x4C60]  }
0xd9: {  	s13 =	sadd.s32 $0x200, s13;
	v8 =	vld [tilespmem:s15+$0xC70];
	[tilespmem:s3+$0x6C00] =	vst v12;
	v10 =	vadd.f32 v14, v13  }
0xda: {  	v13 =	vld [tilespmem:s15+$0x2C70];
	[tilespmem:s3+$0x8C00] =	vst v12  }
0xdb: {  	v12 =	vld [tilespmem:s15+$0xC00];
	[tilespmem:s3+$0x6C10] =	vst v11  }
0xdc: {  	v14 =	vld [tilespmem:s15+$0x4C70];
	[tilespmem:s3+$0x8C10] =	vst v11  }
0xdd: {  	v5 =	vadd.f32 v9, v5;
	v11 =	vld [tilespmem:s15+$0x2C00];
	[tilespmem:s3+$0x6C20] =	vst v10  }
0xde: {  	v15 =	vld [tilespmem:s15+$0xC10];
	[tilespmem:s3+$0x8C20] =	vst v10  }
0xdf: {  	v6 =	vadd.f32 v7, v6;
	v9 =	vld [tilespmem:s15+$0x2C10];
	[tilespmem:s3+$0x6C30] =	vst v5;
	v7 =	vadd.f32 v13, v8  }
0xe0: {  	v10 =	vld [tilespmem:s15+$0xC20];
	[tilespmem:s3+$0x8C30] =	vst v5  }
0xe1: {  	v5 =	vld [tilespmem:s15+$0x2C20];
	[tilespmem:s3+$0x6C40] =	vst v6;
	v7 =	vadd.f32 v14, v7  }
0xe2: {  	v2 =	vadd.f32 v4, v2;
	v8 =	vld [tilespmem:s15+$0xC30];
	[tilespmem:s3+$0x8C40] =	vst v6  }
0xe3: {  	v6 =	vld [tilespmem:s15+$0x2C30];
	[tilespmem:s15+$0x8C70] =	vst v7  }
0xe4: {  	v1 =	vadd.f32 v3, v1;
	v4 =	vld [tilespmem:s15+$0xC40];
	[tilespmem:s3+$0x6C50] =	vst v2  }
0xe5: {  	v13 =	vld [tilespmem:s15+$0x2C40];
	[tilespmem:s3+$0x8C50] =	vst v2  }
0xe6: {  	v2 =	vld [tilespmem:s15+$0xC50];
	[tilespmem:s3+$0x6C60] =	vst v1  }
0xe7: {  	v3 =	vld [tilespmem:s15+$0x2C50];
	[tilespmem:s3+$0x8C60] =	vst v1  }
0xe8: {  	v14 =	vld [tilespmem:s15+$0x4C00];
	_ =	sdelay $0x1  }
0xe9: {  	v16 =	vld [tilespmem:s15+$0x4C10]  }
0xea: {  	v11 =	vadd.f32 v11, v12  }
0xeb: {  	v17 =	vld [tilespmem:s15+$0x4C20]  }
0xec: {  	v9 =	vadd.f32 v9, v15;
	v1 =	vld [tilespmem:s15+$0xC60];
	v11 =	vadd.f32 v14, v11  }
0xed: {  	[tilespmem:s15+$0x6C70] =	vst v7;
	v12 =	vld [tilespmem:s15+$0x4C30]  }
0xee: {  	v5 =	vadd.f32 v5, v10;
	v7 =	vld [tilespmem:s15+$0x2C60];
	v9 =	vadd.f32 v16, v9;
	[tilespmem:s15+$0x6C00] =	vst v11  }
0xef: {  	v18 =	vld [tilespmem:s15+$0x4C40];
	[tilespmem:s15+$0x8C00] =	vst v11  }
0xf0: {  	v6 =	vadd.f32 v6, v8;
	v5 =	vadd.f32 v17, v5;
	[tilespmem:s15+$0x6C10] =	vst v9  }
0xf1: {  	v15 =	vld [tilespmem:s15+$0x4C60];
	[tilespmem:s15+$0x8C10] =	vst v9  }
0xf2: {  	v4 =	vadd.f32 v13, v4;
	v6 =	vadd.f32 v12, v6;
	[tilespmem:s15+$0x6C20] =	vst v5  }
0xf3: {  	v2 =	vadd.f32 v3, v2;
	v14 =	vld [tilespmem:s15+$0x4C50];
	[tilespmem:s15+$0x8C20] =	vst v5  }
0xf4: {  	v3 =	vadd.f32 v18, v4;
	v1 =	vadd.f32 v7, v1;
	[tilespmem:s15+$0x6C30] =	vst v6  }
0xf5: {  	[tilespmem:s15+$0x8C30] =	vst v6  }
0xf6: {  	[tilespmem:s15+$0x6C40] =	vst v3;
	v1 =	vadd.f32 v15, v1  }
0xf7: {  	[tilespmem:s15+$0x8C40] =	vst v3  }
0xf8: {  	[tilespmem:s15+$0x6C60] =	vst v1;
	v2 =	vadd.f32 v14, v2  }
0xf9: {  	[tilespmem:s15+$0x8C60] =	vst v1  }
0xfa: {  	[tilespmem:s15+$0x6C50] =	vst v2  }
0xfb: {  	[tilespmem:s15+$0x8C50] =	vst v2  }
0xfc: {  	[spmem:s4] =	stream.indirect.scatter.add.f32 [tilespmem:s16], [sflag:$0x4], $0x10, s22, s22, $0xb8;
	[tilespmem:$0x11930] =	vst v63  }
0xfd: {  	_ =	swait.ge [sflag:s19], $0x800  }
0xfe: {  	[sflag:s19] =	ssyncset.done $0x0  }
0xff: {  	[sflag:s19] =	ssyncadd.s32 $0xFFFFF800  }
0x100: {  	[spmem:s5] =	stream.indirect.scatter.add.f32 [tilespmem:s16], [sflag:$0x4], $0x10, s29, s22, $0xb8;
	[tilespmem:$0x11930] =	vst v63  }
0x101: {  	_ =	swait.ge [sflag:s19], $0x800  }
0x102: {  	[sflag:s19] =	ssyncset.done $0x0  }
0x103: {  	[sflag:s19] =	ssyncadd.s32 $0xFFFFF800  }
0x104: {  	_ =	swait.ge [sflag:s26], $0x800  }
0x105: {  	[sflag:s26] =	ssyncset.done $0x0  }
0x106: {  	[sflag:s26] =	ssyncadd.s32 $0xFFFFF800  }
0x107: {  	_ =	swait.ge [sflag:s26], $0x800  }
0x108: {  	[sflag:s26] =	ssyncset.done $0x0  }
0x109: {  	s15 =	simm.s32 $0x3C00;
	[sflag:s26] =	ssyncadd.s32 $0xFFFFF800  }
0x10a: {  	[tilespmem:s15], [sflag:$0x1] =	stream.indirect.gather [hbm4b:s8+s22], $0x10, s17, s22, $0xb8;
	[tilespmem:$0x11930] =	vst v63  }
0x10b: {  	s3 =	simm.s32 $0x0  }
0x10c: {  	[tilespmem:s1], [sflag:$0x1] =	stream.indirect.gather [hbm4b:s9+s22], $0x10, s14, s22, $0xb8;
	[tilespmem:$0x11930] =	vst v63  }
0x10d: {  	v1 =	vld [tilespmem:s3+$0x1470]  }
0x10e: {  	v2 =	vld [tilespmem:s3+$0x3470]  }
0x10f: {  	v3 =	vld [tilespmem:s3+$0x1400]  }
0x110: {  	v4 =	vld [tilespmem:s3+$0x5470]  }
0x111: {  	v5 =	vld [tilespmem:s3+$0x3400]  }
0x112: {  	v6 =	vld [tilespmem:s3+$0x1410]  }
0x113: {  	v7 =	vld [tilespmem:s3+$0x3410]  }
0x114: {  	v8 =	vld [tilespmem:s3+$0x3420]  }
0x115: {  	v10 =	vld [tilespmem:s3+$0x3430]  }
0x116: {  	v11 =	vld [tilespmem:s3+$0x1440]  }
0x117: {  	v12 =	vld [tilespmem:s3+$0x3440]  }
0x118: {  	v13 =	vld [tilespmem:s3+$0x1450]  }
0x119: {  	v14 =	vld [tilespmem:s3+$0x3450]  }
0x11a: {  	v15 =	vld [tilespmem:s3+$0x1460]  }
0x11b: {  	v61 =	vld [tilespmem:s3+$0x5400];
	v1 =	vadd.f32 v2, v1  }
0x11c: {  	v62 =	vld [tilespmem:s3+$0x5410]  }
0x11d: {  	v2 =	vld [tilespmem:s3+$0x1420];
	v1 =	vadd.f32 v4, v1  }
0x11e: {  	v4 =	vld [tilespmem:s3+$0x1430]  }
0x11f: {  	v63 =	vld [tilespmem:s3+$0x5420];
	[tilespmem:s3+$0x9470] =	vst v1  }
0x120: {  	v3 =	vadd.f32 v5, v3;
	[tilespmem:s3+$0x7470] =	vst v1;
	v1 =	vld [tilespmem:s3+$0x3460]  }
0x121: {  	v9 =	vld [tilespmem:s3+$0x5430];
	v19 =	vadd.f32 v7, v6  }
0x122: {  	v7 =	vld [tilespmem:s3+$0x5440];
	v6 =	vadd.f32 v12, v11;
	v12 =	vadd.f32 v61, v3  }
0x123: {  	v20 =	vadd.f32 v8, v2;
	v5 =	vadd.f32 v10, v4;
	v4 =	vld [tilespmem:s3+$0x5450]  }
0x124: {  	s15 =	simm.s32 $0x80;
	v3 =	vld [tilespmem:s3+$0x5460];
	v11 =	vadd.f32 v62, v19;
	v2 =	vadd.f32 v14, v13  }
0x125: {  	s13 =	simm.s32 $0x400;
	v8 =	vld [tilespmem:s15+$0x1470];
	[tilespmem:s3+$0x7400] =	vst v12;
	v10 =	vadd.f32 v63, v20;
	v1 =	vadd.f32 v1, v15  }
.LBB2_9:
0x126: {  	p0 =	sne.s32 s13, $0x1E00;
	v13 =	vld [tilespmem:s15+$0x3470];
	[tilespmem:s3+$0x9400] =	vst v12;
	v5 =	vadd.f32 v9, v5  }
0x127: {  	v9 =	vld [tilespmem:s15+$0x1400];
	[tilespmem:s3+$0x7410] =	vst v11;
	v6 =	vadd.f32 v7, v6  }
0x128: {  	v7 =	vld [tilespmem:s15+$0x5470];
	[tilespmem:s3+$0x9410] =	vst v11;
	v2 =	vadd.f32 v4, v2  }
0x129: {  	v4 =	vld [tilespmem:s15+$0x3400];
	[tilespmem:s3+$0x7420] =	vst v10;
	v1 =	vadd.f32 v3, v1  }
0x12a: {  	v3 =	vld [tilespmem:s15+$0x1410];
	[tilespmem:s3+$0x9420] =	vst v10  }
0x12b: {  	v10 =	vld [tilespmem:s15+$0x3410];
	v8 =	vadd.f32 v13, v8;
	[tilespmem:s3+$0x7430] =	vst v5  }
0x12c: {  	v11 =	vld [tilespmem:s15+$0x1420];
	[tilespmem:s3+$0x9430] =	vst v5  }
0x12d: {  	v5 =	vld [tilespmem:s15+$0x3420];
	v7 =	vadd.f32 v7, v8;
	[tilespmem:s3+$0x7440] =	vst v6  }
0x12e: {  	v4 =	vadd.f32 v4, v9;
	v8 =	vld [tilespmem:s15+$0x1430];
	[tilespmem:s3+$0x9440] =	vst v6  }
0x12f: {  	v6 =	vld [tilespmem:s15+$0x3430];
	[tilespmem:s15+$0x9470] =	vst v7  }
0x130: {  	v3 =	vadd.f32 v10, v3;
	v9 =	vld [tilespmem:s15+$0x1440];
	[tilespmem:s3+$0x7450] =	vst v2  }
0x131: {  	v10 =	vld [tilespmem:s15+$0x3440];
	[tilespmem:s3+$0x9450] =	vst v2  }
0x132: {  	v13 =	vadd.f32 v5, v11;
	v2 =	vld [tilespmem:s15+$0x1450];
	[tilespmem:s3+$0x7460] =	vst v1  }
0x133: {  	v11 =	vld [tilespmem:s15+$0x3450];
	[tilespmem:s3+$0x9460] =	vst v1;
	s3 =	smov.u32 s15  }
0x134: {  	v5 =	vadd.f32 v6, v8;
	v1 =	vld [tilespmem:s3+$0x1460];
	[tilespmem:s3+$0x7470] =	vst v7  }
0x135: {  	v8 =	vld [tilespmem:s3+$0x3460]  }
0x136: {  	v12 =	vld [tilespmem:s3+$0x5400];
	v6 =	vadd.f32 v10, v9  }
0x137: {  	v10 =	vld [tilespmem:s3+$0x5410]  }
0x138: {  	v14 =	vld [tilespmem:s3+$0x5420];
	v2 =	vadd.f32 v11, v2  }
.Ltmp3:
0x139: {  	v9 =	vld [tilespmem:s3+$0x5430];
	(pc) =	sbr.rel @p0 .LBB2_9-.Ltmp3, $4  }
0x13a: {  	v7 =	vld [tilespmem:s3+$0x5440];
	v1 =	vadd.f32 v8, v1  }
0x13b: {  	v12 =	vadd.f32 v12, v4;
	v4 =	vld [tilespmem:s3+$0x5450]  }
0x13c: {  	s15 =	sshra.s32 s13, $0x2;
	v11 =	vadd.f32 v10, v3;
	v3 =	vld [tilespmem:s3+$0x5460]  }
0x13d: {  	s13 =	sadd.s32 $0x200, s13;
	v8 =	vld [tilespmem:s15+$0x1470];
	[tilespmem:s3+$0x7400] =	vst v12;
	v10 =	vadd.f32 v14, v13  }
0x13e: {  	v13 =	vld [tilespmem:s15+$0x3470];
	[tilespmem:s3+$0x9400] =	vst v12  }
0x13f: {  	v12 =	vld [tilespmem:s15+$0x1400];
	[tilespmem:s3+$0x7410] =	vst v11  }
0x140: {  	v14 =	vld [tilespmem:s15+$0x5470];
	[tilespmem:s3+$0x9410] =	vst v11  }
0x141: {  	v5 =	vadd.f32 v9, v5;
	v11 =	vld [tilespmem:s15+$0x3400];
	[tilespmem:s3+$0x7420] =	vst v10  }
0x142: {  	v15 =	vld [tilespmem:s15+$0x1410];
	[tilespmem:s3+$0x9420] =	vst v10  }
0x143: {  	v6 =	vadd.f32 v7, v6;
	v9 =	vld [tilespmem:s15+$0x3410];
	[tilespmem:s3+$0x7430] =	vst v5;
	v7 =	vadd.f32 v13, v8  }
0x144: {  	v10 =	vld [tilespmem:s15+$0x1420];
	[tilespmem:s3+$0x9430] =	vst v5  }
0x145: {  	v5 =	vld [tilespmem:s15+$0x3420];
	[tilespmem:s3+$0x7440] =	vst v6;
	v7 =	vadd.f32 v14, v7  }
0x146: {  	v2 =	vadd.f32 v4, v2;
	v8 =	vld [tilespmem:s15+$0x1430];
	[tilespmem:s3+$0x9440] =	vst v6  }
0x147: {  	v6 =	vld [tilespmem:s15+$0x3430];
	[tilespmem:s15+$0x9470] =	vst v7  }
0x148: {  	v1 =	vadd.f32 v3, v1;
	v4 =	vld [tilespmem:s15+$0x1440];
	[tilespmem:s3+$0x7450] =	vst v2  }
0x149: {  	v13 =	vld [tilespmem:s15+$0x3440];
	[tilespmem:s3+$0x9450] =	vst v2  }
0x14a: {  	v2 =	vld [tilespmem:s15+$0x1450];
	[tilespmem:s3+$0x7460] =	vst v1  }
0x14b: {  	v3 =	vld [tilespmem:s15+$0x3450];
	[tilespmem:s3+$0x9460] =	vst v1  }
0x14c: {  	v14 =	vld [tilespmem:s15+$0x5400];
	_ =	sdelay $0x1  }
0x14d: {  	v16 =	vld [tilespmem:s15+$0x5410]  }
0x14e: {  	v11 =	vadd.f32 v11, v12  }
0x14f: {  	v17 =	vld [tilespmem:s15+$0x5420]  }
0x150: {  	v9 =	vadd.f32 v9, v15;
	v1 =	vld [tilespmem:s15+$0x1460];
	v11 =	vadd.f32 v14, v11  }
0x151: {  	[tilespmem:s15+$0x7470] =	vst v7;
	v12 =	vld [tilespmem:s15+$0x5430]  }
0x152: {  	v5 =	vadd.f32 v5, v10;
	v7 =	vld [tilespmem:s15+$0x3460];
	v9 =	vadd.f32 v16, v9;
	[tilespmem:s15+$0x7400] =	vst v11  }
0x153: {  	v18 =	vld [tilespmem:s15+$0x5440];
	[tilespmem:s15+$0x9400] =	vst v11  }
0x154: {  	v6 =	vadd.f32 v6, v8;
	v5 =	vadd.f32 v17, v5;
	[tilespmem:s15+$0x7410] =	vst v9  }
0x155: {  	v15 =	vld [tilespmem:s15+$0x5460];
	[tilespmem:s15+$0x9410] =	vst v9  }
0x156: {  	v4 =	vadd.f32 v13, v4;
	v6 =	vadd.f32 v12, v6;
	[tilespmem:s15+$0x7420] =	vst v5  }
0x157: {  	v2 =	vadd.f32 v3, v2;
	v14 =	vld [tilespmem:s15+$0x5450];
	[tilespmem:s15+$0x9420] =	vst v5  }
0x158: {  	v3 =	vadd.f32 v18, v4;
	v1 =	vadd.f32 v7, v1;
	[tilespmem:s15+$0x7430] =	vst v6  }
0x159: {  	[tilespmem:s15+$0x9430] =	vst v6  }
0x15a: {  	[tilespmem:s15+$0x7440] =	vst v3;
	v1 =	vadd.f32 v15, v1  }
0x15b: {  	[tilespmem:s15+$0x9440] =	vst v3  }
0x15c: {  	[tilespmem:s15+$0x7460] =	vst v1;
	v2 =	vadd.f32 v14, v2  }
0x15d: {  	[tilespmem:s15+$0x9460] =	vst v1  }
0x15e: {  	[tilespmem:s15+$0x7450] =	vst v2  }
0x15f: {  	[tilespmem:s15+$0x9450] =	vst v2  }
0x160: {  	[spmem:s4] =	stream.indirect.scatter.add.f32 [tilespmem:s2], [sflag:$0x4], $0x10, s0, s22, $0xb8;
	[tilespmem:$0x11930] =	vst v63  }
0x161: {  	_ =	swait.ge [sflag:s19], $0x800  }
0x162: {  	[sflag:s19] =	ssyncset.done $0x0  }
0x163: {  	[sflag:s19] =	ssyncadd.s32 $0xFFFFF800  }
0x164: {  	[spmem:s5] =	stream.indirect.scatter.add.f32 [tilespmem:s2], [sflag:$0x4], $0x10, s18, s22, $0xb8;
	[tilespmem:$0x11930] =	vst v63  }
0x165: {  	_ =	swait.ge [sflag:s19], $0x800  }
0x166: {  	[sflag:s19] =	ssyncset.done $0x0  }
0x167: {  	[sflag:s19] =	ssyncadd.s32 $0xFFFFF800  }
0x168: {  	_ =	swait.ge [sflag:s26], $0x800  }
0x169: {  	[sflag:s26] =	ssyncset.done $0x0  }
0x16a: {  	[sflag:s26] =	ssyncadd.s32 $0xFFFFF800  }
0x16b: {  	_ =	swait.ge [sflag:s26], $0x800  }
0x16c: {  	[sflag:s26] =	ssyncset.done $0x0  }
0x16d: {  	s3 =	simm.s32 $0x0;
	[sflag:s26] =	ssyncadd.s32 $0xFFFFF800  }
0x16e: {  	v1 =	vld [tilespmem:s3+$0x1C70]  }
0x16f: {  	v2 =	vld [tilespmem:s3+$0x3C70]  }
0x170: {  	v3 =	vld [tilespmem:s3+$0x1C00]  }
0x171: {  	v4 =	vld [tilespmem:s3+$0x5C70]  }
0x172: {  	v5 =	vld [tilespmem:s3+$0x3C00]  }
0x173: {  	v6 =	vld [tilespmem:s3+$0x1C10]  }
0x174: {  	v7 =	vld [tilespmem:s3+$0x3C10]  }
0x175: {  	v8 =	vld [tilespmem:s3+$0x3C20]  }
0x176: {  	v10 =	vld [tilespmem:s3+$0x3C30]  }
0x177: {  	v11 =	vld [tilespmem:s3+$0x1C40]  }
0x178: {  	v12 =	vld [tilespmem:s3+$0x3C40]  }
0x179: {  	v13 =	vld [tilespmem:s3+$0x1C50]  }
0x17a: {  	v14 =	vld [tilespmem:s3+$0x3C50]  }
0x17b: {  	v15 =	vld [tilespmem:s3+$0x1C60]  }
0x17c: {  	v61 =	vld [tilespmem:s3+$0x5C00];
	v1 =	vadd.f32 v2, v1  }
0x17d: {  	v62 =	vld [tilespmem:s3+$0x5C10]  }
0x17e: {  	v2 =	vld [tilespmem:s3+$0x1C20];
	v1 =	vadd.f32 v4, v1  }
0x17f: {  	v4 =	vld [tilespmem:s3+$0x1C30]  }
0x180: {  	v63 =	vld [tilespmem:s3+$0x5C20];
	[tilespmem:s3+$0x9C70] =	vst v1  }
0x181: {  	v3 =	vadd.f32 v5, v3;
	[tilespmem:s3+$0x7C70] =	vst v1;
	v1 =	vld [tilespmem:s3+$0x3C60]  }
0x182: {  	v9 =	vld [tilespmem:s3+$0x5C30];
	v19 =	vadd.f32 v7, v6  }
0x183: {  	v7 =	vld [tilespmem:s3+$0x5C40];
	v6 =	vadd.f32 v12, v11;
	v12 =	vadd.f32 v61, v3  }
0x184: {  	v20 =	vadd.f32 v8, v2;
	v5 =	vadd.f32 v10, v4;
	v4 =	vld [tilespmem:s3+$0x5C50]  }
0x185: {  	s15 =	simm.s32 $0x80;
	v3 =	vld [tilespmem:s3+$0x5C60];
	v11 =	vadd.f32 v62, v19;
	v2 =	vadd.f32 v14, v13  }
0x186: {  	s13 =	simm.s32 $0x400;
	v8 =	vld [tilespmem:s15+$0x1C70];
	[tilespmem:s3+$0x7C00] =	vst v12;
	v10 =	vadd.f32 v63, v20;
	v1 =	vadd.f32 v1, v15  }
.LBB2_11:
0x187: {  	p0 =	sne.s32 s13, $0x1E00;
	v13 =	vld [tilespmem:s15+$0x3C70];
	[tilespmem:s3+$0x9C00] =	vst v12;
	v5 =	vadd.f32 v9, v5  }
0x188: {  	v9 =	vld [tilespmem:s15+$0x1C00];
	[tilespmem:s3+$0x7C10] =	vst v11;
	v6 =	vadd.f32 v7, v6  }
0x189: {  	v7 =	vld [tilespmem:s15+$0x5C70];
	[tilespmem:s3+$0x9C10] =	vst v11;
	v2 =	vadd.f32 v4, v2  }
0x18a: {  	v4 =	vld [tilespmem:s15+$0x3C00];
	[tilespmem:s3+$0x7C20] =	vst v10;
	v1 =	vadd.f32 v3, v1  }
0x18b: {  	v3 =	vld [tilespmem:s15+$0x1C10];
	[tilespmem:s3+$0x9C20] =	vst v10  }
0x18c: {  	v10 =	vld [tilespmem:s15+$0x3C10];
	v8 =	vadd.f32 v13, v8;
	[tilespmem:s3+$0x7C30] =	vst v5  }
0x18d: {  	v11 =	vld [tilespmem:s15+$0x1C20];
	[tilespmem:s3+$0x9C30] =	vst v5  }
0x18e: {  	v5 =	vld [tilespmem:s15+$0x3C20];
	v7 =	vadd.f32 v7, v8;
	[tilespmem:s3+$0x7C40] =	vst v6  }
0x18f: {  	v4 =	vadd.f32 v4, v9;
	v8 =	vld [tilespmem:s15+$0x1C30];
	[tilespmem:s3+$0x9C40] =	vst v6  }
0x190: {  	v6 =	vld [tilespmem:s15+$0x3C30];
	[tilespmem:s15+$0x9C70] =	vst v7  }
0x191: {  	v3 =	vadd.f32 v10, v3;
	v9 =	vld [tilespmem:s15+$0x1C40];
	[tilespmem:s3+$0x7C50] =	vst v2  }
0x192: {  	v10 =	vld [tilespmem:s15+$0x3C40];
	[tilespmem:s3+$0x9C50] =	vst v2  }
0x193: {  	v13 =	vadd.f32 v5, v11;
	v2 =	vld [tilespmem:s15+$0x1C50];
	[tilespmem:s3+$0x7C60] =	vst v1  }
0x194: {  	v11 =	vld [tilespmem:s15+$0x3C50];
	[tilespmem:s3+$0x9C60] =	vst v1;
	s3 =	smov.u32 s15  }
0x195: {  	v5 =	vadd.f32 v6, v8;
	v1 =	vld [tilespmem:s3+$0x1C60];
	[tilespmem:s3+$0x7C70] =	vst v7  }
0x196: {  	v8 =	vld [tilespmem:s3+$0x3C60]  }
0x197: {  	v12 =	vld [tilespmem:s3+$0x5C00];
	v6 =	vadd.f32 v10, v9  }
0x198: {  	v10 =	vld [tilespmem:s3+$0x5C10]  }
0x199: {  	v14 =	vld [tilespmem:s3+$0x5C20];
	v2 =	vadd.f32 v11, v2  }
.Ltmp4:
0x19a: {  	v9 =	vld [tilespmem:s3+$0x5C30];
	(pc) =	sbr.rel @p0 .LBB2_11-.Ltmp4, $4  }
0x19b: {  	v7 =	vld [tilespmem:s3+$0x5C40];
	v1 =	vadd.f32 v8, v1  }
0x19c: {  	v12 =	vadd.f32 v12, v4;
	v4 =	vld [tilespmem:s3+$0x5C50]  }
0x19d: {  	s15 =	sshra.s32 s13, $0x2;
	v11 =	vadd.f32 v10, v3;
	v3 =	vld [tilespmem:s3+$0x5C60]  }
0x19e: {  	s13 =	sadd.s32 $0x200, s13;
	v8 =	vld [tilespmem:s15+$0x1C70];
	[tilespmem:s3+$0x7C00] =	vst v12;
	v10 =	vadd.f32 v14, v13  }
0x19f: {  	v13 =	vld [tilespmem:s15+$0x3C70];
	[tilespmem:s3+$0x9C00] =	vst v12  }
0x1a0: {  	v12 =	vld [tilespmem:s15+$0x1C00];
	[tilespmem:s3+$0x7C10] =	vst v11  }
0x1a1: {  	v14 =	vld [tilespmem:s15+$0x5C70];
	[tilespmem:s3+$0x9C10] =	vst v11  }
0x1a2: {  	v5 =	vadd.f32 v9, v5;
	v11 =	vld [tilespmem:s15+$0x3C00];
	[tilespmem:s3+$0x7C20] =	vst v10  }
0x1a3: {  	v15 =	vld [tilespmem:s15+$0x1C10];
	[tilespmem:s3+$0x9C20] =	vst v10  }
0x1a4: {  	v6 =	vadd.f32 v7, v6;
	v54 =	vld [tilespmem:s15+$0x3C10];
	[tilespmem:s3+$0x7C30] =	vst v5;
	v55 =	vadd.f32 v13, v8  }
0x1a5: {  	v10 =	vld [tilespmem:s15+$0x1C20];
	[tilespmem:s3+$0x9C30] =	vst v5  }
0x1a6: {  	v5 =	vld [tilespmem:s15+$0x3C20];
	[tilespmem:s3+$0x7C40] =	vst v6;
	v7 =	vadd.f32 v14, v55  }
0x1a7: {  	v2 =	vadd.f32 v4, v2;
	v56 =	vld [tilespmem:s15+$0x1C30];
	[tilespmem:s3+$0x9C40] =	vst v6  }
0x1a8: {  	v6 =	vld [tilespmem:s15+$0x3C30];
	[tilespmem:s15+$0x9C70] =	vst v7  }
0x1a9: {  	v1 =	vadd.f32 v3, v1;
	v57 =	vld [tilespmem:s15+$0x1C40];
	[tilespmem:s3+$0x7C50] =	vst v2  }
0x1aa: {  	v58 =	vld [tilespmem:s15+$0x3C40];
	[tilespmem:s3+$0x9C50] =	vst v2  }
0x1ab: {  	v2 =	vld [tilespmem:s15+$0x1C50];
	[tilespmem:s3+$0x7C60] =	vst v1  }
0x1ac: {  	v3 =	vld [tilespmem:s15+$0x3C50];
	[tilespmem:s3+$0x9C60] =	vst v1  }
0x1ad: {  	v60 =	vld [tilespmem:s15+$0x5C00];
	_ =	sdelay $0x1  }
0x1ae: {  	v16 =	vld [tilespmem:s15+$0x5C10]  }
0x1af: {  	v11 =	vadd.f32 v11, v12  }
0x1b0: {  	v17 =	vld [tilespmem:s15+$0x5C20]  }
0x1b1: {  	v9 =	vadd.f32 v54, v15;
	v11 =	vadd.f32 v60, v11  }
0x1b2: {  	[tilespmem:s15+$0x7C70] =	vst v7;
	v61 =	vld [tilespmem:s15+$0x5C30]  }
0x1b3: {  	v5 =	vadd.f32 v5, v10;
	v1 =	vld [tilespmem:s15+$0x1C60];
	v9 =	vadd.f32 v16, v9;
	[tilespmem:s15+$0x7C00] =	vst v11  }
0x1b4: {  	v18 =	vld [tilespmem:s15+$0x5C40];
	[tilespmem:s15+$0x9C00] =	vst v11  }
0x1b5: {  	v59 =	vld [tilespmem:s15+$0x3C60];
	v6 =	vadd.f32 v6, v56;
	v5 =	vadd.f32 v17, v5;
	[tilespmem:s15+$0x7C10] =	vst v9  }
0x1b6: {  	v62 =	vld [tilespmem:s15+$0x5C50];
	[tilespmem:s15+$0x9C10] =	vst v9  }
0x1b7: {  	v4 =	vadd.f32 v58, v57;
	v6 =	vadd.f32 v61, v6;
	[tilespmem:s15+$0x7C20] =	vst v5  }
0x1b8: {  	v63 =	vld [tilespmem:s15+$0x5C60];
	[tilespmem:s15+$0x9C20] =	vst v5  }
0x1b9: {  	v2 =	vadd.f32 v3, v2;
	v3 =	vadd.f32 v18, v4;
	[tilespmem:s15+$0x7C30] =	vst v6  }
0x1ba: {  	[tilespmem:s15+$0x9C30] =	vst v6  }
0x1bb: {  	v1 =	vadd.f32 v59, v1;
	v2 =	vadd.f32 v62, v2;
	[tilespmem:s15+$0x7C40] =	vst v3  }
0x1bc: {  	[tilespmem:s15+$0x9C40] =	vst v3  }
0x1bd: {  	v1 =	vadd.f32 v63, v1;
	[tilespmem:s15+$0x7C50] =	vst v2  }
0x1be: {  	[tilespmem:s15+$0x9C50] =	vst v2  }
0x1bf: {  	[tilespmem:s15+$0x7C60] =	vst v1  }
0x1c0: {  	s30 =	sadd.s32 s10, s30;
	s13 =	simm.s32 $0x0;
	[tilespmem:s15+$0x9C60] =	vst v1  }
0x1c1: {  	[hbm4b:s30+s13] =	stream.linear.scatter [tilespmem:s6], [sflag:$0x3], $0x2000, $0x38;
	[tilespmem:$0x11930] =	vst v63  }
0x1c2: {  	_ = 	snop  }
0x1c3: {  	[spmem:s4] =	stream.indirect.scatter.add.f32 [tilespmem:s21], [sflag:$0x4], $0x10, s17, s22, $0xb8;
	[tilespmem:$0x11930] =	vst v63  }
0x1c4: {  	_ =	swait.ge [sflag:s19], $0x800  }
0x1c5: {  	[sflag:s19] =	ssyncset.done $0x0  }
0x1c6: {  	s28 =	sadd.s32 $0x1, s28;
	[sflag:s19] =	ssyncadd.s32 $0xFFFFF800  }
0x1c7: {  	[spmem:s5] =	stream.indirect.scatter.add.f32 [tilespmem:s21], [sflag:$0x4], $0x10, s14, s22, $0xb8;
	[tilespmem:$0x11930] =	vst v63  }
0x1c8: {  	p0 =	sne.s32 s28, s12;
	_ =	swait.ge [sflag:s19], $0x800  }
.Ltmp5:
0x1c9: {  	[sflag:s19] =	ssyncset.done $0x0;
	(pc) =	sbr.rel @p0 .LBB2_4-.Ltmp5, $4  }
0x1ca: {  	[sflag:s19] =	ssyncadd.s32 $0xFFFFF800  }
0x1cb: {  	_ =	swait.ge [sflag:s23], $0x2000  }
0x1cc: {  	[sflag:s23] =	ssyncset.done $0x0  }
0x1cd: {  	[sflag:s23] =	ssyncadd.s32 $0xFFFFE000  }
0x1ce: {  	s3 =	stileid.u32;
	[bflag:$0x0] =	sbarrier.arrive $0xFFFF  }
0x1cf: {  	s3 =	sshll.u32 s3, $0x6;
	s15 =	rddreg [dreg:$0x6]  }
0x1d0: {  	s24 =	rddreg [dreg:$0x8];
	s3 =	sor.u32 $0x1C04, s3;
	s13 =	sshrl.u32 s15, $0x3  }
0x1d1: {  	[hbm:s24], [sflag:s3] =	dma.local [spmem:s13], $0x4E2  }
0x1d2: {  	_ =	swait.ge [sflag:s19], $0x4E2  }
0x1d3: {  	[sflag:s19] =	ssyncset.done $0x0;
	s24 =	rddreg [dreg:$0x7]  }
0x1d4: {  	s28 =	rddreg [dreg:$0x9];
	[sflag:s19] =	ssyncadd.s32 $0xFFFFFB1E;
	s30 =	sshrl.u32 s24, $0x3  }
0x1d5: {  	[hbm:s28], [sflag:s3] =	dma.local [spmem:s30], $0x4E2  }
0x1d6: {  	_ =	swait.ge [sflag:s19], $0x4E2  }
0x1d7: {  	s28 =	rddreg [dreg:$0xb]  }
0x1d8: {  	s30 =	rddreg [dreg:$0xa];
	s13 =	sadd.s32 $0x1, s28  }
0x1d9: {  	p0 =	sne.s32 s13, s30  }
.Ltmp6:
0x1da: {  	_ = 	snop;
	(pc) =	sbr.rel @p0 .LBB2_1-.Ltmp6, $3  }
0x1db: {  	_ =	sdelay $0x1  }
0x1dc: {  	[sflag:s19] =	ssyncset.done $0x0  }
0x1dd: {  	[sflag:s19] =	ssyncadd.s32 $0xFFFFFB1E  }
0x1de: {  	_ =	sfence.sel $0x180000  }
0x1df: {  	[bflag:$0x0] =	sbarrier.arrive $0xFFFF  }
0x1e0: {  	_ =	strace $0x90000047  }
0x1e1: {  	s0 =	stileid.u32;
	[bflag:$0x2] =	sbarrier.arrive $0xFFFF  }
0x1e2: {  	p0 =	sne.s32 s0, $0x0;
	s0 =	rddreg [dreg:$0x5]  }
0x1e3: {  	s0 =	sadd.s32 @!p0 $0x100000, s0  }
0x1e4: {  	[sflag:s0] =	ssyncadd.tile.s32 @!p0 $0x1;
	_ =	shalt  }
.Lfunc_end2:
_tile_overlayer_lowered:
.L_overlay_start_2:
0x1e5: {  	(tag) =	ssettag $0x2  }
0x1e6: {  	s0 =	rddreg [dreg:$0x0];
	s2 =	stileid.u32  }
0x1e7: {  	s1 =	rddreg [dreg:$0x1];
	p0 =	sne.s32 s2, $0x0  }
0x1e8: {  	s3 =	rddreg [dreg:$0x2];
	[bflag:$0x3] =	sbarrier.arrive $0xFFFF;
	s2 =	simm.s32 @!p0 $0x1C04  }
0x1e9: {  	[timem:s3], [sflag:s2] =	dma.local @!p0 [hbm:s0], s1  }
0x1ea: {  	s0 =	simm.s32 @!p0 $0x4  }
0x1eb: {  	_ =	swait.ge @!p0 [sflag:s0], s1  }
0x1ec: {  	s1 =	ssub.s32 @!p0 $0x0, s1;
	[sflag:s0] =	ssyncset.done @!p0 $0x0  }
0x1ed: {  	[sflag:s0] =	ssyncadd.s32 @!p0 s1  }
0x1ee: {  	[bflag:$0x3] =	sbarrier.arrive $0xFFFF  }
0x1ef: {  	_ =	shalt  }

</sc_bundles>
